<compile_context>
chip_gen: v7x
topology: tpu7x:2x2x1
jax: 0.10.2.dev20260603
libtpu: 0.0.44.dev20260713+nightly
codegen_flags: <defaults>
</compile_context>

<pallas_src>
import functools

import jax
import jax.numpy as jnp
from jax import lax
from jax.experimental import pallas as pl
from jax.experimental.pallas import tpu as pltpu
from jax.experimental.pallas import tpu_sc as plsc

N = 10000
E = 320000
D = 128
CA = 144
NC = 2
NS = 16
NW = NC * NS
EW = E // NW
CH = 80
NITER = EW // CH
NP_ = 10240
RPT = NP_ // NS
ZR = 128
LANES = 16

_mesh = lambda: plsc.VectorSubcoreMesh(core_axis_name="c", subcore_axis_name="s")


DW = 16


@functools.partial(
    pl.kernel,
    out_type=[jax.ShapeDtypeStruct((NC, NP_, D), jnp.float32),
              jax.ShapeDtypeStruct((NC, NP_, DW), jnp.float32)],
    mesh=_mesh(),
    scratch_types=[
        pltpu.VMEM((4, 2, CH), jnp.int32),
        pltpu.VMEM((3, CH, D), jnp.float32),
        pltpu.VMEM((CH, DW), jnp.float32),
        pltpu.VMEM_SHARED((NP_, D), jnp.float32),
        pltpu.VMEM_SHARED((NP_, DW), jnp.float32),
        pltpu.SemaphoreType.DMA,
        pltpu.SemaphoreType.DMA,
        pltpu.SemaphoreType.DMA,
        pltpu.SemaphoreType.DMA,
        pltpu.SemaphoreType.DMA,
        pltpu.SemaphoreType.DMA,
        pltpu.SemaphoreType.DMA,
        pltpu.SemaphoreType.DMA,
        pltpu.SemaphoreType.DMA,
        pltpu.SemaphoreType.DMA,
        pltpu.SemaphoreType.DMA,
        pltpu.SemaphoreType.DMA,
        pltpu.SemaphoreType.DMA,
    ],
    compiler_params=pltpu.CompilerParams(use_tc_tiling_on_sc=False,
                                         needs_layout_passes=False),
)
def _aggregate(x_hbm, ei_hbm, out_hbm, dout_hbm, eidx, rows, ones, table,
               dtable, gsem0, gsem1, gsem2, ssem0, ssem1, ssem2,
               dsem0, dsem1, dsem2, isem0, isem1, isem2, isem3):
    c = lax.axis_index("c")
    s = lax.axis_index("s")
    wid = c * NS + s
    gsem = (gsem0, gsem1, gsem2)
    ssem = (ssem0, ssem1, ssem2)
    dsem = (dsem0, dsem1, dsem2)
    isem = (isem0, isem1, isem2, isem3)

    def zb(i, carry):
        for j in range(D // LANES):
            rows[0, i, pl.ds(j * LANES, LANES)] = jnp.zeros((LANES,),
                                                            jnp.float32)
        ones[i, pl.ds(0, LANES)] = jnp.ones((LANES,), jnp.float32)
        return carry

    lax.fori_loop(0, CH, zb, 0)
    for t in range(RPT // CH):
        r0 = s * RPT + t * CH
        pltpu.sync_copy(rows.at[0], table.at[pl.ds(r0, CH)])
        pltpu.sync_copy(rows.at[0, :, pl.ds(0, DW)],
                        dtable.at[pl.ds(r0, CH)])
    plsc.subcore_barrier()

    def idxcopy(cc, ib):
        return pltpu.make_async_copy(
            ei_hbm.at[:, pl.ds(wid * EW + cc * CH, CH)], eidx.at[ib],
            isem[ib])

    def gather(db, ib):
        return pltpu.make_async_copy(x_hbm.at[eidx.at[ib, 0]], rows.at[db],
                                     gsem[db])

    def scatter(db, ib):
        return pltpu.make_async_copy(rows.at[db], table.at[eidx.at[ib, 1]],
                                     ssem[db])

    def dscatter(db, ib):
        return pltpu.make_async_copy(ones, dtable.at[eidx.at[ib, 1]],
                                     dsem[db])

    idxcopy(0, 0).start()
    idxcopy(1, 1).start()
    idxcopy(0, 0).wait()
    gather(0, 0).start()

    @pl.loop(0, NITER, step=12)
    def _visits(j):
        for b in range(12):
            cc = j + b
            db = b % 3
            nd = (b + 1) % 3
            pd = (b + 2) % 3
            ib = b % 4
            ni = (b + 1) % 4
            pf = (b + 2) % 4

            @pl.when(cc < NITER)
            def _():
                @pl.when(cc + 1 < NITER)
                def _():
                    @pl.when(cc >= 2)
                    def _():
                        scatter(nd, ni).wait()
                        dscatter(nd, ni).wait()

                @pl.when(cc + 2 < NITER)
                def _():
                    idxcopy(cc + 2, pf).start()

                @pl.when(cc + 1 < NITER)
                def _():
                    idxcopy(cc + 1, ni).wait()
                    gather(nd, ni).start()

                gather(db, ib).wait()
                pltpu.async_copy(rows.at[db], table.at[eidx.at[ib, 1]],
                                 ssem[db], add=True)
                pltpu.async_copy(ones, dtable.at[eidx.at[ib, 1]],
                                 dsem[db], add=True)

    for last in (NITER - 3, NITER - 2, NITER - 1):
        scatter(last % 3, last % 4).wait()
        dscatter(last % 3, last % 4).wait()
    plsc.subcore_barrier()

    for t in range(RPT // ZR):
        r0 = s * RPT + t * ZR
        pltpu.sync_copy(table.at[pl.ds(r0, ZR)], out_hbm.at[c, pl.ds(r0, ZR)])
        pltpu.sync_copy(dtable.at[pl.ds(r0, ZR)],
                        dout_hbm.at[c, pl.ds(r0, ZR)])


_BLK = 2000


def _dense_body(p0, p1, d0, d1, wgnn, bgnn, w1a, w1b, b1, a_out, b_out):
    agg = p0[...] + p1[...]
    deg = d0[:, :1] + d1[:, :1]
    h = agg / jnp.maximum(deg, 1.0)
    h = jnp.maximum(
        jnp.dot(h, wgnn[...], preferred_element_type=jnp.float32) + bgnn[...],
        0.0)
    a_out[...] = (jnp.dot(h, w1a[...], preferred_element_type=jnp.float32)
                  + b1[...]).astype(jnp.bfloat16)
    b_out[...] = jnp.dot(
        h, w1b[...], preferred_element_type=jnp.float32).astype(jnp.bfloat16)


def _dense(p0, p1, d0, d1, wgnn, bgnn, w1a, w1b, b1):
    full = lambda i: (0, 0)
    blk = lambda i: (i, 0)
    return pl.pallas_call(
        _dense_body,
        grid=(N // _BLK,),
        in_specs=[
            pl.BlockSpec((_BLK, D), blk),
            pl.BlockSpec((_BLK, D), blk),
            pl.BlockSpec((_BLK, DW), blk),
            pl.BlockSpec((_BLK, DW), blk),
            pl.BlockSpec((D, D), full),
            pl.BlockSpec((1, D), full),
            pl.BlockSpec((D, D), full),
            pl.BlockSpec((D, D), full),
            pl.BlockSpec((1, D), full),
        ],
        out_specs=[
            pl.BlockSpec((_BLK, D), blk),
            pl.BlockSpec((_BLK, D), blk),
        ],
        out_shape=[
            jax.ShapeDtypeStruct((N, D), jnp.bfloat16),
            jax.ShapeDtypeStruct((N, D), jnp.bfloat16),
        ],
    )(p0, p1, d0, d1, wgnn, bgnn, w1a, w1b, b1)


@functools.partial(
    pl.kernel,
    out_type=jax.ShapeDtypeStruct((E,), jnp.float32),
    mesh=_mesh(),
    scratch_types=[
        pltpu.VMEM((3, 2, CH), jnp.int32),
        pltpu.VMEM((3, CH, D), jnp.bfloat16),
        pltpu.VMEM((3, CH, D), jnp.bfloat16),
        pltpu.VMEM((D,), jnp.float32),
        pltpu.VMEM((LANES,), jnp.float32),
        pltpu.VMEM((3, CH), jnp.float32),
        pltpu.SemaphoreType.DMA,
        pltpu.SemaphoreType.DMA,
        pltpu.SemaphoreType.DMA,
        pltpu.SemaphoreType.DMA,
        pltpu.SemaphoreType.DMA,
        pltpu.SemaphoreType.DMA,
        pltpu.SemaphoreType.DMA,
        pltpu.SemaphoreType.DMA,
        pltpu.SemaphoreType.DMA,
        pltpu.SemaphoreType.DMA,
        pltpu.SemaphoreType.DMA,
        pltpu.SemaphoreType.DMA,
    ],
    compiler_params=pltpu.CompilerParams(use_tc_tiling_on_sc=False,
                                         needs_layout_passes=False),
)
def _edge_mlp(a_hbm, b_hbm, ei_hbm, w2_hbm, b2v_hbm, out_hbm,
              eidx, arows, brows, w2v, b2v, outbuf,
              gsa0, gsa1, gsa2, gsb0, gsb1, gsb2, osem0, osem1, osem2,
              isem0, isem1, isem2):
    c = lax.axis_index("c")
    s = lax.axis_index("s")
    wid = c * NS + s
    gsa = (gsa0, gsa1, gsa2)
    gsb = (gsb0, gsb1, gsb2)
    osem = (osem0, osem1, osem2)
    isem = (isem0, isem1, isem2)
    pltpu.sync_copy(w2_hbm, w2v)
    pltpu.sync_copy(b2v_hbm, b2v)

    def idxcopy(cc, b):
        return pltpu.make_async_copy(
            ei_hbm.at[:, pl.ds(wid * EW + cc * CH, CH)], eidx.at[b],
            isem[b])

    def gathers(b):
        return (pltpu.make_async_copy(a_hbm.at[eidx.at[b, 0]], arows.at[b],
                                      gsa[b]),
                pltpu.make_async_copy(b_hbm.at[eidx.at[b, 1]], brows.at[b],
                                      gsb[b]))

    def outcopy(cc, b):
        return pltpu.make_async_copy(
            outbuf.at[b], out_hbm.at[pl.ds(wid * EW + cc * CH, CH)], osem[b])

    idxcopy(0, 0).start()
    idxcopy(1, 1).start()
    idxcopy(0, 0).wait()
    ga, gb = gathers(0)
    ga.start()
    gb.start()
    lane = lax.iota(jnp.int32, LANES)
    w2regs = [w2v[pl.ds(u * LANES, LANES)] for u in range(D // LANES)]
    b2reg = b2v[...]

    @pl.loop(0, NITER, step=3)
    def _visits(j):
        for b in range(3):
            cc = j + b
            nb = (b + 2) % 3
            ni = (b + 1) % 3

            @pl.when(cc < NITER)
            def _():
                @pl.when(cc + 2 < NITER)
                def _():
                    @pl.when(cc >= 1)
                    def _():
                        outcopy(cc - 1, nb).wait()

                    idxcopy(cc + 2, nb).start()

                @pl.when(cc + 1 < NITER)
                def _():
                    idxcopy(cc + 1, ni).wait()
                    ga, gb = gathers(ni)
                    ga.start()
                    gb.start()

                ga, gb = gathers(b)
                ga.wait()
                gb.wait()

                @plsc.parallel_loop(0, CH // LANES)
                def group(g):
                    def edge16(k, vec):
                        e = g * LANES + k
                        acc = b2reg
                        for u in range(D // (2 * LANES)):
                            av = arows[b, e, pl.ds(2 * u * LANES, 2 * LANES)]
                            bv = brows[b, e, pl.ds(2 * u * LANES, 2 * LANES)]
                            a0, a1 = plsc.unpack(
                                av, format=plsc.PackFormat.INTERLEAVED)
                            b0, b1 = plsc.unpack(
                                bv, format=plsc.PackFormat.INTERLEAVED)
                            acc = (acc
                                   + jnp.maximum(a0 + b0, 0.0)
                                   * w2regs[2 * u]
                                   + jnp.maximum(a1 + b1, 0.0)
                                   * w2regs[2 * u + 1])
                        return jnp.where(lane == k, jnp.sum(acc), vec)

                    vec = lax.fori_loop(0, LANES, edge16,
                                        jnp.zeros((LANES,), jnp.float32))
                    outbuf[b, pl.ds(g * LANES, LANES)] = vec
                outcopy(cc, b).start()

    outcopy(NITER - 3, (NITER - 3) % 3).wait()
    outcopy(NITER - 2, (NITER - 2) % 3).wait()
    outcopy(NITER - 1, (NITER - 1) % 3).wait()


def kernel(x, edge_index, W_gnn, b_gnn, W1, b1, W2, b2):
    ei = edge_index.astype(jnp.int32)
    parts, dparts = _aggregate(x, ei)
    a_tab, b_tab = _dense(parts[0], parts[1], dparts[0], dparts[1],
                          W_gnn, b_gnn.reshape(1, D),
                          W1[:D], W1[D:], b1.reshape(1, D))
    b2v = jnp.broadcast_to(b2 / LANES, (LANES,)).astype(jnp.float32)
    w2blk = W2.reshape(D // (2 * LANES), LANES, 2)
    w2p = jnp.stack([w2blk[:, :, 0], w2blk[:, :, 1]], axis=1).reshape(D)
    out = _edge_mlp(a_tab, b_tab, ei, w2p, b2v)
    return out.reshape(E, 1)

# --- scband reference (transcript-rebuilt; emitter-appended) ---
"""Pipeline reference for scband-link-predictor-80479097192744 (READ-ONLY COPY).

The authoritative reference and input builder live on the scoring server;
editing this copy changes nothing except your own understanding.
"""

import jax, jax.numpy as jnp
import numpy as np

N_NODES = 10000
N_EDGES = 320000
D_FEAT = 128

def setup_inputs(seed: int = 0) -> dict:
    key = jax.random.key(seed)
    k = jax.random.split(key, 8)
    x = jax.random.normal(k[0], (N_NODES, D_FEAT), dtype=jnp.float32)
    edge_index = jax.random.randint(k[1], (2, N_EDGES), 0, N_NODES, dtype=jnp.int64)
    # GNN layer params (GCN-style: mean-aggregate neighbors, then linear + relu)
    W_gnn = jax.random.normal(k[2], (D_FEAT, D_FEAT), dtype=jnp.float32) * (1.0 / np.sqrt(D_FEAT))
    b_gnn = jnp.zeros((D_FEAT,), dtype=jnp.float32)
    # MLP params: Linear(2d -> d) ReLU Linear(d -> 1)
    W1 = jax.random.normal(k[3], (2 * D_FEAT, D_FEAT), dtype=jnp.float32) * (1.0 / np.sqrt(2 * D_FEAT))
    b1 = jnp.zeros((D_FEAT,), dtype=jnp.float32)
    W2 = jax.random.normal(k[4], (D_FEAT, 1), dtype=jnp.float32) * (1.0 / np.sqrt(D_FEAT))
    b2 = jnp.zeros((1,), dtype=jnp.float32)
    return {"x": x, "edge_index": edge_index, "W_gnn": W_gnn, "b_gnn": b_gnn,
            "W1": W1, "b1": b1, "W2": W2, "b2": b2}

def reference(x, edge_index, W_gnn, b_gnn, W1, b1, W2, b2):
    src = edge_index[0]
    dst = edge_index[1]
    # GNN: mean aggregation of neighbor features (gather + scatter-add), linear, relu
    msgs = jnp.take(x, src, axis=0)                                  # gather [E, d]
    agg = jax.ops.segment_sum(msgs, dst, num_segments=N_NODES)       # scatter-add [N, d]
    deg = jax.ops.segment_sum(jnp.ones((N_EDGES,), dtype=x.dtype), dst, num_segments=N_NODES)
    h = agg / jnp.clip(deg, 1.0)[:, None]
    h = jax.nn.relu(h @ W_gnn + b_gnn)
    # Link prediction: index_select both endpoints, concat, MLP
    x_i = jnp.take(h, edge_index[0], axis=0)
    x_j = jnp.take(h, edge_index[1], axis=0)
    x_concat = jnp.concatenate([x_i, x_j], axis=-1)                   # [E, 2d]
    hidden = jax.nn.relu(x_concat @ W1 + b1)
    out = hidden @ W2 + b2                                            # [E, 1]
    return out

if __name__ == "__main__":
    import jax
    _d = setup_inputs()
    print(jax.jit(kernel)(*tuple(_d.values())))

</pallas_src>

<mosaic_0001>
#map = affine_map<(d0, d1) -> (0, 0)>
#map1 = affine_map<(d0, d1) -> (0)>
module attributes {stable_mosaic.version = 14 : i64} {
  func.func @_edge_mlp(%arg0: i32, %arg1: i32, %arg2: memref<10000x128xbf16, #tpu.memory_space<hbm>>, %arg3: memref<10000x128xbf16, #tpu.memory_space<hbm>>, %arg4: memref<2x320000xi32, #tpu.memory_space<hbm>>, %arg5: memref<128xf32, #tpu.memory_space<hbm>>, %arg6: memref<16xf32, #tpu.memory_space<hbm>>, %arg7: memref<320000xf32, #tpu.memory_space<hbm>>, %arg8: memref<3x2x80xi32, #tpu.memory_space<vmem>>, %arg9: memref<3x80x128xbf16, #tpu.memory_space<vmem>>, %arg10: memref<3x80x128xbf16, #tpu.memory_space<vmem>>, %arg11: memref<128xf32, #tpu.memory_space<vmem>>, %arg12: memref<16xf32, #tpu.memory_space<vmem>>, %arg13: memref<3x80xf32, #tpu.memory_space<vmem>>, %arg14: memref<!tpu.dma_semaphore, #tpu.memory_space<semaphore_mem>>, %arg15: memref<!tpu.dma_semaphore, #tpu.memory_space<semaphore_mem>>, %arg16: memref<!tpu.dma_semaphore, #tpu.memory_space<semaphore_mem>>, %arg17: memref<!tpu.dma_semaphore, #tpu.memory_space<semaphore_mem>>, %arg18: memref<!tpu.dma_semaphore, #tpu.memory_space<semaphore_mem>>, %arg19: memref<!tpu.dma_semaphore, #tpu.memory_space<semaphore_mem>>, %arg20: memref<!tpu.dma_semaphore, #tpu.memory_space<semaphore_mem>>, %arg21: memref<!tpu.dma_semaphore, #tpu.memory_space<semaphore_mem>>, %arg22: memref<!tpu.dma_semaphore, #tpu.memory_space<semaphore_mem>>, %arg23: memref<!tpu.dma_semaphore, #tpu.memory_space<semaphore_mem>>, %arg24: memref<!tpu.dma_semaphore, #tpu.memory_space<semaphore_mem>>, %arg25: memref<!tpu.dma_semaphore, #tpu.memory_space<semaphore_mem>>) attributes {dimension_semantics = [#tpu.dimension_semantics<core_parallel>, #tpu.dimension_semantics<subcore_parallel>], iteration_bounds = array<i64: 2, 16>, scalar_prefetch = 0 : i64, scratch_operands = 18 : i64, tpu.core_type = #tpu.core_type<sc_vector_subcore>, window_params = [{transform_indices = #map}, {transform_indices = #map}, {transform_indices = #map}, {transform_indices = #map1}, {transform_indices = #map1}, {transform_indices = #map1}]} {
    %mul3A = arith.constant 16 : i32
    %mul3A_0 = arith.muli %arg0, %mul3A : i32
    %add3A = arith.addi %mul3A_0, %arg1 : i32
    "tpu.region"() ({
      %run_scoped3A = tpu.sem_alloc : memref<!tpu.dma_semaphore, #tpu.memory_space<semaphore_mem>>
      tpu.enqueue_dma source(%arg5 : memref<128xf32, #tpu.memory_space<hbm>>) target(%arg11 : memref<128xf32, #tpu.memory_space<vmem>>) target_semaphore(%run_scoped3A : memref<!tpu.dma_semaphore, #tpu.memory_space<semaphore_mem>>)
      tpu.wait_dma2 semaphore(%run_scoped3A : memref<!tpu.dma_semaphore, #tpu.memory_space<semaphore_mem>>) src(%arg5 : memref<128xf32, #tpu.memory_space<hbm>>) dst(%arg11 : memref<128xf32, #tpu.memory_space<vmem>>)
      tpu.yield
    }) : () -> ()
    "tpu.region"() ({
      %run_scoped3A = tpu.sem_alloc : memref<!tpu.dma_semaphore, #tpu.memory_space<semaphore_mem>>
      tpu.enqueue_dma source(%arg6 : memref<16xf32, #tpu.memory_space<hbm>>) target(%arg12 : memref<16xf32, #tpu.memory_space<vmem>>) target_semaphore(%run_scoped3A : memref<!tpu.dma_semaphore, #tpu.memory_space<semaphore_mem>>)
      tpu.wait_dma2 semaphore(%run_scoped3A : memref<!tpu.dma_semaphore, #tpu.memory_space<semaphore_mem>>) src(%arg6 : memref<16xf32, #tpu.memory_space<hbm>>) dst(%arg12 : memref<16xf32, #tpu.memory_space<vmem>>)
      tpu.yield
    }) : () -> ()
    %mul3A_1 = arith.constant 10000 : i32
    %mul3A_2 = arith.muli %add3A, %mul3A_1 : i32
    %add3A_3 = arith.constant 0 : i32
    %add3A_4 = arith.addi %mul3A_2, %add3A_3 : i32
    %dma_start3A = arith.constant 0 : i32
    %dma_start3A_5 = arith.constant 0 : i32
    %dma_start3A_6 = arith.constant 0 : i32
    %dma_start3A_7 = tpu.memref_slice %arg8[%dma_start3A, %dma_start3A_5, %dma_start3A_6] : memref<3x2x80xi32, #tpu.memory_space<vmem>> -> memref<1x2x80xi32, #tpu.memory_space<vmem>>
    %dma_start3A_8 = tpu.memref_squeeze %dma_start3A_7 : memref<1x2x80xi32, #tpu.memory_space<vmem>> -> memref<2x80xi32, #tpu.memory_space<vmem>>
    %dma_start3A_9 = arith.constant 0 : i32
    %dma_start3A_10 = tpu.memref_slice %arg4[%dma_start3A_9, %add3A_4] : memref<2x320000xi32, #tpu.memory_space<hbm>> -> memref<2x80xi32, #tpu.memory_space<hbm>>
    %dma_start3A_11 = arith.constant 0 : i32
    %dma_start3A_12 = arith.constant 0 : i32
    %dma_start3A_13 = tpu.memref_slice %arg8[%dma_start3A, %dma_start3A_11, %dma_start3A_12] : memref<3x2x80xi32, #tpu.memory_space<vmem>> -> memref<1x2x80xi32, #tpu.memory_space<vmem>>
    %dma_start3A_14 = tpu.memref_squeeze %dma_start3A_13 : memref<1x2x80xi32, #tpu.memory_space<vmem>> -> memref<2x80xi32, #tpu.memory_space<vmem>>
    %dma_start3A_15 = arith.constant 0 : i32
    %dma_start3A_16 = tpu.memref_slice %arg4[%dma_start3A_15, %add3A_4] : memref<2x320000xi32, #tpu.memory_space<hbm>> -> memref<2x80xi32, #tpu.memory_space<hbm>>
    tpu.enqueue_dma source(%dma_start3A_16 : memref<2x80xi32, #tpu.memory_space<hbm>>) target(%dma_start3A_14 : memref<2x80xi32, #tpu.memory_space<vmem>>) target_semaphore(%arg23 : memref<!tpu.dma_semaphore, #tpu.memory_space<semaphore_mem>>)
    %mul3A_17 = arith.constant 10000 : i32
    %mul3A_18 = arith.muli %add3A, %mul3A_17 : i32
    %add3A_19 = arith.constant 80 : i32
    %add3A_20 = arith.addi %mul3A_18, %add3A_19 : i32
    %dma_start3A_21 = arith.constant 1 : i32
    %dma_start3A_22 = arith.constant 0 : i32
    %dma_start3A_23 = arith.constant 0 : i32
    %dma_start3A_24 = tpu.memref_slice %arg8[%dma_start3A_21, %dma_start3A_22, %dma_start3A_23] : memref<3x2x80xi32, #tpu.memory_space<vmem>> -> memref<1x2x80xi32, #tpu.memory_space<vmem>>
    %dma_start3A_25 = tpu.memref_squeeze %dma_start3A_24 : memref<1x2x80xi32, #tpu.memory_space<vmem>> -> memref<2x80xi32, #tpu.memory_space<vmem>>
    %dma_start3A_26 = arith.constant 0 : i32
    %dma_start3A_27 = tpu.memref_slice %arg4[%dma_start3A_26, %add3A_20] : memref<2x320000xi32, #tpu.memory_space<hbm>> -> memref<2x80xi32, #tpu.memory_space<hbm>>
    %dma_start3A_28 = arith.constant 0 : i32
    %dma_start3A_29 = arith.constant 0 : i32
    %dma_start3A_30 = tpu.memref_slice %arg8[%dma_start3A_21, %dma_start3A_28, %dma_start3A_29] : memref<3x2x80xi32, #tpu.memory_space<vmem>> -> memref<1x2x80xi32, #tpu.memory_space<vmem>>
    %dma_start3A_31 = tpu.memref_squeeze %dma_start3A_30 : memref<1x2x80xi32, #tpu.memory_space<vmem>> -> memref<2x80xi32, #tpu.memory_space<vmem>>
    %dma_start3A_32 = arith.constant 0 : i32
    %dma_start3A_33 = tpu.memref_slice %arg4[%dma_start3A_32, %add3A_20] : memref<2x320000xi32, #tpu.memory_space<hbm>> -> memref<2x80xi32, #tpu.memory_space<hbm>>
    tpu.enqueue_dma source(%dma_start3A_33 : memref<2x80xi32, #tpu.memory_space<hbm>>) target(%dma_start3A_31 : memref<2x80xi32, #tpu.memory_space<vmem>>) target_semaphore(%arg24 : memref<!tpu.dma_semaphore, #tpu.memory_space<semaphore_mem>>)
    %mul3A_34 = arith.constant 10000 : i32
    %mul3A_35 = arith.muli %add3A, %mul3A_34 : i32
    %add3A_36 = arith.constant 0 : i32
    %add3A_37 = arith.addi %mul3A_35, %add3A_36 : i32
    %dma_wait3A = arith.constant 0 : i32
    %dma_wait3A_38 = arith.constant 0 : i32
    %dma_wait3A_39 = arith.constant 0 : i32
    %dma_wait3A_40 = tpu.memref_slice %arg8[%dma_wait3A, %dma_wait3A_38, %dma_wait3A_39] : memref<3x2x80xi32, #tpu.memory_space<vmem>> -> memref<1x2x80xi32, #tpu.memory_space<vmem>>
    %dma_wait3A_41 = tpu.memref_squeeze %dma_wait3A_40 : memref<1x2x80xi32, #tpu.memory_space<vmem>> -> memref<2x80xi32, #tpu.memory_space<vmem>>
    %dma_wait3A_42 = arith.constant 0 : i32
    %dma_wait3A_43 = tpu.memref_slice %arg4[%dma_wait3A_42, %add3A_37] : memref<2x320000xi32, #tpu.memory_space<hbm>> -> memref<2x80xi32, #tpu.memory_space<hbm>>
    %dma_wait3A_44 = arith.constant 0 : i32
    %dma_wait3A_45 = arith.constant 0 : i32
    %dma_wait3A_46 = tpu.memref_slice %arg8[%dma_wait3A, %dma_wait3A_44, %dma_wait3A_45] : memref<3x2x80xi32, #tpu.memory_space<vmem>> -> memref<1x2x80xi32, #tpu.memory_space<vmem>>
    %dma_wait3A_47 = tpu.memref_squeeze %dma_wait3A_46 : memref<1x2x80xi32, #tpu.memory_space<vmem>> -> memref<2x80xi32, #tpu.memory_space<vmem>>
    %dma_wait3A_48 = arith.constant 0 : i32
    %dma_wait3A_49 = tpu.memref_slice %arg4[%dma_wait3A_48, %add3A_37] : memref<2x320000xi32, #tpu.memory_space<hbm>> -> memref<2x80xi32, #tpu.memory_space<hbm>>
    tpu.wait_dma2 semaphore(%arg23 : memref<!tpu.dma_semaphore, #tpu.memory_space<semaphore_mem>>) src(%dma_wait3A_49 : memref<2x80xi32, #tpu.memory_space<hbm>>) dst(%dma_wait3A_47 : memref<2x80xi32, #tpu.memory_space<vmem>>)
    %dma_start3A_50 = arith.constant 0 : i32
    %dma_start3A_51 = arith.constant 0 : i32
    %dma_start3A_52 = arith.constant 0 : i32
    %dma_start3A_53 = arith.constant 0 : i32
    %dma_start3A_54 = arith.constant 0 : i32
    %dma_start3A_55 = tpu.memref_slice %arg9[%dma_start3A_52, %dma_start3A_53, %dma_start3A_54] : memref<3x80x128xbf16, #tpu.memory_space<vmem>> -> memref<1x80x128xbf16, #tpu.memory_space<vmem>>
    %dma_start3A_56 = tpu.memref_squeeze %dma_start3A_55 : memref<1x80x128xbf16, #tpu.memory_space<vmem>> -> memref<80x128xbf16, #tpu.memory_space<vmem>>
    %dma_start3A_57 = arith.constant 0 : i32
    %dma_start3A_58 = tpu.memref_slice %arg8[%dma_start3A_50, %dma_start3A_51, %dma_start3A_57] : memref<3x2x80xi32, #tpu.memory_space<vmem>> -> memref<1x1x80xi32, #tpu.memory_space<vmem>>
    %dma_start3A_59 = tpu.memref_squeeze %dma_start3A_58 : memref<1x1x80xi32, #tpu.memory_space<vmem>> -> memref<80xi32, #tpu.memory_space<vmem>>
    %dma_start3A_60 = arith.constant 0 : i32
    %dma_start3A_61 = arith.constant 0 : i32
    %dma_start3A_62 = tpu.memref_slice %arg2[%dma_start3A_60, %dma_start3A_61] : memref<10000x128xbf16, #tpu.memory_space<hbm>> -> memref<10000x128xbf16, #tpu.memory_space<hbm>>
    tpu.enqueue_indirect_dma source(%dma_start3A_62 : memref<10000x128xbf16, #tpu.memory_space<hbm>>) target(%dma_start3A_56 : memref<80x128xbf16, #tpu.memory_space<vmem>>) offsets(%dma_start3A_59 : memref<80xi32, #tpu.memory_space<vmem>>) semaphore(%arg14 : memref<!tpu.dma_semaphore, #tpu.memory_space<semaphore_mem>>)
    %dma_start3A_63 = arith.constant 0 : i32
    %dma_start3A_64 = arith.constant 1 : i32
    %dma_start3A_65 = arith.constant 0 : i32
    %dma_start3A_66 = arith.constant 0 : i32
    %dma_start3A_67 = arith.constant 0 : i32
    %dma_start3A_68 = tpu.memref_slice %arg10[%dma_start3A_65, %dma_start3A_66, %dma_start3A_67] : memref<3x80x128xbf16, #tpu.memory_space<vmem>> -> memref<1x80x128xbf16, #tpu.memory_space<vmem>>
    %dma_start3A_69 = tpu.memref_squeeze %dma_start3A_68 : memref<1x80x128xbf16, #tpu.memory_space<vmem>> -> memref<80x128xbf16, #tpu.memory_space<vmem>>
    %dma_start3A_70 = arith.constant 0 : i32
    %dma_start3A_71 = tpu.memref_slice %arg8[%dma_start3A_63, %dma_start3A_64, %dma_start3A_70] : memref<3x2x80xi32, #tpu.memory_space<vmem>> -> memref<1x1x80xi32, #tpu.memory_space<vmem>>
    %dma_start3A_72 = tpu.memref_squeeze %dma_start3A_71 : memref<1x1x80xi32, #tpu.memory_space<vmem>> -> memref<80xi32, #tpu.memory_space<vmem>>
    %dma_start3A_73 = arith.constant 0 : i32
    %dma_start3A_74 = arith.constant 0 : i32
    %dma_start3A_75 = tpu.memref_slice %arg3[%dma_start3A_73, %dma_start3A_74] : memref<10000x128xbf16, #tpu.memory_space<hbm>> -> memref<10000x128xbf16, #tpu.memory_space<hbm>>
    tpu.enqueue_indirect_dma source(%dma_start3A_75 : memref<10000x128xbf16, #tpu.memory_space<hbm>>) target(%dma_start3A_69 : memref<80x128xbf16, #tpu.memory_space<vmem>>) offsets(%dma_start3A_72 : memref<80xi32, #tpu.memory_space<vmem>>) semaphore(%arg17 : memref<!tpu.dma_semaphore, #tpu.memory_space<semaphore_mem>>)
    %iota3A = tpu.iota {dimensions = array<i32: 0>} : vector<16xi32>
    %get3A = arith.constant 0 : index
    %get3A_76 = tpu.vector_load %arg11[%get3A] {strides = array<i32>} : memref<128xf32, #tpu.memory_space<vmem>>, vector<16xf32>,
    %get3A_77 = arith.constant 16 : index
    %get3A_78 = tpu.vector_load %arg11[%get3A_77] {strides = array<i32>} : memref<128xf32, #tpu.memory_space<vmem>>, vector<16xf32>,
    %get3A_79 = arith.constant 32 : index
    %get3A_80 = tpu.vector_load %arg11[%get3A_79] {strides = array<i32>} : memref<128xf32, #tpu.memory_space<vmem>>, vector<16xf32>,
    %get3A_81 = arith.constant 48 : index
    %get3A_82 = tpu.vector_load %arg11[%get3A_81] {strides = array<i32>} : memref<128xf32, #tpu.memory_space<vmem>>, vector<16xf32>,
    %get3A_83 = arith.constant 64 : index
    %get3A_84 = tpu.vector_load %arg11[%get3A_83] {strides = array<i32>} : memref<128xf32, #tpu.memory_space<vmem>>, vector<16xf32>,
    %get3A_85 = arith.constant 80 : index
    %get3A_86 = tpu.vector_load %arg11[%get3A_85] {strides = array<i32>} : memref<128xf32, #tpu.memory_space<vmem>>, vector<16xf32>,
    %get3A_87 = arith.constant 96 : index
    %get3A_88 = tpu.vector_load %arg11[%get3A_87] {strides = array<i32>} : memref<128xf32, #tpu.memory_space<vmem>>, vector<16xf32>,
    %get3A_89 = arith.constant 112 : index
    %get3A_90 = tpu.vector_load %arg11[%get3A_89] {strides = array<i32>} : memref<128xf32, #tpu.memory_space<vmem>>, vector<16xf32>,
    %get3A_91 = arith.constant 0 : index
    %get3A_92 = tpu.vector_load %arg12[%get3A_91] {strides = array<i32>} : memref<16xf32, #tpu.memory_space<vmem>>, vector<16xf32>,
    %scan3A = arith.constant 0 : i32
    %scan3A_93 = arith.constant 42 : i32
    %scan3A_94 = arith.addi %scan3A, %scan3A_93 : i32
    %scan3A_95 = arith.constant 1 : i32
    scf.for %scan3A_136 = %scan3A to %scan3A_94 step %scan3A_95  : i32 {
      %mul3A_137 = arith.constant 3 : i32
      %mul3A_138 = arith.muli %scan3A_136, %mul3A_137 : i32
      %add3A_139 = arith.constant 0 : i32
      %add3A_140 = arith.addi %add3A_139, %mul3A_138 : i32
      %add3A_141 = arith.constant 0 : i32
      %add3A_142 = arith.addi %add3A_140, %add3A_141 : i32
      %lt3A = arith.constant 125 : i32
      %lt3A_143 = arith.cmpi slt, %add3A_142, %lt3A : i32
      %convert_element_type3A = arith.extui %lt3A_143 : i1 to i32
      %cond3A = arith.constant 0 : i32
      %cond3A_144 = arith.cmpi ne, %convert_element_type3A, %cond3A : i32
      scf.if %cond3A_144 {
        %add3A_159 = arith.constant 2 : i32
        %add3A_160 = arith.addi %add3A_142, %add3A_159 : i32
        %lt3A_161 = arith.constant 125 : i32
        %lt3A_162 = arith.cmpi slt, %add3A_160, %lt3A_161 : i32
        %convert_element_type3A_163 = arith.extui %lt3A_162 : i1 to i32
        %cond3A_164 = arith.constant 0 : i32
        %cond3A_165 = arith.cmpi ne, %convert_element_type3A_163, %cond3A_164 : i32
        scf.if %cond3A_165 {
          %ge3A = arith.constant 1 : i32
          %ge3A_215 = arith.cmpi sge, %add3A_142, %ge3A : i32
          %convert_element_type3A_216 = arith.extui %ge3A_215 : i1 to i32
          %cond3A_217 = arith.constant 0 : i32
          %cond3A_218 = arith.cmpi ne, %convert_element_type3A_216, %cond3A_217 : i32
          scf.if %cond3A_218 {
            %sub3A = arith.constant 1 : i32
            %sub3A_239 = arith.subi %add3A_142, %sub3A : i32
            %mul3A_240 = arith.constant 10000 : i32
            %mul3A_241 = arith.muli %add3A, %mul3A_240 : i32
            %mul3A_242 = arith.constant 80 : i32
            %mul3A_243 = arith.muli %sub3A_239, %mul3A_242 : i32
            %add3A_244 = arith.addi %mul3A_241, %mul3A_243 : i32
            %dma_wait3A_245 = arith.constant 2 : i32
            %dma_wait3A_246 = arith.constant 0 : i32
            %dma_wait3A_247 = tpu.memref_slice %arg13[%dma_wait3A_245, %dma_wait3A_246] : memref<3x80xf32, #tpu.memory_space<vmem>> -> memref<1x80xf32, #tpu.memory_space<vmem>>
            %dma_wait3A_248 = tpu.memref_squeeze %dma_wait3A_247 : memref<1x80xf32, #tpu.memory_space<vmem>> -> memref<80xf32, #tpu.memory_space<vmem>>
            %dma_wait3A_249 = tpu.memref_slice %arg7[%add3A_244] : memref<320000xf32, #tpu.memory_space<hbm>> -> memref<80xf32, #tpu.memory_space<hbm>>
            %dma_wait3A_250 = tpu.memref_slice %arg7[%add3A_244] : memref<320000xf32, #tpu.memory_space<hbm>> -> memref<80xf32, #tpu.memory_space<hbm>>
            %dma_wait3A_251 = arith.constant 0 : i32
            %dma_wait3A_252 = tpu.memref_slice %arg13[%dma_wait3A_245, %dma_wait3A_251] : memref<3x80xf32, #tpu.memory_space<vmem>> -> memref<1x80xf32, #tpu.memory_space<vmem>>
            %dma_wait3A_253 = tpu.memref_squeeze %dma_wait3A_252 : memref<1x80xf32, #tpu.memory_space<vmem>> -> memref<80xf32, #tpu.memory_space<vmem>>
            tpu.wait_dma2 semaphore(%arg22 : memref<!tpu.dma_semaphore, #tpu.memory_space<semaphore_mem>>) src(%dma_wait3A_253 : memref<80xf32, #tpu.memory_space<vmem>>) dst(%dma_wait3A_250 : memref<80xf32, #tpu.memory_space<hbm>>)
          } else {
          }
          %add3A_219 = arith.constant 2 : i32
          %add3A_220 = arith.addi %add3A_142, %add3A_219 : i32
          %mul3A_221 = arith.constant 10000 : i32
          %mul3A_222 = arith.muli %add3A, %mul3A_221 : i32
          %mul3A_223 = arith.constant 80 : i32
          %mul3A_224 = arith.muli %add3A_220, %mul3A_223 : i32
          %add3A_225 = arith.addi %mul3A_222, %mul3A_224 : i32
          %dma_start3A_226 = arith.constant 2 : i32
          %dma_start3A_227 = arith.constant 0 : i32
          %dma_start3A_228 = arith.constant 0 : i32
          %dma_start3A_229 = tpu.memref_slice %arg8[%dma_start3A_226, %dma_start3A_227, %dma_start3A_228] : memref<3x2x80xi32, #tpu.memory_space<vmem>> -> memref<1x2x80xi32, #tpu.memory_space<vmem>>
          %dma_start3A_230 = tpu.memref_squeeze %dma_start3A_229 : memref<1x2x80xi32, #tpu.memory_space<vmem>> -> memref<2x80xi32, #tpu.memory_space<vmem>>
          %dma_start3A_231 = arith.constant 0 : i32
          %dma_start3A_232 = tpu.memref_slice %arg4[%dma_start3A_231, %add3A_225] : memref<2x320000xi32, #tpu.memory_space<hbm>> -> memref<2x80xi32, #tpu.memory_space<hbm>>
          %dma_start3A_233 = arith.constant 0 : i32
          %dma_start3A_234 = arith.constant 0 : i32
          %dma_start3A_235 = tpu.memref_slice %arg8[%dma_start3A_226, %dma_start3A_233, %dma_start3A_234] : memref<3x2x80xi32, #tpu.memory_space<vmem>> -> memref<1x2x80xi32, #tpu.memory_space<vmem>>
          %dma_start3A_236 = tpu.memref_squeeze %dma_start3A_235 : memref<1x2x80xi32, #tpu.memory_space<vmem>> -> memref<2x80xi32, #tpu.memory_space<vmem>>
          %dma_start3A_237 = arith.constant 0 : i32
          %dma_start3A_238 = tpu.memref_slice %arg4[%dma_start3A_237, %add3A_225] : memref<2x320000xi32, #tpu.memory_space<hbm>> -> memref<2x80xi32, #tpu.memory_space<hbm>>
          tpu.enqueue_dma source(%dma_start3A_238 : memref<2x80xi32, #tpu.memory_space<hbm>>) target(%dma_start3A_236 : memref<2x80xi32, #tpu.memory_space<vmem>>) target_semaphore(%arg25 : memref<!tpu.dma_semaphore, #tpu.memory_space<semaphore_mem>>)
        } else {
        }
        %add3A_166 = arith.constant 1 : i32
        %add3A_167 = arith.addi %add3A_142, %add3A_166 : i32
        %lt3A_168 = arith.constant 125 : i32
        %lt3A_169 = arith.cmpi slt, %add3A_167, %lt3A_168 : i32
        %convert_element_type3A_170 = arith.extui %lt3A_169 : i1 to i32
        %cond3A_171 = arith.constant 0 : i32
        %cond3A_172 = arith.cmpi ne, %convert_element_type3A_170, %cond3A_171 : i32
        scf.if %cond3A_172 {
          %add3A_215 = arith.constant 1 : i32
          %add3A_216 = arith.addi %add3A_142, %add3A_215 : i32
          %mul3A_217 = arith.constant 10000 : i32
          %mul3A_218 = arith.muli %add3A, %mul3A_217 : i32
          %mul3A_219 = arith.constant 80 : i32
          %mul3A_220 = arith.muli %add3A_216, %mul3A_219 : i32
          %add3A_221 = arith.addi %mul3A_218, %mul3A_220 : i32
          %dma_wait3A_222 = arith.constant 1 : i32
          %dma_wait3A_223 = arith.constant 0 : i32
          %dma_wait3A_224 = arith.constant 0 : i32
          %dma_wait3A_225 = tpu.memref_slice %arg8[%dma_wait3A_222, %dma_wait3A_223, %dma_wait3A_224] : memref<3x2x80xi32, #tpu.memory_space<vmem>> -> memref<1x2x80xi32, #tpu.memory_space<vmem>>
          %dma_wait3A_226 = tpu.memref_squeeze %dma_wait3A_225 : memref<1x2x80xi32, #tpu.memory_space<vmem>> -> memref<2x80xi32, #tpu.memory_space<vmem>>
          %dma_wait3A_227 = arith.constant 0 : i32
          %dma_wait3A_228 = tpu.memref_slice %arg4[%dma_wait3A_227, %add3A_221] : memref<2x320000xi32, #tpu.memory_space<hbm>> -> memref<2x80xi32, #tpu.memory_space<hbm>>
          %dma_wait3A_229 = arith.constant 0 : i32
          %dma_wait3A_230 = arith.constant 0 : i32
          %dma_wait3A_231 = tpu.memref_slice %arg8[%dma_wait3A_222, %dma_wait3A_229, %dma_wait3A_230] : memref<3x2x80xi32, #tpu.memory_space<vmem>> -> memref<1x2x80xi32, #tpu.memory_space<vmem>>
          %dma_wait3A_232 = tpu.memref_squeeze %dma_wait3A_231 : memref<1x2x80xi32, #tpu.memory_space<vmem>> -> memref<2x80xi32, #tpu.memory_space<vmem>>
          %dma_wait3A_233 = arith.constant 0 : i32
          %dma_wait3A_234 = tpu.memref_slice %arg4[%dma_wait3A_233, %add3A_221] : memref<2x320000xi32, #tpu.memory_space<hbm>> -> memref<2x80xi32, #tpu.memory_space<hbm>>
          tpu.wait_dma2 semaphore(%arg24 : memref<!tpu.dma_semaphore, #tpu.memory_space<semaphore_mem>>) src(%dma_wait3A_234 : memref<2x80xi32, #tpu.memory_space<hbm>>) dst(%dma_wait3A_232 : memref<2x80xi32, #tpu.memory_space<vmem>>)
          %dma_start3A_235 = arith.constant 1 : i32
          %dma_start3A_236 = arith.constant 0 : i32
          %dma_start3A_237 = arith.constant 1 : i32
          %dma_start3A_238 = arith.constant 0 : i32
          %dma_start3A_239 = arith.constant 0 : i32
          %dma_start3A_240 = tpu.memref_slice %arg9[%dma_start3A_237, %dma_start3A_238, %dma_start3A_239] : memref<3x80x128xbf16, #tpu.memory_space<vmem>> -> memref<1x80x128xbf16, #tpu.memory_space<vmem>>
          %dma_start3A_241 = tpu.memref_squeeze %dma_start3A_240 : memref<1x80x128xbf16, #tpu.memory_space<vmem>> -> memref<80x128xbf16, #tpu.memory_space<vmem>>
          %dma_start3A_242 = arith.constant 0 : i32
          %dma_start3A_243 = tpu.memref_slice %arg8[%dma_start3A_235, %dma_start3A_236, %dma_start3A_242] : memref<3x2x80xi32, #tpu.memory_space<vmem>> -> memref<1x1x80xi32, #tpu.memory_space<vmem>>
          %dma_start3A_244 = tpu.memref_squeeze %dma_start3A_243 : memref<1x1x80xi32, #tpu.memory_space<vmem>> -> memref<80xi32, #tpu.memory_space<vmem>>
          %dma_start3A_245 = arith.constant 0 : i32
          %dma_start3A_246 = arith.constant 0 : i32
          %dma_start3A_247 = tpu.memref_slice %arg2[%dma_start3A_245, %dma_start3A_246] : memref<10000x128xbf16, #tpu.memory_space<hbm>> -> memref<10000x128xbf16, #tpu.memory_space<hbm>>
          tpu.enqueue_indirect_dma source(%dma_start3A_247 : memref<10000x128xbf16, #tpu.memory_space<hbm>>) target(%dma_start3A_241 : memref<80x128xbf16, #tpu.memory_space<vmem>>) offsets(%dma_start3A_244 : memref<80xi32, #tpu.memory_space<vmem>>) semaphore(%arg15 : memref<!tpu.dma_semaphore, #tpu.memory_space<semaphore_mem>>)
          %dma_start3A_248 = arith.constant 1 : i32
          %dma_start3A_249 = arith.constant 1 : i32
          %dma_start3A_250 = arith.constant 1 : i32
          %dma_start3A_251 = arith.constant 0 : i32
          %dma_start3A_252 = arith.constant 0 : i32
          %dma_start3A_253 = tpu.memref_slice %arg10[%dma_start3A_250, %dma_start3A_251, %dma_start3A_252] : memref<3x80x128xbf16, #tpu.memory_space<vmem>> -> memref<1x80x128xbf16, #tpu.memory_space<vmem>>
          %dma_start3A_254 = tpu.memref_squeeze %dma_start3A_253 : memref<1x80x128xbf16, #tpu.memory_space<vmem>> -> memref<80x128xbf16, #tpu.memory_space<vmem>>
          %dma_start3A_255 = arith.constant 0 : i32
          %dma_start3A_256 = tpu.memref_slice %arg8[%dma_start3A_248, %dma_start3A_249, %dma_start3A_255] : memref<3x2x80xi32, #tpu.memory_space<vmem>> -> memref<1x1x80xi32, #tpu.memory_space<vmem>>
          %dma_start3A_257 = tpu.memref_squeeze %dma_start3A_256 : memref<1x1x80xi32, #tpu.memory_space<vmem>> -> memref<80xi32, #tpu.memory_space<vmem>>
          %dma_start3A_258 = arith.constant 0 : i32
          %dma_start3A_259 = arith.constant 0 : i32
          %dma_start3A_260 = tpu.memref_slice %arg3[%dma_start3A_258, %dma_start3A_259] : memref<10000x128xbf16, #tpu.memory_space<hbm>> -> memref<10000x128xbf16, #tpu.memory_space<hbm>>
          tpu.enqueue_indirect_dma source(%dma_start3A_260 : memref<10000x128xbf16, #tpu.memory_space<hbm>>) target(%dma_start3A_254 : memref<80x128xbf16, #tpu.memory_space<vmem>>) offsets(%dma_start3A_257 : memref<80xi32, #tpu.memory_space<vmem>>) semaphore(%arg18 : memref<!tpu.dma_semaphore, #tpu.memory_space<semaphore_mem>>)
        } else {
        }
        %dma_wait3A_173 = arith.constant 0 : i32
        %dma_wait3A_174 = arith.constant 0 : i32
        %dma_wait3A_175 = arith.constant 0 : i32
        %dma_wait3A_176 = arith.constant 0 : i32
        %dma_wait3A_177 = arith.constant 0 : i32
        %dma_wait3A_178 = tpu.memref_slice %arg9[%dma_wait3A_175, %dma_wait3A_176, %dma_wait3A_177] : memref<3x80x128xbf16, #tpu.memory_space<vmem>> -> memref<1x80x128xbf16, #tpu.memory_space<vmem>>
        %dma_wait3A_179 = tpu.memref_squeeze %dma_wait3A_178 : memref<1x80x128xbf16, #tpu.memory_space<vmem>> -> memref<80x128xbf16, #tpu.memory_space<vmem>>
        %dma_wait3A_180 = arith.constant 0 : i32
        %dma_wait3A_181 = tpu.memref_slice %arg8[%dma_wait3A_173, %dma_wait3A_174, %dma_wait3A_180] : memref<3x2x80xi32, #tpu.memory_space<vmem>> -> memref<1x1x80xi32, #tpu.memory_space<vmem>>
        %dma_wait3A_182 = tpu.memref_squeeze %dma_wait3A_181 : memref<1x1x80xi32, #tpu.memory_space<vmem>> -> memref<80xi32, #tpu.memory_space<vmem>>
        %dma_wait3A_183 = arith.constant 0 : i32
        %dma_wait3A_184 = arith.constant 0 : i32
        %dma_wait3A_185 = tpu.memref_slice %arg2[%dma_wait3A_183, %dma_wait3A_184] : memref<10000x128xbf16, #tpu.memory_space<hbm>> -> memref<10000x128xbf16, #tpu.memory_space<hbm>>
        tpu.wait_indirect_dma semaphore(%arg14 : memref<!tpu.dma_semaphore, #tpu.memory_space<semaphore_mem>>) src(%dma_wait3A_185 : memref<10000x128xbf16, #tpu.memory_space<hbm>>) dst(%dma_wait3A_179 : memref<80x128xbf16, #tpu.memory_space<vmem>>)
        %dma_wait3A_186 = arith.constant 0 : i32
        %dma_wait3A_187 = arith.constant 1 : i32
        %dma_wait3A_188 = arith.constant 0 : i32
        %dma_wait3A_189 = arith.constant 0 : i32
        %dma_wait3A_190 = arith.constant 0 : i32
        %dma_wait3A_191 = tpu.memref_slice %arg10[%dma_wait3A_188, %dma_wait3A_189, %dma_wait3A_190] : memref<3x80x128xbf16, #tpu.memory_space<vmem>> -> memref<1x80x128xbf16, #tpu.memory_space<vmem>>
        %dma_wait3A_192 = tpu.memref_squeeze %dma_wait3A_191 : memref<1x80x128xbf16, #tpu.memory_space<vmem>> -> memref<80x128xbf16, #tpu.memory_space<vmem>>
        %dma_wait3A_193 = arith.constant 0 : i32
        %dma_wait3A_194 = tpu.memref_slice %arg8[%dma_wait3A_186, %dma_wait3A_187, %dma_wait3A_193] : memref<3x2x80xi32, #tpu.memory_space<vmem>> -> memref<1x1x80xi32, #tpu.memory_space<vmem>>
        %dma_wait3A_195 = tpu.memref_squeeze %dma_wait3A_194 : memref<1x1x80xi32, #tpu.memory_space<vmem>> -> memref<80xi32, #tpu.memory_space<vmem>>
        %dma_wait3A_196 = arith.constant 0 : i32
        %dma_wait3A_197 = arith.constant 0 : i32
        %dma_wait3A_198 = tpu.memref_slice %arg3[%dma_wait3A_196, %dma_wait3A_197] : memref<10000x128xbf16, #tpu.memory_space<hbm>> -> memref<10000x128xbf16, #tpu.memory_space<hbm>>
        tpu.wait_indirect_dma semaphore(%arg17 : memref<!tpu.dma_semaphore, #tpu.memory_space<semaphore_mem>>) src(%dma_wait3A_198 : memref<10000x128xbf16, #tpu.memory_space<hbm>>) dst(%dma_wait3A_192 : memref<80x128xbf16, #tpu.memory_space<vmem>>)
        %parallel_loop3A = arith.constant 0 : i32
        %parallel_loop3A_199 = arith.constant 5 : i32
        %parallel_loop3A_200 = arith.constant 1 : i32
        scf.for %parallel_loop3A_215 = %parallel_loop3A to %parallel_loop3A_199 step %parallel_loop3A_200  : i32 {
          %parallel_loop3A_216 = arith.constant 0.000000e+00 : f32
          %parallel_loop3A_217 = vector.broadcast %parallel_loop3A_216 : f32 to vector<16xf32>
          %parallel_loop3A_218 = arith.constant 0 : i32
          %parallel_loop3A_219 = arith.constant 16 : i32
          %parallel_loop3A_220 = arith.addi %parallel_loop3A_218, %parallel_loop3A_219 : i32
          %parallel_loop3A_221 = arith.constant 1 : i32
          %parallel_loop3A_222 = scf.for %scan3A_230 = %parallel_loop3A_218 to %parallel_loop3A_220 step %parallel_loop3A_221 iter_args(%scan3A_231 = %parallel_loop3A_217) -> (vector<16xf32>)  : i32 {
            %parallel_loop3A_232 = arith.constant 16 : i32
            %parallel_loop3A_233 = arith.muli %parallel_loop3A_215, %parallel_loop3A_232 : i32
            %parallel_loop3A_234 = arith.addi %parallel_loop3A_233, %scan3A_230 : i32
            %parallel_loop3A_235 = arith.constant 0 : i32
            %parallel_loop3A_236 = arith.index_cast %parallel_loop3A_235 : i32 to index
            %parallel_loop3A_237 = arith.index_cast %parallel_loop3A_234 : i32 to index
            %parallel_loop3A_238 = arith.constant 0 : index
            %parallel_loop3A_239 = tpu.vector_load %arg9[%parallel_loop3A_236, %parallel_loop3A_237, %parallel_loop3A_238] {strides = array<i32>} : memref<3x80x128xbf16, #tpu.memory_space<vmem>>, vector<32xbf16>,
            %parallel_loop3A_240 = arith.constant 0 : i32
            %parallel_loop3A_241 = arith.index_cast %parallel_loop3A_240 : i32 to index
            %parallel_loop3A_242 = arith.index_cast %parallel_loop3A_234 : i32 to index
            %parallel_loop3A_243 = arith.constant 0 : index
            %parallel_loop3A_244 = tpu.vector_load %arg10[%parallel_loop3A_241, %parallel_loop3A_242, %parallel_loop3A_243] {strides = array<i32>} : memref<3x80x128xbf16, #tpu.memory_space<vmem>>, vector<32xbf16>,
            %parallel_loop3A_245 = tpu.unpack_subelements %parallel_loop3A_239, 0 {pack_format = #tpu.pack_format<interleaved>} : vector<32xbf16> -> vector<16xf32>
            %parallel_loop3A_246 = tpu.unpack_subelements %parallel_loop3A_239, 1 {pack_format = #tpu.pack_format<interleaved>} : vector<32xbf16> -> vector<16xf32>
            %parallel_loop3A_247 = tpu.unpack_subelements %parallel_loop3A_244, 0 {pack_format = #tpu.pack_format<interleaved>} : vector<32xbf16> -> vector<16xf32>
            %parallel_loop3A_248 = tpu.unpack_subelements %parallel_loop3A_244, 1 {pack_format = #tpu.pack_format<interleaved>} : vector<32xbf16> -> vector<16xf32>
            %parallel_loop3A_249 = arith.addf %parallel_loop3A_245, %parallel_loop3A_247 : vector<16xf32>
            %parallel_loop3A_250 = arith.constant 0.000000e+00 : f32
            %parallel_loop3A_251 = vector.broadcast %parallel_loop3A_250 : f32 to vector<16xf32>
            %parallel_loop3A_252 = arith.maximumf %parallel_loop3A_249, %parallel_loop3A_251 : vector<16xf32>
            %parallel_loop3A_253 = arith.mulf %parallel_loop3A_252, %get3A_76 : vector<16xf32>
            %parallel_loop3A_254 = arith.addf %get3A_92, %parallel_loop3A_253 : vector<16xf32>
            %parallel_loop3A_255 = arith.addf %parallel_loop3A_246, %parallel_loop3A_248 : vector<16xf32>
            %parallel_loop3A_256 = arith.constant 0.000000e+00 : f32
            %parallel_loop3A_257 = vector.broadcast %parallel_loop3A_256 : f32 to vector<16xf32>
            %parallel_loop3A_258 = arith.maximumf %parallel_loop3A_255, %parallel_loop3A_257 : vector<16xf32>
            %parallel_loop3A_259 = arith.mulf %parallel_loop3A_258, %get3A_78 : vector<16xf32>
            %parallel_loop3A_260 = arith.addf %parallel_loop3A_254, %parallel_loop3A_259 : vector<16xf32>
            %parallel_loop3A_261 = arith.constant 0 : i32
            %parallel_loop3A_262 = arith.index_cast %parallel_loop3A_261 : i32 to index
            %parallel_loop3A_263 = arith.index_cast %parallel_loop3A_234 : i32 to index
            %parallel_loop3A_264 = arith.constant 32 : index
            %parallel_loop3A_265 = tpu.vector_load %arg9[%parallel_loop3A_262, %parallel_loop3A_263, %parallel_loop3A_264] {strides = array<i32>} : memref<3x80x128xbf16, #tpu.memory_space<vmem>>, vector<32xbf16>,
            %parallel_loop3A_266 = arith.constant 0 : i32
            %parallel_loop3A_267 = arith.index_cast %parallel_loop3A_266 : i32 to index
            %parallel_loop3A_268 = arith.index_cast %parallel_loop3A_234 : i32 to index
            %parallel_loop3A_269 = arith.constant 32 : index
            %parallel_loop3A_270 = tpu.vector_load %arg10[%parallel_loop3A_267, %parallel_loop3A_268, %parallel_loop3A_269] {strides = array<i32>} : memref<3x80x128xbf16, #tpu.memory_space<vmem>>, vector<32xbf16>,
            %parallel_loop3A_271 = tpu.unpack_subelements %parallel_loop3A_265, 0 {pack_format = #tpu.pack_format<interleaved>} : vector<32xbf16> -> vector<16xf32>
            %parallel_loop3A_272 = tpu.unpack_subelements %parallel_loop3A_265, 1 {pack_format = #tpu.pack_format<interleaved>} : vector<32xbf16> -> vector<16xf32>
            %parallel_loop3A_273 = tpu.unpack_subelements %parallel_loop3A_270, 0 {pack_format = #tpu.pack_format<interleaved>} : vector<32xbf16> -> vector<16xf32>
            %parallel_loop3A_274 = tpu.unpack_subelements %parallel_loop3A_270, 1 {pack_format = #tpu.pack_format<interleaved>} : vector<32xbf16> -> vector<16xf32>
            %parallel_loop3A_275 = arith.addf %parallel_loop3A_271, %parallel_loop3A_273 : vector<16xf32>
            %parallel_loop3A_276 = arith.constant 0.000000e+00 : f32
            %parallel_loop3A_277 = vector.broadcast %parallel_loop3A_276 : f32 to vector<16xf32>
            %parallel_loop3A_278 = arith.maximumf %parallel_loop3A_275, %parallel_loop3A_277 : vector<16xf32>
            %parallel_loop3A_279 = arith.mulf %parallel_loop3A_278, %get3A_80 : vector<16xf32>
            %parallel_loop3A_280 = arith.addf %parallel_loop3A_260, %parallel_loop3A_279 : vector<16xf32>
            %parallel_loop3A_281 = arith.addf %parallel_loop3A_272, %parallel_loop3A_274 : vector<16xf32>
            %parallel_loop3A_282 = arith.constant 0.000000e+00 : f32
            %parallel_loop3A_283 = vector.broadcast %parallel_loop3A_282 : f32 to vector<16xf32>
            %parallel_loop3A_284 = arith.maximumf %parallel_loop3A_281, %parallel_loop3A_283 : vector<16xf32>
            %parallel_loop3A_285 = arith.mulf %parallel_loop3A_284, %get3A_82 : vector<16xf32>
            %parallel_loop3A_286 = arith.addf %parallel_loop3A_280, %parallel_loop3A_285 : vector<16xf32>
            %parallel_loop3A_287 = arith.constant 0 : i32
            %parallel_loop3A_288 = arith.index_cast %parallel_loop3A_287 : i32 to index
            %parallel_loop3A_289 = arith.index_cast %parallel_loop3A_234 : i32 to index
            %parallel_loop3A_290 = arith.constant 64 : index
            %parallel_loop3A_291 = tpu.vector_load %arg9[%parallel_loop3A_288, %parallel_loop3A_289, %parallel_loop3A_290] {strides = array<i32>} : memref<3x80x128xbf16, #tpu.memory_space<vmem>>, vector<32xbf16>,
            %parallel_loop3A_292 = arith.constant 0 : i32
            %parallel_loop3A_293 = arith.index_cast %parallel_loop3A_292 : i32 to index
            %parallel_loop3A_294 = arith.index_cast %parallel_loop3A_234 : i32 to index
            %parallel_loop3A_295 = arith.constant 64 : index
            %parallel_loop3A_296 = tpu.vector_load %arg10[%parallel_loop3A_293, %parallel_loop3A_294, %parallel_loop3A_295] {strides = array<i32>} : memref<3x80x128xbf16, #tpu.memory_space<vmem>>, vector<32xbf16>,
            %parallel_loop3A_297 = tpu.unpack_subelements %parallel_loop3A_291, 0 {pack_format = #tpu.pack_format<interleaved>} : vector<32xbf16> -> vector<16xf32>
            %parallel_loop3A_298 = tpu.unpack_subelements %parallel_loop3A_291, 1 {pack_format = #tpu.pack_format<interleaved>} : vector<32xbf16> -> vector<16xf32>
            %parallel_loop3A_299 = tpu.unpack_subelements %parallel_loop3A_296, 0 {pack_format = #tpu.pack_format<interleaved>} : vector<32xbf16> -> vector<16xf32>
            %parallel_loop3A_300 = tpu.unpack_subelements %parallel_loop3A_296, 1 {pack_format = #tpu.pack_format<interleaved>} : vector<32xbf16> -> vector<16xf32>
            %parallel_loop3A_301 = arith.addf %parallel_loop3A_297, %parallel_loop3A_299 : vector<16xf32>
            %parallel_loop3A_302 = arith.constant 0.000000e+00 : f32
            %parallel_loop3A_303 = vector.broadcast %parallel_loop3A_302 : f32 to vector<16xf32>
            %parallel_loop3A_304 = arith.maximumf %parallel_loop3A_301, %parallel_loop3A_303 : vector<16xf32>
            %parallel_loop3A_305 = arith.mulf %parallel_loop3A_304, %get3A_84 : vector<16xf32>
            %parallel_loop3A_306 = arith.addf %parallel_loop3A_286, %parallel_loop3A_305 : vector<16xf32>
            %parallel_loop3A_307 = arith.addf %parallel_loop3A_298, %parallel_loop3A_300 : vector<16xf32>
            %parallel_loop3A_308 = arith.constant 0.000000e+00 : f32
            %parallel_loop3A_309 = vector.broadcast %parallel_loop3A_308 : f32 to vector<16xf32>
            %parallel_loop3A_310 = arith.maximumf %parallel_loop3A_307, %parallel_loop3A_309 : vector<16xf32>
            %parallel_loop3A_311 = arith.mulf %parallel_loop3A_310, %get3A_86 : vector<16xf32>
            %parallel_loop3A_312 = arith.addf %parallel_loop3A_306, %parallel_loop3A_311 : vector<16xf32>
            %parallel_loop3A_313 = arith.constant 0 : i32
            %parallel_loop3A_314 = arith.index_cast %parallel_loop3A_313 : i32 to index
            %parallel_loop3A_315 = arith.index_cast %parallel_loop3A_234 : i32 to index
            %parallel_loop3A_316 = arith.constant 96 : index
            %parallel_loop3A_317 = tpu.vector_load %arg9[%parallel_loop3A_314, %parallel_loop3A_315, %parallel_loop3A_316] {strides = array<i32>} : memref<3x80x128xbf16, #tpu.memory_space<vmem>>, vector<32xbf16>,
            %parallel_loop3A_318 = arith.constant 0 : i32
            %parallel_loop3A_319 = arith.index_cast %parallel_loop3A_318 : i32 to index
            %parallel_loop3A_320 = arith.index_cast %parallel_loop3A_234 : i32 to index
            %parallel_loop3A_321 = arith.constant 96 : index
            %parallel_loop3A_322 = tpu.vector_load %arg10[%parallel_loop3A_319, %parallel_loop3A_320, %parallel_loop3A_321] {strides = array<i32>} : memref<3x80x128xbf16, #tpu.memory_space<vmem>>, vector<32xbf16>,
            %parallel_loop3A_323 = tpu.unpack_subelements %parallel_loop3A_317, 0 {pack_format = #tpu.pack_format<interleaved>} : vector<32xbf16> -> vector<16xf32>
            %parallel_loop3A_324 = tpu.unpack_subelements %parallel_loop3A_317, 1 {pack_format = #tpu.pack_format<interleaved>} : vector<32xbf16> -> vector<16xf32>
            %parallel_loop3A_325 = tpu.unpack_subelements %parallel_loop3A_322, 0 {pack_format = #tpu.pack_format<interleaved>} : vector<32xbf16> -> vector<16xf32>
            %parallel_loop3A_326 = tpu.unpack_subelements %parallel_loop3A_322, 1 {pack_format = #tpu.pack_format<interleaved>} : vector<32xbf16> -> vector<16xf32>
            %parallel_loop3A_327 = arith.addf %parallel_loop3A_323, %parallel_loop3A_325 : vector<16xf32>
            %parallel_loop3A_328 = arith.constant 0.000000e+00 : f32
            %parallel_loop3A_329 = vector.broadcast %parallel_loop3A_328 : f32 to vector<16xf32>
            %parallel_loop3A_330 = arith.maximumf %parallel_loop3A_327, %parallel_loop3A_329 : vector<16xf32>
            %parallel_loop3A_331 = arith.mulf %parallel_loop3A_330, %get3A_88 : vector<16xf32>
            %parallel_loop3A_332 = arith.addf %parallel_loop3A_312, %parallel_loop3A_331 : vector<16xf32>
            %parallel_loop3A_333 = arith.addf %parallel_loop3A_324, %parallel_loop3A_326 : vector<16xf32>
            %parallel_loop3A_334 = arith.constant 0.000000e+00 : f32
            %parallel_loop3A_335 = vector.broadcast %parallel_loop3A_334 : f32 to vector<16xf32>
            %parallel_loop3A_336 = arith.maximumf %parallel_loop3A_333, %parallel_loop3A_335 : vector<16xf32>
            %parallel_loop3A_337 = arith.mulf %parallel_loop3A_336, %get3A_90 : vector<16xf32>
            %parallel_loop3A_338 = arith.addf %parallel_loop3A_332, %parallel_loop3A_337 : vector<16xf32>
            %parallel_loop3A_339 = vector.broadcast %scan3A_230 : i32 to vector<16xi32>
            %parallel_loop3A_340 = arith.cmpi eq, %iota3A, %parallel_loop3A_339 : vector<16xi32>
            %parallel_loop3A_341 = arith.constant true
            %parallel_loop3A_342 = vector.broadcast %parallel_loop3A_341 : i1 to vector<16xi1>
            %parallel_loop3A_343 = tpu.scan <sum>, %parallel_loop3A_338 masked %parallel_loop3A_342 : vector<16xf32>, vector<16xi1> -> vector<16xf32>
            %parallel_loop3A_344 = vector.extract %parallel_loop3A_343[15] : f32 from vector<16xf32>
            %parallel_loop3A_345 = vector.broadcast %parallel_loop3A_344 : f32 to vector<16xf32>
            %parallel_loop3A_346 = arith.select %parallel_loop3A_340, %parallel_loop3A_345, %scan3A_231 : vector<16xi1>, vector<16xf32>
            scf.yield %parallel_loop3A_346 : vector<16xf32>
          }
          %parallel_loop3A_223 = arith.constant 16 : i32
          %parallel_loop3A_224 = arith.constant 16 : i32
          %parallel_loop3A_225 = arith.muli %parallel_loop3A_215, %parallel_loop3A_224 : i32
          %parallel_loop3A_226 = arith.constant 0 : i32
          %parallel_loop3A_227 = arith.index_cast %parallel_loop3A_226 : i32 to index
          %parallel_loop3A_228 = arith.index_cast %parallel_loop3A_225 : i32 to index
          %parallel_loop3A_229 = tpu.vector_load %arg13[%parallel_loop3A_227, %parallel_loop3A_228] {strides = array<i32>} : memref<3x80xf32, #tpu.memory_space<vmem>>, vector<16xf32>,
          tpu.vector_store %arg13[%parallel_loop3A_227, %parallel_loop3A_228], %parallel_loop3A_222 {strides = array<i32>} : memref<3x80xf32, #tpu.memory_space<vmem>>, vector<16xf32>,
        } {sc.loop_unroll_factor = 1 : i64, sc.parallel_access}
        %mul3A_201 = arith.constant 10000 : i32
        %mul3A_202 = arith.muli %add3A, %mul3A_201 : i32
        %mul3A_203 = arith.constant 80 : i32
        %mul3A_204 = arith.muli %add3A_142, %mul3A_203 : i32
        %add3A_205 = arith.addi %mul3A_202, %mul3A_204 : i32
        %dma_start3A_206 = arith.constant 0 : i32
        %dma_start3A_207 = arith.constant 0 : i32
        %dma_start3A_208 = tpu.memref_slice %arg13[%dma_start3A_206, %dma_start3A_207] : memref<3x80xf32, #tpu.memory_space<vmem>> -> memref<1x80xf32, #tpu.memory_space<vmem>>
        %dma_start3A_209 = tpu.memref_squeeze %dma_start3A_208 : memref<1x80xf32, #tpu.memory_space<vmem>> -> memref<80xf32, #tpu.memory_space<vmem>>
        %dma_start3A_210 = tpu.memref_slice %arg7[%add3A_205] : memref<320000xf32, #tpu.memory_space<hbm>> -> memref<80xf32, #tpu.memory_space<hbm>>
        %dma_start3A_211 = tpu.memref_slice %arg7[%add3A_205] : memref<320000xf32, #tpu.memory_space<hbm>> -> memref<80xf32, #tpu.memory_space<hbm>>
        %dma_start3A_212 = arith.constant 0 : i32
        %dma_start3A_213 = tpu.memref_slice %arg13[%dma_start3A_206, %dma_start3A_212] : memref<3x80xf32, #tpu.memory_space<vmem>> -> memref<1x80xf32, #tpu.memory_space<vmem>>
        %dma_start3A_214 = tpu.memref_squeeze %dma_start3A_213 : memref<1x80xf32, #tpu.memory_space<vmem>> -> memref<80xf32, #tpu.memory_space<vmem>>
        tpu.enqueue_dma source(%dma_start3A_214 : memref<80xf32, #tpu.memory_space<vmem>>) target(%dma_start3A_211 : memref<80xf32, #tpu.memory_space<hbm>>) target_semaphore(%arg20 : memref<!tpu.dma_semaphore, #tpu.memory_space<semaphore_mem>>)
      } else {
      }
      %add3A_145 = arith.constant 1 : i32
      %add3A_146 = arith.addi %add3A_140, %add3A_145 : i32
      %lt3A_147 = arith.constant 125 : i32
      %lt3A_148 = arith.cmpi slt, %add3A_146, %lt3A_147 : i32
      %convert_element_type3A_149 = arith.extui %lt3A_148 : i1 to i32
      %cond3A_150 = arith.constant 0 : i32
      %cond3A_151 = arith.cmpi ne, %convert_element_type3A_149, %cond3A_150 : i32
      scf.if %cond3A_151 {
        %add3A_159 = arith.constant 2 : i32
        %add3A_160 = arith.addi %add3A_146, %add3A_159 : i32
        %lt3A_161 = arith.constant 125 : i32
        %lt3A_162 = arith.cmpi slt, %add3A_160, %lt3A_161 : i32
        %convert_element_type3A_163 = arith.extui %lt3A_162 : i1 to i32
        %cond3A_164 = arith.constant 0 : i32
        %cond3A_165 = arith.cmpi ne, %convert_element_type3A_163, %cond3A_164 : i32
        scf.if %cond3A_165 {
          %ge3A = arith.constant 1 : i32
          %ge3A_215 = arith.cmpi sge, %add3A_146, %ge3A : i32
          %convert_element_type3A_216 = arith.extui %ge3A_215 : i1 to i32
          %cond3A_217 = arith.constant 0 : i32
          %cond3A_218 = arith.cmpi ne, %convert_element_type3A_216, %cond3A_217 : i32
          scf.if %cond3A_218 {
            %sub3A = arith.constant 1 : i32
            %sub3A_239 = arith.subi %add3A_146, %sub3A : i32
            %mul3A_240 = arith.constant 10000 : i32
            %mul3A_241 = arith.muli %add3A, %mul3A_240 : i32
            %mul3A_242 = arith.constant 80 : i32
            %mul3A_243 = arith.muli %sub3A_239, %mul3A_242 : i32
            %add3A_244 = arith.addi %mul3A_241, %mul3A_243 : i32
            %dma_wait3A_245 = arith.constant 0 : i32
            %dma_wait3A_246 = arith.constant 0 : i32
            %dma_wait3A_247 = tpu.memref_slice %arg13[%dma_wait3A_245, %dma_wait3A_246] : memref<3x80xf32, #tpu.memory_space<vmem>> -> memref<1x80xf32, #tpu.memory_space<vmem>>
            %dma_wait3A_248 = tpu.memref_squeeze %dma_wait3A_247 : memref<1x80xf32, #tpu.memory_space<vmem>> -> memref<80xf32, #tpu.memory_space<vmem>>
            %dma_wait3A_249 = tpu.memref_slice %arg7[%add3A_244] : memref<320000xf32, #tpu.memory_space<hbm>> -> memref<80xf32, #tpu.memory_space<hbm>>
            %dma_wait3A_250 = tpu.memref_slice %arg7[%add3A_244] : memref<320000xf32, #tpu.memory_space<hbm>> -> memref<80xf32, #tpu.memory_space<hbm>>
            %dma_wait3A_251 = arith.constant 0 : i32
            %dma_wait3A_252 = tpu.memref_slice %arg13[%dma_wait3A_245, %dma_wait3A_251] : memref<3x80xf32, #tpu.memory_space<vmem>> -> memref<1x80xf32, #tpu.memory_space<vmem>>
            %dma_wait3A_253 = tpu.memref_squeeze %dma_wait3A_252 : memref<1x80xf32, #tpu.memory_space<vmem>> -> memref<80xf32, #tpu.memory_space<vmem>>
            tpu.wait_dma2 semaphore(%arg20 : memref<!tpu.dma_semaphore, #tpu.memory_space<semaphore_mem>>) src(%dma_wait3A_253 : memref<80xf32, #tpu.memory_space<vmem>>) dst(%dma_wait3A_250 : memref<80xf32, #tpu.memory_space<hbm>>)
          } else {
          }
          %add3A_219 = arith.constant 2 : i32
          %add3A_220 = arith.addi %add3A_146, %add3A_219 : i32
          %mul3A_221 = arith.constant 10000 : i32
          %mul3A_222 = arith.muli %add3A, %mul3A_221 : i32
          %mul3A_223 = arith.constant 80 : i32
          %mul3A_224 = arith.muli %add3A_220, %mul3A_223 : i32
          %add3A_225 = arith.addi %mul3A_222, %mul3A_224 : i32
          %dma_start3A_226 = arith.constant 0 : i32
          %dma_start3A_227 = arith.constant 0 : i32
          %dma_start3A_228 = arith.constant 0 : i32
          %dma_start3A_229 = tpu.memref_slice %arg8[%dma_start3A_226, %dma_start3A_227, %dma_start3A_228] : memref<3x2x80xi32, #tpu.memory_space<vmem>> -> memref<1x2x80xi32, #tpu.memory_space<vmem>>
          %dma_start3A_230 = tpu.memref_squeeze %dma_start3A_229 : memref<1x2x80xi32, #tpu.memory_space<vmem>> -> memref<2x80xi32, #tpu.memory_space<vmem>>
          %dma_start3A_231 = arith.constant 0 : i32
          %dma_start3A_232 = tpu.memref_slice %arg4[%dma_start3A_231, %add3A_225] : memref<2x320000xi32, #tpu.memory_space<hbm>> -> memref<2x80xi32, #tpu.memory_space<hbm>>
          %dma_start3A_233 = arith.constant 0 : i32
          %dma_start3A_234 = arith.constant 0 : i32
          %dma_start3A_235 = tpu.memref_slice %arg8[%dma_start3A_226, %dma_start3A_233, %dma_start3A_234] : memref<3x2x80xi32, #tpu.memory_space<vmem>> -> memref<1x2x80xi32, #tpu.memory_space<vmem>>
          %dma_start3A_236 = tpu.memref_squeeze %dma_start3A_235 : memref<1x2x80xi32, #tpu.memory_space<vmem>> -> memref<2x80xi32, #tpu.memory_space<vmem>>
          %dma_start3A_237 = arith.constant 0 : i32
          %dma_start3A_238 = tpu.memref_slice %arg4[%dma_start3A_237, %add3A_225] : memref<2x320000xi32, #tpu.memory_space<hbm>> -> memref<2x80xi32, #tpu.memory_space<hbm>>
          tpu.enqueue_dma source(%dma_start3A_238 : memref<2x80xi32, #tpu.memory_space<hbm>>) target(%dma_start3A_236 : memref<2x80xi32, #tpu.memory_space<vmem>>) target_semaphore(%arg23 : memref<!tpu.dma_semaphore, #tpu.memory_space<semaphore_mem>>)
        } else {
        }
        %add3A_166 = arith.constant 1 : i32
        %add3A_167 = arith.addi %add3A_146, %add3A_166 : i32
        %lt3A_168 = arith.constant 125 : i32
        %lt3A_169 = arith.cmpi slt, %add3A_167, %lt3A_168 : i32
        %convert_element_type3A_170 = arith.extui %lt3A_169 : i1 to i32
        %cond3A_171 = arith.constant 0 : i32
        %cond3A_172 = arith.cmpi ne, %convert_element_type3A_170, %cond3A_171 : i32
        scf.if %cond3A_172 {
          %add3A_215 = arith.constant 1 : i32
          %add3A_216 = arith.addi %add3A_146, %add3A_215 : i32
          %mul3A_217 = arith.constant 10000 : i32
          %mul3A_218 = arith.muli %add3A, %mul3A_217 : i32
          %mul3A_219 = arith.constant 80 : i32
          %mul3A_220 = arith.muli %add3A_216, %mul3A_219 : i32
          %add3A_221 = arith.addi %mul3A_218, %mul3A_220 : i32
          %dma_wait3A_222 = arith.constant 2 : i32
          %dma_wait3A_223 = arith.constant 0 : i32
          %dma_wait3A_224 = arith.constant 0 : i32
          %dma_wait3A_225 = tpu.memref_slice %arg8[%dma_wait3A_222, %dma_wait3A_223, %dma_wait3A_224] : memref<3x2x80xi32, #tpu.memory_space<vmem>> -> memref<1x2x80xi32, #tpu.memory_space<vmem>>
          %dma_wait3A_226 = tpu.memref_squeeze %dma_wait3A_225 : memref<1x2x80xi32, #tpu.memory_space<vmem>> -> memref<2x80xi32, #tpu.memory_space<vmem>>
          %dma_wait3A_227 = arith.constant 0 : i32
          %dma_wait3A_228 = tpu.memref_slice %arg4[%dma_wait3A_227, %add3A_221] : memref<2x320000xi32, #tpu.memory_space<hbm>> -> memref<2x80xi32, #tpu.memory_space<hbm>>
          %dma_wait3A_229 = arith.constant 0 : i32
          %dma_wait3A_230 = arith.constant 0 : i32
          %dma_wait3A_231 = tpu.memref_slice %arg8[%dma_wait3A_222, %dma_wait3A_229, %dma_wait3A_230] : memref<3x2x80xi32, #tpu.memory_space<vmem>> -> memref<1x2x80xi32, #tpu.memory_space<vmem>>
          %dma_wait3A_232 = tpu.memref_squeeze %dma_wait3A_231 : memref<1x2x80xi32, #tpu.memory_space<vmem>> -> memref<2x80xi32, #tpu.memory_space<vmem>>
          %dma_wait3A_233 = arith.constant 0 : i32
          %dma_wait3A_234 = tpu.memref_slice %arg4[%dma_wait3A_233, %add3A_221] : memref<2x320000xi32, #tpu.memory_space<hbm>> -> memref<2x80xi32, #tpu.memory_space<hbm>>
          tpu.wait_dma2 semaphore(%arg25 : memref<!tpu.dma_semaphore, #tpu.memory_space<semaphore_mem>>) src(%dma_wait3A_234 : memref<2x80xi32, #tpu.memory_space<hbm>>) dst(%dma_wait3A_232 : memref<2x80xi32, #tpu.memory_space<vmem>>)
          %dma_start3A_235 = arith.constant 2 : i32
          %dma_start3A_236 = arith.constant 0 : i32
          %dma_start3A_237 = arith.constant 2 : i32
          %dma_start3A_238 = arith.constant 0 : i32
          %dma_start3A_239 = arith.constant 0 : i32
          %dma_start3A_240 = tpu.memref_slice %arg9[%dma_start3A_237, %dma_start3A_238, %dma_start3A_239] : memref<3x80x128xbf16, #tpu.memory_space<vmem>> -> memref<1x80x128xbf16, #tpu.memory_space<vmem>>
          %dma_start3A_241 = tpu.memref_squeeze %dma_start3A_240 : memref<1x80x128xbf16, #tpu.memory_space<vmem>> -> memref<80x128xbf16, #tpu.memory_space<vmem>>
          %dma_start3A_242 = arith.constant 0 : i32
          %dma_start3A_243 = tpu.memref_slice %arg8[%dma_start3A_235, %dma_start3A_236, %dma_start3A_242] : memref<3x2x80xi32, #tpu.memory_space<vmem>> -> memref<1x1x80xi32, #tpu.memory_space<vmem>>
          %dma_start3A_244 = tpu.memref_squeeze %dma_start3A_243 : memref<1x1x80xi32, #tpu.memory_space<vmem>> -> memref<80xi32, #tpu.memory_space<vmem>>
          %dma_start3A_245 = arith.constant 0 : i32
          %dma_start3A_246 = arith.constant 0 : i32
          %dma_start3A_247 = tpu.memref_slice %arg2[%dma_start3A_245, %dma_start3A_246] : memref<10000x128xbf16, #tpu.memory_space<hbm>> -> memref<10000x128xbf16, #tpu.memory_space<hbm>>
          tpu.enqueue_indirect_dma source(%dma_start3A_247 : memref<10000x128xbf16, #tpu.memory_space<hbm>>) target(%dma_start3A_241 : memref<80x128xbf16, #tpu.memory_space<vmem>>) offsets(%dma_start3A_244 : memref<80xi32, #tpu.memory_space<vmem>>) semaphore(%arg16 : memref<!tpu.dma_semaphore, #tpu.memory_space<semaphore_mem>>)
          %dma_start3A_248 = arith.constant 2 : i32
          %dma_start3A_249 = arith.constant 1 : i32
          %dma_start3A_250 = arith.constant 2 : i32
          %dma_start3A_251 = arith.constant 0 : i32
          %dma_start3A_252 = arith.constant 0 : i32
          %dma_start3A_253 = tpu.memref_slice %arg10[%dma_start3A_250, %dma_start3A_251, %dma_start3A_252] : memref<3x80x128xbf16, #tpu.memory_space<vmem>> -> memref<1x80x128xbf16, #tpu.memory_space<vmem>>
          %dma_start3A_254 = tpu.memref_squeeze %dma_start3A_253 : memref<1x80x128xbf16, #tpu.memory_space<vmem>> -> memref<80x128xbf16, #tpu.memory_space<vmem>>
          %dma_start3A_255 = arith.constant 0 : i32
          %dma_start3A_256 = tpu.memref_slice %arg8[%dma_start3A_248, %dma_start3A_249, %dma_start3A_255] : memref<3x2x80xi32, #tpu.memory_space<vmem>> -> memref<1x1x80xi32, #tpu.memory_space<vmem>>
          %dma_start3A_257 = tpu.memref_squeeze %dma_start3A_256 : memref<1x1x80xi32, #tpu.memory_space<vmem>> -> memref<80xi32, #tpu.memory_space<vmem>>
          %dma_start3A_258 = arith.constant 0 : i32
          %dma_start3A_259 = arith.constant 0 : i32
          %dma_start3A_260 = tpu.memref_slice %arg3[%dma_start3A_258, %dma_start3A_259] : memref<10000x128xbf16, #tpu.memory_space<hbm>> -> memref<10000x128xbf16, #tpu.memory_space<hbm>>
          tpu.enqueue_indirect_dma source(%dma_start3A_260 : memref<10000x128xbf16, #tpu.memory_space<hbm>>) target(%dma_start3A_254 : memref<80x128xbf16, #tpu.memory_space<vmem>>) offsets(%dma_start3A_257 : memref<80xi32, #tpu.memory_space<vmem>>) semaphore(%arg19 : memref<!tpu.dma_semaphore, #tpu.memory_space<semaphore_mem>>)
        } else {
        }
        %dma_wait3A_173 = arith.constant 1 : i32
        %dma_wait3A_174 = arith.constant 0 : i32
        %dma_wait3A_175 = arith.constant 1 : i32
        %dma_wait3A_176 = arith.constant 0 : i32
        %dma_wait3A_177 = arith.constant 0 : i32
        %dma_wait3A_178 = tpu.memref_slice %arg9[%dma_wait3A_175, %dma_wait3A_176, %dma_wait3A_177] : memref<3x80x128xbf16, #tpu.memory_space<vmem>> -> memref<1x80x128xbf16, #tpu.memory_space<vmem>>
        %dma_wait3A_179 = tpu.memref_squeeze %dma_wait3A_178 : memref<1x80x128xbf16, #tpu.memory_space<vmem>> -> memref<80x128xbf16, #tpu.memory_space<vmem>>
        %dma_wait3A_180 = arith.constant 0 : i32
        %dma_wait3A_181 = tpu.memref_slice %arg8[%dma_wait3A_173, %dma_wait3A_174, %dma_wait3A_180] : memref<3x2x80xi32, #tpu.memory_space<vmem>> -> memref<1x1x80xi32, #tpu.memory_space<vmem>>
        %dma_wait3A_182 = tpu.memref_squeeze %dma_wait3A_181 : memref<1x1x80xi32, #tpu.memory_space<vmem>> -> memref<80xi32, #tpu.memory_space<vmem>>
        %dma_wait3A_183 = arith.constant 0 : i32
        %dma_wait3A_184 = arith.constant 0 : i32
        %dma_wait3A_185 = tpu.memref_slice %arg2[%dma_wait3A_183, %dma_wait3A_184] : memref<10000x128xbf16, #tpu.memory_space<hbm>> -> memref<10000x128xbf16, #tpu.memory_space<hbm>>
        tpu.wait_indirect_dma semaphore(%arg15 : memref<!tpu.dma_semaphore, #tpu.memory_space<semaphore_mem>>) src(%dma_wait3A_185 : memref<10000x128xbf16, #tpu.memory_space<hbm>>) dst(%dma_wait3A_179 : memref<80x128xbf16, #tpu.memory_space<vmem>>)
        %dma_wait3A_186 = arith.constant 1 : i32
        %dma_wait3A_187 = arith.constant 1 : i32
        %dma_wait3A_188 = arith.constant 1 : i32
        %dma_wait3A_189 = arith.constant 0 : i32
        %dma_wait3A_190 = arith.constant 0 : i32
        %dma_wait3A_191 = tpu.memref_slice %arg10[%dma_wait3A_188, %dma_wait3A_189, %dma_wait3A_190] : memref<3x80x128xbf16, #tpu.memory_space<vmem>> -> memref<1x80x128xbf16, #tpu.memory_space<vmem>>
        %dma_wait3A_192 = tpu.memref_squeeze %dma_wait3A_191 : memref<1x80x128xbf16, #tpu.memory_space<vmem>> -> memref<80x128xbf16, #tpu.memory_space<vmem>>
        %dma_wait3A_193 = arith.constant 0 : i32
        %dma_wait3A_194 = tpu.memref_slice %arg8[%dma_wait3A_186, %dma_wait3A_187, %dma_wait3A_193] : memref<3x2x80xi32, #tpu.memory_space<vmem>> -> memref<1x1x80xi32, #tpu.memory_space<vmem>>
        %dma_wait3A_195 = tpu.memref_squeeze %dma_wait3A_194 : memref<1x1x80xi32, #tpu.memory_space<vmem>> -> memref<80xi32, #tpu.memory_space<vmem>>
        %dma_wait3A_196 = arith.constant 0 : i32
        %dma_wait3A_197 = arith.constant 0 : i32
        %dma_wait3A_198 = tpu.memref_slice %arg3[%dma_wait3A_196, %dma_wait3A_197] : memref<10000x128xbf16, #tpu.memory_space<hbm>> -> memref<10000x128xbf16, #tpu.memory_space<hbm>>
        tpu.wait_indirect_dma semaphore(%arg18 : memref<!tpu.dma_semaphore, #tpu.memory_space<semaphore_mem>>) src(%dma_wait3A_198 : memref<10000x128xbf16, #tpu.memory_space<hbm>>) dst(%dma_wait3A_192 : memref<80x128xbf16, #tpu.memory_space<vmem>>)
        %parallel_loop3A = arith.constant 0 : i32
        %parallel_loop3A_199 = arith.constant 5 : i32
        %parallel_loop3A_200 = arith.constant 1 : i32
        scf.for %parallel_loop3A_215 = %parallel_loop3A to %parallel_loop3A_199 step %parallel_loop3A_200  : i32 {
          %parallel_loop3A_216 = arith.constant 0.000000e+00 : f32
          %parallel_loop3A_217 = vector.broadcast %parallel_loop3A_216 : f32 to vector<16xf32>
          %parallel_loop3A_218 = arith.constant 0 : i32
          %parallel_loop3A_219 = arith.constant 16 : i32
          %parallel_loop3A_220 = arith.addi %parallel_loop3A_218, %parallel_loop3A_219 : i32
          %parallel_loop3A_221 = arith.constant 1 : i32
          %parallel_loop3A_222 = scf.for %scan3A_230 = %parallel_loop3A_218 to %parallel_loop3A_220 step %parallel_loop3A_221 iter_args(%scan3A_231 = %parallel_loop3A_217) -> (vector<16xf32>)  : i32 {
            %parallel_loop3A_232 = arith.constant 16 : i32
            %parallel_loop3A_233 = arith.muli %parallel_loop3A_215, %parallel_loop3A_232 : i32
            %parallel_loop3A_234 = arith.addi %parallel_loop3A_233, %scan3A_230 : i32
            %parallel_loop3A_235 = arith.constant 1 : i32
            %parallel_loop3A_236 = arith.index_cast %parallel_loop3A_235 : i32 to index
            %parallel_loop3A_237 = arith.index_cast %parallel_loop3A_234 : i32 to index
            %parallel_loop3A_238 = arith.constant 0 : index
            %parallel_loop3A_239 = tpu.vector_load %arg9[%parallel_loop3A_236, %parallel_loop3A_237, %parallel_loop3A_238] {strides = array<i32>} : memref<3x80x128xbf16, #tpu.memory_space<vmem>>, vector<32xbf16>,
            %parallel_loop3A_240 = arith.constant 1 : i32
            %parallel_loop3A_241 = arith.index_cast %parallel_loop3A_240 : i32 to index
            %parallel_loop3A_242 = arith.index_cast %parallel_loop3A_234 : i32 to index
            %parallel_loop3A_243 = arith.constant 0 : index
            %parallel_loop3A_244 = tpu.vector_load %arg10[%parallel_loop3A_241, %parallel_loop3A_242, %parallel_loop3A_243] {strides = array<i32>} : memref<3x80x128xbf16, #tpu.memory_space<vmem>>, vector<32xbf16>,
            %parallel_loop3A_245 = tpu.unpack_subelements %parallel_loop3A_239, 0 {pack_format = #tpu.pack_format<interleaved>} : vector<32xbf16> -> vector<16xf32>
            %parallel_loop3A_246 = tpu.unpack_subelements %parallel_loop3A_239, 1 {pack_format = #tpu.pack_format<interleaved>} : vector<32xbf16> -> vector<16xf32>
            %parallel_loop3A_247 = tpu.unpack_subelements %parallel_loop3A_244, 0 {pack_format = #tpu.pack_format<interleaved>} : vector<32xbf16> -> vector<16xf32>
            %parallel_loop3A_248 = tpu.unpack_subelements %parallel_loop3A_244, 1 {pack_format = #tpu.pack_format<interleaved>} : vector<32xbf16> -> vector<16xf32>
            %parallel_loop3A_249 = arith.addf %parallel_loop3A_245, %parallel_loop3A_247 : vector<16xf32>
            %parallel_loop3A_250 = arith.constant 0.000000e+00 : f32
            %parallel_loop3A_251 = vector.broadcast %parallel_loop3A_250 : f32 to vector<16xf32>
            %parallel_loop3A_252 = arith.maximumf %parallel_loop3A_249, %parallel_loop3A_251 : vector<16xf32>
            %parallel_loop3A_253 = arith.mulf %parallel_loop3A_252, %get3A_76 : vector<16xf32>
            %parallel_loop3A_254 = arith.addf %get3A_92, %parallel_loop3A_253 : vector<16xf32>
            %parallel_loop3A_255 = arith.addf %parallel_loop3A_246, %parallel_loop3A_248 : vector<16xf32>
            %parallel_loop3A_256 = arith.constant 0.000000e+00 : f32
            %parallel_loop3A_257 = vector.broadcast %parallel_loop3A_256 : f32 to vector<16xf32>
            %parallel_loop3A_258 = arith.maximumf %parallel_loop3A_255, %parallel_loop3A_257 : vector<16xf32>
            %parallel_loop3A_259 = arith.mulf %parallel_loop3A_258, %get3A_78 : vector<16xf32>
            %parallel_loop3A_260 = arith.addf %parallel_loop3A_254, %parallel_loop3A_259 : vector<16xf32>
            %parallel_loop3A_261 = arith.constant 1 : i32
            %parallel_loop3A_262 = arith.index_cast %parallel_loop3A_261 : i32 to index
            %parallel_loop3A_263 = arith.index_cast %parallel_loop3A_234 : i32 to index
            %parallel_loop3A_264 = arith.constant 32 : index
            %parallel_loop3A_265 = tpu.vector_load %arg9[%parallel_loop3A_262, %parallel_loop3A_263, %parallel_loop3A_264] {strides = array<i32>} : memref<3x80x128xbf16, #tpu.memory_space<vmem>>, vector<32xbf16>,
            %parallel_loop3A_266 = arith.constant 1 : i32
            %parallel_loop3A_267 = arith.index_cast %parallel_loop3A_266 : i32 to index
            %parallel_loop3A_268 = arith.index_cast %parallel_loop3A_234 : i32 to index
            %parallel_loop3A_269 = arith.constant 32 : index
            %parallel_loop3A_270 = tpu.vector_load %arg10[%parallel_loop3A_267, %parallel_loop3A_268, %parallel_loop3A_269] {strides = array<i32>} : memref<3x80x128xbf16, #tpu.memory_space<vmem>>, vector<32xbf16>,
            %parallel_loop3A_271 = tpu.unpack_subelements %parallel_loop3A_265, 0 {pack_format = #tpu.pack_format<interleaved>} : vector<32xbf16> -> vector<16xf32>
            %parallel_loop3A_272 = tpu.unpack_subelements %parallel_loop3A_265, 1 {pack_format = #tpu.pack_format<interleaved>} : vector<32xbf16> -> vector<16xf32>
            %parallel_loop3A_273 = tpu.unpack_subelements %parallel_loop3A_270, 0 {pack_format = #tpu.pack_format<interleaved>} : vector<32xbf16> -> vector<16xf32>
            %parallel_loop3A_274 = tpu.unpack_subelements %parallel_loop3A_270, 1 {pack_format = #tpu.pack_format<interleaved>} : vector<32xbf16> -> vector<16xf32>
            %parallel_loop3A_275 = arith.addf %parallel_loop3A_271, %parallel_loop3A_273 : vector<16xf32>
            %parallel_loop3A_276 = arith.constant 0.000000e+00 : f32
            %parallel_loop3A_277 = vector.broadcast %parallel_loop3A_276 : f32 to vector<16xf32>
            %parallel_loop3A_278 = arith.maximumf %parallel_loop3A_275, %parallel_loop3A_277 : vector<16xf32>
            %parallel_loop3A_279 = arith.mulf %parallel_loop3A_278, %get3A_80 : vector<16xf32>
            %parallel_loop3A_280 = arith.addf %parallel_loop3A_260, %parallel_loop3A_279 : vector<16xf32>
            %parallel_loop3A_281 = arith.addf %parallel_loop3A_272, %parallel_loop3A_274 : vector<16xf32>
            %parallel_loop3A_282 = arith.constant 0.000000e+00 : f32
            %parallel_loop3A_283 = vector.broadcast %parallel_loop3A_282 : f32 to vector<16xf32>
            %parallel_loop3A_284 = arith.maximumf %parallel_loop3A_281, %parallel_loop3A_283 : vector<16xf32>
            %parallel_loop3A_285 = arith.mulf %parallel_loop3A_284, %get3A_82 : vector<16xf32>
            %parallel_loop3A_286 = arith.addf %parallel_loop3A_280, %parallel_loop3A_285 : vector<16xf32>
            %parallel_loop3A_287 = arith.constant 1 : i32
            %parallel_loop3A_288 = arith.index_cast %parallel_loop3A_287 : i32 to index
            %parallel_loop3A_289 = arith.index_cast %parallel_loop3A_234 : i32 to index
            %parallel_loop3A_290 = arith.constant 64 : index
            %parallel_loop3A_291 = tpu.vector_load %arg9[%parallel_loop3A_288, %parallel_loop3A_289, %parallel_loop3A_290] {strides = array<i32>} : memref<3x80x128xbf16, #tpu.memory_space<vmem>>, vector<32xbf16>,
            %parallel_loop3A_292 = arith.constant 1 : i32
            %parallel_loop3A_293 = arith.index_cast %parallel_loop3A_292 : i32 to index
            %parallel_loop3A_294 = arith.index_cast %parallel_loop3A_234 : i32 to index
            %parallel_loop3A_295 = arith.constant 64 : index
            %parallel_loop3A_296 = tpu.vector_load %arg10[%parallel_loop3A_293, %parallel_loop3A_294, %parallel_loop3A_295] {strides = array<i32>} : memref<3x80x128xbf16, #tpu.memory_space<vmem>>, vector<32xbf16>,
            %parallel_loop3A_297 = tpu.unpack_subelements %parallel_loop3A_291, 0 {pack_format = #tpu.pack_format<interleaved>} : vector<32xbf16> -> vector<16xf32>
            %parallel_loop3A_298 = tpu.unpack_subelements %parallel_loop3A_291, 1 {pack_format = #tpu.pack_format<interleaved>} : vector<32xbf16> -> vector<16xf32>
            %parallel_loop3A_299 = tpu.unpack_subelements %parallel_loop3A_296, 0 {pack_format = #tpu.pack_format<interleaved>} : vector<32xbf16> -> vector<16xf32>
            %parallel_loop3A_300 = tpu.unpack_subelements %parallel_loop3A_296, 1 {pack_format = #tpu.pack_format<interleaved>} : vector<32xbf16> -> vector<16xf32>
            %parallel_loop3A_301 = arith.addf %parallel_loop3A_297, %parallel_loop3A_299 : vector<16xf32>
            %parallel_loop3A_302 = arith.constant 0.000000e+00 : f32
            %parallel_loop3A_303 = vector.broadcast %parallel_loop3A_302 : f32 to vector<16xf32>
            %parallel_loop3A_304 = arith.maximumf %parallel_loop3A_301, %parallel_loop3A_303 : vector<16xf32>
            %parallel_loop3A_305 = arith.mulf %parallel_loop3A_304, %get3A_84 : vector<16xf32>
            %parallel_loop3A_306 = arith.addf %parallel_loop3A_286, %parallel_loop3A_305 : vector<16xf32>
            %parallel_loop3A_307 = arith.addf %parallel_loop3A_298, %parallel_loop3A_300 : vector<16xf32>
            %parallel_loop3A_308 = arith.constant 0.000000e+00 : f32
            %parallel_loop3A_309 = vector.broadcast %parallel_loop3A_308 : f32 to vector<16xf32>
            %parallel_loop3A_310 = arith.maximumf %parallel_loop3A_307, %parallel_loop3A_309 : vector<16xf32>
            %parallel_loop3A_311 = arith.mulf %parallel_loop3A_310, %get3A_86 : vector<16xf32>
            %parallel_loop3A_312 = arith.addf %parallel_loop3A_306, %parallel_loop3A_311 : vector<16xf32>
            %parallel_loop3A_313 = arith.constant 1 : i32
            %parallel_loop3A_314 = arith.index_cast %parallel_loop3A_313 : i32 to index
            %parallel_loop3A_315 = arith.index_cast %parallel_loop3A_234 : i32 to index
            %parallel_loop3A_316 = arith.constant 96 : index
            %parallel_loop3A_317 = tpu.vector_load %arg9[%parallel_loop3A_314, %parallel_loop3A_315, %parallel_loop3A_316] {strides = array<i32>} : memref<3x80x128xbf16, #tpu.memory_space<vmem>>, vector<32xbf16>,
            %parallel_loop3A_318 = arith.constant 1 : i32
            %parallel_loop3A_319 = arith.index_cast %parallel_loop3A_318 : i32 to index
            %parallel_loop3A_320 = arith.index_cast %parallel_loop3A_234 : i32 to index
            %parallel_loop3A_321 = arith.constant 96 : index
            %parallel_loop3A_322 = tpu.vector_load %arg10[%parallel_loop3A_319, %parallel_loop3A_320, %parallel_loop3A_321] {strides = array<i32>} : memref<3x80x128xbf16, #tpu.memory_space<vmem>>, vector<32xbf16>,
            %parallel_loop3A_323 = tpu.unpack_subelements %parallel_loop3A_317, 0 {pack_format = #tpu.pack_format<interleaved>} : vector<32xbf16> -> vector<16xf32>
            %parallel_loop3A_324 = tpu.unpack_subelements %parallel_loop3A_317, 1 {pack_format = #tpu.pack_format<interleaved>} : vector<32xbf16> -> vector<16xf32>
            %parallel_loop3A_325 = tpu.unpack_subelements %parallel_loop3A_322, 0 {pack_format = #tpu.pack_format<interleaved>} : vector<32xbf16> -> vector<16xf32>
            %parallel_loop3A_326 = tpu.unpack_subelements %parallel_loop3A_322, 1 {pack_format = #tpu.pack_format<interleaved>} : vector<32xbf16> -> vector<16xf32>
            %parallel_loop3A_327 = arith.addf %parallel_loop3A_323, %parallel_loop3A_325 : vector<16xf32>
            %parallel_loop3A_328 = arith.constant 0.000000e+00 : f32
            %parallel_loop3A_329 = vector.broadcast %parallel_loop3A_328 : f32 to vector<16xf32>
            %parallel_loop3A_330 = arith.maximumf %parallel_loop3A_327, %parallel_loop3A_329 : vector<16xf32>
            %parallel_loop3A_331 = arith.mulf %parallel_loop3A_330, %get3A_88 : vector<16xf32>
            %parallel_loop3A_332 = arith.addf %parallel_loop3A_312, %parallel_loop3A_331 : vector<16xf32>
            %parallel_loop3A_333 = arith.addf %parallel_loop3A_324, %parallel_loop3A_326 : vector<16xf32>
            %parallel_loop3A_334 = arith.constant 0.000000e+00 : f32
            %parallel_loop3A_335 = vector.broadcast %parallel_loop3A_334 : f32 to vector<16xf32>
            %parallel_loop3A_336 = arith.maximumf %parallel_loop3A_333, %parallel_loop3A_335 : vector<16xf32>
            %parallel_loop3A_337 = arith.mulf %parallel_loop3A_336, %get3A_90 : vector<16xf32>
            %parallel_loop3A_338 = arith.addf %parallel_loop3A_332, %parallel_loop3A_337 : vector<16xf32>
            %parallel_loop3A_339 = vector.broadcast %scan3A_230 : i32 to vector<16xi32>
            %parallel_loop3A_340 = arith.cmpi eq, %iota3A, %parallel_loop3A_339 : vector<16xi32>
            %parallel_loop3A_341 = arith.constant true
            %parallel_loop3A_342 = vector.broadcast %parallel_loop3A_341 : i1 to vector<16xi1>
            %parallel_loop3A_343 = tpu.scan <sum>, %parallel_loop3A_338 masked %parallel_loop3A_342 : vector<16xf32>, vector<16xi1> -> vector<16xf32>
            %parallel_loop3A_344 = vector.extract %parallel_loop3A_343[15] : f32 from vector<16xf32>
            %parallel_loop3A_345 = vector.broadcast %parallel_loop3A_344 : f32 to vector<16xf32>
            %parallel_loop3A_346 = arith.select %parallel_loop3A_340, %parallel_loop3A_345, %scan3A_231 : vector<16xi1>, vector<16xf32>
            scf.yield %parallel_loop3A_346 : vector<16xf32>
          }
          %parallel_loop3A_223 = arith.constant 16 : i32
          %parallel_loop3A_224 = arith.constant 16 : i32
          %parallel_loop3A_225 = arith.muli %parallel_loop3A_215, %parallel_loop3A_224 : i32
          %parallel_loop3A_226 = arith.constant 1 : i32
          %parallel_loop3A_227 = arith.index_cast %parallel_loop3A_226 : i32 to index
          %parallel_loop3A_228 = arith.index_cast %parallel_loop3A_225 : i32 to index
          %parallel_loop3A_229 = tpu.vector_load %arg13[%parallel_loop3A_227, %parallel_loop3A_228] {strides = array<i32>} : memref<3x80xf32, #tpu.memory_space<vmem>>, vector<16xf32>,
          tpu.vector_store %arg13[%parallel_loop3A_227, %parallel_loop3A_228], %parallel_loop3A_222 {strides = array<i32>} : memref<3x80xf32, #tpu.memory_space<vmem>>, vector<16xf32>,
        } {sc.loop_unroll_factor = 1 : i64, sc.parallel_access}
        %mul3A_201 = arith.constant 10000 : i32
        %mul3A_202 = arith.muli %add3A, %mul3A_201 : i32
        %mul3A_203 = arith.constant 80 : i32
        %mul3A_204 = arith.muli %add3A_146, %mul3A_203 : i32
        %add3A_205 = arith.addi %mul3A_202, %mul3A_204 : i32
        %dma_start3A_206 = arith.constant 1 : i32
        %dma_start3A_207 = arith.constant 0 : i32
        %dma_start3A_208 = tpu.memref_slice %arg13[%dma_start3A_206, %dma_start3A_207] : memref<3x80xf32, #tpu.memory_space<vmem>> -> memref<1x80xf32, #tpu.memory_space<vmem>>
        %dma_start3A_209 = tpu.memref_squeeze %dma_start3A_208 : memref<1x80xf32, #tpu.memory_space<vmem>> -> memref<80xf32, #tpu.memory_space<vmem>>
        %dma_start3A_210 = tpu.memref_slice %arg7[%add3A_205] : memref<320000xf32, #tpu.memory_space<hbm>> -> memref<80xf32, #tpu.memory_space<hbm>>
        %dma_start3A_211 = tpu.memref_slice %arg7[%add3A_205] : memref<320000xf32, #tpu.memory_space<hbm>> -> memref<80xf32, #tpu.memory_space<hbm>>
        %dma_start3A_212 = arith.constant 0 : i32
        %dma_start3A_213 = tpu.memref_slice %arg13[%dma_start3A_206, %dma_start3A_212] : memref<3x80xf32, #tpu.memory_space<vmem>> -> memref<1x80xf32, #tpu.memory_space<vmem>>
        %dma_start3A_214 = tpu.memref_squeeze %dma_start3A_213 : memref<1x80xf32, #tpu.memory_space<vmem>> -> memref<80xf32, #tpu.memory_space<vmem>>
        tpu.enqueue_dma source(%dma_start3A_214 : memref<80xf32, #tpu.memory_space<vmem>>) target(%dma_start3A_211 : memref<80xf32, #tpu.memory_space<hbm>>) target_semaphore(%arg21 : memref<!tpu.dma_semaphore, #tpu.memory_space<semaphore_mem>>)
      } else {
      }
      %add3A_152 = arith.constant 2 : i32
      %add3A_153 = arith.addi %add3A_140, %add3A_152 : i32
      %lt3A_154 = arith.constant 125 : i32
      %lt3A_155 = arith.cmpi slt, %add3A_153, %lt3A_154 : i32
      %convert_element_type3A_156 = arith.extui %lt3A_155 : i1 to i32
      %cond3A_157 = arith.constant 0 : i32
      %cond3A_158 = arith.cmpi ne, %convert_element_type3A_156, %cond3A_157 : i32
      scf.if %cond3A_158 {
        %add3A_159 = arith.constant 2 : i32
        %add3A_160 = arith.addi %add3A_153, %add3A_159 : i32
        %lt3A_161 = arith.constant 125 : i32
        %lt3A_162 = arith.cmpi slt, %add3A_160, %lt3A_161 : i32
        %convert_element_type3A_163 = arith.extui %lt3A_162 : i1 to i32
        %cond3A_164 = arith.constant 0 : i32
        %cond3A_165 = arith.cmpi ne, %convert_element_type3A_163, %cond3A_164 : i32
        scf.if %cond3A_165 {
          %ge3A = arith.constant 1 : i32
          %ge3A_215 = arith.cmpi sge, %add3A_153, %ge3A : i32
          %convert_element_type3A_216 = arith.extui %ge3A_215 : i1 to i32
          %cond3A_217 = arith.constant 0 : i32
          %cond3A_218 = arith.cmpi ne, %convert_element_type3A_216, %cond3A_217 : i32
          scf.if %cond3A_218 {
            %sub3A = arith.constant 1 : i32
            %sub3A_239 = arith.subi %add3A_153, %sub3A : i32
            %mul3A_240 = arith.constant 10000 : i32
            %mul3A_241 = arith.muli %add3A, %mul3A_240 : i32
            %mul3A_242 = arith.constant 80 : i32
            %mul3A_243 = arith.muli %sub3A_239, %mul3A_242 : i32
            %add3A_244 = arith.addi %mul3A_241, %mul3A_243 : i32
            %dma_wait3A_245 = arith.constant 1 : i32
            %dma_wait3A_246 = arith.constant 0 : i32
            %dma_wait3A_247 = tpu.memref_slice %arg13[%dma_wait3A_245, %dma_wait3A_246] : memref<3x80xf32, #tpu.memory_space<vmem>> -> memref<1x80xf32, #tpu.memory_space<vmem>>
            %dma_wait3A_248 = tpu.memref_squeeze %dma_wait3A_247 : memref<1x80xf32, #tpu.memory_space<vmem>> -> memref<80xf32, #tpu.memory_space<vmem>>
            %dma_wait3A_249 = tpu.memref_slice %arg7[%add3A_244] : memref<320000xf32, #tpu.memory_space<hbm>> -> memref<80xf32, #tpu.memory_space<hbm>>
            %dma_wait3A_250 = tpu.memref_slice %arg7[%add3A_244] : memref<320000xf32, #tpu.memory_space<hbm>> -> memref<80xf32, #tpu.memory_space<hbm>>
            %dma_wait3A_251 = arith.constant 0 : i32
            %dma_wait3A_252 = tpu.memref_slice %arg13[%dma_wait3A_245, %dma_wait3A_251] : memref<3x80xf32, #tpu.memory_space<vmem>> -> memref<1x80xf32, #tpu.memory_space<vmem>>
            %dma_wait3A_253 = tpu.memref_squeeze %dma_wait3A_252 : memref<1x80xf32, #tpu.memory_space<vmem>> -> memref<80xf32, #tpu.memory_space<vmem>>
            tpu.wait_dma2 semaphore(%arg21 : memref<!tpu.dma_semaphore, #tpu.memory_space<semaphore_mem>>) src(%dma_wait3A_253 : memref<80xf32, #tpu.memory_space<vmem>>) dst(%dma_wait3A_250 : memref<80xf32, #tpu.memory_space<hbm>>)
          } else {
          }
          %add3A_219 = arith.constant 2 : i32
          %add3A_220 = arith.addi %add3A_153, %add3A_219 : i32
          %mul3A_221 = arith.constant 10000 : i32
          %mul3A_222 = arith.muli %add3A, %mul3A_221 : i32
          %mul3A_223 = arith.constant 80 : i32
          %mul3A_224 = arith.muli %add3A_220, %mul3A_223 : i32
          %add3A_225 = arith.addi %mul3A_222, %mul3A_224 : i32
          %dma_start3A_226 = arith.constant 1 : i32
          %dma_start3A_227 = arith.constant 0 : i32
          %dma_start3A_228 = arith.constant 0 : i32
          %dma_start3A_229 = tpu.memref_slice %arg8[%dma_start3A_226, %dma_start3A_227, %dma_start3A_228] : memref<3x2x80xi32, #tpu.memory_space<vmem>> -> memref<1x2x80xi32, #tpu.memory_space<vmem>>
          %dma_start3A_230 = tpu.memref_squeeze %dma_start3A_229 : memref<1x2x80xi32, #tpu.memory_space<vmem>> -> memref<2x80xi32, #tpu.memory_space<vmem>>
          %dma_start3A_231 = arith.constant 0 : i32
          %dma_start3A_232 = tpu.memref_slice %arg4[%dma_start3A_231, %add3A_225] : memref<2x320000xi32, #tpu.memory_space<hbm>> -> memref<2x80xi32, #tpu.memory_space<hbm>>
          %dma_start3A_233 = arith.constant 0 : i32
          %dma_start3A_234 = arith.constant 0 : i32
          %dma_start3A_235 = tpu.memref_slice %arg8[%dma_start3A_226, %dma_start3A_233, %dma_start3A_234] : memref<3x2x80xi32, #tpu.memory_space<vmem>> -> memref<1x2x80xi32, #tpu.memory_space<vmem>>
          %dma_start3A_236 = tpu.memref_squeeze %dma_start3A_235 : memref<1x2x80xi32, #tpu.memory_space<vmem>> -> memref<2x80xi32, #tpu.memory_space<vmem>>
          %dma_start3A_237 = arith.constant 0 : i32
          %dma_start3A_238 = tpu.memref_slice %arg4[%dma_start3A_237, %add3A_225] : memref<2x320000xi32, #tpu.memory_space<hbm>> -> memref<2x80xi32, #tpu.memory_space<hbm>>
          tpu.enqueue_dma source(%dma_start3A_238 : memref<2x80xi32, #tpu.memory_space<hbm>>) target(%dma_start3A_236 : memref<2x80xi32, #tpu.memory_space<vmem>>) target_semaphore(%arg24 : memref<!tpu.dma_semaphore, #tpu.memory_space<semaphore_mem>>)
        } else {
        }
        %add3A_166 = arith.constant 1 : i32
        %add3A_167 = arith.addi %add3A_153, %add3A_166 : i32
        %lt3A_168 = arith.constant 125 : i32
        %lt3A_169 = arith.cmpi slt, %add3A_167, %lt3A_168 : i32
        %convert_element_type3A_170 = arith.extui %lt3A_169 : i1 to i32
        %cond3A_171 = arith.constant 0 : i32
        %cond3A_172 = arith.cmpi ne, %convert_element_type3A_170, %cond3A_171 : i32
        scf.if %cond3A_172 {
          %add3A_215 = arith.constant 1 : i32
          %add3A_216 = arith.addi %add3A_153, %add3A_215 : i32
          %mul3A_217 = arith.constant 10000 : i32
          %mul3A_218 = arith.muli %add3A, %mul3A_217 : i32
          %mul3A_219 = arith.constant 80 : i32
          %mul3A_220 = arith.muli %add3A_216, %mul3A_219 : i32
          %add3A_221 = arith.addi %mul3A_218, %mul3A_220 : i32
          %dma_wait3A_222 = arith.constant 0 : i32
          %dma_wait3A_223 = arith.constant 0 : i32
          %dma_wait3A_224 = arith.constant 0 : i32
          %dma_wait3A_225 = tpu.memref_slice %arg8[%dma_wait3A_222, %dma_wait3A_223, %dma_wait3A_224] : memref<3x2x80xi32, #tpu.memory_space<vmem>> -> memref<1x2x80xi32, #tpu.memory_space<vmem>>
          %dma_wait3A_226 = tpu.memref_squeeze %dma_wait3A_225 : memref<1x2x80xi32, #tpu.memory_space<vmem>> -> memref<2x80xi32, #tpu.memory_space<vmem>>
          %dma_wait3A_227 = arith.constant 0 : i32
          %dma_wait3A_228 = tpu.memref_slice %arg4[%dma_wait3A_227, %add3A_221] : memref<2x320000xi32, #tpu.memory_space<hbm>> -> memref<2x80xi32, #tpu.memory_space<hbm>>
          %dma_wait3A_229 = arith.constant 0 : i32
          %dma_wait3A_230 = arith.constant 0 : i32
          %dma_wait3A_231 = tpu.memref_slice %arg8[%dma_wait3A_222, %dma_wait3A_229, %dma_wait3A_230] : memref<3x2x80xi32, #tpu.memory_space<vmem>> -> memref<1x2x80xi32, #tpu.memory_space<vmem>>
          %dma_wait3A_232 = tpu.memref_squeeze %dma_wait3A_231 : memref<1x2x80xi32, #tpu.memory_space<vmem>> -> memref<2x80xi32, #tpu.memory_space<vmem>>
          %dma_wait3A_233 = arith.constant 0 : i32
          %dma_wait3A_234 = tpu.memref_slice %arg4[%dma_wait3A_233, %add3A_221] : memref<2x320000xi32, #tpu.memory_space<hbm>> -> memref<2x80xi32, #tpu.memory_space<hbm>>
          tpu.wait_dma2 semaphore(%arg23 : memref<!tpu.dma_semaphore, #tpu.memory_space<semaphore_mem>>) src(%dma_wait3A_234 : memref<2x80xi32, #tpu.memory_space<hbm>>) dst(%dma_wait3A_232 : memref<2x80xi32, #tpu.memory_space<vmem>>)
          %dma_start3A_235 = arith.constant 0 : i32
          %dma_start3A_236 = arith.constant 0 : i32
          %dma_start3A_237 = arith.constant 0 : i32
          %dma_start3A_238 = arith.constant 0 : i32
          %dma_start3A_239 = arith.constant 0 : i32
          %dma_start3A_240 = tpu.memref_slice %arg9[%dma_start3A_237, %dma_start3A_238, %dma_start3A_239] : memref<3x80x128xbf16, #tpu.memory_space<vmem>> -> memref<1x80x128xbf16, #tpu.memory_space<vmem>>
          %dma_start3A_241 = tpu.memref_squeeze %dma_start3A_240 : memref<1x80x128xbf16, #tpu.memory_space<vmem>> -> memref<80x128xbf16, #tpu.memory_space<vmem>>
          %dma_start3A_242 = arith.constant 0 : i32
          %dma_start3A_243 = tpu.memref_slice %arg8[%dma_start3A_235, %dma_start3A_236, %dma_start3A_242] : memref<3x2x80xi32, #tpu.memory_space<vmem>> -> memref<1x1x80xi32, #tpu.memory_space<vmem>>
          %dma_start3A_244 = tpu.memref_squeeze %dma_start3A_243 : memref<1x1x80xi32, #tpu.memory_space<vmem>> -> memref<80xi32, #tpu.memory_space<vmem>>
          %dma_start3A_245 = arith.constant 0 : i32
          %dma_start3A_246 = arith.constant 0 : i32
          %dma_start3A_247 = tpu.memref_slice %arg2[%dma_start3A_245, %dma_start3A_246] : memref<10000x128xbf16, #tpu.memory_space<hbm>> -> memref<10000x128xbf16, #tpu.memory_space<hbm>>
          tpu.enqueue_indirect_dma source(%dma_start3A_247 : memref<10000x128xbf16, #tpu.memory_space<hbm>>) target(%dma_start3A_241 : memref<80x128xbf16, #tpu.memory_space<vmem>>) offsets(%dma_start3A_244 : memref<80xi32, #tpu.memory_space<vmem>>) semaphore(%arg14 : memref<!tpu.dma_semaphore, #tpu.memory_space<semaphore_mem>>)
          %dma_start3A_248 = arith.constant 0 : i32
          %dma_start3A_249 = arith.constant 1 : i32
          %dma_start3A_250 = arith.constant 0 : i32
          %dma_start3A_251 = arith.constant 0 : i32
          %dma_start3A_252 = arith.constant 0 : i32
          %dma_start3A_253 = tpu.memref_slice %arg10[%dma_start3A_250, %dma_start3A_251, %dma_start3A_252] : memref<3x80x128xbf16, #tpu.memory_space<vmem>> -> memref<1x80x128xbf16, #tpu.memory_space<vmem>>
          %dma_start3A_254 = tpu.memref_squeeze %dma_start3A_253 : memref<1x80x128xbf16, #tpu.memory_space<vmem>> -> memref<80x128xbf16, #tpu.memory_space<vmem>>
          %dma_start3A_255 = arith.constant 0 : i32
          %dma_start3A_256 = tpu.memref_slice %arg8[%dma_start3A_248, %dma_start3A_249, %dma_start3A_255] : memref<3x2x80xi32, #tpu.memory_space<vmem>> -> memref<1x1x80xi32, #tpu.memory_space<vmem>>
          %dma_start3A_257 = tpu.memref_squeeze %dma_start3A_256 : memref<1x1x80xi32, #tpu.memory_space<vmem>> -> memref<80xi32, #tpu.memory_space<vmem>>
          %dma_start3A_258 = arith.constant 0 : i32
          %dma_start3A_259 = arith.constant 0 : i32
          %dma_start3A_260 = tpu.memref_slice %arg3[%dma_start3A_258, %dma_start3A_259] : memref<10000x128xbf16, #tpu.memory_space<hbm>> -> memref<10000x128xbf16, #tpu.memory_space<hbm>>
          tpu.enqueue_indirect_dma source(%dma_start3A_260 : memref<10000x128xbf16, #tpu.memory_space<hbm>>) target(%dma_start3A_254 : memref<80x128xbf16, #tpu.memory_space<vmem>>) offsets(%dma_start3A_257 : memref<80xi32, #tpu.memory_space<vmem>>) semaphore(%arg17 : memref<!tpu.dma_semaphore, #tpu.memory_space<semaphore_mem>>)
        } else {
        }
        %dma_wait3A_173 = arith.constant 2 : i32
        %dma_wait3A_174 = arith.constant 0 : i32
        %dma_wait3A_175 = arith.constant 2 : i32
        %dma_wait3A_176 = arith.constant 0 : i32
        %dma_wait3A_177 = arith.constant 0 : i32
        %dma_wait3A_178 = tpu.memref_slice %arg9[%dma_wait3A_175, %dma_wait3A_176, %dma_wait3A_177] : memref<3x80x128xbf16, #tpu.memory_space<vmem>> -> memref<1x80x128xbf16, #tpu.memory_space<vmem>>
        %dma_wait3A_179 = tpu.memref_squeeze %dma_wait3A_178 : memref<1x80x128xbf16, #tpu.memory_space<vmem>> -> memref<80x128xbf16, #tpu.memory_space<vmem>>
        %dma_wait3A_180 = arith.constant 0 : i32
        %dma_wait3A_181 = tpu.memref_slice %arg8[%dma_wait3A_173, %dma_wait3A_174, %dma_wait3A_180] : memref<3x2x80xi32, #tpu.memory_space<vmem>> -> memref<1x1x80xi32, #tpu.memory_space<vmem>>
        %dma_wait3A_182 = tpu.memref_squeeze %dma_wait3A_181 : memref<1x1x80xi32, #tpu.memory_space<vmem>> -> memref<80xi32, #tpu.memory_space<vmem>>
        %dma_wait3A_183 = arith.constant 0 : i32
        %dma_wait3A_184 = arith.constant 0 : i32
        %dma_wait3A_185 = tpu.memref_slice %arg2[%dma_wait3A_183, %dma_wait3A_184] : memref<10000x128xbf16, #tpu.memory_space<hbm>> -> memref<10000x128xbf16, #tpu.memory_space<hbm>>
        tpu.wait_indirect_dma semaphore(%arg16 : memref<!tpu.dma_semaphore, #tpu.memory_space<semaphore_mem>>) src(%dma_wait3A_185 : memref<10000x128xbf16, #tpu.memory_space<hbm>>) dst(%dma_wait3A_179 : memref<80x128xbf16, #tpu.memory_space<vmem>>)
        %dma_wait3A_186 = arith.constant 2 : i32
        %dma_wait3A_187 = arith.constant 1 : i32
        %dma_wait3A_188 = arith.constant 2 : i32
        %dma_wait3A_189 = arith.constant 0 : i32
        %dma_wait3A_190 = arith.constant 0 : i32
        %dma_wait3A_191 = tpu.memref_slice %arg10[%dma_wait3A_188, %dma_wait3A_189, %dma_wait3A_190] : memref<3x80x128xbf16, #tpu.memory_space<vmem>> -> memref<1x80x128xbf16, #tpu.memory_space<vmem>>
        %dma_wait3A_192 = tpu.memref_squeeze %dma_wait3A_191 : memref<1x80x128xbf16, #tpu.memory_space<vmem>> -> memref<80x128xbf16, #tpu.memory_space<vmem>>
        %dma_wait3A_193 = arith.constant 0 : i32
        %dma_wait3A_194 = tpu.memref_slice %arg8[%dma_wait3A_186, %dma_wait3A_187, %dma_wait3A_193] : memref<3x2x80xi32, #tpu.memory_space<vmem>> -> memref<1x1x80xi32, #tpu.memory_space<vmem>>
        %dma_wait3A_195 = tpu.memref_squeeze %dma_wait3A_194 : memref<1x1x80xi32, #tpu.memory_space<vmem>> -> memref<80xi32, #tpu.memory_space<vmem>>
        %dma_wait3A_196 = arith.constant 0 : i32
        %dma_wait3A_197 = arith.constant 0 : i32
        %dma_wait3A_198 = tpu.memref_slice %arg3[%dma_wait3A_196, %dma_wait3A_197] : memref<10000x128xbf16, #tpu.memory_space<hbm>> -> memref<10000x128xbf16, #tpu.memory_space<hbm>>
        tpu.wait_indirect_dma semaphore(%arg19 : memref<!tpu.dma_semaphore, #tpu.memory_space<semaphore_mem>>) src(%dma_wait3A_198 : memref<10000x128xbf16, #tpu.memory_space<hbm>>) dst(%dma_wait3A_192 : memref<80x128xbf16, #tpu.memory_space<vmem>>)
        %parallel_loop3A = arith.constant 0 : i32
        %parallel_loop3A_199 = arith.constant 5 : i32
        %parallel_loop3A_200 = arith.constant 1 : i32
        scf.for %parallel_loop3A_215 = %parallel_loop3A to %parallel_loop3A_199 step %parallel_loop3A_200  : i32 {
          %parallel_loop3A_216 = arith.constant 0.000000e+00 : f32
          %parallel_loop3A_217 = vector.broadcast %parallel_loop3A_216 : f32 to vector<16xf32>
          %parallel_loop3A_218 = arith.constant 0 : i32
          %parallel_loop3A_219 = arith.constant 16 : i32
          %parallel_loop3A_220 = arith.addi %parallel_loop3A_218, %parallel_loop3A_219 : i32
          %parallel_loop3A_221 = arith.constant 1 : i32
          %parallel_loop3A_222 = scf.for %scan3A_230 = %parallel_loop3A_218 to %parallel_loop3A_220 step %parallel_loop3A_221 iter_args(%scan3A_231 = %parallel_loop3A_217) -> (vector<16xf32>)  : i32 {
            %parallel_loop3A_232 = arith.constant 16 : i32
            %parallel_loop3A_233 = arith.muli %parallel_loop3A_215, %parallel_loop3A_232 : i32
            %parallel_loop3A_234 = arith.addi %parallel_loop3A_233, %scan3A_230 : i32
            %parallel_loop3A_235 = arith.constant 2 : i32
            %parallel_loop3A_236 = arith.index_cast %parallel_loop3A_235 : i32 to index
            %parallel_loop3A_237 = arith.index_cast %parallel_loop3A_234 : i32 to index
            %parallel_loop3A_238 = arith.constant 0 : index
            %parallel_loop3A_239 = tpu.vector_load %arg9[%parallel_loop3A_236, %parallel_loop3A_237, %parallel_loop3A_238] {strides = array<i32>} : memref<3x80x128xbf16, #tpu.memory_space<vmem>>, vector<32xbf16>,
            %parallel_loop3A_240 = arith.constant 2 : i32
            %parallel_loop3A_241 = arith.index_cast %parallel_loop3A_240 : i32 to index
            %parallel_loop3A_242 = arith.index_cast %parallel_loop3A_234 : i32 to index
            %parallel_loop3A_243 = arith.constant 0 : index
            %parallel_loop3A_244 = tpu.vector_load %arg10[%parallel_loop3A_241, %parallel_loop3A_242, %parallel_loop3A_243] {strides = array<i32>} : memref<3x80x128xbf16, #tpu.memory_space<vmem>>, vector<32xbf16>,
            %parallel_loop3A_245 = tpu.unpack_subelements %parallel_loop3A_239, 0 {pack_format = #tpu.pack_format<interleaved>} : vector<32xbf16> -> vector<16xf32>
            %parallel_loop3A_246 = tpu.unpack_subelements %parallel_loop3A_239, 1 {pack_format = #tpu.pack_format<interleaved>} : vector<32xbf16> -> vector<16xf32>
            %parallel_loop3A_247 = tpu.unpack_subelements %parallel_loop3A_244, 0 {pack_format = #tpu.pack_format<interleaved>} : vector<32xbf16> -> vector<16xf32>
            %parallel_loop3A_248 = tpu.unpack_subelements %parallel_loop3A_244, 1 {pack_format = #tpu.pack_format<interleaved>} : vector<32xbf16> -> vector<16xf32>
            %parallel_loop3A_249 = arith.addf %parallel_loop3A_245, %parallel_loop3A_247 : vector<16xf32>
            %parallel_loop3A_250 = arith.constant 0.000000e+00 : f32
            %parallel_loop3A_251 = vector.broadcast %parallel_loop3A_250 : f32 to vector<16xf32>
            %parallel_loop3A_252 = arith.maximumf %parallel_loop3A_249, %parallel_loop3A_251 : vector<16xf32>
            %parallel_loop3A_253 = arith.mulf %parallel_loop3A_252, %get3A_76 : vector<16xf32>
            %parallel_loop3A_254 = arith.addf %get3A_92, %parallel_loop3A_253 : vector<16xf32>
            %parallel_loop3A_255 = arith.addf %parallel_loop3A_246, %parallel_loop3A_248 : vector<16xf32>
            %parallel_loop3A_256 = arith.constant 0.000000e+00 : f32
            %parallel_loop3A_257 = vector.broadcast %parallel_loop3A_256 : f32 to vector<16xf32>
            %parallel_loop3A_258 = arith.maximumf %parallel_loop3A_255, %parallel_loop3A_257 : vector<16xf32>
            %parallel_loop3A_259 = arith.mulf %parallel_loop3A_258, %get3A_78 : vector<16xf32>
            %parallel_loop3A_260 = arith.addf %parallel_loop3A_254, %parallel_loop3A_259 : vector<16xf32>
            %parallel_loop3A_261 = arith.constant 2 : i32
            %parallel_loop3A_262 = arith.index_cast %parallel_loop3A_261 : i32 to index
            %parallel_loop3A_263 = arith.index_cast %parallel_loop3A_234 : i32 to index
            %parallel_loop3A_264 = arith.constant 32 : index
            %parallel_loop3A_265 = tpu.vector_load %arg9[%parallel_loop3A_262, %parallel_loop3A_263, %parallel_loop3A_264] {strides = array<i32>} : memref<3x80x128xbf16, #tpu.memory_space<vmem>>, vector<32xbf16>,
            %parallel_loop3A_266 = arith.constant 2 : i32
            %parallel_loop3A_267 = arith.index_cast %parallel_loop3A_266 : i32 to index
            %parallel_loop3A_268 = arith.index_cast %parallel_loop3A_234 : i32 to index
            %parallel_loop3A_269 = arith.constant 32 : index
            %parallel_loop3A_270 = tpu.vector_load %arg10[%parallel_loop3A_267, %parallel_loop3A_268, %parallel_loop3A_269] {strides = array<i32>} : memref<3x80x128xbf16, #tpu.memory_space<vmem>>, vector<32xbf16>,
            %parallel_loop3A_271 = tpu.unpack_subelements %parallel_loop3A_265, 0 {pack_format = #tpu.pack_format<interleaved>} : vector<32xbf16> -> vector<16xf32>
            %parallel_loop3A_272 = tpu.unpack_subelements %parallel_loop3A_265, 1 {pack_format = #tpu.pack_format<interleaved>} : vector<32xbf16> -> vector<16xf32>
            %parallel_loop3A_273 = tpu.unpack_subelements %parallel_loop3A_270, 0 {pack_format = #tpu.pack_format<interleaved>} : vector<32xbf16> -> vector<16xf32>
            %parallel_loop3A_274 = tpu.unpack_subelements %parallel_loop3A_270, 1 {pack_format = #tpu.pack_format<interleaved>} : vector<32xbf16> -> vector<16xf32>
            %parallel_loop3A_275 = arith.addf %parallel_loop3A_271, %parallel_loop3A_273 : vector<16xf32>
            %parallel_loop3A_276 = arith.constant 0.000000e+00 : f32
            %parallel_loop3A_277 = vector.broadcast %parallel_loop3A_276 : f32 to vector<16xf32>
            %parallel_loop3A_278 = arith.maximumf %parallel_loop3A_275, %parallel_loop3A_277 : vector<16xf32>
            %parallel_loop3A_279 = arith.mulf %parallel_loop3A_278, %get3A_80 : vector<16xf32>
            %parallel_loop3A_280 = arith.addf %parallel_loop3A_260, %parallel_loop3A_279 : vector<16xf32>
            %parallel_loop3A_281 = arith.addf %parallel_loop3A_272, %parallel_loop3A_274 : vector<16xf32>
            %parallel_loop3A_282 = arith.constant 0.000000e+00 : f32
            %parallel_loop3A_283 = vector.broadcast %parallel_loop3A_282 : f32 to vector<16xf32>
            %parallel_loop3A_284 = arith.maximumf %parallel_loop3A_281, %parallel_loop3A_283 : vector<16xf32>
            %parallel_loop3A_285 = arith.mulf %parallel_loop3A_284, %get3A_82 : vector<16xf32>
            %parallel_loop3A_286 = arith.addf %parallel_loop3A_280, %parallel_loop3A_285 : vector<16xf32>
            %parallel_loop3A_287 = arith.constant 2 : i32
            %parallel_loop3A_288 = arith.index_cast %parallel_loop3A_287 : i32 to index
            %parallel_loop3A_289 = arith.index_cast %parallel_loop3A_234 : i32 to index
            %parallel_loop3A_290 = arith.constant 64 : index
            %parallel_loop3A_291 = tpu.vector_load %arg9[%parallel_loop3A_288, %parallel_loop3A_289, %parallel_loop3A_290] {strides = array<i32>} : memref<3x80x128xbf16, #tpu.memory_space<vmem>>, vector<32xbf16>,
            %parallel_loop3A_292 = arith.constant 2 : i32
            %parallel_loop3A_293 = arith.index_cast %parallel_loop3A_292 : i32 to index
            %parallel_loop3A_294 = arith.index_cast %parallel_loop3A_234 : i32 to index
            %parallel_loop3A_295 = arith.constant 64 : index
            %parallel_loop3A_296 = tpu.vector_load %arg10[%parallel_loop3A_293, %parallel_loop3A_294, %parallel_loop3A_295] {strides = array<i32>} : memref<3x80x128xbf16, #tpu.memory_space<vmem>>, vector<32xbf16>,
            %parallel_loop3A_297 = tpu.unpack_subelements %parallel_loop3A_291, 0 {pack_format = #tpu.pack_format<interleaved>} : vector<32xbf16> -> vector<16xf32>
            %parallel_loop3A_298 = tpu.unpack_subelements %parallel_loop3A_291, 1 {pack_format = #tpu.pack_format<interleaved>} : vector<32xbf16> -> vector<16xf32>
            %parallel_loop3A_299 = tpu.unpack_subelements %parallel_loop3A_296, 0 {pack_format = #tpu.pack_format<interleaved>} : vector<32xbf16> -> vector<16xf32>
            %parallel_loop3A_300 = tpu.unpack_subelements %parallel_loop3A_296, 1 {pack_format = #tpu.pack_format<interleaved>} : vector<32xbf16> -> vector<16xf32>
            %parallel_loop3A_301 = arith.addf %parallel_loop3A_297, %parallel_loop3A_299 : vector<16xf32>
            %parallel_loop3A_302 = arith.constant 0.000000e+00 : f32
            %parallel_loop3A_303 = vector.broadcast %parallel_loop3A_302 : f32 to vector<16xf32>
            %parallel_loop3A_304 = arith.maximumf %parallel_loop3A_301, %parallel_loop3A_303 : vector<16xf32>
            %parallel_loop3A_305 = arith.mulf %parallel_loop3A_304, %get3A_84 : vector<16xf32>
            %parallel_loop3A_306 = arith.addf %parallel_loop3A_286, %parallel_loop3A_305 : vector<16xf32>
            %parallel_loop3A_307 = arith.addf %parallel_loop3A_298, %parallel_loop3A_300 : vector<16xf32>
            %parallel_loop3A_308 = arith.constant 0.000000e+00 : f32
            %parallel_loop3A_309 = vector.broadcast %parallel_loop3A_308 : f32 to vector<16xf32>
            %parallel_loop3A_310 = arith.maximumf %parallel_loop3A_307, %parallel_loop3A_309 : vector<16xf32>
            %parallel_loop3A_311 = arith.mulf %parallel_loop3A_310, %get3A_86 : vector<16xf32>
            %parallel_loop3A_312 = arith.addf %parallel_loop3A_306, %parallel_loop3A_311 : vector<16xf32>
            %parallel_loop3A_313 = arith.constant 2 : i32
            %parallel_loop3A_314 = arith.index_cast %parallel_loop3A_313 : i32 to index
            %parallel_loop3A_315 = arith.index_cast %parallel_loop3A_234 : i32 to index
            %parallel_loop3A_316 = arith.constant 96 : index
            %parallel_loop3A_317 = tpu.vector_load %arg9[%parallel_loop3A_314, %parallel_loop3A_315, %parallel_loop3A_316] {strides = array<i32>} : memref<3x80x128xbf16, #tpu.memory_space<vmem>>, vector<32xbf16>,
            %parallel_loop3A_318 = arith.constant 2 : i32
            %parallel_loop3A_319 = arith.index_cast %parallel_loop3A_318 : i32 to index
            %parallel_loop3A_320 = arith.index_cast %parallel_loop3A_234 : i32 to index
            %parallel_loop3A_321 = arith.constant 96 : index
            %parallel_loop3A_322 = tpu.vector_load %arg10[%parallel_loop3A_319, %parallel_loop3A_320, %parallel_loop3A_321] {strides = array<i32>} : memref<3x80x128xbf16, #tpu.memory_space<vmem>>, vector<32xbf16>,
            %parallel_loop3A_323 = tpu.unpack_subelements %parallel_loop3A_317, 0 {pack_format = #tpu.pack_format<interleaved>} : vector<32xbf16> -> vector<16xf32>
            %parallel_loop3A_324 = tpu.unpack_subelements %parallel_loop3A_317, 1 {pack_format = #tpu.pack_format<interleaved>} : vector<32xbf16> -> vector<16xf32>
            %parallel_loop3A_325 = tpu.unpack_subelements %parallel_loop3A_322, 0 {pack_format = #tpu.pack_format<interleaved>} : vector<32xbf16> -> vector<16xf32>
            %parallel_loop3A_326 = tpu.unpack_subelements %parallel_loop3A_322, 1 {pack_format = #tpu.pack_format<interleaved>} : vector<32xbf16> -> vector<16xf32>
            %parallel_loop3A_327 = arith.addf %parallel_loop3A_323, %parallel_loop3A_325 : vector<16xf32>
            %parallel_loop3A_328 = arith.constant 0.000000e+00 : f32
            %parallel_loop3A_329 = vector.broadcast %parallel_loop3A_328 : f32 to vector<16xf32>
            %parallel_loop3A_330 = arith.maximumf %parallel_loop3A_327, %parallel_loop3A_329 : vector<16xf32>
            %parallel_loop3A_331 = arith.mulf %parallel_loop3A_330, %get3A_88 : vector<16xf32>
            %parallel_loop3A_332 = arith.addf %parallel_loop3A_312, %parallel_loop3A_331 : vector<16xf32>
            %parallel_loop3A_333 = arith.addf %parallel_loop3A_324, %parallel_loop3A_326 : vector<16xf32>
            %parallel_loop3A_334 = arith.constant 0.000000e+00 : f32
            %parallel_loop3A_335 = vector.broadcast %parallel_loop3A_334 : f32 to vector<16xf32>
            %parallel_loop3A_336 = arith.maximumf %parallel_loop3A_333, %parallel_loop3A_335 : vector<16xf32>
            %parallel_loop3A_337 = arith.mulf %parallel_loop3A_336, %get3A_90 : vector<16xf32>
            %parallel_loop3A_338 = arith.addf %parallel_loop3A_332, %parallel_loop3A_337 : vector<16xf32>
            %parallel_loop3A_339 = vector.broadcast %scan3A_230 : i32 to vector<16xi32>
            %parallel_loop3A_340 = arith.cmpi eq, %iota3A, %parallel_loop3A_339 : vector<16xi32>
            %parallel_loop3A_341 = arith.constant true
            %parallel_loop3A_342 = vector.broadcast %parallel_loop3A_341 : i1 to vector<16xi1>
            %parallel_loop3A_343 = tpu.scan <sum>, %parallel_loop3A_338 masked %parallel_loop3A_342 : vector<16xf32>, vector<16xi1> -> vector<16xf32>
            %parallel_loop3A_344 = vector.extract %parallel_loop3A_343[15] : f32 from vector<16xf32>
            %parallel_loop3A_345 = vector.broadcast %parallel_loop3A_344 : f32 to vector<16xf32>
            %parallel_loop3A_346 = arith.select %parallel_loop3A_340, %parallel_loop3A_345, %scan3A_231 : vector<16xi1>, vector<16xf32>
            scf.yield %parallel_loop3A_346 : vector<16xf32>
          }
          %parallel_loop3A_223 = arith.constant 16 : i32
          %parallel_loop3A_224 = arith.constant 16 : i32
          %parallel_loop3A_225 = arith.muli %parallel_loop3A_215, %parallel_loop3A_224 : i32
          %parallel_loop3A_226 = arith.constant 2 : i32
          %parallel_loop3A_227 = arith.index_cast %parallel_loop3A_226 : i32 to index
          %parallel_loop3A_228 = arith.index_cast %parallel_loop3A_225 : i32 to index
          %parallel_loop3A_229 = tpu.vector_load %arg13[%parallel_loop3A_227, %parallel_loop3A_228] {strides = array<i32>} : memref<3x80xf32, #tpu.memory_space<vmem>>, vector<16xf32>,
          tpu.vector_store %arg13[%parallel_loop3A_227, %parallel_loop3A_228], %parallel_loop3A_222 {strides = array<i32>} : memref<3x80xf32, #tpu.memory_space<vmem>>, vector<16xf32>,
        } {sc.loop_unroll_factor = 1 : i64, sc.parallel_access}
        %mul3A_201 = arith.constant 10000 : i32
        %mul3A_202 = arith.muli %add3A, %mul3A_201 : i32
        %mul3A_203 = arith.constant 80 : i32
        %mul3A_204 = arith.muli %add3A_153, %mul3A_203 : i32
        %add3A_205 = arith.addi %mul3A_202, %mul3A_204 : i32
        %dma_start3A_206 = arith.constant 2 : i32
        %dma_start3A_207 = arith.constant 0 : i32
        %dma_start3A_208 = tpu.memref_slice %arg13[%dma_start3A_206, %dma_start3A_207] : memref<3x80xf32, #tpu.memory_space<vmem>> -> memref<1x80xf32, #tpu.memory_space<vmem>>
        %dma_start3A_209 = tpu.memref_squeeze %dma_start3A_208 : memref<1x80xf32, #tpu.memory_space<vmem>> -> memref<80xf32, #tpu.memory_space<vmem>>
        %dma_start3A_210 = tpu.memref_slice %arg7[%add3A_205] : memref<320000xf32, #tpu.memory_space<hbm>> -> memref<80xf32, #tpu.memory_space<hbm>>
        %dma_start3A_211 = tpu.memref_slice %arg7[%add3A_205] : memref<320000xf32, #tpu.memory_space<hbm>> -> memref<80xf32, #tpu.memory_space<hbm>>
        %dma_start3A_212 = arith.constant 0 : i32
        %dma_start3A_213 = tpu.memref_slice %arg13[%dma_start3A_206, %dma_start3A_212] : memref<3x80xf32, #tpu.memory_space<vmem>> -> memref<1x80xf32, #tpu.memory_space<vmem>>
        %dma_start3A_214 = tpu.memref_squeeze %dma_start3A_213 : memref<1x80xf32, #tpu.memory_space<vmem>> -> memref<80xf32, #tpu.memory_space<vmem>>
        tpu.enqueue_dma source(%dma_start3A_214 : memref<80xf32, #tpu.memory_space<vmem>>) target(%dma_start3A_211 : memref<80xf32, #tpu.memory_space<hbm>>) target_semaphore(%arg22 : memref<!tpu.dma_semaphore, #tpu.memory_space<semaphore_mem>>)
      } else {
      }
    }
    %scan3A_96 = arith.constant 42 : i32
    %mul3A_97 = arith.constant 10000 : i32
    %mul3A_98 = arith.muli %add3A, %mul3A_97 : i32
    %add3A_99 = arith.constant 9760 : i32
    %add3A_100 = arith.addi %mul3A_98, %add3A_99 : i32
    %dma_wait3A_101 = arith.constant 2 : i32
    %dma_wait3A_102 = arith.constant 0 : i32
    %dma_wait3A_103 = tpu.memref_slice %arg13[%dma_wait3A_101, %dma_wait3A_102] : memref<3x80xf32, #tpu.memory_space<vmem>> -> memref<1x80xf32, #tpu.memory_space<vmem>>
    %dma_wait3A_104 = tpu.memref_squeeze %dma_wait3A_103 : memref<1x80xf32, #tpu.memory_space<vmem>> -> memref<80xf32, #tpu.memory_space<vmem>>
    %dma_wait3A_105 = tpu.memref_slice %arg7[%add3A_100] : memref<320000xf32, #tpu.memory_space<hbm>> -> memref<80xf32, #tpu.memory_space<hbm>>
    %dma_wait3A_106 = tpu.memref_slice %arg7[%add3A_100] : memref<320000xf32, #tpu.memory_space<hbm>> -> memref<80xf32, #tpu.memory_space<hbm>>
    %dma_wait3A_107 = arith.constant 0 : i32
    %dma_wait3A_108 = tpu.memref_slice %arg13[%dma_wait3A_101, %dma_wait3A_107] : memref<3x80xf32, #tpu.memory_space<vmem>> -> memref<1x80xf32, #tpu.memory_space<vmem>>
    %dma_wait3A_109 = tpu.memref_squeeze %dma_wait3A_108 : memref<1x80xf32, #tpu.memory_space<vmem>> -> memref<80xf32, #tpu.memory_space<vmem>>
    tpu.wait_dma2 semaphore(%arg22 : memref<!tpu.dma_semaphore, #tpu.memory_space<semaphore_mem>>) src(%dma_wait3A_109 : memref<80xf32, #tpu.memory_space<vmem>>) dst(%dma_wait3A_106 : memref<80xf32, #tpu.memory_space<hbm>>)
    %mul3A_110 = arith.constant 10000 : i32
    %mul3A_111 = arith.muli %add3A, %mul3A_110 : i32
    %add3A_112 = arith.constant 9840 : i32
    %add3A_113 = arith.addi %mul3A_111, %add3A_112 : i32
    %dma_wait3A_114 = arith.constant 0 : i32
    %dma_wait3A_115 = arith.constant 0 : i32
    %dma_wait3A_116 = tpu.memref_slice %arg13[%dma_wait3A_114, %dma_wait3A_115] : memref<3x80xf32, #tpu.memory_space<vmem>> -> memref<1x80xf32, #tpu.memory_space<vmem>>
    %dma_wait3A_117 = tpu.memref_squeeze %dma_wait3A_116 : memref<1x80xf32, #tpu.memory_space<vmem>> -> memref<80xf32, #tpu.memory_space<vmem>>
    %dma_wait3A_118 = tpu.memref_slice %arg7[%add3A_113] : memref<320000xf32, #tpu.memory_space<hbm>> -> memref<80xf32, #tpu.memory_space<hbm>>
    %dma_wait3A_119 = tpu.memref_slice %arg7[%add3A_113] : memref<320000xf32, #tpu.memory_space<hbm>> -> memref<80xf32, #tpu.memory_space<hbm>>
    %dma_wait3A_120 = arith.constant 0 : i32
    %dma_wait3A_121 = tpu.memref_slice %arg13[%dma_wait3A_114, %dma_wait3A_120] : memref<3x80xf32, #tpu.memory_space<vmem>> -> memref<1x80xf32, #tpu.memory_space<vmem>>
    %dma_wait3A_122 = tpu.memref_squeeze %dma_wait3A_121 : memref<1x80xf32, #tpu.memory_space<vmem>> -> memref<80xf32, #tpu.memory_space<vmem>>
    tpu.wait_dma2 semaphore(%arg20 : memref<!tpu.dma_semaphore, #tpu.memory_space<semaphore_mem>>) src(%dma_wait3A_122 : memref<80xf32, #tpu.memory_space<vmem>>) dst(%dma_wait3A_119 : memref<80xf32, #tpu.memory_space<hbm>>)
    %mul3A_123 = arith.constant 10000 : i32
    %mul3A_124 = arith.muli %add3A, %mul3A_123 : i32
    %add3A_125 = arith.constant 9920 : i32
    %add3A_126 = arith.addi %mul3A_124, %add3A_125 : i32
    %dma_wait3A_127 = arith.constant 1 : i32
    %dma_wait3A_128 = arith.constant 0 : i32
    %dma_wait3A_129 = tpu.memref_slice %arg13[%dma_wait3A_127, %dma_wait3A_128] : memref<3x80xf32, #tpu.memory_space<vmem>> -> memref<1x80xf32, #tpu.memory_space<vmem>>
    %dma_wait3A_130 = tpu.memref_squeeze %dma_wait3A_129 : memref<1x80xf32, #tpu.memory_space<vmem>> -> memref<80xf32, #tpu.memory_space<vmem>>
    %dma_wait3A_131 = tpu.memref_slice %arg7[%add3A_126] : memref<320000xf32, #tpu.memory_space<hbm>> -> memref<80xf32, #tpu.memory_space<hbm>>
    %dma_wait3A_132 = tpu.memref_slice %arg7[%add3A_126] : memref<320000xf32, #tpu.memory_space<hbm>> -> memref<80xf32, #tpu.memory_space<hbm>>
    %dma_wait3A_133 = arith.constant 0 : i32
    %dma_wait3A_134 = tpu.memref_slice %arg13[%dma_wait3A_127, %dma_wait3A_133] : memref<3x80xf32, #tpu.memory_space<vmem>> -> memref<1x80xf32, #tpu.memory_space<vmem>>
    %dma_wait3A_135 = tpu.memref_squeeze %dma_wait3A_134 : memref<1x80xf32, #tpu.memory_space<vmem>> -> memref<80xf32, #tpu.memory_space<vmem>>
    tpu.wait_dma2 semaphore(%arg21 : memref<!tpu.dma_semaphore, #tpu.memory_space<semaphore_mem>>) src(%dma_wait3A_135 : memref<80xf32, #tpu.memory_space<vmem>>) dst(%dma_wait3A_132 : memref<80xf32, #tpu.memory_space<hbm>>)
    return
  }
}

#map = affine_map<(d0, d1) -> (0, 0)>
#map1 = affine_map<(d0, d1) -> (0, 0, 0)>
module attributes {stable_mosaic.version = 14 : i64} {
  func.func @_aggregate(%arg0: i32, %arg1: i32, %arg2: memref<10000x128xf32, #tpu.memory_space<hbm>>, %arg3: memref<2x320000xi32, #tpu.memory_space<hbm>>, %arg4: memref<2x10240x128xf32, #tpu.memory_space<hbm>>, %arg5: memref<2x10240x16xf32, #tpu.memory_space<hbm>>, %arg6: memref<4x2x80xi32, #tpu.memory_space<vmem>>, %arg7: memref<3x80x128xf32, #tpu.memory_space<vmem>>, %arg8: memref<80x16xf32, #tpu.memory_space<vmem>>, %arg9: memref<10240x128xf32, #tpu.memory_space<vmem_shared>>, %arg10: memref<10240x16xf32, #tpu.memory_space<vmem_shared>>, %arg11: memref<!tpu.dma_semaphore, #tpu.memory_space<semaphore_mem>>, %arg12: memref<!tpu.dma_semaphore, #tpu.memory_space<semaphore_mem>>, %arg13: memref<!tpu.dma_semaphore, #tpu.memory_space<semaphore_mem>>, %arg14: memref<!tpu.dma_semaphore, #tpu.memory_space<semaphore_mem>>, %arg15: memref<!tpu.dma_semaphore, #tpu.memory_space<semaphore_mem>>, %arg16: memref<!tpu.dma_semaphore, #tpu.memory_space<semaphore_mem>>, %arg17: memref<!tpu.dma_semaphore, #tpu.memory_space<semaphore_mem>>, %arg18: memref<!tpu.dma_semaphore, #tpu.memory_space<semaphore_mem>>, %arg19: memref<!tpu.dma_semaphore, #tpu.memory_space<semaphore_mem>>, %arg20: memref<!tpu.dma_semaphore, #tpu.memory_space<semaphore_mem>>, %arg21: memref<!tpu.dma_semaphore, #tpu.memory_space<semaphore_mem>>, %arg22: memref<!tpu.dma_semaphore, #tpu.memory_space<semaphore_mem>>, %arg23: memref<!tpu.dma_semaphore, #tpu.memory_space<semaphore_mem>>) attributes {dimension_semantics = [#tpu.dimension_semantics<core_parallel>, #tpu.dimension_semantics<subcore_parallel>], iteration_bounds = array<i64: 2, 16>, scalar_prefetch = 0 : i64, scratch_operands = 18 : i64, tpu.core_type = #tpu.core_type<sc_vector_subcore>, window_params = [{transform_indices = #map}, {transform_indices = #map}, {transform_indices = #map1}, {transform_indices = #map1}]} {
    %mul3A = arith.constant 16 : i32
    %mul3A_0 = arith.muli %arg0, %mul3A : i32
    %add3A = arith.addi %mul3A_0, %arg1 : i32
    %scan3A = arith.constant 0 : i32
    %scan3A_1 = arith.constant 0 : i32
    %scan3A_2 = arith.constant 80 : i32
    %scan3A_3 = arith.addi %scan3A_1, %scan3A_2 : i32
    %scan3A_4 = arith.constant 1 : i32
    scf.for %scan3A_204 = %scan3A_1 to %scan3A_3 step %scan3A_4  : i32 {
      %broadcast_in_dim3A = arith.constant 0.000000e+00 : f32
      %broadcast_in_dim3A_205 = vector.broadcast %broadcast_in_dim3A : f32 to vector<16xf32>
      %swap3A = arith.constant 0 : i32
      %swap3A_206 = arith.index_cast %swap3A : i32 to index
      %swap3A_207 = arith.index_cast %scan3A_204 : i32 to index
      %swap3A_208 = arith.constant 0 : index
      %swap3A_209 = tpu.vector_load %arg7[%swap3A_206, %swap3A_207, %swap3A_208] {strides = array<i32>} : memref<3x80x128xf32, #tpu.memory_space<vmem>>, vector<16xf32>,
      tpu.vector_store %arg7[%swap3A_206, %swap3A_207, %swap3A_208], %broadcast_in_dim3A_205 {strides = array<i32>} : memref<3x80x128xf32, #tpu.memory_space<vmem>>, vector<16xf32>,
      %broadcast_in_dim3A_210 = arith.constant 0.000000e+00 : f32
      %broadcast_in_dim3A_211 = vector.broadcast %broadcast_in_dim3A_210 : f32 to vector<16xf32>
      %swap3A_212 = arith.constant 0 : i32
      %swap3A_213 = arith.index_cast %swap3A_212 : i32 to index
      %swap3A_214 = arith.index_cast %scan3A_204 : i32 to index
      %swap3A_215 = arith.constant 16 : index
      %swap3A_216 = tpu.vector_load %arg7[%swap3A_213, %swap3A_214, %swap3A_215] {strides = array<i32>} : memref<3x80x128xf32, #tpu.memory_space<vmem>>, vector<16xf32>,
      tpu.vector_store %arg7[%swap3A_213, %swap3A_214, %swap3A_215], %broadcast_in_dim3A_211 {strides = array<i32>} : memref<3x80x128xf32, #tpu.memory_space<vmem>>, vector<16xf32>,
      %broadcast_in_dim3A_217 = arith.constant 0.000000e+00 : f32
      %broadcast_in_dim3A_218 = vector.broadcast %broadcast_in_dim3A_217 : f32 to vector<16xf32>
      %swap3A_219 = arith.constant 0 : i32
      %swap3A_220 = arith.index_cast %swap3A_219 : i32 to index
      %swap3A_221 = arith.index_cast %scan3A_204 : i32 to index
      %swap3A_222 = arith.constant 32 : index
      %swap3A_223 = tpu.vector_load %arg7[%swap3A_220, %swap3A_221, %swap3A_222] {strides = array<i32>} : memref<3x80x128xf32, #tpu.memory_space<vmem>>, vector<16xf32>,
      tpu.vector_store %arg7[%swap3A_220, %swap3A_221, %swap3A_222], %broadcast_in_dim3A_218 {strides = array<i32>} : memref<3x80x128xf32, #tpu.memory_space<vmem>>, vector<16xf32>,
      %broadcast_in_dim3A_224 = arith.constant 0.000000e+00 : f32
      %broadcast_in_dim3A_225 = vector.broadcast %broadcast_in_dim3A_224 : f32 to vector<16xf32>
      %swap3A_226 = arith.constant 0 : i32
      %swap3A_227 = arith.index_cast %swap3A_226 : i32 to index
      %swap3A_228 = arith.index_cast %scan3A_204 : i32 to index
      %swap3A_229 = arith.constant 48 : index
      %swap3A_230 = tpu.vector_load %arg7[%swap3A_227, %swap3A_228, %swap3A_229] {strides = array<i32>} : memref<3x80x128xf32, #tpu.memory_space<vmem>>, vector<16xf32>,
      tpu.vector_store %arg7[%swap3A_227, %swap3A_228, %swap3A_229], %broadcast_in_dim3A_225 {strides = array<i32>} : memref<3x80x128xf32, #tpu.memory_space<vmem>>, vector<16xf32>,
      %broadcast_in_dim3A_231 = arith.constant 0.000000e+00 : f32
      %broadcast_in_dim3A_232 = vector.broadcast %broadcast_in_dim3A_231 : f32 to vector<16xf32>
      %swap3A_233 = arith.constant 0 : i32
      %swap3A_234 = arith.index_cast %swap3A_233 : i32 to index
      %swap3A_235 = arith.index_cast %scan3A_204 : i32 to index
      %swap3A_236 = arith.constant 64 : index
      %swap3A_237 = tpu.vector_load %arg7[%swap3A_234, %swap3A_235, %swap3A_236] {strides = array<i32>} : memref<3x80x128xf32, #tpu.memory_space<vmem>>, vector<16xf32>,
      tpu.vector_store %arg7[%swap3A_234, %swap3A_235, %swap3A_236], %broadcast_in_dim3A_232 {strides = array<i32>} : memref<3x80x128xf32, #tpu.memory_space<vmem>>, vector<16xf32>,
      %broadcast_in_dim3A_238 = arith.constant 0.000000e+00 : f32
      %broadcast_in_dim3A_239 = vector.broadcast %broadcast_in_dim3A_238 : f32 to vector<16xf32>
      %swap3A_240 = arith.constant 0 : i32
      %swap3A_241 = arith.index_cast %swap3A_240 : i32 to index
      %swap3A_242 = arith.index_cast %scan3A_204 : i32 to index
      %swap3A_243 = arith.constant 80 : index
      %swap3A_244 = tpu.vector_load %arg7[%swap3A_241, %swap3A_242, %swap3A_243] {strides = array<i32>} : memref<3x80x128xf32, #tpu.memory_space<vmem>>, vector<16xf32>,
      tpu.vector_store %arg7[%swap3A_241, %swap3A_242, %swap3A_243], %broadcast_in_dim3A_239 {strides = array<i32>} : memref<3x80x128xf32, #tpu.memory_space<vmem>>, vector<16xf32>,
      %broadcast_in_dim3A_245 = arith.constant 0.000000e+00 : f32
      %broadcast_in_dim3A_246 = vector.broadcast %broadcast_in_dim3A_245 : f32 to vector<16xf32>
      %swap3A_247 = arith.constant 0 : i32
      %swap3A_248 = arith.index_cast %swap3A_247 : i32 to index
      %swap3A_249 = arith.index_cast %scan3A_204 : i32 to index
      %swap3A_250 = arith.constant 96 : index
      %swap3A_251 = tpu.vector_load %arg7[%swap3A_248, %swap3A_249, %swap3A_250] {strides = array<i32>} : memref<3x80x128xf32, #tpu.memory_space<vmem>>, vector<16xf32>,
      tpu.vector_store %arg7[%swap3A_248, %swap3A_249, %swap3A_250], %broadcast_in_dim3A_246 {strides = array<i32>} : memref<3x80x128xf32, #tpu.memory_space<vmem>>, vector<16xf32>,
      %broadcast_in_dim3A_252 = arith.constant 0.000000e+00 : f32
      %broadcast_in_dim3A_253 = vector.broadcast %broadcast_in_dim3A_252 : f32 to vector<16xf32>
      %swap3A_254 = arith.constant 0 : i32
      %swap3A_255 = arith.index_cast %swap3A_254 : i32 to index
      %swap3A_256 = arith.index_cast %scan3A_204 : i32 to index
      %swap3A_257 = arith.constant 112 : index
      %swap3A_258 = tpu.vector_load %arg7[%swap3A_255, %swap3A_256, %swap3A_257] {strides = array<i32>} : memref<3x80x128xf32, #tpu.memory_space<vmem>>, vector<16xf32>,
      tpu.vector_store %arg7[%swap3A_255, %swap3A_256, %swap3A_257], %broadcast_in_dim3A_253 {strides = array<i32>} : memref<3x80x128xf32, #tpu.memory_space<vmem>>, vector<16xf32>,
      %broadcast_in_dim3A_259 = arith.constant 1.000000e+00 : f32
      %broadcast_in_dim3A_260 = vector.broadcast %broadcast_in_dim3A_259 : f32 to vector<16xf32>
      %swap3A_261 = arith.index_cast %scan3A_204 : i32 to index
      %swap3A_262 = arith.constant 0 : index
      %swap3A_263 = tpu.vector_load %arg8[%swap3A_261, %swap3A_262] {strides = array<i32>} : memref<80x16xf32, #tpu.memory_space<vmem>>, vector<16xf32>,
      tpu.vector_store %arg8[%swap3A_261, %swap3A_262], %broadcast_in_dim3A_260 {strides = array<i32>} : memref<80x16xf32, #tpu.memory_space<vmem>>, vector<16xf32>,
    }
    %scan3A_5 = arith.constant 80 : i32
    %mul3A_6 = arith.constant 640 : i32
    %mul3A_7 = arith.muli %arg1, %mul3A_6 : i32
    %add3A_8 = arith.constant 0 : i32
    %add3A_9 = arith.addi %mul3A_7, %add3A_8 : i32
    %run_scoped3A = arith.constant 0 : i32
    "tpu.region"() ({
      %run_scoped3A_204 = tpu.sem_alloc : memref<!tpu.dma_semaphore, #tpu.memory_space<semaphore_mem>>
      %dma_start3A_205 = arith.constant 0 : i32
      %dma_start3A_206 = arith.constant 0 : i32
      %dma_start3A_207 = tpu.memref_slice %arg7[%run_scoped3A, %dma_start3A_205, %dma_start3A_206] : memref<3x80x128xf32, #tpu.memory_space<vmem>> -> memref<1x80x128xf32, #tpu.memory_space<vmem>>
      %dma_start3A_208 = tpu.memref_squeeze %dma_start3A_207 : memref<1x80x128xf32, #tpu.memory_space<vmem>> -> memref<80x128xf32, #tpu.memory_space<vmem>>
      %dma_start3A_209 = arith.constant 0 : i32
      %dma_start3A_210 = tpu.memref_slice %arg9[%add3A_9, %dma_start3A_209] : memref<10240x128xf32, #tpu.memory_space<vmem_shared>> -> memref<80x128xf32, #tpu.memory_space<vmem_shared>>
      %dma_start3A_211 = arith.constant 0 : i32
      %dma_start3A_212 = tpu.memref_slice %arg9[%add3A_9, %dma_start3A_211] : memref<10240x128xf32, #tpu.memory_space<vmem_shared>> -> memref<80x128xf32, #tpu.memory_space<vmem_shared>>
      %dma_start3A_213 = arith.constant 0 : i32
      %dma_start3A_214 = arith.constant 0 : i32
      %dma_start3A_215 = tpu.memref_slice %arg7[%run_scoped3A, %dma_start3A_213, %dma_start3A_214] : memref<3x80x128xf32, #tpu.memory_space<vmem>> -> memref<1x80x128xf32, #tpu.memory_space<vmem>>
      %dma_start3A_216 = tpu.memref_squeeze %dma_start3A_215 : memref<1x80x128xf32, #tpu.memory_space<vmem>> -> memref<80x128xf32, #tpu.memory_space<vmem>>
      tpu.enqueue_dma source(%dma_start3A_216 : memref<80x128xf32, #tpu.memory_space<vmem>>) target(%dma_start3A_212 : memref<80x128xf32, #tpu.memory_space<vmem_shared>>) target_semaphore(%run_scoped3A_204 : memref<!tpu.dma_semaphore, #tpu.memory_space<semaphore_mem>>)
      %dma_wait3A_217 = arith.constant 0 : i32
      %dma_wait3A_218 = arith.constant 0 : i32
      %dma_wait3A_219 = tpu.memref_slice %arg7[%run_scoped3A, %dma_wait3A_217, %dma_wait3A_218] : memref<3x80x128xf32, #tpu.memory_space<vmem>> -> memref<1x80x128xf32, #tpu.memory_space<vmem>>
      %dma_wait3A_220 = tpu.memref_squeeze %dma_wait3A_219 : memref<1x80x128xf32, #tpu.memory_space<vmem>> -> memref<80x128xf32, #tpu.memory_space<vmem>>
      %dma_wait3A_221 = arith.constant 0 : i32
      %dma_wait3A_222 = tpu.memref_slice %arg9[%add3A_9, %dma_wait3A_221] : memref<10240x128xf32, #tpu.memory_space<vmem_shared>> -> memref<80x128xf32, #tpu.memory_space<vmem_shared>>
      %dma_wait3A_223 = arith.constant 0 : i32
      %dma_wait3A_224 = tpu.memref_slice %arg9[%add3A_9, %dma_wait3A_223] : memref<10240x128xf32, #tpu.memory_space<vmem_shared>> -> memref<80x128xf32, #tpu.memory_space<vmem_shared>>
      %dma_wait3A_225 = arith.constant 0 : i32
      %dma_wait3A_226 = arith.constant 0 : i32
      %dma_wait3A_227 = tpu.memref_slice %arg7[%run_scoped3A, %dma_wait3A_225, %dma_wait3A_226] : memref<3x80x128xf32, #tpu.memory_space<vmem>> -> memref<1x80x128xf32, #tpu.memory_space<vmem>>
      %dma_wait3A_228 = tpu.memref_squeeze %dma_wait3A_227 : memref<1x80x128xf32, #tpu.memory_space<vmem>> -> memref<80x128xf32, #tpu.memory_space<vmem>>
      tpu.wait_dma2 semaphore(%run_scoped3A_204 : memref<!tpu.dma_semaphore, #tpu.memory_space<semaphore_mem>>) src(%dma_wait3A_228 : memref<80x128xf32, #tpu.memory_space<vmem>>) dst(%dma_wait3A_224 : memref<80x128xf32, #tpu.memory_space<vmem_shared>>)
      tpu.yield
    }) : () -> ()
    %run_scoped3A_10 = arith.constant 0 : i32
    "tpu.region"() ({
      %run_scoped3A_204 = tpu.sem_alloc : memref<!tpu.dma_semaphore, #tpu.memory_space<semaphore_mem>>
      %dma_start3A_205 = arith.constant 0 : i32
      %dma_start3A_206 = arith.constant 0 : i32
      %dma_start3A_207 = tpu.memref_slice %arg7[%run_scoped3A_10, %dma_start3A_205, %dma_start3A_206] : memref<3x80x128xf32, #tpu.memory_space<vmem>> -> memref<1x80x16xf32, #tpu.memory_space<vmem>>
      %dma_start3A_208 = tpu.memref_squeeze %dma_start3A_207 : memref<1x80x16xf32, #tpu.memory_space<vmem>> -> memref<80x16xf32, #tpu.memory_space<vmem>>
      %dma_start3A_209 = arith.constant 0 : i32
      %dma_start3A_210 = tpu.memref_slice %arg10[%add3A_9, %dma_start3A_209] : memref<10240x16xf32, #tpu.memory_space<vmem_shared>> -> memref<80x16xf32, #tpu.memory_space<vmem_shared>>
      %dma_start3A_211 = arith.constant 0 : i32
      %dma_start3A_212 = tpu.memref_slice %arg10[%add3A_9, %dma_start3A_211] : memref<10240x16xf32, #tpu.memory_space<vmem_shared>> -> memref<80x16xf32, #tpu.memory_space<vmem_shared>>
      %dma_start3A_213 = arith.constant 0 : i32
      %dma_start3A_214 = arith.constant 0 : i32
      %dma_start3A_215 = tpu.memref_slice %arg7[%run_scoped3A_10, %dma_start3A_213, %dma_start3A_214] : memref<3x80x128xf32, #tpu.memory_space<vmem>> -> memref<1x80x16xf32, #tpu.memory_space<vmem>>
      %dma_start3A_216 = tpu.memref_squeeze %dma_start3A_215 : memref<1x80x16xf32, #tpu.memory_space<vmem>> -> memref<80x16xf32, #tpu.memory_space<vmem>>
      tpu.enqueue_dma source(%dma_start3A_216 : memref<80x16xf32, #tpu.memory_space<vmem>>) target(%dma_start3A_212 : memref<80x16xf32, #tpu.memory_space<vmem_shared>>) target_semaphore(%run_scoped3A_204 : memref<!tpu.dma_semaphore, #tpu.memory_space<semaphore_mem>>)
      %dma_wait3A_217 = arith.constant 0 : i32
      %dma_wait3A_218 = arith.constant 0 : i32
      %dma_wait3A_219 = tpu.memref_slice %arg7[%run_scoped3A_10, %dma_wait3A_217, %dma_wait3A_218] : memref<3x80x128xf32, #tpu.memory_space<vmem>> -> memref<1x80x16xf32, #tpu.memory_space<vmem>>
      %dma_wait3A_220 = tpu.memref_squeeze %dma_wait3A_219 : memref<1x80x16xf32, #tpu.memory_space<vmem>> -> memref<80x16xf32, #tpu.memory_space<vmem>>
      %dma_wait3A_221 = arith.constant 0 : i32
      %dma_wait3A_222 = tpu.memref_slice %arg10[%add3A_9, %dma_wait3A_221] : memref<10240x16xf32, #tpu.memory_space<vmem_shared>> -> memref<80x16xf32, #tpu.memory_space<vmem_shared>>
      %dma_wait3A_223 = arith.constant 0 : i32
      %dma_wait3A_224 = tpu.memref_slice %arg10[%add3A_9, %dma_wait3A_223] : memref<10240x16xf32, #tpu.memory_space<vmem_shared>> -> memref<80x16xf32, #tpu.memory_space<vmem_shared>>
      %dma_wait3A_225 = arith.constant 0 : i32
      %dma_wait3A_226 = arith.constant 0 : i32
      %dma_wait3A_227 = tpu.memref_slice %arg7[%run_scoped3A_10, %dma_wait3A_225, %dma_wait3A_226] : memref<3x80x128xf32, #tpu.memory_space<vmem>> -> memref<1x80x16xf32, #tpu.memory_space<vmem>>
      %dma_wait3A_228 = tpu.memref_squeeze %dma_wait3A_227 : memref<1x80x16xf32, #tpu.memory_space<vmem>> -> memref<80x16xf32, #tpu.memory_space<vmem>>
      tpu.wait_dma2 semaphore(%run_scoped3A_204 : memref<!tpu.dma_semaphore, #tpu.memory_space<semaphore_mem>>) src(%dma_wait3A_228 : memref<80x16xf32, #tpu.memory_space<vmem>>) dst(%dma_wait3A_224 : memref<80x16xf32, #tpu.memory_space<vmem_shared>>)
      tpu.yield
    }) : () -> ()
    %mul3A_11 = arith.constant 640 : i32
    %mul3A_12 = arith.muli %arg1, %mul3A_11 : i32
    %add3A_13 = arith.constant 80 : i32
    %add3A_14 = arith.addi %mul3A_12, %add3A_13 : i32
    %run_scoped3A_15 = arith.constant 0 : i32
    "tpu.region"() ({
      %run_scoped3A_204 = tpu.sem_alloc : memref<!tpu.dma_semaphore, #tpu.memory_space<semaphore_mem>>
      %dma_start3A_205 = arith.constant 0 : i32
      %dma_start3A_206 = arith.constant 0 : i32
      %dma_start3A_207 = tpu.memref_slice %arg7[%run_scoped3A_15, %dma_start3A_205, %dma_start3A_206] : memref<3x80x128xf32, #tpu.memory_space<vmem>> -> memref<1x80x128xf32, #tpu.memory_space<vmem>>
      %dma_start3A_208 = tpu.memref_squeeze %dma_start3A_207 : memref<1x80x128xf32, #tpu.memory_space<vmem>> -> memref<80x128xf32, #tpu.memory_space<vmem>>
      %dma_start3A_209 = arith.constant 0 : i32
      %dma_start3A_210 = tpu.memref_slice %arg9[%add3A_14, %dma_start3A_209] : memref<10240x128xf32, #tpu.memory_space<vmem_shared>> -> memref<80x128xf32, #tpu.memory_space<vmem_shared>>
      %dma_start3A_211 = arith.constant 0 : i32
      %dma_start3A_212 = tpu.memref_slice %arg9[%add3A_14, %dma_start3A_211] : memref<10240x128xf32, #tpu.memory_space<vmem_shared>> -> memref<80x128xf32, #tpu.memory_space<vmem_shared>>
      %dma_start3A_213 = arith.constant 0 : i32
      %dma_start3A_214 = arith.constant 0 : i32
      %dma_start3A_215 = tpu.memref_slice %arg7[%run_scoped3A_15, %dma_start3A_213, %dma_start3A_214] : memref<3x80x128xf32, #tpu.memory_space<vmem>> -> memref<1x80x128xf32, #tpu.memory_space<vmem>>
      %dma_start3A_216 = tpu.memref_squeeze %dma_start3A_215 : memref<1x80x128xf32, #tpu.memory_space<vmem>> -> memref<80x128xf32, #tpu.memory_space<vmem>>
      tpu.enqueue_dma source(%dma_start3A_216 : memref<80x128xf32, #tpu.memory_space<vmem>>) target(%dma_start3A_212 : memref<80x128xf32, #tpu.memory_space<vmem_shared>>) target_semaphore(%run_scoped3A_204 : memref<!tpu.dma_semaphore, #tpu.memory_space<semaphore_mem>>)
      %dma_wait3A_217 = arith.constant 0 : i32
      %dma_wait3A_218 = arith.constant 0 : i32
      %dma_wait3A_219 = tpu.memref_slice %arg7[%run_scoped3A_15, %dma_wait3A_217, %dma_wait3A_218] : memref<3x80x128xf32, #tpu.memory_space<vmem>> -> memref<1x80x128xf32, #tpu.memory_space<vmem>>
      %dma_wait3A_220 = tpu.memref_squeeze %dma_wait3A_219 : memref<1x80x128xf32, #tpu.memory_space<vmem>> -> memref<80x128xf32, #tpu.memory_space<vmem>>
      %dma_wait3A_221 = arith.constant 0 : i32
      %dma_wait3A_222 = tpu.memref_slice %arg9[%add3A_14, %dma_wait3A_221] : memref<10240x128xf32, #tpu.memory_space<vmem_shared>> -> memref<80x128xf32, #tpu.memory_space<vmem_shared>>
      %dma_wait3A_223 = arith.constant 0 : i32
      %dma_wait3A_224 = tpu.memref_slice %arg9[%add3A_14, %dma_wait3A_223] : memref<10240x128xf32, #tpu.memory_space<vmem_shared>> -> memref<80x128xf32, #tpu.memory_space<vmem_shared>>
      %dma_wait3A_225 = arith.constant 0 : i32
      %dma_wait3A_226 = arith.constant 0 : i32
      %dma_wait3A_227 = tpu.memref_slice %arg7[%run_scoped3A_15, %dma_wait3A_225, %dma_wait3A_226] : memref<3x80x128xf32, #tpu.memory_space<vmem>> -> memref<1x80x128xf32, #tpu.memory_space<vmem>>
      %dma_wait3A_228 = tpu.memref_squeeze %dma_wait3A_227 : memref<1x80x128xf32, #tpu.memory_space<vmem>> -> memref<80x128xf32, #tpu.memory_space<vmem>>
      tpu.wait_dma2 semaphore(%run_scoped3A_204 : memref<!tpu.dma_semaphore, #tpu.memory_space<semaphore_mem>>) src(%dma_wait3A_228 : memref<80x128xf32, #tpu.memory_space<vmem>>) dst(%dma_wait3A_224 : memref<80x128xf32, #tpu.memory_space<vmem_shared>>)
      tpu.yield
    }) : () -> ()
    %run_scoped3A_16 = arith.constant 0 : i32
    "tpu.region"() ({
      %run_scoped3A_204 = tpu.sem_alloc : memref<!tpu.dma_semaphore, #tpu.memory_space<semaphore_mem>>
      %dma_start3A_205 = arith.constant 0 : i32
      %dma_start3A_206 = arith.constant 0 : i32
      %dma_start3A_207 = tpu.memref_slice %arg7[%run_scoped3A_16, %dma_start3A_205, %dma_start3A_206] : memref<3x80x128xf32, #tpu.memory_space<vmem>> -> memref<1x80x16xf32, #tpu.memory_space<vmem>>
      %dma_start3A_208 = tpu.memref_squeeze %dma_start3A_207 : memref<1x80x16xf32, #tpu.memory_space<vmem>> -> memref<80x16xf32, #tpu.memory_space<vmem>>
      %dma_start3A_209 = arith.constant 0 : i32
      %dma_start3A_210 = tpu.memref_slice %arg10[%add3A_14, %dma_start3A_209] : memref<10240x16xf32, #tpu.memory_space<vmem_shared>> -> memref<80x16xf32, #tpu.memory_space<vmem_shared>>
      %dma_start3A_211 = arith.constant 0 : i32
      %dma_start3A_212 = tpu.memref_slice %arg10[%add3A_14, %dma_start3A_211] : memref<10240x16xf32, #tpu.memory_space<vmem_shared>> -> memref<80x16xf32, #tpu.memory_space<vmem_shared>>
      %dma_start3A_213 = arith.constant 0 : i32
      %dma_start3A_214 = arith.constant 0 : i32
      %dma_start3A_215 = tpu.memref_slice %arg7[%run_scoped3A_16, %dma_start3A_213, %dma_start3A_214] : memref<3x80x128xf32, #tpu.memory_space<vmem>> -> memref<1x80x16xf32, #tpu.memory_space<vmem>>
      %dma_start3A_216 = tpu.memref_squeeze %dma_start3A_215 : memref<1x80x16xf32, #tpu.memory_space<vmem>> -> memref<80x16xf32, #tpu.memory_space<vmem>>
      tpu.enqueue_dma source(%dma_start3A_216 : memref<80x16xf32, #tpu.memory_space<vmem>>) target(%dma_start3A_212 : memref<80x16xf32, #tpu.memory_space<vmem_shared>>) target_semaphore(%run_scoped3A_204 : memref<!tpu.dma_semaphore, #tpu.memory_space<semaphore_mem>>)
      %dma_wait3A_217 = arith.constant 0 : i32
      %dma_wait3A_218 = arith.constant 0 : i32
      %dma_wait3A_219 = tpu.memref_slice %arg7[%run_scoped3A_16, %dma_wait3A_217, %dma_wait3A_218] : memref<3x80x128xf32, #tpu.memory_space<vmem>> -> memref<1x80x16xf32, #tpu.memory_space<vmem>>
      %dma_wait3A_220 = tpu.memref_squeeze %dma_wait3A_219 : memref<1x80x16xf32, #tpu.memory_space<vmem>> -> memref<80x16xf32, #tpu.memory_space<vmem>>
      %dma_wait3A_221 = arith.constant 0 : i32
      %dma_wait3A_222 = tpu.memref_slice %arg10[%add3A_14, %dma_wait3A_221] : memref<10240x16xf32, #tpu.memory_space<vmem_shared>> -> memref<80x16xf32, #tpu.memory_space<vmem_shared>>
      %dma_wait3A_223 = arith.constant 0 : i32
      %dma_wait3A_224 = tpu.memref_slice %arg10[%add3A_14, %dma_wait3A_223] : memref<10240x16xf32, #tpu.memory_space<vmem_shared>> -> memref<80x16xf32, #tpu.memory_space<vmem_shared>>
      %dma_wait3A_225 = arith.constant 0 : i32
      %dma_wait3A_226 = arith.constant 0 : i32
      %dma_wait3A_227 = tpu.memref_slice %arg7[%run_scoped3A_16, %dma_wait3A_225, %dma_wait3A_226] : memref<3x80x128xf32, #tpu.memory_space<vmem>> -> memref<1x80x16xf32, #tpu.memory_space<vmem>>
      %dma_wait3A_228 = tpu.memref_squeeze %dma_wait3A_227 : memref<1x80x16xf32, #tpu.memory_space<vmem>> -> memref<80x16xf32, #tpu.memory_space<vmem>>
      tpu.wait_dma2 semaphore(%run_scoped3A_204 : memref<!tpu.dma_semaphore, #tpu.memory_space<semaphore_mem>>) src(%dma_wait3A_228 : memref<80x16xf32, #tpu.memory_space<vmem>>) dst(%dma_wait3A_224 : memref<80x16xf32, #tpu.memory_space<vmem_shared>>)
      tpu.yield
    }) : () -> ()
    %mul3A_17 = arith.constant 640 : i32
    %mul3A_18 = arith.muli %arg1, %mul3A_17 : i32
    %add3A_19 = arith.constant 160 : i32
    %add3A_20 = arith.addi %mul3A_18, %add3A_19 : i32
    %run_scoped3A_21 = arith.constant 0 : i32
    "tpu.region"() ({
      %run_scoped3A_204 = tpu.sem_alloc : memref<!tpu.dma_semaphore, #tpu.memory_space<semaphore_mem>>
      %dma_start3A_205 = arith.constant 0 : i32
      %dma_start3A_206 = arith.constant 0 : i32
      %dma_start3A_207 = tpu.memref_slice %arg7[%run_scoped3A_21, %dma_start3A_205, %dma_start3A_206] : memref<3x80x128xf32, #tpu.memory_space<vmem>> -> memref<1x80x128xf32, #tpu.memory_space<vmem>>
      %dma_start3A_208 = tpu.memref_squeeze %dma_start3A_207 : memref<1x80x128xf32, #tpu.memory_space<vmem>> -> memref<80x128xf32, #tpu.memory_space<vmem>>
      %dma_start3A_209 = arith.constant 0 : i32
      %dma_start3A_210 = tpu.memref_slice %arg9[%add3A_20, %dma_start3A_209] : memref<10240x128xf32, #tpu.memory_space<vmem_shared>> -> memref<80x128xf32, #tpu.memory_space<vmem_shared>>
      %dma_start3A_211 = arith.constant 0 : i32
      %dma_start3A_212 = tpu.memref_slice %arg9[%add3A_20, %dma_start3A_211] : memref<10240x128xf32, #tpu.memory_space<vmem_shared>> -> memref<80x128xf32, #tpu.memory_space<vmem_shared>>
      %dma_start3A_213 = arith.constant 0 : i32
      %dma_start3A_214 = arith.constant 0 : i32
      %dma_start3A_215 = tpu.memref_slice %arg7[%run_scoped3A_21, %dma_start3A_213, %dma_start3A_214] : memref<3x80x128xf32, #tpu.memory_space<vmem>> -> memref<1x80x128xf32, #tpu.memory_space<vmem>>
      %dma_start3A_216 = tpu.memref_squeeze %dma_start3A_215 : memref<1x80x128xf32, #tpu.memory_space<vmem>> -> memref<80x128xf32, #tpu.memory_space<vmem>>
      tpu.enqueue_dma source(%dma_start3A_216 : memref<80x128xf32, #tpu.memory_space<vmem>>) target(%dma_start3A_212 : memref<80x128xf32, #tpu.memory_space<vmem_shared>>) target_semaphore(%run_scoped3A_204 : memref<!tpu.dma_semaphore, #tpu.memory_space<semaphore_mem>>)
      %dma_wait3A_217 = arith.constant 0 : i32
      %dma_wait3A_218 = arith.constant 0 : i32
      %dma_wait3A_219 = tpu.memref_slice %arg7[%run_scoped3A_21, %dma_wait3A_217, %dma_wait3A_218] : memref<3x80x128xf32, #tpu.memory_space<vmem>> -> memref<1x80x128xf32, #tpu.memory_space<vmem>>
      %dma_wait3A_220 = tpu.memref_squeeze %dma_wait3A_219 : memref<1x80x128xf32, #tpu.memory_space<vmem>> -> memref<80x128xf32, #tpu.memory_space<vmem>>
      %dma_wait3A_221 = arith.constant 0 : i32
      %dma_wait3A_222 = tpu.memref_slice %arg9[%add3A_20, %dma_wait3A_221] : memref<10240x128xf32, #tpu.memory_space<vmem_shared>> -> memref<80x128xf32, #tpu.memory_space<vmem_shared>>
      %dma_wait3A_223 = arith.constant 0 : i32
      %dma_wait3A_224 = tpu.memref_slice %arg9[%add3A_20, %dma_wait3A_223] : memref<10240x128xf32, #tpu.memory_space<vmem_shared>> -> memref<80x128xf32, #tpu.memory_space<vmem_shared>>
      %dma_wait3A_225 = arith.constant 0 : i32
      %dma_wait3A_226 = arith.constant 0 : i32
      %dma_wait3A_227 = tpu.memref_slice %arg7[%run_scoped3A_21, %dma_wait3A_225, %dma_wait3A_226] : memref<3x80x128xf32, #tpu.memory_space<vmem>> -> memref<1x80x128xf32, #tpu.memory_space<vmem>>
      %dma_wait3A_228 = tpu.memref_squeeze %dma_wait3A_227 : memref<1x80x128xf32, #tpu.memory_space<vmem>> -> memref<80x128xf32, #tpu.memory_space<vmem>>
      tpu.wait_dma2 semaphore(%run_scoped3A_204 : memref<!tpu.dma_semaphore, #tpu.memory_space<semaphore_mem>>) src(%dma_wait3A_228 : memref<80x128xf32, #tpu.memory_space<vmem>>) dst(%dma_wait3A_224 : memref<80x128xf32, #tpu.memory_space<vmem_shared>>)
      tpu.yield
    }) : () -> ()
    %run_scoped3A_22 = arith.constant 0 : i32
    "tpu.region"() ({
      %run_scoped3A_204 = tpu.sem_alloc : memref<!tpu.dma_semaphore, #tpu.memory_space<semaphore_mem>>
      %dma_start3A_205 = arith.constant 0 : i32
      %dma_start3A_206 = arith.constant 0 : i32
      %dma_start3A_207 = tpu.memref_slice %arg7[%run_scoped3A_22, %dma_start3A_205, %dma_start3A_206] : memref<3x80x128xf32, #tpu.memory_space<vmem>> -> memref<1x80x16xf32, #tpu.memory_space<vmem>>
      %dma_start3A_208 = tpu.memref_squeeze %dma_start3A_207 : memref<1x80x16xf32, #tpu.memory_space<vmem>> -> memref<80x16xf32, #tpu.memory_space<vmem>>
      %dma_start3A_209 = arith.constant 0 : i32
      %dma_start3A_210 = tpu.memref_slice %arg10[%add3A_20, %dma_start3A_209] : memref<10240x16xf32, #tpu.memory_space<vmem_shared>> -> memref<80x16xf32, #tpu.memory_space<vmem_shared>>
      %dma_start3A_211 = arith.constant 0 : i32
      %dma_start3A_212 = tpu.memref_slice %arg10[%add3A_20, %dma_start3A_211] : memref<10240x16xf32, #tpu.memory_space<vmem_shared>> -> memref<80x16xf32, #tpu.memory_space<vmem_shared>>
      %dma_start3A_213 = arith.constant 0 : i32
      %dma_start3A_214 = arith.constant 0 : i32
      %dma_start3A_215 = tpu.memref_slice %arg7[%run_scoped3A_22, %dma_start3A_213, %dma_start3A_214] : memref<3x80x128xf32, #tpu.memory_space<vmem>> -> memref<1x80x16xf32, #tpu.memory_space<vmem>>
      %dma_start3A_216 = tpu.memref_squeeze %dma_start3A_215 : memref<1x80x16xf32, #tpu.memory_space<vmem>> -> memref<80x16xf32, #tpu.memory_space<vmem>>
      tpu.enqueue_dma source(%dma_start3A_216 : memref<80x16xf32, #tpu.memory_space<vmem>>) target(%dma_start3A_212 : memref<80x16xf32, #tpu.memory_space<vmem_shared>>) target_semaphore(%run_scoped3A_204 : memref<!tpu.dma_semaphore, #tpu.memory_space<semaphore_mem>>)
      %dma_wait3A_217 = arith.constant 0 : i32
      %dma_wait3A_218 = arith.constant 0 : i32
      %dma_wait3A_219 = tpu.memref_slice %arg7[%run_scoped3A_22, %dma_wait3A_217, %dma_wait3A_218] : memref<3x80x128xf32, #tpu.memory_space<vmem>> -> memref<1x80x16xf32, #tpu.memory_space<vmem>>
      %dma_wait3A_220 = tpu.memref_squeeze %dma_wait3A_219 : memref<1x80x16xf32, #tpu.memory_space<vmem>> -> memref<80x16xf32, #tpu.memory_space<vmem>>
      %dma_wait3A_221 = arith.constant 0 : i32
      %dma_wait3A_222 = tpu.memref_slice %arg10[%add3A_20, %dma_wait3A_221] : memref<10240x16xf32, #tpu.memory_space<vmem_shared>> -> memref<80x16xf32, #tpu.memory_space<vmem_shared>>
      %dma_wait3A_223 = arith.constant 0 : i32
      %dma_wait3A_224 = tpu.memref_slice %arg10[%add3A_20, %dma_wait3A_223] : memref<10240x16xf32, #tpu.memory_space<vmem_shared>> -> memref<80x16xf32, #tpu.memory_space<vmem_shared>>
      %dma_wait3A_225 = arith.constant 0 : i32
      %dma_wait3A_226 = arith.constant 0 : i32
      %dma_wait3A_227 = tpu.memref_slice %arg7[%run_scoped3A_22, %dma_wait3A_225, %dma_wait3A_226] : memref<3x80x128xf32, #tpu.memory_space<vmem>> -> memref<1x80x16xf32, #tpu.memory_space<vmem>>
      %dma_wait3A_228 = tpu.memref_squeeze %dma_wait3A_227 : memref<1x80x16xf32, #tpu.memory_space<vmem>> -> memref<80x16xf32, #tpu.memory_space<vmem>>
      tpu.wait_dma2 semaphore(%run_scoped3A_204 : memref<!tpu.dma_semaphore, #tpu.memory_space<semaphore_mem>>) src(%dma_wait3A_228 : memref<80x16xf32, #tpu.memory_space<vmem>>) dst(%dma_wait3A_224 : memref<80x16xf32, #tpu.memory_space<vmem_shared>>)
      tpu.yield
    }) : () -> ()
    %mul3A_23 = arith.constant 640 : i32
    %mul3A_24 = arith.muli %arg1, %mul3A_23 : i32
    %add3A_25 = arith.constant 240 : i32
    %add3A_26 = arith.addi %mul3A_24, %add3A_25 : i32
    %run_scoped3A_27 = arith.constant 0 : i32
    "tpu.region"() ({
      %run_scoped3A_204 = tpu.sem_alloc : memref<!tpu.dma_semaphore, #tpu.memory_space<semaphore_mem>>
      %dma_start3A_205 = arith.constant 0 : i32
      %dma_start3A_206 = arith.constant 0 : i32
      %dma_start3A_207 = tpu.memref_slice %arg7[%run_scoped3A_27, %dma_start3A_205, %dma_start3A_206] : memref<3x80x128xf32, #tpu.memory_space<vmem>> -> memref<1x80x128xf32, #tpu.memory_space<vmem>>
      %dma_start3A_208 = tpu.memref_squeeze %dma_start3A_207 : memref<1x80x128xf32, #tpu.memory_space<vmem>> -> memref<80x128xf32, #tpu.memory_space<vmem>>
      %dma_start3A_209 = arith.constant 0 : i32
      %dma_start3A_210 = tpu.memref_slice %arg9[%add3A_26, %dma_start3A_209] : memref<10240x128xf32, #tpu.memory_space<vmem_shared>> -> memref<80x128xf32, #tpu.memory_space<vmem_shared>>
      %dma_start3A_211 = arith.constant 0 : i32
      %dma_start3A_212 = tpu.memref_slice %arg9[%add3A_26, %dma_start3A_211] : memref<10240x128xf32, #tpu.memory_space<vmem_shared>> -> memref<80x128xf32, #tpu.memory_space<vmem_shared>>
      %dma_start3A_213 = arith.constant 0 : i32
      %dma_start3A_214 = arith.constant 0 : i32
      %dma_start3A_215 = tpu.memref_slice %arg7[%run_scoped3A_27, %dma_start3A_213, %dma_start3A_214] : memref<3x80x128xf32, #tpu.memory_space<vmem>> -> memref<1x80x128xf32, #tpu.memory_space<vmem>>
      %dma_start3A_216 = tpu.memref_squeeze %dma_start3A_215 : memref<1x80x128xf32, #tpu.memory_space<vmem>> -> memref<80x128xf32, #tpu.memory_space<vmem>>
      tpu.enqueue_dma source(%dma_start3A_216 : memref<80x128xf32, #tpu.memory_space<vmem>>) target(%dma_start3A_212 : memref<80x128xf32, #tpu.memory_space<vmem_shared>>) target_semaphore(%run_scoped3A_204 : memref<!tpu.dma_semaphore, #tpu.memory_space<semaphore_mem>>)
      %dma_wait3A_217 = arith.constant 0 : i32
      %dma_wait3A_218 = arith.constant 0 : i32
      %dma_wait3A_219 = tpu.memref_slice %arg7[%run_scoped3A_27, %dma_wait3A_217, %dma_wait3A_218] : memref<3x80x128xf32, #tpu.memory_space<vmem>> -> memref<1x80x128xf32, #tpu.memory_space<vmem>>
      %dma_wait3A_220 = tpu.memref_squeeze %dma_wait3A_219 : memref<1x80x128xf32, #tpu.memory_space<vmem>> -> memref<80x128xf32, #tpu.memory_space<vmem>>
      %dma_wait3A_221 = arith.constant 0 : i32
      %dma_wait3A_222 = tpu.memref_slice %arg9[%add3A_26, %dma_wait3A_221] : memref<10240x128xf32, #tpu.memory_space<vmem_shared>> -> memref<80x128xf32, #tpu.memory_space<vmem_shared>>
      %dma_wait3A_223 = arith.constant 0 : i32
      %dma_wait3A_224 = tpu.memref_slice %arg9[%add3A_26, %dma_wait3A_223] : memref<10240x128xf32, #tpu.memory_space<vmem_shared>> -> memref<80x128xf32, #tpu.memory_space<vmem_shared>>
      %dma_wait3A_225 = arith.constant 0 : i32
      %dma_wait3A_226 = arith.constant 0 : i32
      %dma_wait3A_227 = tpu.memref_slice %arg7[%run_scoped3A_27, %dma_wait3A_225, %dma_wait3A_226] : memref<3x80x128xf32, #tpu.memory_space<vmem>> -> memref<1x80x128xf32, #tpu.memory_space<vmem>>
      %dma_wait3A_228 = tpu.memref_squeeze %dma_wait3A_227 : memref<1x80x128xf32, #tpu.memory_space<vmem>> -> memref<80x128xf32, #tpu.memory_space<vmem>>
      tpu.wait_dma2 semaphore(%run_scoped3A_204 : memref<!tpu.dma_semaphore, #tpu.memory_space<semaphore_mem>>) src(%dma_wait3A_228 : memref<80x128xf32, #tpu.memory_space<vmem>>) dst(%dma_wait3A_224 : memref<80x128xf32, #tpu.memory_space<vmem_shared>>)
      tpu.yield
    }) : () -> ()
    %run_scoped3A_28 = arith.constant 0 : i32
    "tpu.region"() ({
      %run_scoped3A_204 = tpu.sem_alloc : memref<!tpu.dma_semaphore, #tpu.memory_space<semaphore_mem>>
      %dma_start3A_205 = arith.constant 0 : i32
      %dma_start3A_206 = arith.constant 0 : i32
      %dma_start3A_207 = tpu.memref_slice %arg7[%run_scoped3A_28, %dma_start3A_205, %dma_start3A_206] : memref<3x80x128xf32, #tpu.memory_space<vmem>> -> memref<1x80x16xf32, #tpu.memory_space<vmem>>
      %dma_start3A_208 = tpu.memref_squeeze %dma_start3A_207 : memref<1x80x16xf32, #tpu.memory_space<vmem>> -> memref<80x16xf32, #tpu.memory_space<vmem>>
      %dma_start3A_209 = arith.constant 0 : i32
      %dma_start3A_210 = tpu.memref_slice %arg10[%add3A_26, %dma_start3A_209] : memref<10240x16xf32, #tpu.memory_space<vmem_shared>> -> memref<80x16xf32, #tpu.memory_space<vmem_shared>>
      %dma_start3A_211 = arith.constant 0 : i32
      %dma_start3A_212 = tpu.memref_slice %arg10[%add3A_26, %dma_start3A_211] : memref<10240x16xf32, #tpu.memory_space<vmem_shared>> -> memref<80x16xf32, #tpu.memory_space<vmem_shared>>
      %dma_start3A_213 = arith.constant 0 : i32
      %dma_start3A_214 = arith.constant 0 : i32
      %dma_start3A_215 = tpu.memref_slice %arg7[%run_scoped3A_28, %dma_start3A_213, %dma_start3A_214] : memref<3x80x128xf32, #tpu.memory_space<vmem>> -> memref<1x80x16xf32, #tpu.memory_space<vmem>>
      %dma_start3A_216 = tpu.memref_squeeze %dma_start3A_215 : memref<1x80x16xf32, #tpu.memory_space<vmem>> -> memref<80x16xf32, #tpu.memory_space<vmem>>
      tpu.enqueue_dma source(%dma_start3A_216 : memref<80x16xf32, #tpu.memory_space<vmem>>) target(%dma_start3A_212 : memref<80x16xf32, #tpu.memory_space<vmem_shared>>) target_semaphore(%run_scoped3A_204 : memref<!tpu.dma_semaphore, #tpu.memory_space<semaphore_mem>>)
      %dma_wait3A_217 = arith.constant 0 : i32
      %dma_wait3A_218 = arith.constant 0 : i32
      %dma_wait3A_219 = tpu.memref_slice %arg7[%run_scoped3A_28, %dma_wait3A_217, %dma_wait3A_218] : memref<3x80x128xf32, #tpu.memory_space<vmem>> -> memref<1x80x16xf32, #tpu.memory_space<vmem>>
      %dma_wait3A_220 = tpu.memref_squeeze %dma_wait3A_219 : memref<1x80x16xf32, #tpu.memory_space<vmem>> -> memref<80x16xf32, #tpu.memory_space<vmem>>
      %dma_wait3A_221 = arith.constant 0 : i32
      %dma_wait3A_222 = tpu.memref_slice %arg10[%add3A_26, %dma_wait3A_221] : memref<10240x16xf32, #tpu.memory_space<vmem_shared>> -> memref<80x16xf32, #tpu.memory_space<vmem_shared>>
      %dma_wait3A_223 = arith.constant 0 : i32
      %dma_wait3A_224 = tpu.memref_slice %arg10[%add3A_26, %dma_wait3A_223] : memref<10240x16xf32, #tpu.memory_space<vmem_shared>> -> memref<80x16xf32, #tpu.memory_space<vmem_shared>>
      %dma_wait3A_225 = arith.constant 0 : i32
      %dma_wait3A_226 = arith.constant 0 : i32
      %dma_wait3A_227 = tpu.memref_slice %arg7[%run_scoped3A_28, %dma_wait3A_225, %dma_wait3A_226] : memref<3x80x128xf32, #tpu.memory_space<vmem>> -> memref<1x80x16xf32, #tpu.memory_space<vmem>>
      %dma_wait3A_228 = tpu.memref_squeeze %dma_wait3A_227 : memref<1x80x16xf32, #tpu.memory_space<vmem>> -> memref<80x16xf32, #tpu.memory_space<vmem>>
      tpu.wait_dma2 semaphore(%run_scoped3A_204 : memref<!tpu.dma_semaphore, #tpu.memory_space<semaphore_mem>>) src(%dma_wait3A_228 : memref<80x16xf32, #tpu.memory_space<vmem>>) dst(%dma_wait3A_224 : memref<80x16xf32, #tpu.memory_space<vmem_shared>>)
      tpu.yield
    }) : () -> ()
    %mul3A_29 = arith.constant 640 : i32
    %mul3A_30 = arith.muli %arg1, %mul3A_29 : i32
    %add3A_31 = arith.constant 320 : i32
    %add3A_32 = arith.addi %mul3A_30, %add3A_31 : i32
    %run_scoped3A_33 = arith.constant 0 : i32
    "tpu.region"() ({
      %run_scoped3A_204 = tpu.sem_alloc : memref<!tpu.dma_semaphore, #tpu.memory_space<semaphore_mem>>
      %dma_start3A_205 = arith.constant 0 : i32
      %dma_start3A_206 = arith.constant 0 : i32
      %dma_start3A_207 = tpu.memref_slice %arg7[%run_scoped3A_33, %dma_start3A_205, %dma_start3A_206] : memref<3x80x128xf32, #tpu.memory_space<vmem>> -> memref<1x80x128xf32, #tpu.memory_space<vmem>>
      %dma_start3A_208 = tpu.memref_squeeze %dma_start3A_207 : memref<1x80x128xf32, #tpu.memory_space<vmem>> -> memref<80x128xf32, #tpu.memory_space<vmem>>
      %dma_start3A_209 = arith.constant 0 : i32
      %dma_start3A_210 = tpu.memref_slice %arg9[%add3A_32, %dma_start3A_209] : memref<10240x128xf32, #tpu.memory_space<vmem_shared>> -> memref<80x128xf32, #tpu.memory_space<vmem_shared>>
      %dma_start3A_211 = arith.constant 0 : i32
      %dma_start3A_212 = tpu.memref_slice %arg9[%add3A_32, %dma_start3A_211] : memref<10240x128xf32, #tpu.memory_space<vmem_shared>> -> memref<80x128xf32, #tpu.memory_space<vmem_shared>>
      %dma_start3A_213 = arith.constant 0 : i32
      %dma_start3A_214 = arith.constant 0 : i32
      %dma_start3A_215 = tpu.memref_slice %arg7[%run_scoped3A_33, %dma_start3A_213, %dma_start3A_214] : memref<3x80x128xf32, #tpu.memory_space<vmem>> -> memref<1x80x128xf32, #tpu.memory_space<vmem>>
      %dma_start3A_216 = tpu.memref_squeeze %dma_start3A_215 : memref<1x80x128xf32, #tpu.memory_space<vmem>> -> memref<80x128xf32, #tpu.memory_space<vmem>>
      tpu.enqueue_dma source(%dma_start3A_216 : memref<80x128xf32, #tpu.memory_space<vmem>>) target(%dma_start3A_212 : memref<80x128xf32, #tpu.memory_space<vmem_shared>>) target_semaphore(%run_scoped3A_204 : memref<!tpu.dma_semaphore, #tpu.memory_space<semaphore_mem>>)
      %dma_wait3A_217 = arith.constant 0 : i32
      %dma_wait3A_218 = arith.constant 0 : i32
      %dma_wait3A_219 = tpu.memref_slice %arg7[%run_scoped3A_33, %dma_wait3A_217, %dma_wait3A_218] : memref<3x80x128xf32, #tpu.memory_space<vmem>> -> memref<1x80x128xf32, #tpu.memory_space<vmem>>
      %dma_wait3A_220 = tpu.memref_squeeze %dma_wait3A_219 : memref<1x80x128xf32, #tpu.memory_space<vmem>> -> memref<80x128xf32, #tpu.memory_space<vmem>>
      %dma_wait3A_221 = arith.constant 0 : i32
      %dma_wait3A_222 = tpu.memref_slice %arg9[%add3A_32, %dma_wait3A_221] : memref<10240x128xf32, #tpu.memory_space<vmem_shared>> -> memref<80x128xf32, #tpu.memory_space<vmem_shared>>
      %dma_wait3A_223 = arith.constant 0 : i32
      %dma_wait3A_224 = tpu.memref_slice %arg9[%add3A_32, %dma_wait3A_223] : memref<10240x128xf32, #tpu.memory_space<vmem_shared>> -> memref<80x128xf32, #tpu.memory_space<vmem_shared>>
      %dma_wait3A_225 = arith.constant 0 : i32
      %dma_wait3A_226 = arith.constant 0 : i32
      %dma_wait3A_227 = tpu.memref_slice %arg7[%run_scoped3A_33, %dma_wait3A_225, %dma_wait3A_226] : memref<3x80x128xf32, #tpu.memory_space<vmem>> -> memref<1x80x128xf32, #tpu.memory_space<vmem>>
      %dma_wait3A_228 = tpu.memref_squeeze %dma_wait3A_227 : memref<1x80x128xf32, #tpu.memory_space<vmem>> -> memref<80x128xf32, #tpu.memory_space<vmem>>
      tpu.wait_dma2 semaphore(%run_scoped3A_204 : memref<!tpu.dma_semaphore, #tpu.memory_space<semaphore_mem>>) src(%dma_wait3A_228 : memref<80x128xf32, #tpu.memory_space<vmem>>) dst(%dma_wait3A_224 : memref<80x128xf32, #tpu.memory_space<vmem_shared>>)
      tpu.yield
    }) : () -> ()
    %run_scoped3A_34 = arith.constant 0 : i32
    "tpu.region"() ({
      %run_scoped3A_204 = tpu.sem_alloc : memref<!tpu.dma_semaphore, #tpu.memory_space<semaphore_mem>>
      %dma_start3A_205 = arith.constant 0 : i32
      %dma_start3A_206 = arith.constant 0 : i32
      %dma_start3A_207 = tpu.memref_slice %arg7[%run_scoped3A_34, %dma_start3A_205, %dma_start3A_206] : memref<3x80x128xf32, #tpu.memory_space<vmem>> -> memref<1x80x16xf32, #tpu.memory_space<vmem>>
      %dma_start3A_208 = tpu.memref_squeeze %dma_start3A_207 : memref<1x80x16xf32, #tpu.memory_space<vmem>> -> memref<80x16xf32, #tpu.memory_space<vmem>>
      %dma_start3A_209 = arith.constant 0 : i32
      %dma_start3A_210 = tpu.memref_slice %arg10[%add3A_32, %dma_start3A_209] : memref<10240x16xf32, #tpu.memory_space<vmem_shared>> -> memref<80x16xf32, #tpu.memory_space<vmem_shared>>
      %dma_start3A_211 = arith.constant 0 : i32
      %dma_start3A_212 = tpu.memref_slice %arg10[%add3A_32, %dma_start3A_211] : memref<10240x16xf32, #tpu.memory_space<vmem_shared>> -> memref<80x16xf32, #tpu.memory_space<vmem_shared>>
      %dma_start3A_213 = arith.constant 0 : i32
      %dma_start3A_214 = arith.constant 0 : i32
      %dma_start3A_215 = tpu.memref_slice %arg7[%run_scoped3A_34, %dma_start3A_213, %dma_start3A_214] : memref<3x80x128xf32, #tpu.memory_space<vmem>> -> memref<1x80x16xf32, #tpu.memory_space<vmem>>
      %dma_start3A_216 = tpu.memref_squeeze %dma_start3A_215 : memref<1x80x16xf32, #tpu.memory_space<vmem>> -> memref<80x16xf32, #tpu.memory_space<vmem>>
      tpu.enqueue_dma source(%dma_start3A_216 : memref<80x16xf32, #tpu.memory_space<vmem>>) target(%dma_start3A_212 : memref<80x16xf32, #tpu.memory_space<vmem_shared>>) target_semaphore(%run_scoped3A_204 : memref<!tpu.dma_semaphore, #tpu.memory_space<semaphore_mem>>)
      %dma_wait3A_217 = arith.constant 0 : i32
      %dma_wait3A_218 = arith.constant 0 : i32
      %dma_wait3A_219 = tpu.memref_slice %arg7[%run_scoped3A_34, %dma_wait3A_217, %dma_wait3A_218] : memref<3x80x128xf32, #tpu.memory_space<vmem>> -> memref<1x80x16xf32, #tpu.memory_space<vmem>>
      %dma_wait3A_220 = tpu.memref_squeeze %dma_wait3A_219 : memref<1x80x16xf32, #tpu.memory_space<vmem>> -> memref<80x16xf32, #tpu.memory_space<vmem>>
      %dma_wait3A_221 = arith.constant 0 : i32
      %dma_wait3A_222 = tpu.memref_slice %arg10[%add3A_32, %dma_wait3A_221] : memref<10240x16xf32, #tpu.memory_space<vmem_shared>> -> memref<80x16xf32, #tpu.memory_space<vmem_shared>>
      %dma_wait3A_223 = arith.constant 0 : i32
      %dma_wait3A_224 = tpu.memref_slice %arg10[%add3A_32, %dma_wait3A_223] : memref<10240x16xf32, #tpu.memory_space<vmem_shared>> -> memref<80x16xf32, #tpu.memory_space<vmem_shared>>
      %dma_wait3A_225 = arith.constant 0 : i32
      %dma_wait3A_226 = arith.constant 0 : i32
      %dma_wait3A_227 = tpu.memref_slice %arg7[%run_scoped3A_34, %dma_wait3A_225, %dma_wait3A_226] : memref<3x80x128xf32, #tpu.memory_space<vmem>> -> memref<1x80x16xf32, #tpu.memory_space<vmem>>
      %dma_wait3A_228 = tpu.memref_squeeze %dma_wait3A_227 : memref<1x80x16xf32, #tpu.memory_space<vmem>> -> memref<80x16xf32, #tpu.memory_space<vmem>>
      tpu.wait_dma2 semaphore(%run_scoped3A_204 : memref<!tpu.dma_semaphore, #tpu.memory_space<semaphore_mem>>) src(%dma_wait3A_228 : memref<80x16xf32, #tpu.memory_space<vmem>>) dst(%dma_wait3A_224 : memref<80x16xf32, #tpu.memory_space<vmem_shared>>)
      tpu.yield
    }) : () -> ()
    %mul3A_35 = arith.constant 640 : i32
    %mul3A_36 = arith.muli %arg1, %mul3A_35 : i32
    %add3A_37 = arith.constant 400 : i32
    %add3A_38 = arith.addi %mul3A_36, %add3A_37 : i32
    %run_scoped3A_39 = arith.constant 0 : i32
    "tpu.region"() ({
      %run_scoped3A_204 = tpu.sem_alloc : memref<!tpu.dma_semaphore, #tpu.memory_space<semaphore_mem>>
      %dma_start3A_205 = arith.constant 0 : i32
      %dma_start3A_206 = arith.constant 0 : i32
      %dma_start3A_207 = tpu.memref_slice %arg7[%run_scoped3A_39, %dma_start3A_205, %dma_start3A_206] : memref<3x80x128xf32, #tpu.memory_space<vmem>> -> memref<1x80x128xf32, #tpu.memory_space<vmem>>
      %dma_start3A_208 = tpu.memref_squeeze %dma_start3A_207 : memref<1x80x128xf32, #tpu.memory_space<vmem>> -> memref<80x128xf32, #tpu.memory_space<vmem>>
      %dma_start3A_209 = arith.constant 0 : i32
      %dma_start3A_210 = tpu.memref_slice %arg9[%add3A_38, %dma_start3A_209] : memref<10240x128xf32, #tpu.memory_space<vmem_shared>> -> memref<80x128xf32, #tpu.memory_space<vmem_shared>>
      %dma_start3A_211 = arith.constant 0 : i32
      %dma_start3A_212 = tpu.memref_slice %arg9[%add3A_38, %dma_start3A_211] : memref<10240x128xf32, #tpu.memory_space<vmem_shared>> -> memref<80x128xf32, #tpu.memory_space<vmem_shared>>
      %dma_start3A_213 = arith.constant 0 : i32
      %dma_start3A_214 = arith.constant 0 : i32
      %dma_start3A_215 = tpu.memref_slice %arg7[%run_scoped3A_39, %dma_start3A_213, %dma_start3A_214] : memref<3x80x128xf32, #tpu.memory_space<vmem>> -> memref<1x80x128xf32, #tpu.memory_space<vmem>>
      %dma_start3A_216 = tpu.memref_squeeze %dma_start3A_215 : memref<1x80x128xf32, #tpu.memory_space<vmem>> -> memref<80x128xf32, #tpu.memory_space<vmem>>
      tpu.enqueue_dma source(%dma_start3A_216 : memref<80x128xf32, #tpu.memory_space<vmem>>) target(%dma_start3A_212 : memref<80x128xf32, #tpu.memory_space<vmem_shared>>) target_semaphore(%run_scoped3A_204 : memref<!tpu.dma_semaphore, #tpu.memory_space<semaphore_mem>>)
      %dma_wait3A_217 = arith.constant 0 : i32
      %dma_wait3A_218 = arith.constant 0 : i32
      %dma_wait3A_219 = tpu.memref_slice %arg7[%run_scoped3A_39, %dma_wait3A_217, %dma_wait3A_218] : memref<3x80x128xf32, #tpu.memory_space<vmem>> -> memref<1x80x128xf32, #tpu.memory_space<vmem>>
      %dma_wait3A_220 = tpu.memref_squeeze %dma_wait3A_219 : memref<1x80x128xf32, #tpu.memory_space<vmem>> -> memref<80x128xf32, #tpu.memory_space<vmem>>
      %dma_wait3A_221 = arith.constant 0 : i32
      %dma_wait3A_222 = tpu.memref_slice %arg9[%add3A_38, %dma_wait3A_221] : memref<10240x128xf32, #tpu.memory_space<vmem_shared>> -> memref<80x128xf32, #tpu.memory_space<vmem_shared>>
      %dma_wait3A_223 = arith.constant 0 : i32
      %dma_wait3A_224 = tpu.memref_slice %arg9[%add3A_38, %dma_wait3A_223] : memref<10240x128xf32, #tpu.memory_space<vmem_shared>> -> memref<80x128xf32, #tpu.memory_space<vmem_shared>>
      %dma_wait3A_225 = arith.constant 0 : i32
      %dma_wait3A_226 = arith.constant 0 : i32
      %dma_wait3A_227 = tpu.memref_slice %arg7[%run_scoped3A_39, %dma_wait3A_225, %dma_wait3A_226] : memref<3x80x128xf32, #tpu.memory_space<vmem>> -> memref<1x80x128xf32, #tpu.memory_space<vmem>>
      %dma_wait3A_228 = tpu.memref_squeeze %dma_wait3A_227 : memref<1x80x128xf32, #tpu.memory_space<vmem>> -> memref<80x128xf32, #tpu.memory_space<vmem>>
      tpu.wait_dma2 semaphore(%run_scoped3A_204 : memref<!tpu.dma_semaphore, #tpu.memory_space<semaphore_mem>>) src(%dma_wait3A_228 : memref<80x128xf32, #tpu.memory_space<vmem>>) dst(%dma_wait3A_224 : memref<80x128xf32, #tpu.memory_space<vmem_shared>>)
      tpu.yield
    }) : () -> ()
    %run_scoped3A_40 = arith.constant 0 : i32
    "tpu.region"() ({
      %run_scoped3A_204 = tpu.sem_alloc : memref<!tpu.dma_semaphore, #tpu.memory_space<semaphore_mem>>
      %dma_start3A_205 = arith.constant 0 : i32
      %dma_start3A_206 = arith.constant 0 : i32
      %dma_start3A_207 = tpu.memref_slice %arg7[%run_scoped3A_40, %dma_start3A_205, %dma_start3A_206] : memref<3x80x128xf32, #tpu.memory_space<vmem>> -> memref<1x80x16xf32, #tpu.memory_space<vmem>>
      %dma_start3A_208 = tpu.memref_squeeze %dma_start3A_207 : memref<1x80x16xf32, #tpu.memory_space<vmem>> -> memref<80x16xf32, #tpu.memory_space<vmem>>
      %dma_start3A_209 = arith.constant 0 : i32
      %dma_start3A_210 = tpu.memref_slice %arg10[%add3A_38, %dma_start3A_209] : memref<10240x16xf32, #tpu.memory_space<vmem_shared>> -> memref<80x16xf32, #tpu.memory_space<vmem_shared>>
      %dma_start3A_211 = arith.constant 0 : i32
      %dma_start3A_212 = tpu.memref_slice %arg10[%add3A_38, %dma_start3A_211] : memref<10240x16xf32, #tpu.memory_space<vmem_shared>> -> memref<80x16xf32, #tpu.memory_space<vmem_shared>>
      %dma_start3A_213 = arith.constant 0 : i32
      %dma_start3A_214 = arith.constant 0 : i32
      %dma_start3A_215 = tpu.memref_slice %arg7[%run_scoped3A_40, %dma_start3A_213, %dma_start3A_214] : memref<3x80x128xf32, #tpu.memory_space<vmem>> -> memref<1x80x16xf32, #tpu.memory_space<vmem>>
      %dma_start3A_216 = tpu.memref_squeeze %dma_start3A_215 : memref<1x80x16xf32, #tpu.memory_space<vmem>> -> memref<80x16xf32, #tpu.memory_space<vmem>>
      tpu.enqueue_dma source(%dma_start3A_216 : memref<80x16xf32, #tpu.memory_space<vmem>>) target(%dma_start3A_212 : memref<80x16xf32, #tpu.memory_space<vmem_shared>>) target_semaphore(%run_scoped3A_204 : memref<!tpu.dma_semaphore, #tpu.memory_space<semaphore_mem>>)
      %dma_wait3A_217 = arith.constant 0 : i32
      %dma_wait3A_218 = arith.constant 0 : i32
      %dma_wait3A_219 = tpu.memref_slice %arg7[%run_scoped3A_40, %dma_wait3A_217, %dma_wait3A_218] : memref<3x80x128xf32, #tpu.memory_space<vmem>> -> memref<1x80x16xf32, #tpu.memory_space<vmem>>
      %dma_wait3A_220 = tpu.memref_squeeze %dma_wait3A_219 : memref<1x80x16xf32, #tpu.memory_space<vmem>> -> memref<80x16xf32, #tpu.memory_space<vmem>>
      %dma_wait3A_221 = arith.constant 0 : i32
      %dma_wait3A_222 = tpu.memref_slice %arg10[%add3A_38, %dma_wait3A_221] : memref<10240x16xf32, #tpu.memory_space<vmem_shared>> -> memref<80x16xf32, #tpu.memory_space<vmem_shared>>
      %dma_wait3A_223 = arith.constant 0 : i32
      %dma_wait3A_224 = tpu.memref_slice %arg10[%add3A_38, %dma_wait3A_223] : memref<10240x16xf32, #tpu.memory_space<vmem_shared>> -> memref<80x16xf32, #tpu.memory_space<vmem_shared>>
      %dma_wait3A_225 = arith.constant 0 : i32
      %dma_wait3A_226 = arith.constant 0 : i32
      %dma_wait3A_227 = tpu.memref_slice %arg7[%run_scoped3A_40, %dma_wait3A_225, %dma_wait3A_226] : memref<3x80x128xf32, #tpu.memory_space<vmem>> -> memref<1x80x16xf32, #tpu.memory_space<vmem>>
      %dma_wait3A_228 = tpu.memref_squeeze %dma_wait3A_227 : memref<1x80x16xf32, #tpu.memory_space<vmem>> -> memref<80x16xf32, #tpu.memory_space<vmem>>
      tpu.wait_dma2 semaphore(%run_scoped3A_204 : memref<!tpu.dma_semaphore, #tpu.memory_space<semaphore_mem>>) src(%dma_wait3A_228 : memref<80x16xf32, #tpu.memory_space<vmem>>) dst(%dma_wait3A_224 : memref<80x16xf32, #tpu.memory_space<vmem_shared>>)
      tpu.yield
    }) : () -> ()
    %mul3A_41 = arith.constant 640 : i32
    %mul3A_42 = arith.muli %arg1, %mul3A_41 : i32
    %add3A_43 = arith.constant 480 : i32
    %add3A_44 = arith.addi %mul3A_42, %add3A_43 : i32
    %run_scoped3A_45 = arith.constant 0 : i32
    "tpu.region"() ({
      %run_scoped3A_204 = tpu.sem_alloc : memref<!tpu.dma_semaphore, #tpu.memory_space<semaphore_mem>>
      %dma_start3A_205 = arith.constant 0 : i32
      %dma_start3A_206 = arith.constant 0 : i32
      %dma_start3A_207 = tpu.memref_slice %arg7[%run_scoped3A_45, %dma_start3A_205, %dma_start3A_206] : memref<3x80x128xf32, #tpu.memory_space<vmem>> -> memref<1x80x128xf32, #tpu.memory_space<vmem>>
      %dma_start3A_208 = tpu.memref_squeeze %dma_start3A_207 : memref<1x80x128xf32, #tpu.memory_space<vmem>> -> memref<80x128xf32, #tpu.memory_space<vmem>>
      %dma_start3A_209 = arith.constant 0 : i32
      %dma_start3A_210 = tpu.memref_slice %arg9[%add3A_44, %dma_start3A_209] : memref<10240x128xf32, #tpu.memory_space<vmem_shared>> -> memref<80x128xf32, #tpu.memory_space<vmem_shared>>
      %dma_start3A_211 = arith.constant 0 : i32
      %dma_start3A_212 = tpu.memref_slice %arg9[%add3A_44, %dma_start3A_211] : memref<10240x128xf32, #tpu.memory_space<vmem_shared>> -> memref<80x128xf32, #tpu.memory_space<vmem_shared>>
      %dma_start3A_213 = arith.constant 0 : i32
      %dma_start3A_214 = arith.constant 0 : i32
      %dma_start3A_215 = tpu.memref_slice %arg7[%run_scoped3A_45, %dma_start3A_213, %dma_start3A_214] : memref<3x80x128xf32, #tpu.memory_space<vmem>> -> memref<1x80x128xf32, #tpu.memory_space<vmem>>
      %dma_start3A_216 = tpu.memref_squeeze %dma_start3A_215 : memref<1x80x128xf32, #tpu.memory_space<vmem>> -> memref<80x128xf32, #tpu.memory_space<vmem>>
      tpu.enqueue_dma source(%dma_start3A_216 : memref<80x128xf32, #tpu.memory_space<vmem>>) target(%dma_start3A_212 : memref<80x128xf32, #tpu.memory_space<vmem_shared>>) target_semaphore(%run_scoped3A_204 : memref<!tpu.dma_semaphore, #tpu.memory_space<semaphore_mem>>)
      %dma_wait3A_217 = arith.constant 0 : i32
      %dma_wait3A_218 = arith.constant 0 : i32
      %dma_wait3A_219 = tpu.memref_slice %arg7[%run_scoped3A_45, %dma_wait3A_217, %dma_wait3A_218] : memref<3x80x128xf32, #tpu.memory_space<vmem>> -> memref<1x80x128xf32, #tpu.memory_space<vmem>>
      %dma_wait3A_220 = tpu.memref_squeeze %dma_wait3A_219 : memref<1x80x128xf32, #tpu.memory_space<vmem>> -> memref<80x128xf32, #tpu.memory_space<vmem>>
      %dma_wait3A_221 = arith.constant 0 : i32
      %dma_wait3A_222 = tpu.memref_slice %arg9[%add3A_44, %dma_wait3A_221] : memref<10240x128xf32, #tpu.memory_space<vmem_shared>> -> memref<80x128xf32, #tpu.memory_space<vmem_shared>>
      %dma_wait3A_223 = arith.constant 0 : i32
      %dma_wait3A_224 = tpu.memref_slice %arg9[%add3A_44, %dma_wait3A_223] : memref<10240x128xf32, #tpu.memory_space<vmem_shared>> -> memref<80x128xf32, #tpu.memory_space<vmem_shared>>
      %dma_wait3A_225 = arith.constant 0 : i32
      %dma_wait3A_226 = arith.constant 0 : i32
      %dma_wait3A_227 = tpu.memref_slice %arg7[%run_scoped3A_45, %dma_wait3A_225, %dma_wait3A_226] : memref<3x80x128xf32, #tpu.memory_space<vmem>> -> memref<1x80x128xf32, #tpu.memory_space<vmem>>
      %dma_wait3A_228 = tpu.memref_squeeze %dma_wait3A_227 : memref<1x80x128xf32, #tpu.memory_space<vmem>> -> memref<80x128xf32, #tpu.memory_space<vmem>>
      tpu.wait_dma2 semaphore(%run_scoped3A_204 : memref<!tpu.dma_semaphore, #tpu.memory_space<semaphore_mem>>) src(%dma_wait3A_228 : memref<80x128xf32, #tpu.memory_space<vmem>>) dst(%dma_wait3A_224 : memref<80x128xf32, #tpu.memory_space<vmem_shared>>)
      tpu.yield
    }) : () -> ()
    %run_scoped3A_46 = arith.constant 0 : i32
    "tpu.region"() ({
      %run_scoped3A_204 = tpu.sem_alloc : memref<!tpu.dma_semaphore, #tpu.memory_space<semaphore_mem>>
      %dma_start3A_205 = arith.constant 0 : i32
      %dma_start3A_206 = arith.constant 0 : i32
      %dma_start3A_207 = tpu.memref_slice %arg7[%run_scoped3A_46, %dma_start3A_205, %dma_start3A_206] : memref<3x80x128xf32, #tpu.memory_space<vmem>> -> memref<1x80x16xf32, #tpu.memory_space<vmem>>
      %dma_start3A_208 = tpu.memref_squeeze %dma_start3A_207 : memref<1x80x16xf32, #tpu.memory_space<vmem>> -> memref<80x16xf32, #tpu.memory_space<vmem>>
      %dma_start3A_209 = arith.constant 0 : i32
      %dma_start3A_210 = tpu.memref_slice %arg10[%add3A_44, %dma_start3A_209] : memref<10240x16xf32, #tpu.memory_space<vmem_shared>> -> memref<80x16xf32, #tpu.memory_space<vmem_shared>>
      %dma_start3A_211 = arith.constant 0 : i32
      %dma_start3A_212 = tpu.memref_slice %arg10[%add3A_44, %dma_start3A_211] : memref<10240x16xf32, #tpu.memory_space<vmem_shared>> -> memref<80x16xf32, #tpu.memory_space<vmem_shared>>
      %dma_start3A_213 = arith.constant 0 : i32
      %dma_start3A_214 = arith.constant 0 : i32
      %dma_start3A_215 = tpu.memref_slice %arg7[%run_scoped3A_46, %dma_start3A_213, %dma_start3A_214] : memref<3x80x128xf32, #tpu.memory_space<vmem>> -> memref<1x80x16xf32, #tpu.memory_space<vmem>>
      %dma_start3A_216 = tpu.memref_squeeze %dma_start3A_215 : memref<1x80x16xf32, #tpu.memory_space<vmem>> -> memref<80x16xf32, #tpu.memory_space<vmem>>
      tpu.enqueue_dma source(%dma_start3A_216 : memref<80x16xf32, #tpu.memory_space<vmem>>) target(%dma_start3A_212 : memref<80x16xf32, #tpu.memory_space<vmem_shared>>) target_semaphore(%run_scoped3A_204 : memref<!tpu.dma_semaphore, #tpu.memory_space<semaphore_mem>>)
      %dma_wait3A_217 = arith.constant 0 : i32
      %dma_wait3A_218 = arith.constant 0 : i32
      %dma_wait3A_219 = tpu.memref_slice %arg7[%run_scoped3A_46, %dma_wait3A_217, %dma_wait3A_218] : memref<3x80x128xf32, #tpu.memory_space<vmem>> -> memref<1x80x16xf32, #tpu.memory_space<vmem>>
      %dma_wait3A_220 = tpu.memref_squeeze %dma_wait3A_219 : memref<1x80x16xf32, #tpu.memory_space<vmem>> -> memref<80x16xf32, #tpu.memory_space<vmem>>
      %dma_wait3A_221 = arith.constant 0 : i32
      %dma_wait3A_222 = tpu.memref_slice %arg10[%add3A_44, %dma_wait3A_221] : memref<10240x16xf32, #tpu.memory_space<vmem_shared>> -> memref<80x16xf32, #tpu.memory_space<vmem_shared>>
      %dma_wait3A_223 = arith.constant 0 : i32
      %dma_wait3A_224 = tpu.memref_slice %arg10[%add3A_44, %dma_wait3A_223] : memref<10240x16xf32, #tpu.memory_space<vmem_shared>> -> memref<80x16xf32, #tpu.memory_space<vmem_shared>>
      %dma_wait3A_225 = arith.constant 0 : i32
      %dma_wait3A_226 = arith.constant 0 : i32
      %dma_wait3A_227 = tpu.memref_slice %arg7[%run_scoped3A_46, %dma_wait3A_225, %dma_wait3A_226] : memref<3x80x128xf32, #tpu.memory_space<vmem>> -> memref<1x80x16xf32, #tpu.memory_space<vmem>>
      %dma_wait3A_228 = tpu.memref_squeeze %dma_wait3A_227 : memref<1x80x16xf32, #tpu.memory_space<vmem>> -> memref<80x16xf32, #tpu.memory_space<vmem>>
      tpu.wait_dma2 semaphore(%run_scoped3A_204 : memref<!tpu.dma_semaphore, #tpu.memory_space<semaphore_mem>>) src(%dma_wait3A_228 : memref<80x16xf32, #tpu.memory_space<vmem>>) dst(%dma_wait3A_224 : memref<80x16xf32, #tpu.memory_space<vmem_shared>>)
      tpu.yield
    }) : () -> ()
    %mul3A_47 = arith.constant 640 : i32
    %mul3A_48 = arith.muli %arg1, %mul3A_47 : i32
    %add3A_49 = arith.constant 560 : i32
    %add3A_50 = arith.addi %mul3A_48, %add3A_49 : i32
    %run_scoped3A_51 = arith.constant 0 : i32
    "tpu.region"() ({
      %run_scoped3A_204 = tpu.sem_alloc : memref<!tpu.dma_semaphore, #tpu.memory_space<semaphore_mem>>
      %dma_start3A_205 = arith.constant 0 : i32
      %dma_start3A_206 = arith.constant 0 : i32
      %dma_start3A_207 = tpu.memref_slice %arg7[%run_scoped3A_51, %dma_start3A_205, %dma_start3A_206] : memref<3x80x128xf32, #tpu.memory_space<vmem>> -> memref<1x80x128xf32, #tpu.memory_space<vmem>>
      %dma_start3A_208 = tpu.memref_squeeze %dma_start3A_207 : memref<1x80x128xf32, #tpu.memory_space<vmem>> -> memref<80x128xf32, #tpu.memory_space<vmem>>
      %dma_start3A_209 = arith.constant 0 : i32
      %dma_start3A_210 = tpu.memref_slice %arg9[%add3A_50, %dma_start3A_209] : memref<10240x128xf32, #tpu.memory_space<vmem_shared>> -> memref<80x128xf32, #tpu.memory_space<vmem_shared>>
      %dma_start3A_211 = arith.constant 0 : i32
      %dma_start3A_212 = tpu.memref_slice %arg9[%add3A_50, %dma_start3A_211] : memref<10240x128xf32, #tpu.memory_space<vmem_shared>> -> memref<80x128xf32, #tpu.memory_space<vmem_shared>>
      %dma_start3A_213 = arith.constant 0 : i32
      %dma_start3A_214 = arith.constant 0 : i32
      %dma_start3A_215 = tpu.memref_slice %arg7[%run_scoped3A_51, %dma_start3A_213, %dma_start3A_214] : memref<3x80x128xf32, #tpu.memory_space<vmem>> -> memref<1x80x128xf32, #tpu.memory_space<vmem>>
      %dma_start3A_216 = tpu.memref_squeeze %dma_start3A_215 : memref<1x80x128xf32, #tpu.memory_space<vmem>> -> memref<80x128xf32, #tpu.memory_space<vmem>>
      tpu.enqueue_dma source(%dma_start3A_216 : memref<80x128xf32, #tpu.memory_space<vmem>>) target(%dma_start3A_212 : memref<80x128xf32, #tpu.memory_space<vmem_shared>>) target_semaphore(%run_scoped3A_204 : memref<!tpu.dma_semaphore, #tpu.memory_space<semaphore_mem>>)
      %dma_wait3A_217 = arith.constant 0 : i32
      %dma_wait3A_218 = arith.constant 0 : i32
      %dma_wait3A_219 = tpu.memref_slice %arg7[%run_scoped3A_51, %dma_wait3A_217, %dma_wait3A_218] : memref<3x80x128xf32, #tpu.memory_space<vmem>> -> memref<1x80x128xf32, #tpu.memory_space<vmem>>
      %dma_wait3A_220 = tpu.memref_squeeze %dma_wait3A_219 : memref<1x80x128xf32, #tpu.memory_space<vmem>> -> memref<80x128xf32, #tpu.memory_space<vmem>>
      %dma_wait3A_221 = arith.constant 0 : i32
      %dma_wait3A_222 = tpu.memref_slice %arg9[%add3A_50, %dma_wait3A_221] : memref<10240x128xf32, #tpu.memory_space<vmem_shared>> -> memref<80x128xf32, #tpu.memory_space<vmem_shared>>
      %dma_wait3A_223 = arith.constant 0 : i32
      %dma_wait3A_224 = tpu.memref_slice %arg9[%add3A_50, %dma_wait3A_223] : memref<10240x128xf32, #tpu.memory_space<vmem_shared>> -> memref<80x128xf32, #tpu.memory_space<vmem_shared>>
      %dma_wait3A_225 = arith.constant 0 : i32
      %dma_wait3A_226 = arith.constant 0 : i32
      %dma_wait3A_227 = tpu.memref_slice %arg7[%run_scoped3A_51, %dma_wait3A_225, %dma_wait3A_226] : memref<3x80x128xf32, #tpu.memory_space<vmem>> -> memref<1x80x128xf32, #tpu.memory_space<vmem>>
      %dma_wait3A_228 = tpu.memref_squeeze %dma_wait3A_227 : memref<1x80x128xf32, #tpu.memory_space<vmem>> -> memref<80x128xf32, #tpu.memory_space<vmem>>
      tpu.wait_dma2 semaphore(%run_scoped3A_204 : memref<!tpu.dma_semaphore, #tpu.memory_space<semaphore_mem>>) src(%dma_wait3A_228 : memref<80x128xf32, #tpu.memory_space<vmem>>) dst(%dma_wait3A_224 : memref<80x128xf32, #tpu.memory_space<vmem_shared>>)
      tpu.yield
    }) : () -> ()
    %run_scoped3A_52 = arith.constant 0 : i32
    "tpu.region"() ({
      %run_scoped3A_204 = tpu.sem_alloc : memref<!tpu.dma_semaphore, #tpu.memory_space<semaphore_mem>>
      %dma_start3A_205 = arith.constant 0 : i32
      %dma_start3A_206 = arith.constant 0 : i32
      %dma_start3A_207 = tpu.memref_slice %arg7[%run_scoped3A_52, %dma_start3A_205, %dma_start3A_206] : memref<3x80x128xf32, #tpu.memory_space<vmem>> -> memref<1x80x16xf32, #tpu.memory_space<vmem>>
      %dma_start3A_208 = tpu.memref_squeeze %dma_start3A_207 : memref<1x80x16xf32, #tpu.memory_space<vmem>> -> memref<80x16xf32, #tpu.memory_space<vmem>>
      %dma_start3A_209 = arith.constant 0 : i32
      %dma_start3A_210 = tpu.memref_slice %arg10[%add3A_50, %dma_start3A_209] : memref<10240x16xf32, #tpu.memory_space<vmem_shared>> -> memref<80x16xf32, #tpu.memory_space<vmem_shared>>
      %dma_start3A_211 = arith.constant 0 : i32
      %dma_start3A_212 = tpu.memref_slice %arg10[%add3A_50, %dma_start3A_211] : memref<10240x16xf32, #tpu.memory_space<vmem_shared>> -> memref<80x16xf32, #tpu.memory_space<vmem_shared>>
      %dma_start3A_213 = arith.constant 0 : i32
      %dma_start3A_214 = arith.constant 0 : i32
      %dma_start3A_215 = tpu.memref_slice %arg7[%run_scoped3A_52, %dma_start3A_213, %dma_start3A_214] : memref<3x80x128xf32, #tpu.memory_space<vmem>> -> memref<1x80x16xf32, #tpu.memory_space<vmem>>
      %dma_start3A_216 = tpu.memref_squeeze %dma_start3A_215 : memref<1x80x16xf32, #tpu.memory_space<vmem>> -> memref<80x16xf32, #tpu.memory_space<vmem>>
      tpu.enqueue_dma source(%dma_start3A_216 : memref<80x16xf32, #tpu.memory_space<vmem>>) target(%dma_start3A_212 : memref<80x16xf32, #tpu.memory_space<vmem_shared>>) target_semaphore(%run_scoped3A_204 : memref<!tpu.dma_semaphore, #tpu.memory_space<semaphore_mem>>)
      %dma_wait3A_217 = arith.constant 0 : i32
      %dma_wait3A_218 = arith.constant 0 : i32
      %dma_wait3A_219 = tpu.memref_slice %arg7[%run_scoped3A_52, %dma_wait3A_217, %dma_wait3A_218] : memref<3x80x128xf32, #tpu.memory_space<vmem>> -> memref<1x80x16xf32, #tpu.memory_space<vmem>>
      %dma_wait3A_220 = tpu.memref_squeeze %dma_wait3A_219 : memref<1x80x16xf32, #tpu.memory_space<vmem>> -> memref<80x16xf32, #tpu.memory_space<vmem>>
      %dma_wait3A_221 = arith.constant 0 : i32
      %dma_wait3A_222 = tpu.memref_slice %arg10[%add3A_50, %dma_wait3A_221] : memref<10240x16xf32, #tpu.memory_space<vmem_shared>> -> memref<80x16xf32, #tpu.memory_space<vmem_shared>>
      %dma_wait3A_223 = arith.constant 0 : i32
      %dma_wait3A_224 = tpu.memref_slice %arg10[%add3A_50, %dma_wait3A_223] : memref<10240x16xf32, #tpu.memory_space<vmem_shared>> -> memref<80x16xf32, #tpu.memory_space<vmem_shared>>
      %dma_wait3A_225 = arith.constant 0 : i32
      %dma_wait3A_226 = arith.constant 0 : i32
      %dma_wait3A_227 = tpu.memref_slice %arg7[%run_scoped3A_52, %dma_wait3A_225, %dma_wait3A_226] : memref<3x80x128xf32, #tpu.memory_space<vmem>> -> memref<1x80x16xf32, #tpu.memory_space<vmem>>
      %dma_wait3A_228 = tpu.memref_squeeze %dma_wait3A_227 : memref<1x80x16xf32, #tpu.memory_space<vmem>> -> memref<80x16xf32, #tpu.memory_space<vmem>>
      tpu.wait_dma2 semaphore(%run_scoped3A_204 : memref<!tpu.dma_semaphore, #tpu.memory_space<semaphore_mem>>) src(%dma_wait3A_228 : memref<80x16xf32, #tpu.memory_space<vmem>>) dst(%dma_wait3A_224 : memref<80x16xf32, #tpu.memory_space<vmem_shared>>)
      tpu.yield
    }) : () -> ()
    %barrier3A = arith.constant 0 : index
    tpu.barrier barrier_id(%barrier3A)
    %mul3A_53 = arith.constant 10000 : i32
    %mul3A_54 = arith.muli %add3A, %mul3A_53 : i32
    %add3A_55 = arith.constant 0 : i32
    %add3A_56 = arith.addi %mul3A_54, %add3A_55 : i32
    %dma_start3A = arith.constant 0 : i32
    %dma_start3A_57 = arith.constant 0 : i32
    %dma_start3A_58 = arith.constant 0 : i32
    %dma_start3A_59 = tpu.memref_slice %arg6[%dma_start3A, %dma_start3A_57, %dma_start3A_58] : memref<4x2x80xi32, #tpu.memory_space<vmem>> -> memref<1x2x80xi32, #tpu.memory_space<vmem>>
    %dma_start3A_60 = tpu.memref_squeeze %dma_start3A_59 : memref<1x2x80xi32, #tpu.memory_space<vmem>> -> memref<2x80xi32, #tpu.memory_space<vmem>>
    %dma_start3A_61 = arith.constant 0 : i32
    %dma_start3A_62 = tpu.memref_slice %arg3[%dma_start3A_61, %add3A_56] : memref<2x320000xi32, #tpu.memory_space<hbm>> -> memref<2x80xi32, #tpu.memory_space<hbm>>
    %dma_start3A_63 = arith.constant 0 : i32
    %dma_start3A_64 = arith.constant 0 : i32
    %dma_start3A_65 = tpu.memref_slice %arg6[%dma_start3A, %dma_start3A_63, %dma_start3A_64] : memref<4x2x80xi32, #tpu.memory_space<vmem>> -> memref<1x2x80xi32, #tpu.memory_space<vmem>>
    %dma_start3A_66 = tpu.memref_squeeze %dma_start3A_65 : memref<1x2x80xi32, #tpu.memory_space<vmem>> -> memref<2x80xi32, #tpu.memory_space<vmem>>
    %dma_start3A_67 = arith.constant 0 : i32
    %dma_start3A_68 = tpu.memref_slice %arg3[%dma_start3A_67, %add3A_56] : memref<2x320000xi32, #tpu.memory_space<hbm>> -> memref<2x80xi32, #tpu.memory_space<hbm>>
    tpu.enqueue_dma source(%dma_start3A_68 : memref<2x80xi32, #tpu.memory_space<hbm>>) target(%dma_start3A_66 : memref<2x80xi32, #tpu.memory_space<vmem>>) target_semaphore(%arg20 : memref<!tpu.dma_semaphore, #tpu.memory_space<semaphore_mem>>)
    %mul3A_69 = arith.constant 10000 : i32
    %mul3A_70 = arith.muli %add3A, %mul3A_69 : i32
    %add3A_71 = arith.constant 80 : i32
    %add3A_72 = arith.addi %mul3A_70, %add3A_71 : i32
    %dma_start3A_73 = arith.constant 1 : i32
    %dma_start3A_74 = arith.constant 0 : i32
    %dma_start3A_75 = arith.constant 0 : i32
    %dma_start3A_76 = tpu.memref_slice %arg6[%dma_start3A_73, %dma_start3A_74, %dma_start3A_75] : memref<4x2x80xi32, #tpu.memory_space<vmem>> -> memref<1x2x80xi32, #tpu.memory_space<vmem>>
    %dma_start3A_77 = tpu.memref_squeeze %dma_start3A_76 : memref<1x2x80xi32, #tpu.memory_space<vmem>> -> memref<2x80xi32, #tpu.memory_space<vmem>>
    %dma_start3A_78 = arith.constant 0 : i32
    %dma_start3A_79 = tpu.memref_slice %arg3[%dma_start3A_78, %add3A_72] : memref<2x320000xi32, #tpu.memory_space<hbm>> -> memref<2x80xi32, #tpu.memory_space<hbm>>
    %dma_start3A_80 = arith.constant 0 : i32
    %dma_start3A_81 = arith.constant 0 : i32
    %dma_start3A_82 = tpu.memref_slice %arg6[%dma_start3A_73, %dma_start3A_80, %dma_start3A_81] : memref<4x2x80xi32, #tpu.memory_space<vmem>> -> memref<1x2x80xi32, #tpu.memory_space<vmem>>
    %dma_start3A_83 = tpu.memref_squeeze %dma_start3A_82 : memref<1x2x80xi32, #tpu.memory_space<vmem>> -> memref<2x80xi32, #tpu.memory_space<vmem>>
    %dma_start3A_84 = arith.constant 0 : i32
    %dma_start3A_85 = tpu.memref_slice %arg3[%dma_start3A_84, %add3A_72] : memref<2x320000xi32, #tpu.memory_space<hbm>> -> memref<2x80xi32, #tpu.memory_space<hbm>>
    tpu.enqueue_dma source(%dma_start3A_85 : memref<2x80xi32, #tpu.memory_space<hbm>>) target(%dma_start3A_83 : memref<2x80xi32, #tpu.memory_space<vmem>>) target_semaphore(%arg21 : memref<!tpu.dma_semaphore, #tpu.memory_space<semaphore_mem>>)
    %mul3A_86 = arith.constant 10000 : i32
    %mul3A_87 = arith.muli %add3A, %mul3A_86 : i32
    %add3A_88 = arith.constant 0 : i32
    %add3A_89 = arith.addi %mul3A_87, %add3A_88 : i32
    %dma_wait3A = arith.constant 0 : i32
    %dma_wait3A_90 = arith.constant 0 : i32
    %dma_wait3A_91 = arith.constant 0 : i32
    %dma_wait3A_92 = tpu.memref_slice %arg6[%dma_wait3A, %dma_wait3A_90, %dma_wait3A_91] : memref<4x2x80xi32, #tpu.memory_space<vmem>> -> memref<1x2x80xi32, #tpu.memory_space<vmem>>
    %dma_wait3A_93 = tpu.memref_squeeze %dma_wait3A_92 : memref<1x2x80xi32, #tpu.memory_space<vmem>> -> memref<2x80xi32, #tpu.memory_space<vmem>>
    %dma_wait3A_94 = arith.constant 0 : i32
    %dma_wait3A_95 = tpu.memref_slice %arg3[%dma_wait3A_94, %add3A_89] : memref<2x320000xi32, #tpu.memory_space<hbm>> -> memref<2x80xi32, #tpu.memory_space<hbm>>
    %dma_wait3A_96 = arith.constant 0 : i32
    %dma_wait3A_97 = arith.constant 0 : i32
    %dma_wait3A_98 = tpu.memref_slice %arg6[%dma_wait3A, %dma_wait3A_96, %dma_wait3A_97] : memref<4x2x80xi32, #tpu.memory_space<vmem>> -> memref<1x2x80xi32, #tpu.memory_space<vmem>>
    %dma_wait3A_99 = tpu.memref_squeeze %dma_wait3A_98 : memref<1x2x80xi32, #tpu.memory_space<vmem>> -> memref<2x80xi32, #tpu.memory_space<vmem>>
    %dma_wait3A_100 = arith.constant 0 : i32
    %dma_wait3A_101 = tpu.memref_slice %arg3[%dma_wait3A_100, %add3A_89] : memref<2x320000xi32, #tpu.memory_space<hbm>> -> memref<2x80xi32, #tpu.memory_space<hbm>>
    tpu.wait_dma2 semaphore(%arg20 : memref<!tpu.dma_semaphore, #tpu.memory_space<semaphore_mem>>) src(%dma_wait3A_101 : memref<2x80xi32, #tpu.memory_space<hbm>>) dst(%dma_wait3A_99 : memref<2x80xi32, #tpu.memory_space<vmem>>)
    %dma_start3A_102 = arith.constant 0 : i32
    %dma_start3A_103 = arith.constant 0 : i32
    %dma_start3A_104 = arith.constant 0 : i32
    %dma_start3A_105 = arith.constant 0 : i32
    %dma_start3A_106 = arith.constant 0 : i32
    %dma_start3A_107 = tpu.memref_slice %arg7[%dma_start3A_104, %dma_start3A_105, %dma_start3A_106] : memref<3x80x128xf32, #tpu.memory_space<vmem>> -> memref<1x80x128xf32, #tpu.memory_space<vmem>>
    %dma_start3A_108 = tpu.memref_squeeze %dma_start3A_107 : memref<1x80x128xf32, #tpu.memory_space<vmem>> -> memref<80x128xf32, #tpu.memory_space<vmem>>
    %dma_start3A_109 = arith.constant 0 : i32
    %dma_start3A_110 = tpu.memref_slice %arg6[%dma_start3A_102, %dma_start3A_103, %dma_start3A_109] : memref<4x2x80xi32, #tpu.memory_space<vmem>> -> memref<1x1x80xi32, #tpu.memory_space<vmem>>
    %dma_start3A_111 = tpu.memref_squeeze %dma_start3A_110 : memref<1x1x80xi32, #tpu.memory_space<vmem>> -> memref<80xi32, #tpu.memory_space<vmem>>
    %dma_start3A_112 = arith.constant 0 : i32
    %dma_start3A_113 = arith.constant 0 : i32
    %dma_start3A_114 = tpu.memref_slice %arg2[%dma_start3A_112, %dma_start3A_113] : memref<10000x128xf32, #tpu.memory_space<hbm>> -> memref<10000x128xf32, #tpu.memory_space<hbm>>
    tpu.enqueue_indirect_dma source(%dma_start3A_114 : memref<10000x128xf32, #tpu.memory_space<hbm>>) target(%dma_start3A_108 : memref<80x128xf32, #tpu.memory_space<vmem>>) offsets(%dma_start3A_111 : memref<80xi32, #tpu.memory_space<vmem>>) semaphore(%arg11 : memref<!tpu.dma_semaphore, #tpu.memory_space<semaphore_mem>>)
    %scan3A_115 = arith.constant 0 : i32
    %scan3A_116 = arith.constant 11 : i32
    %scan3A_117 = arith.addi %scan3A_115, %scan3A_116 : i32
    %scan3A_118 = arith.constant 1 : i32
    scf.for %scan3A_204 = %scan3A_115 to %scan3A_117 step %scan3A_118  : i32 {
      %mul3A_205 = arith.constant 12 : i32
      %mul3A_206 = arith.muli %scan3A_204, %mul3A_205 : i32
      %add3A_207 = arith.constant 0 : i32
      %add3A_208 = arith.addi %add3A_207, %mul3A_206 : i32
      %add3A_209 = arith.constant 0 : i32
      %add3A_210 = arith.addi %add3A_208, %add3A_209 : i32
      %lt3A = arith.constant 125 : i32
      %lt3A_211 = arith.cmpi slt, %add3A_210, %lt3A : i32
      %convert_element_type3A = arith.extui %lt3A_211 : i1 to i32
      %cond3A = arith.constant 0 : i32
      %cond3A_212 = arith.cmpi ne, %convert_element_type3A, %cond3A : i32
      scf.if %cond3A_212 {
        %add3A_290 = arith.constant 1 : i32
        %add3A_291 = arith.addi %add3A_210, %add3A_290 : i32
        %lt3A_292 = arith.constant 125 : i32
        %lt3A_293 = arith.cmpi slt, %add3A_291, %lt3A_292 : i32
        %convert_element_type3A_294 = arith.extui %lt3A_293 : i1 to i32
        %cond3A_295 = arith.constant 0 : i32
        %cond3A_296 = arith.cmpi ne, %convert_element_type3A_294, %cond3A_295 : i32
        scf.if %cond3A_296 {
          %ge3A = arith.constant 2 : i32
          %ge3A_345 = arith.cmpi sge, %add3A_210, %ge3A : i32
          %convert_element_type3A_346 = arith.extui %ge3A_345 : i1 to i32
          %cond3A_347 = arith.constant 0 : i32
          %cond3A_348 = arith.cmpi ne, %convert_element_type3A_346, %cond3A_347 : i32
          scf.if %cond3A_348 {
            %dma_wait3A_349 = arith.constant 1 : i32
            %dma_wait3A_350 = arith.constant 1 : i32
            %dma_wait3A_351 = arith.constant 1 : i32
            %dma_wait3A_352 = arith.constant 0 : i32
            %dma_wait3A_353 = arith.constant 0 : i32
            %dma_wait3A_354 = tpu.memref_slice %arg7[%dma_wait3A_349, %dma_wait3A_352, %dma_wait3A_353] : memref<3x80x128xf32, #tpu.memory_space<vmem>> -> memref<1x80x128xf32, #tpu.memory_space<vmem>>
            %dma_wait3A_355 = tpu.memref_squeeze %dma_wait3A_354 : memref<1x80x128xf32, #tpu.memory_space<vmem>> -> memref<80x128xf32, #tpu.memory_space<vmem>>
            %dma_wait3A_356 = arith.constant 0 : i32
            %dma_wait3A_357 = tpu.memref_slice %arg6[%dma_wait3A_350, %dma_wait3A_351, %dma_wait3A_356] : memref<4x2x80xi32, #tpu.memory_space<vmem>> -> memref<1x1x80xi32, #tpu.memory_space<vmem>>
            %dma_wait3A_358 = tpu.memref_squeeze %dma_wait3A_357 : memref<1x1x80xi32, #tpu.memory_space<vmem>> -> memref<80xi32, #tpu.memory_space<vmem>>
            %dma_wait3A_359 = arith.constant 0 : i32
            %dma_wait3A_360 = arith.constant 0 : i32
            %dma_wait3A_361 = tpu.memref_slice %arg9[%dma_wait3A_359, %dma_wait3A_360] : memref<10240x128xf32, #tpu.memory_space<vmem_shared>> -> memref<10240x128xf32, #tpu.memory_space<vmem_shared>>
            tpu.wait_indirect_dma semaphore(%arg15 : memref<!tpu.dma_semaphore, #tpu.memory_space<semaphore_mem>>) src(%dma_wait3A_355 : memref<80x128xf32, #tpu.memory_space<vmem>>) dst(%dma_wait3A_361 : memref<10240x128xf32, #tpu.memory_space<vmem_shared>>)
            %dma_wait3A_362 = arith.constant 1 : i32
            %dma_wait3A_363 = arith.constant 1 : i32
            %dma_wait3A_364 = arith.constant 0 : i32
            %dma_wait3A_365 = tpu.memref_slice %arg6[%dma_wait3A_362, %dma_wait3A_363, %dma_wait3A_364] : memref<4x2x80xi32, #tpu.memory_space<vmem>> -> memref<1x1x80xi32, #tpu.memory_space<vmem>>
            %dma_wait3A_366 = tpu.memref_squeeze %dma_wait3A_365 : memref<1x1x80xi32, #tpu.memory_space<vmem>> -> memref<80xi32, #tpu.memory_space<vmem>>
            %dma_wait3A_367 = arith.constant 0 : i32
            %dma_wait3A_368 = arith.constant 0 : i32
            %dma_wait3A_369 = tpu.memref_slice %arg10[%dma_wait3A_367, %dma_wait3A_368] : memref<10240x16xf32, #tpu.memory_space<vmem_shared>> -> memref<10240x16xf32, #tpu.memory_space<vmem_shared>>
            tpu.wait_indirect_dma semaphore(%arg18 : memref<!tpu.dma_semaphore, #tpu.memory_space<semaphore_mem>>) src(%arg8 : memref<80x16xf32, #tpu.memory_space<vmem>>) dst(%dma_wait3A_369 : memref<10240x16xf32, #tpu.memory_space<vmem_shared>>)
          } else {
          }
        } else {
        }
        %add3A_297 = arith.constant 2 : i32
        %add3A_298 = arith.addi %add3A_210, %add3A_297 : i32
        %lt3A_299 = arith.constant 125 : i32
        %lt3A_300 = arith.cmpi slt, %add3A_298, %lt3A_299 : i32
        %convert_element_type3A_301 = arith.extui %lt3A_300 : i1 to i32
        %cond3A_302 = arith.constant 0 : i32
        %cond3A_303 = arith.cmpi ne, %convert_element_type3A_301, %cond3A_302 : i32
        scf.if %cond3A_303 {
          %add3A_345 = arith.constant 2 : i32
          %add3A_346 = arith.addi %add3A_210, %add3A_345 : i32
          %mul3A_347 = arith.constant 10000 : i32
          %mul3A_348 = arith.muli %add3A, %mul3A_347 : i32
          %mul3A_349 = arith.constant 80 : i32
          %mul3A_350 = arith.muli %add3A_346, %mul3A_349 : i32
          %add3A_351 = arith.addi %mul3A_348, %mul3A_350 : i32
          %dma_start3A_352 = arith.constant 2 : i32
          %dma_start3A_353 = arith.constant 0 : i32
          %dma_start3A_354 = arith.constant 0 : i32
          %dma_start3A_355 = tpu.memref_slice %arg6[%dma_start3A_352, %dma_start3A_353, %dma_start3A_354] : memref<4x2x80xi32, #tpu.memory_space<vmem>> -> memref<1x2x80xi32, #tpu.memory_space<vmem>>
          %dma_start3A_356 = tpu.memref_squeeze %dma_start3A_355 : memref<1x2x80xi32, #tpu.memory_space<vmem>> -> memref<2x80xi32, #tpu.memory_space<vmem>>
          %dma_start3A_357 = arith.constant 0 : i32
          %dma_start3A_358 = tpu.memref_slice %arg3[%dma_start3A_357, %add3A_351] : memref<2x320000xi32, #tpu.memory_space<hbm>> -> memref<2x80xi32, #tpu.memory_space<hbm>>
          %dma_start3A_359 = arith.constant 0 : i32
          %dma_start3A_360 = arith.constant 0 : i32
          %dma_start3A_361 = tpu.memref_slice %arg6[%dma_start3A_352, %dma_start3A_359, %dma_start3A_360] : memref<4x2x80xi32, #tpu.memory_space<vmem>> -> memref<1x2x80xi32, #tpu.memory_space<vmem>>
          %dma_start3A_362 = tpu.memref_squeeze %dma_start3A_361 : memref<1x2x80xi32, #tpu.memory_space<vmem>> -> memref<2x80xi32, #tpu.memory_space<vmem>>
          %dma_start3A_363 = arith.constant 0 : i32
          %dma_start3A_364 = tpu.memref_slice %arg3[%dma_start3A_363, %add3A_351] : memref<2x320000xi32, #tpu.memory_space<hbm>> -> memref<2x80xi32, #tpu.memory_space<hbm>>
          tpu.enqueue_dma source(%dma_start3A_364 : memref<2x80xi32, #tpu.memory_space<hbm>>) target(%dma_start3A_362 : memref<2x80xi32, #tpu.memory_space<vmem>>) target_semaphore(%arg22 : memref<!tpu.dma_semaphore, #tpu.memory_space<semaphore_mem>>)
        } else {
        }
        %add3A_304 = arith.constant 1 : i32
        %add3A_305 = arith.addi %add3A_210, %add3A_304 : i32
        %lt3A_306 = arith.constant 125 : i32
        %lt3A_307 = arith.cmpi slt, %add3A_305, %lt3A_306 : i32
        %convert_element_type3A_308 = arith.extui %lt3A_307 : i1 to i32
        %cond3A_309 = arith.constant 0 : i32
        %cond3A_310 = arith.cmpi ne, %convert_element_type3A_308, %cond3A_309 : i32
        scf.if %cond3A_310 {
          %add3A_345 = arith.constant 1 : i32
          %add3A_346 = arith.addi %add3A_210, %add3A_345 : i32
          %mul3A_347 = arith.constant 10000 : i32
          %mul3A_348 = arith.muli %add3A, %mul3A_347 : i32
          %mul3A_349 = arith.constant 80 : i32
          %mul3A_350 = arith.muli %add3A_346, %mul3A_349 : i32
          %add3A_351 = arith.addi %mul3A_348, %mul3A_350 : i32
          %dma_wait3A_352 = arith.constant 1 : i32
          %dma_wait3A_353 = arith.constant 0 : i32
          %dma_wait3A_354 = arith.constant 0 : i32
          %dma_wait3A_355 = tpu.memref_slice %arg6[%dma_wait3A_352, %dma_wait3A_353, %dma_wait3A_354] : memref<4x2x80xi32, #tpu.memory_space<vmem>> -> memref<1x2x80xi32, #tpu.memory_space<vmem>>
          %dma_wait3A_356 = tpu.memref_squeeze %dma_wait3A_355 : memref<1x2x80xi32, #tpu.memory_space<vmem>> -> memref<2x80xi32, #tpu.memory_space<vmem>>
          %dma_wait3A_357 = arith.constant 0 : i32
          %dma_wait3A_358 = tpu.memref_slice %arg3[%dma_wait3A_357, %add3A_351] : memref<2x320000xi32, #tpu.memory_space<hbm>> -> memref<2x80xi32, #tpu.memory_space<hbm>>
          %dma_wait3A_359 = arith.constant 0 : i32
          %dma_wait3A_360 = arith.constant 0 : i32
          %dma_wait3A_361 = tpu.memref_slice %arg6[%dma_wait3A_352, %dma_wait3A_359, %dma_wait3A_360] : memref<4x2x80xi32, #tpu.memory_space<vmem>> -> memref<1x2x80xi32, #tpu.memory_space<vmem>>
          %dma_wait3A_362 = tpu.memref_squeeze %dma_wait3A_361 : memref<1x2x80xi32, #tpu.memory_space<vmem>> -> memref<2x80xi32, #tpu.memory_space<vmem>>
          %dma_wait3A_363 = arith.constant 0 : i32
          %dma_wait3A_364 = tpu.memref_slice %arg3[%dma_wait3A_363, %add3A_351] : memref<2x320000xi32, #tpu.memory_space<hbm>> -> memref<2x80xi32, #tpu.memory_space<hbm>>
          tpu.wait_dma2 semaphore(%arg21 : memref<!tpu.dma_semaphore, #tpu.memory_space<semaphore_mem>>) src(%dma_wait3A_364 : memref<2x80xi32, #tpu.memory_space<hbm>>) dst(%dma_wait3A_362 : memref<2x80xi32, #tpu.memory_space<vmem>>)
          %dma_start3A_365 = arith.constant 1 : i32
          %dma_start3A_366 = arith.constant 0 : i32
          %dma_start3A_367 = arith.constant 1 : i32
          %dma_start3A_368 = arith.constant 0 : i32
          %dma_start3A_369 = arith.constant 0 : i32
          %dma_start3A_370 = tpu.memref_slice %arg7[%dma_start3A_367, %dma_start3A_368, %dma_start3A_369] : memref<3x80x128xf32, #tpu.memory_space<vmem>> -> memref<1x80x128xf32, #tpu.memory_space<vmem>>
          %dma_start3A_371 = tpu.memref_squeeze %dma_start3A_370 : memref<1x80x128xf32, #tpu.memory_space<vmem>> -> memref<80x128xf32, #tpu.memory_space<vmem>>
          %dma_start3A_372 = arith.constant 0 : i32
          %dma_start3A_373 = tpu.memref_slice %arg6[%dma_start3A_365, %dma_start3A_366, %dma_start3A_372] : memref<4x2x80xi32, #tpu.memory_space<vmem>> -> memref<1x1x80xi32, #tpu.memory_space<vmem>>
          %dma_start3A_374 = tpu.memref_squeeze %dma_start3A_373 : memref<1x1x80xi32, #tpu.memory_space<vmem>> -> memref<80xi32, #tpu.memory_space<vmem>>
          %dma_start3A_375 = arith.constant 0 : i32
          %dma_start3A_376 = arith.constant 0 : i32
          %dma_start3A_377 = tpu.memref_slice %arg2[%dma_start3A_375, %dma_start3A_376] : memref<10000x128xf32, #tpu.memory_space<hbm>> -> memref<10000x128xf32, #tpu.memory_space<hbm>>
          tpu.enqueue_indirect_dma source(%dma_start3A_377 : memref<10000x128xf32, #tpu.memory_space<hbm>>) target(%dma_start3A_371 : memref<80x128xf32, #tpu.memory_space<vmem>>) offsets(%dma_start3A_374 : memref<80xi32, #tpu.memory_space<vmem>>) semaphore(%arg12 : memref<!tpu.dma_semaphore, #tpu.memory_space<semaphore_mem>>)
        } else {
        }
        %dma_wait3A_311 = arith.constant 0 : i32
        %dma_wait3A_312 = arith.constant 0 : i32
        %dma_wait3A_313 = arith.constant 0 : i32
        %dma_wait3A_314 = arith.constant 0 : i32
        %dma_wait3A_315 = arith.constant 0 : i32
        %dma_wait3A_316 = tpu.memref_slice %arg7[%dma_wait3A_313, %dma_wait3A_314, %dma_wait3A_315] : memref<3x80x128xf32, #tpu.memory_space<vmem>> -> memref<1x80x128xf32, #tpu.memory_space<vmem>>
        %dma_wait3A_317 = tpu.memref_squeeze %dma_wait3A_316 : memref<1x80x128xf32, #tpu.memory_space<vmem>> -> memref<80x128xf32, #tpu.memory_space<vmem>>
        %dma_wait3A_318 = arith.constant 0 : i32
        %dma_wait3A_319 = tpu.memref_slice %arg6[%dma_wait3A_311, %dma_wait3A_312, %dma_wait3A_318] : memref<4x2x80xi32, #tpu.memory_space<vmem>> -> memref<1x1x80xi32, #tpu.memory_space<vmem>>
        %dma_wait3A_320 = tpu.memref_squeeze %dma_wait3A_319 : memref<1x1x80xi32, #tpu.memory_space<vmem>> -> memref<80xi32, #tpu.memory_space<vmem>>
        %dma_wait3A_321 = arith.constant 0 : i32
        %dma_wait3A_322 = arith.constant 0 : i32
        %dma_wait3A_323 = tpu.memref_slice %arg2[%dma_wait3A_321, %dma_wait3A_322] : memref<10000x128xf32, #tpu.memory_space<hbm>> -> memref<10000x128xf32, #tpu.memory_space<hbm>>
        tpu.wait_indirect_dma semaphore(%arg11 : memref<!tpu.dma_semaphore, #tpu.memory_space<semaphore_mem>>) src(%dma_wait3A_323 : memref<10000x128xf32, #tpu.memory_space<hbm>>) dst(%dma_wait3A_317 : memref<80x128xf32, #tpu.memory_space<vmem>>)
        %dma_start3A_324 = arith.constant 0 : i32
        %dma_start3A_325 = arith.constant 0 : i32
        %dma_start3A_326 = arith.constant 1 : i32
        %dma_start3A_327 = arith.constant 0 : i32
        %dma_start3A_328 = arith.constant 0 : i32
        %dma_start3A_329 = tpu.memref_slice %arg7[%dma_start3A_324, %dma_start3A_327, %dma_start3A_328] : memref<3x80x128xf32, #tpu.memory_space<vmem>> -> memref<1x80x128xf32, #tpu.memory_space<vmem>>
        %dma_start3A_330 = tpu.memref_squeeze %dma_start3A_329 : memref<1x80x128xf32, #tpu.memory_space<vmem>> -> memref<80x128xf32, #tpu.memory_space<vmem>>
        %dma_start3A_331 = arith.constant 0 : i32
        %dma_start3A_332 = tpu.memref_slice %arg6[%dma_start3A_325, %dma_start3A_326, %dma_start3A_331] : memref<4x2x80xi32, #tpu.memory_space<vmem>> -> memref<1x1x80xi32, #tpu.memory_space<vmem>>
        %dma_start3A_333 = tpu.memref_squeeze %dma_start3A_332 : memref<1x1x80xi32, #tpu.memory_space<vmem>> -> memref<80xi32, #tpu.memory_space<vmem>>
        %dma_start3A_334 = arith.constant 0 : i32
        %dma_start3A_335 = arith.constant 0 : i32
        %dma_start3A_336 = tpu.memref_slice %arg9[%dma_start3A_334, %dma_start3A_335] : memref<10240x128xf32, #tpu.memory_space<vmem_shared>> -> memref<10240x128xf32, #tpu.memory_space<vmem_shared>>
        tpu.enqueue_indirect_dma source(%dma_start3A_330 : memref<80x128xf32, #tpu.memory_space<vmem>>) target(%dma_start3A_336 : memref<10240x128xf32, #tpu.memory_space<vmem_shared>>) offsets(%dma_start3A_333 : memref<80xi32, #tpu.memory_space<vmem>>) semaphore(%arg14 : memref<!tpu.dma_semaphore, #tpu.memory_space<semaphore_mem>>) {add = true}
        %dma_start3A_337 = arith.constant 0 : i32
        %dma_start3A_338 = arith.constant 1 : i32
        %dma_start3A_339 = arith.constant 0 : i32
        %dma_start3A_340 = tpu.memref_slice %arg6[%dma_start3A_337, %dma_start3A_338, %dma_start3A_339] : memref<4x2x80xi32, #tpu.memory_space<vmem>> -> memref<1x1x80xi32, #tpu.memory_space<vmem>>
        %dma_start3A_341 = tpu.memref_squeeze %dma_start3A_340 : memref<1x1x80xi32, #tpu.memory_space<vmem>> -> memref<80xi32, #tpu.memory_space<vmem>>
        %dma_start3A_342 = arith.constant 0 : i32
        %dma_start3A_343 = arith.constant 0 : i32
        %dma_start3A_344 = tpu.memref_slice %arg10[%dma_start3A_342, %dma_start3A_343] : memref<10240x16xf32, #tpu.memory_space<vmem_shared>> -> memref<10240x16xf32, #tpu.memory_space<vmem_shared>>
        tpu.enqueue_indirect_dma source(%arg8 : memref<80x16xf32, #tpu.memory_space<vmem>>) target(%dma_start3A_344 : memref<10240x16xf32, #tpu.memory_space<vmem_shared>>) offsets(%dma_start3A_341 : memref<80xi32, #tpu.memory_space<vmem>>) semaphore(%arg17 : memref<!tpu.dma_semaphore, #tpu.memory_space<semaphore_mem>>) {add = true}
      } else {
      }
      %add3A_213 = arith.constant 1 : i32
      %add3A_214 = arith.addi %add3A_208, %add3A_213 : i32
      %lt3A_215 = arith.constant 125 : i32
      %lt3A_216 = arith.cmpi slt, %add3A_214, %lt3A_215 : i32
      %convert_element_type3A_217 = arith.extui %lt3A_216 : i1 to i32
      %cond3A_218 = arith.constant 0 : i32
      %cond3A_219 = arith.cmpi ne, %convert_element_type3A_217, %cond3A_218 : i32
      scf.if %cond3A_219 {
        %add3A_290 = arith.constant 1 : i32
        %add3A_291 = arith.addi %add3A_214, %add3A_290 : i32
        %lt3A_292 = arith.constant 125 : i32
        %lt3A_293 = arith.cmpi slt, %add3A_291, %lt3A_292 : i32
        %convert_element_type3A_294 = arith.extui %lt3A_293 : i1 to i32
        %cond3A_295 = arith.constant 0 : i32
        %cond3A_296 = arith.cmpi ne, %convert_element_type3A_294, %cond3A_295 : i32
        scf.if %cond3A_296 {
          %ge3A = arith.constant 2 : i32
          %ge3A_345 = arith.cmpi sge, %add3A_214, %ge3A : i32
          %convert_element_type3A_346 = arith.extui %ge3A_345 : i1 to i32
          %cond3A_347 = arith.constant 0 : i32
          %cond3A_348 = arith.cmpi ne, %convert_element_type3A_346, %cond3A_347 : i32
          scf.if %cond3A_348 {
            %dma_wait3A_349 = arith.constant 2 : i32
            %dma_wait3A_350 = arith.constant 2 : i32
            %dma_wait3A_351 = arith.constant 1 : i32
            %dma_wait3A_352 = arith.constant 0 : i32
            %dma_wait3A_353 = arith.constant 0 : i32
            %dma_wait3A_354 = tpu.memref_slice %arg7[%dma_wait3A_349, %dma_wait3A_352, %dma_wait3A_353] : memref<3x80x128xf32, #tpu.memory_space<vmem>> -> memref<1x80x128xf32, #tpu.memory_space<vmem>>
            %dma_wait3A_355 = tpu.memref_squeeze %dma_wait3A_354 : memref<1x80x128xf32, #tpu.memory_space<vmem>> -> memref<80x128xf32, #tpu.memory_space<vmem>>
            %dma_wait3A_356 = arith.constant 0 : i32
            %dma_wait3A_357 = tpu.memref_slice %arg6[%dma_wait3A_350, %dma_wait3A_351, %dma_wait3A_356] : memref<4x2x80xi32, #tpu.memory_space<vmem>> -> memref<1x1x80xi32, #tpu.memory_space<vmem>>
            %dma_wait3A_358 = tpu.memref_squeeze %dma_wait3A_357 : memref<1x1x80xi32, #tpu.memory_space<vmem>> -> memref<80xi32, #tpu.memory_space<vmem>>
            %dma_wait3A_359 = arith.constant 0 : i32
            %dma_wait3A_360 = arith.constant 0 : i32
            %dma_wait3A_361 = tpu.memref_slice %arg9[%dma_wait3A_359, %dma_wait3A_360] : memref<10240x128xf32, #tpu.memory_space<vmem_shared>> -> memref<10240x128xf32, #tpu.memory_space<vmem_shared>>
            tpu.wait_indirect_dma semaphore(%arg16 : memref<!tpu.dma_semaphore, #tpu.memory_space<semaphore_mem>>) src(%dma_wait3A_355 : memref<80x128xf32, #tpu.memory_space<vmem>>) dst(%dma_wait3A_361 : memref<10240x128xf32, #tpu.memory_space<vmem_shared>>)
            %dma_wait3A_362 = arith.constant 2 : i32
            %dma_wait3A_363 = arith.constant 1 : i32
            %dma_wait3A_364 = arith.constant 0 : i32
            %dma_wait3A_365 = tpu.memref_slice %arg6[%dma_wait3A_362, %dma_wait3A_363, %dma_wait3A_364] : memref<4x2x80xi32, #tpu.memory_space<vmem>> -> memref<1x1x80xi32, #tpu.memory_space<vmem>>
            %dma_wait3A_366 = tpu.memref_squeeze %dma_wait3A_365 : memref<1x1x80xi32, #tpu.memory_space<vmem>> -> memref<80xi32, #tpu.memory_space<vmem>>
            %dma_wait3A_367 = arith.constant 0 : i32
            %dma_wait3A_368 = arith.constant 0 : i32
            %dma_wait3A_369 = tpu.memref_slice %arg10[%dma_wait3A_367, %dma_wait3A_368] : memref<10240x16xf32, #tpu.memory_space<vmem_shared>> -> memref<10240x16xf32, #tpu.memory_space<vmem_shared>>
            tpu.wait_indirect_dma semaphore(%arg19 : memref<!tpu.dma_semaphore, #tpu.memory_space<semaphore_mem>>) src(%arg8 : memref<80x16xf32, #tpu.memory_space<vmem>>) dst(%dma_wait3A_369 : memref<10240x16xf32, #tpu.memory_space<vmem_shared>>)
          } else {
          }
        } else {
        }
        %add3A_297 = arith.constant 2 : i32
        %add3A_298 = arith.addi %add3A_214, %add3A_297 : i32
        %lt3A_299 = arith.constant 125 : i32
        %lt3A_300 = arith.cmpi slt, %add3A_298, %lt3A_299 : i32
        %convert_element_type3A_301 = arith.extui %lt3A_300 : i1 to i32
        %cond3A_302 = arith.constant 0 : i32
        %cond3A_303 = arith.cmpi ne, %convert_element_type3A_301, %cond3A_302 : i32
        scf.if %cond3A_303 {
          %add3A_345 = arith.constant 2 : i32
          %add3A_346 = arith.addi %add3A_214, %add3A_345 : i32
          %mul3A_347 = arith.constant 10000 : i32
          %mul3A_348 = arith.muli %add3A, %mul3A_347 : i32
          %mul3A_349 = arith.constant 80 : i32
          %mul3A_350 = arith.muli %add3A_346, %mul3A_349 : i32
          %add3A_351 = arith.addi %mul3A_348, %mul3A_350 : i32
          %dma_start3A_352 = arith.constant 3 : i32
          %dma_start3A_353 = arith.constant 0 : i32
          %dma_start3A_354 = arith.constant 0 : i32
          %dma_start3A_355 = tpu.memref_slice %arg6[%dma_start3A_352, %dma_start3A_353, %dma_start3A_354] : memref<4x2x80xi32, #tpu.memory_space<vmem>> -> memref<1x2x80xi32, #tpu.memory_space<vmem>>
          %dma_start3A_356 = tpu.memref_squeeze %dma_start3A_355 : memref<1x2x80xi32, #tpu.memory_space<vmem>> -> memref<2x80xi32, #tpu.memory_space<vmem>>
          %dma_start3A_357 = arith.constant 0 : i32
          %dma_start3A_358 = tpu.memref_slice %arg3[%dma_start3A_357, %add3A_351] : memref<2x320000xi32, #tpu.memory_space<hbm>> -> memref<2x80xi32, #tpu.memory_space<hbm>>
          %dma_start3A_359 = arith.constant 0 : i32
          %dma_start3A_360 = arith.constant 0 : i32
          %dma_start3A_361 = tpu.memref_slice %arg6[%dma_start3A_352, %dma_start3A_359, %dma_start3A_360] : memref<4x2x80xi32, #tpu.memory_space<vmem>> -> memref<1x2x80xi32, #tpu.memory_space<vmem>>
          %dma_start3A_362 = tpu.memref_squeeze %dma_start3A_361 : memref<1x2x80xi32, #tpu.memory_space<vmem>> -> memref<2x80xi32, #tpu.memory_space<vmem>>
          %dma_start3A_363 = arith.constant 0 : i32
          %dma_start3A_364 = tpu.memref_slice %arg3[%dma_start3A_363, %add3A_351] : memref<2x320000xi32, #tpu.memory_space<hbm>> -> memref<2x80xi32, #tpu.memory_space<hbm>>
          tpu.enqueue_dma source(%dma_start3A_364 : memref<2x80xi32, #tpu.memory_space<hbm>>) target(%dma_start3A_362 : memref<2x80xi32, #tpu.memory_space<vmem>>) target_semaphore(%arg23 : memref<!tpu.dma_semaphore, #tpu.memory_space<semaphore_mem>>)
        } else {
        }
        %add3A_304 = arith.constant 1 : i32
        %add3A_305 = arith.addi %add3A_214, %add3A_304 : i32
        %lt3A_306 = arith.constant 125 : i32
        %lt3A_307 = arith.cmpi slt, %add3A_305, %lt3A_306 : i32
        %convert_element_type3A_308 = arith.extui %lt3A_307 : i1 to i32
        %cond3A_309 = arith.constant 0 : i32
        %cond3A_310 = arith.cmpi ne, %convert_element_type3A_308, %cond3A_309 : i32
        scf.if %cond3A_310 {
          %add3A_345 = arith.constant 1 : i32
          %add3A_346 = arith.addi %add3A_214, %add3A_345 : i32
          %mul3A_347 = arith.constant 10000 : i32
          %mul3A_348 = arith.muli %add3A, %mul3A_347 : i32
          %mul3A_349 = arith.constant 80 : i32
          %mul3A_350 = arith.muli %add3A_346, %mul3A_349 : i32
          %add3A_351 = arith.addi %mul3A_348, %mul3A_350 : i32
          %dma_wait3A_352 = arith.constant 2 : i32
          %dma_wait3A_353 = arith.constant 0 : i32
          %dma_wait3A_354 = arith.constant 0 : i32
          %dma_wait3A_355 = tpu.memref_slice %arg6[%dma_wait3A_352, %dma_wait3A_353, %dma_wait3A_354] : memref<4x2x80xi32, #tpu.memory_space<vmem>> -> memref<1x2x80xi32, #tpu.memory_space<vmem>>
          %dma_wait3A_356 = tpu.memref_squeeze %dma_wait3A_355 : memref<1x2x80xi32, #tpu.memory_space<vmem>> -> memref<2x80xi32, #tpu.memory_space<vmem>>
          %dma_wait3A_357 = arith.constant 0 : i32
          %dma_wait3A_358 = tpu.memref_slice %arg3[%dma_wait3A_357, %add3A_351] : memref<2x320000xi32, #tpu.memory_space<hbm>> -> memref<2x80xi32, #tpu.memory_space<hbm>>
          %dma_wait3A_359 = arith.constant 0 : i32
          %dma_wait3A_360 = arith.constant 0 : i32
          %dma_wait3A_361 = tpu.memref_slice %arg6[%dma_wait3A_352, %dma_wait3A_359, %dma_wait3A_360] : memref<4x2x80xi32, #tpu.memory_space<vmem>> -> memref<1x2x80xi32, #tpu.memory_space<vmem>>
          %dma_wait3A_362 = tpu.memref_squeeze %dma_wait3A_361 : memref<1x2x80xi32, #tpu.memory_space<vmem>> -> memref<2x80xi32, #tpu.memory_space<vmem>>
          %dma_wait3A_363 = arith.constant 0 : i32
          %dma_wait3A_364 = tpu.memref_slice %arg3[%dma_wait3A_363, %add3A_351] : memref<2x320000xi32, #tpu.memory_space<hbm>> -> memref<2x80xi32, #tpu.memory_space<hbm>>
          tpu.wait_dma2 semaphore(%arg22 : memref<!tpu.dma_semaphore, #tpu.memory_space<semaphore_mem>>) src(%dma_wait3A_364 : memref<2x80xi32, #tpu.memory_space<hbm>>) dst(%dma_wait3A_362 : memref<2x80xi32, #tpu.memory_space<vmem>>)
          %dma_start3A_365 = arith.constant 2 : i32
          %dma_start3A_366 = arith.constant 0 : i32
          %dma_start3A_367 = arith.constant 2 : i32
          %dma_start3A_368 = arith.constant 0 : i32
          %dma_start3A_369 = arith.constant 0 : i32
          %dma_start3A_370 = tpu.memref_slice %arg7[%dma_start3A_367, %dma_start3A_368, %dma_start3A_369] : memref<3x80x128xf32, #tpu.memory_space<vmem>> -> memref<1x80x128xf32, #tpu.memory_space<vmem>>
          %dma_start3A_371 = tpu.memref_squeeze %dma_start3A_370 : memref<1x80x128xf32, #tpu.memory_space<vmem>> -> memref<80x128xf32, #tpu.memory_space<vmem>>
          %dma_start3A_372 = arith.constant 0 : i32
          %dma_start3A_373 = tpu.memref_slice %arg6[%dma_start3A_365, %dma_start3A_366, %dma_start3A_372] : memref<4x2x80xi32, #tpu.memory_space<vmem>> -> memref<1x1x80xi32, #tpu.memory_space<vmem>>
          %dma_start3A_374 = tpu.memref_squeeze %dma_start3A_373 : memref<1x1x80xi32, #tpu.memory_space<vmem>> -> memref<80xi32, #tpu.memory_space<vmem>>
          %dma_start3A_375 = arith.constant 0 : i32
          %dma_start3A_376 = arith.constant 0 : i32
          %dma_start3A_377 = tpu.memref_slice %arg2[%dma_start3A_375, %dma_start3A_376] : memref<10000x128xf32, #tpu.memory_space<hbm>> -> memref<10000x128xf32, #tpu.memory_space<hbm>>
          tpu.enqueue_indirect_dma source(%dma_start3A_377 : memref<10000x128xf32, #tpu.memory_space<hbm>>) target(%dma_start3A_371 : memref<80x128xf32, #tpu.memory_space<vmem>>) offsets(%dma_start3A_374 : memref<80xi32, #tpu.memory_space<vmem>>) semaphore(%arg13 : memref<!tpu.dma_semaphore, #tpu.memory_space<semaphore_mem>>)
        } else {
        }
        %dma_wait3A_311 = arith.constant 1 : i32
        %dma_wait3A_312 = arith.constant 0 : i32
        %dma_wait3A_313 = arith.constant 1 : i32
        %dma_wait3A_314 = arith.constant 0 : i32
        %dma_wait3A_315 = arith.constant 0 : i32
        %dma_wait3A_316 = tpu.memref_slice %arg7[%dma_wait3A_313, %dma_wait3A_314, %dma_wait3A_315] : memref<3x80x128xf32, #tpu.memory_space<vmem>> -> memref<1x80x128xf32, #tpu.memory_space<vmem>>
        %dma_wait3A_317 = tpu.memref_squeeze %dma_wait3A_316 : memref<1x80x128xf32, #tpu.memory_space<vmem>> -> memref<80x128xf32, #tpu.memory_space<vmem>>
        %dma_wait3A_318 = arith.constant 0 : i32
        %dma_wait3A_319 = tpu.memref_slice %arg6[%dma_wait3A_311, %dma_wait3A_312, %dma_wait3A_318] : memref<4x2x80xi32, #tpu.memory_space<vmem>> -> memref<1x1x80xi32, #tpu.memory_space<vmem>>
        %dma_wait3A_320 = tpu.memref_squeeze %dma_wait3A_319 : memref<1x1x80xi32, #tpu.memory_space<vmem>> -> memref<80xi32, #tpu.memory_space<vmem>>
        %dma_wait3A_321 = arith.constant 0 : i32
        %dma_wait3A_322 = arith.constant 0 : i32
        %dma_wait3A_323 = tpu.memref_slice %arg2[%dma_wait3A_321, %dma_wait3A_322] : memref<10000x128xf32, #tpu.memory_space<hbm>> -> memref<10000x128xf32, #tpu.memory_space<hbm>>
        tpu.wait_indirect_dma semaphore(%arg12 : memref<!tpu.dma_semaphore, #tpu.memory_space<semaphore_mem>>) src(%dma_wait3A_323 : memref<10000x128xf32, #tpu.memory_space<hbm>>) dst(%dma_wait3A_317 : memref<80x128xf32, #tpu.memory_space<vmem>>)
        %dma_start3A_324 = arith.constant 1 : i32
        %dma_start3A_325 = arith.constant 1 : i32
        %dma_start3A_326 = arith.constant 1 : i32
        %dma_start3A_327 = arith.constant 0 : i32
        %dma_start3A_328 = arith.constant 0 : i32
        %dma_start3A_329 = tpu.memref_slice %arg7[%dma_start3A_324, %dma_start3A_327, %dma_start3A_328] : memref<3x80x128xf32, #tpu.memory_space<vmem>> -> memref<1x80x128xf32, #tpu.memory_space<vmem>>
        %dma_start3A_330 = tpu.memref_squeeze %dma_start3A_329 : memref<1x80x128xf32, #tpu.memory_space<vmem>> -> memref<80x128xf32, #tpu.memory_space<vmem>>
        %dma_start3A_331 = arith.constant 0 : i32
        %dma_start3A_332 = tpu.memref_slice %arg6[%dma_start3A_325, %dma_start3A_326, %dma_start3A_331] : memref<4x2x80xi32, #tpu.memory_space<vmem>> -> memref<1x1x80xi32, #tpu.memory_space<vmem>>
        %dma_start3A_333 = tpu.memref_squeeze %dma_start3A_332 : memref<1x1x80xi32, #tpu.memory_space<vmem>> -> memref<80xi32, #tpu.memory_space<vmem>>
        %dma_start3A_334 = arith.constant 0 : i32
        %dma_start3A_335 = arith.constant 0 : i32
        %dma_start3A_336 = tpu.memref_slice %arg9[%dma_start3A_334, %dma_start3A_335] : memref<10240x128xf32, #tpu.memory_space<vmem_shared>> -> memref<10240x128xf32, #tpu.memory_space<vmem_shared>>
        tpu.enqueue_indirect_dma source(%dma_start3A_330 : memref<80x128xf32, #tpu.memory_space<vmem>>) target(%dma_start3A_336 : memref<10240x128xf32, #tpu.memory_space<vmem_shared>>) offsets(%dma_start3A_333 : memref<80xi32, #tpu.memory_space<vmem>>) semaphore(%arg15 : memref<!tpu.dma_semaphore, #tpu.memory_space<semaphore_mem>>) {add = true}
        %dma_start3A_337 = arith.constant 1 : i32
        %dma_start3A_338 = arith.constant 1 : i32
        %dma_start3A_339 = arith.constant 0 : i32
        %dma_start3A_340 = tpu.memref_slice %arg6[%dma_start3A_337, %dma_start3A_338, %dma_start3A_339] : memref<4x2x80xi32, #tpu.memory_space<vmem>> -> memref<1x1x80xi32, #tpu.memory_space<vmem>>
        %dma_start3A_341 = tpu.memref_squeeze %dma_start3A_340 : memref<1x1x80xi32, #tpu.memory_space<vmem>> -> memref<80xi32, #tpu.memory_space<vmem>>
        %dma_start3A_342 = arith.constant 0 : i32
        %dma_start3A_343 = arith.constant 0 : i32
        %dma_start3A_344 = tpu.memref_slice %arg10[%dma_start3A_342, %dma_start3A_343] : memref<10240x16xf32, #tpu.memory_space<vmem_shared>> -> memref<10240x16xf32, #tpu.memory_space<vmem_shared>>
        tpu.enqueue_indirect_dma source(%arg8 : memref<80x16xf32, #tpu.memory_space<vmem>>) target(%dma_start3A_344 : memref<10240x16xf32, #tpu.memory_space<vmem_shared>>) offsets(%dma_start3A_341 : memref<80xi32, #tpu.memory_space<vmem>>) semaphore(%arg18 : memref<!tpu.dma_semaphore, #tpu.memory_space<semaphore_mem>>) {add = true}
      } else {
      }
      %add3A_220 = arith.constant 2 : i32
      %add3A_221 = arith.addi %add3A_208, %add3A_220 : i32
      %lt3A_222 = arith.constant 125 : i32
      %lt3A_223 = arith.cmpi slt, %add3A_221, %lt3A_222 : i32
      %convert_element_type3A_224 = arith.extui %lt3A_223 : i1 to i32
      %cond3A_225 = arith.constant 0 : i32
      %cond3A_226 = arith.cmpi ne, %convert_element_type3A_224, %cond3A_225 : i32
      scf.if %cond3A_226 {
        %add3A_290 = arith.constant 1 : i32
        %add3A_291 = arith.addi %add3A_221, %add3A_290 : i32
        %lt3A_292 = arith.constant 125 : i32
        %lt3A_293 = arith.cmpi slt, %add3A_291, %lt3A_292 : i32
        %convert_element_type3A_294 = arith.extui %lt3A_293 : i1 to i32
        %cond3A_295 = arith.constant 0 : i32
        %cond3A_296 = arith.cmpi ne, %convert_element_type3A_294, %cond3A_295 : i32
        scf.if %cond3A_296 {
          %ge3A = arith.constant 2 : i32
          %ge3A_345 = arith.cmpi sge, %add3A_221, %ge3A : i32
          %convert_element_type3A_346 = arith.extui %ge3A_345 : i1 to i32
          %cond3A_347 = arith.constant 0 : i32
          %cond3A_348 = arith.cmpi ne, %convert_element_type3A_346, %cond3A_347 : i32
          scf.if %cond3A_348 {
            %dma_wait3A_349 = arith.constant 0 : i32
            %dma_wait3A_350 = arith.constant 3 : i32
            %dma_wait3A_351 = arith.constant 1 : i32
            %dma_wait3A_352 = arith.constant 0 : i32
            %dma_wait3A_353 = arith.constant 0 : i32
            %dma_wait3A_354 = tpu.memref_slice %arg7[%dma_wait3A_349, %dma_wait3A_352, %dma_wait3A_353] : memref<3x80x128xf32, #tpu.memory_space<vmem>> -> memref<1x80x128xf32, #tpu.memory_space<vmem>>
            %dma_wait3A_355 = tpu.memref_squeeze %dma_wait3A_354 : memref<1x80x128xf32, #tpu.memory_space<vmem>> -> memref<80x128xf32, #tpu.memory_space<vmem>>
            %dma_wait3A_356 = arith.constant 0 : i32
            %dma_wait3A_357 = tpu.memref_slice %arg6[%dma_wait3A_350, %dma_wait3A_351, %dma_wait3A_356] : memref<4x2x80xi32, #tpu.memory_space<vmem>> -> memref<1x1x80xi32, #tpu.memory_space<vmem>>
            %dma_wait3A_358 = tpu.memref_squeeze %dma_wait3A_357 : memref<1x1x80xi32, #tpu.memory_space<vmem>> -> memref<80xi32, #tpu.memory_space<vmem>>
            %dma_wait3A_359 = arith.constant 0 : i32
            %dma_wait3A_360 = arith.constant 0 : i32
            %dma_wait3A_361 = tpu.memref_slice %arg9[%dma_wait3A_359, %dma_wait3A_360] : memref<10240x128xf32, #tpu.memory_space<vmem_shared>> -> memref<10240x128xf32, #tpu.memory_space<vmem_shared>>
            tpu.wait_indirect_dma semaphore(%arg14 : memref<!tpu.dma_semaphore, #tpu.memory_space<semaphore_mem>>) src(%dma_wait3A_355 : memref<80x128xf32, #tpu.memory_space<vmem>>) dst(%dma_wait3A_361 : memref<10240x128xf32, #tpu.memory_space<vmem_shared>>)
            %dma_wait3A_362 = arith.constant 3 : i32
            %dma_wait3A_363 = arith.constant 1 : i32
            %dma_wait3A_364 = arith.constant 0 : i32
            %dma_wait3A_365 = tpu.memref_slice %arg6[%dma_wait3A_362, %dma_wait3A_363, %dma_wait3A_364] : memref<4x2x80xi32, #tpu.memory_space<vmem>> -> memref<1x1x80xi32, #tpu.memory_space<vmem>>
            %dma_wait3A_366 = tpu.memref_squeeze %dma_wait3A_365 : memref<1x1x80xi32, #tpu.memory_space<vmem>> -> memref<80xi32, #tpu.memory_space<vmem>>
            %dma_wait3A_367 = arith.constant 0 : i32
            %dma_wait3A_368 = arith.constant 0 : i32
            %dma_wait3A_369 = tpu.memref_slice %arg10[%dma_wait3A_367, %dma_wait3A_368] : memref<10240x16xf32, #tpu.memory_space<vmem_shared>> -> memref<10240x16xf32, #tpu.memory_space<vmem_shared>>
            tpu.wait_indirect_dma semaphore(%arg17 : memref<!tpu.dma_semaphore, #tpu.memory_space<semaphore_mem>>) src(%arg8 : memref<80x16xf32, #tpu.memory_space<vmem>>) dst(%dma_wait3A_369 : memref<10240x16xf32, #tpu.memory_space<vmem_shared>>)
          } else {
          }
        } else {
        }
        %add3A_297 = arith.constant 2 : i32
        %add3A_298 = arith.addi %add3A_221, %add3A_297 : i32
        %lt3A_299 = arith.constant 125 : i32
        %lt3A_300 = arith.cmpi slt, %add3A_298, %lt3A_299 : i32
        %convert_element_type3A_301 = arith.extui %lt3A_300 : i1 to i32
        %cond3A_302 = arith.constant 0 : i32
        %cond3A_303 = arith.cmpi ne, %convert_element_type3A_301, %cond3A_302 : i32
        scf.if %cond3A_303 {
          %add3A_345 = arith.constant 2 : i32
          %add3A_346 = arith.addi %add3A_221, %add3A_345 : i32
          %mul3A_347 = arith.constant 10000 : i32
          %mul3A_348 = arith.muli %add3A, %mul3A_347 : i32
          %mul3A_349 = arith.constant 80 : i32
          %mul3A_350 = arith.muli %add3A_346, %mul3A_349 : i32
          %add3A_351 = arith.addi %mul3A_348, %mul3A_350 : i32
          %dma_start3A_352 = arith.constant 0 : i32
          %dma_start3A_353 = arith.constant 0 : i32
          %dma_start3A_354 = arith.constant 0 : i32
          %dma_start3A_355 = tpu.memref_slice %arg6[%dma_start3A_352, %dma_start3A_353, %dma_start3A_354] : memref<4x2x80xi32, #tpu.memory_space<vmem>> -> memref<1x2x80xi32, #tpu.memory_space<vmem>>
          %dma_start3A_356 = tpu.memref_squeeze %dma_start3A_355 : memref<1x2x80xi32, #tpu.memory_space<vmem>> -> memref<2x80xi32, #tpu.memory_space<vmem>>
          %dma_start3A_357 = arith.constant 0 : i32
          %dma_start3A_358 = tpu.memref_slice %arg3[%dma_start3A_357, %add3A_351] : memref<2x320000xi32, #tpu.memory_space<hbm>> -> memref<2x80xi32, #tpu.memory_space<hbm>>
          %dma_start3A_359 = arith.constant 0 : i32
          %dma_start3A_360 = arith.constant 0 : i32
          %dma_start3A_361 = tpu.memref_slice %arg6[%dma_start3A_352, %dma_start3A_359, %dma_start3A_360] : memref<4x2x80xi32, #tpu.memory_space<vmem>> -> memref<1x2x80xi32, #tpu.memory_space<vmem>>
          %dma_start3A_362 = tpu.memref_squeeze %dma_start3A_361 : memref<1x2x80xi32, #tpu.memory_space<vmem>> -> memref<2x80xi32, #tpu.memory_space<vmem>>
          %dma_start3A_363 = arith.constant 0 : i32
          %dma_start3A_364 = tpu.memref_slice %arg3[%dma_start3A_363, %add3A_351] : memref<2x320000xi32, #tpu.memory_space<hbm>> -> memref<2x80xi32, #tpu.memory_space<hbm>>
          tpu.enqueue_dma source(%dma_start3A_364 : memref<2x80xi32, #tpu.memory_space<hbm>>) target(%dma_start3A_362 : memref<2x80xi32, #tpu.memory_space<vmem>>) target_semaphore(%arg20 : memref<!tpu.dma_semaphore, #tpu.memory_space<semaphore_mem>>)
        } else {
        }
        %add3A_304 = arith.constant 1 : i32
        %add3A_305 = arith.addi %add3A_221, %add3A_304 : i32
        %lt3A_306 = arith.constant 125 : i32
        %lt3A_307 = arith.cmpi slt, %add3A_305, %lt3A_306 : i32
        %convert_element_type3A_308 = arith.extui %lt3A_307 : i1 to i32
        %cond3A_309 = arith.constant 0 : i32
        %cond3A_310 = arith.cmpi ne, %convert_element_type3A_308, %cond3A_309 : i32
        scf.if %cond3A_310 {
          %add3A_345 = arith.constant 1 : i32
          %add3A_346 = arith.addi %add3A_221, %add3A_345 : i32
          %mul3A_347 = arith.constant 10000 : i32
          %mul3A_348 = arith.muli %add3A, %mul3A_347 : i32
          %mul3A_349 = arith.constant 80 : i32
          %mul3A_350 = arith.muli %add3A_346, %mul3A_349 : i32
          %add3A_351 = arith.addi %mul3A_348, %mul3A_350 : i32
          %dma_wait3A_352 = arith.constant 3 : i32
          %dma_wait3A_353 = arith.constant 0 : i32
          %dma_wait3A_354 = arith.constant 0 : i32
          %dma_wait3A_355 = tpu.memref_slice %arg6[%dma_wait3A_352, %dma_wait3A_353, %dma_wait3A_354] : memref<4x2x80xi32, #tpu.memory_space<vmem>> -> memref<1x2x80xi32, #tpu.memory_space<vmem>>
          %dma_wait3A_356 = tpu.memref_squeeze %dma_wait3A_355 : memref<1x2x80xi32, #tpu.memory_space<vmem>> -> memref<2x80xi32, #tpu.memory_space<vmem>>
          %dma_wait3A_357 = arith.constant 0 : i32
          %dma_wait3A_358 = tpu.memref_slice %arg3[%dma_wait3A_357, %add3A_351] : memref<2x320000xi32, #tpu.memory_space<hbm>> -> memref<2x80xi32, #tpu.memory_space<hbm>>
          %dma_wait3A_359 = arith.constant 0 : i32
          %dma_wait3A_360 = arith.constant 0 : i32
          %dma_wait3A_361 = tpu.memref_slice %arg6[%dma_wait3A_352, %dma_wait3A_359, %dma_wait3A_360] : memref<4x2x80xi32, #tpu.memory_space<vmem>> -> memref<1x2x80xi32, #tpu.memory_space<vmem>>
          %dma_wait3A_362 = tpu.memref_squeeze %dma_wait3A_361 : memref<1x2x80xi32, #tpu.memory_space<vmem>> -> memref<2x80xi32, #tpu.memory_space<vmem>>
          %dma_wait3A_363 = arith.constant 0 : i32
          %dma_wait3A_364 = tpu.memref_slice %arg3[%dma_wait3A_363, %add3A_351] : memref<2x320000xi32, #tpu.memory_space<hbm>> -> memref<2x80xi32, #tpu.memory_space<hbm>>
          tpu.wait_dma2 semaphore(%arg23 : memref<!tpu.dma_semaphore, #tpu.memory_space<semaphore_mem>>) src(%dma_wait3A_364 : memref<2x80xi32, #tpu.memory_space<hbm>>) dst(%dma_wait3A_362 : memref<2x80xi32, #tpu.memory_space<vmem>>)
          %dma_start3A_365 = arith.constant 3 : i32
          %dma_start3A_366 = arith.constant 0 : i32
          %dma_start3A_367 = arith.constant 0 : i32
          %dma_start3A_368 = arith.constant 0 : i32
          %dma_start3A_369 = arith.constant 0 : i32
          %dma_start3A_370 = tpu.memref_slice %arg7[%dma_start3A_367, %dma_start3A_368, %dma_start3A_369] : memref<3x80x128xf32, #tpu.memory_space<vmem>> -> memref<1x80x128xf32, #tpu.memory_space<vmem>>
          %dma_start3A_371 = tpu.memref_squeeze %dma_start3A_370 : memref<1x80x128xf32, #tpu.memory_space<vmem>> -> memref<80x128xf32, #tpu.memory_space<vmem>>
          %dma_start3A_372 = arith.constant 0 : i32
          %dma_start3A_373 = tpu.memref_slice %arg6[%dma_start3A_365, %dma_start3A_366, %dma_start3A_372] : memref<4x2x80xi32, #tpu.memory_space<vmem>> -> memref<1x1x80xi32, #tpu.memory_space<vmem>>
          %dma_start3A_374 = tpu.memref_squeeze %dma_start3A_373 : memref<1x1x80xi32, #tpu.memory_space<vmem>> -> memref<80xi32, #tpu.memory_space<vmem>>
          %dma_start3A_375 = arith.constant 0 : i32
          %dma_start3A_376 = arith.constant 0 : i32
          %dma_start3A_377 = tpu.memref_slice %arg2[%dma_start3A_375, %dma_start3A_376] : memref<10000x128xf32, #tpu.memory_space<hbm>> -> memref<10000x128xf32, #tpu.memory_space<hbm>>
          tpu.enqueue_indirect_dma source(%dma_start3A_377 : memref<10000x128xf32, #tpu.memory_space<hbm>>) target(%dma_start3A_371 : memref<80x128xf32, #tpu.memory_space<vmem>>) offsets(%dma_start3A_374 : memref<80xi32, #tpu.memory_space<vmem>>) semaphore(%arg11 : memref<!tpu.dma_semaphore, #tpu.memory_space<semaphore_mem>>)
        } else {
        }
        %dma_wait3A_311 = arith.constant 2 : i32
        %dma_wait3A_312 = arith.constant 0 : i32
        %dma_wait3A_313 = arith.constant 2 : i32
        %dma_wait3A_314 = arith.constant 0 : i32
        %dma_wait3A_315 = arith.constant 0 : i32
        %dma_wait3A_316 = tpu.memref_slice %arg7[%dma_wait3A_313, %dma_wait3A_314, %dma_wait3A_315] : memref<3x80x128xf32, #tpu.memory_space<vmem>> -> memref<1x80x128xf32, #tpu.memory_space<vmem>>
        %dma_wait3A_317 = tpu.memref_squeeze %dma_wait3A_316 : memref<1x80x128xf32, #tpu.memory_space<vmem>> -> memref<80x128xf32, #tpu.memory_space<vmem>>
        %dma_wait3A_318 = arith.constant 0 : i32
        %dma_wait3A_319 = tpu.memref_slice %arg6[%dma_wait3A_311, %dma_wait3A_312, %dma_wait3A_318] : memref<4x2x80xi32, #tpu.memory_space<vmem>> -> memref<1x1x80xi32, #tpu.memory_space<vmem>>
        %dma_wait3A_320 = tpu.memref_squeeze %dma_wait3A_319 : memref<1x1x80xi32, #tpu.memory_space<vmem>> -> memref<80xi32, #tpu.memory_space<vmem>>
        %dma_wait3A_321 = arith.constant 0 : i32
        %dma_wait3A_322 = arith.constant 0 : i32
        %dma_wait3A_323 = tpu.memref_slice %arg2[%dma_wait3A_321, %dma_wait3A_322] : memref<10000x128xf32, #tpu.memory_space<hbm>> -> memref<10000x128xf32, #tpu.memory_space<hbm>>
        tpu.wait_indirect_dma semaphore(%arg13 : memref<!tpu.dma_semaphore, #tpu.memory_space<semaphore_mem>>) src(%dma_wait3A_323 : memref<10000x128xf32, #tpu.memory_space<hbm>>) dst(%dma_wait3A_317 : memref<80x128xf32, #tpu.memory_space<vmem>>)
        %dma_start3A_324 = arith.constant 2 : i32
        %dma_start3A_325 = arith.constant 2 : i32
        %dma_start3A_326 = arith.constant 1 : i32
        %dma_start3A_327 = arith.constant 0 : i32
        %dma_start3A_328 = arith.constant 0 : i32
        %dma_start3A_329 = tpu.memref_slice %arg7[%dma_start3A_324, %dma_start3A_327, %dma_start3A_328] : memref<3x80x128xf32, #tpu.memory_space<vmem>> -> memref<1x80x128xf32, #tpu.memory_space<vmem>>
        %dma_start3A_330 = tpu.memref_squeeze %dma_start3A_329 : memref<1x80x128xf32, #tpu.memory_space<vmem>> -> memref<80x128xf32, #tpu.memory_space<vmem>>
        %dma_start3A_331 = arith.constant 0 : i32
        %dma_start3A_332 = tpu.memref_slice %arg6[%dma_start3A_325, %dma_start3A_326, %dma_start3A_331] : memref<4x2x80xi32, #tpu.memory_space<vmem>> -> memref<1x1x80xi32, #tpu.memory_space<vmem>>
        %dma_start3A_333 = tpu.memref_squeeze %dma_start3A_332 : memref<1x1x80xi32, #tpu.memory_space<vmem>> -> memref<80xi32, #tpu.memory_space<vmem>>
        %dma_start3A_334 = arith.constant 0 : i32
        %dma_start3A_335 = arith.constant 0 : i32
        %dma_start3A_336 = tpu.memref_slice %arg9[%dma_start3A_334, %dma_start3A_335] : memref<10240x128xf32, #tpu.memory_space<vmem_shared>> -> memref<10240x128xf32, #tpu.memory_space<vmem_shared>>
        tpu.enqueue_indirect_dma source(%dma_start3A_330 : memref<80x128xf32, #tpu.memory_space<vmem>>) target(%dma_start3A_336 : memref<10240x128xf32, #tpu.memory_space<vmem_shared>>) offsets(%dma_start3A_333 : memref<80xi32, #tpu.memory_space<vmem>>) semaphore(%arg16 : memref<!tpu.dma_semaphore, #tpu.memory_space<semaphore_mem>>) {add = true}
        %dma_start3A_337 = arith.constant 2 : i32
        %dma_start3A_338 = arith.constant 1 : i32
        %dma_start3A_339 = arith.constant 0 : i32
        %dma_start3A_340 = tpu.memref_slice %arg6[%dma_start3A_337, %dma_start3A_338, %dma_start3A_339] : memref<4x2x80xi32, #tpu.memory_space<vmem>> -> memref<1x1x80xi32, #tpu.memory_space<vmem>>
        %dma_start3A_341 = tpu.memref_squeeze %dma_start3A_340 : memref<1x1x80xi32, #tpu.memory_space<vmem>> -> memref<80xi32, #tpu.memory_space<vmem>>
        %dma_start3A_342 = arith.constant 0 : i32
        %dma_start3A_343 = arith.constant 0 : i32
        %dma_start3A_344 = tpu.memref_slice %arg10[%dma_start3A_342, %dma_start3A_343] : memref<10240x16xf32, #tpu.memory_space<vmem_shared>> -> memref<10240x16xf32, #tpu.memory_space<vmem_shared>>
        tpu.enqueue_indirect_dma source(%arg8 : memref<80x16xf32, #tpu.memory_space<vmem>>) target(%dma_start3A_344 : memref<10240x16xf32, #tpu.memory_space<vmem_shared>>) offsets(%dma_start3A_341 : memref<80xi32, #tpu.memory_space<vmem>>) semaphore(%arg19 : memref<!tpu.dma_semaphore, #tpu.memory_space<semaphore_mem>>) {add = true}
      } else {
      }
      %add3A_227 = arith.constant 3 : i32
      %add3A_228 = arith.addi %add3A_208, %add3A_227 : i32
      %lt3A_229 = arith.constant 125 : i32
      %lt3A_230 = arith.cmpi slt, %add3A_228, %lt3A_229 : i32
      %convert_element_type3A_231 = arith.extui %lt3A_230 : i1 to i32
      %cond3A_232 = arith.constant 0 : i32
      %cond3A_233 = arith.cmpi ne, %convert_element_type3A_231, %cond3A_232 : i32
      scf.if %cond3A_233 {
        %add3A_290 = arith.constant 1 : i32
        %add3A_291 = arith.addi %add3A_228, %add3A_290 : i32
        %lt3A_292 = arith.constant 125 : i32
        %lt3A_293 = arith.cmpi slt, %add3A_291, %lt3A_292 : i32
        %convert_element_type3A_294 = arith.extui %lt3A_293 : i1 to i32
        %cond3A_295 = arith.constant 0 : i32
        %cond3A_296 = arith.cmpi ne, %convert_element_type3A_294, %cond3A_295 : i32
        scf.if %cond3A_296 {
          %ge3A = arith.constant 2 : i32
          %ge3A_345 = arith.cmpi sge, %add3A_228, %ge3A : i32
          %convert_element_type3A_346 = arith.extui %ge3A_345 : i1 to i32
          %cond3A_347 = arith.constant 0 : i32
          %cond3A_348 = arith.cmpi ne, %convert_element_type3A_346, %cond3A_347 : i32
          scf.if %cond3A_348 {
            %dma_wait3A_349 = arith.constant 1 : i32
            %dma_wait3A_350 = arith.constant 0 : i32
            %dma_wait3A_351 = arith.constant 1 : i32
            %dma_wait3A_352 = arith.constant 0 : i32
            %dma_wait3A_353 = arith.constant 0 : i32
            %dma_wait3A_354 = tpu.memref_slice %arg7[%dma_wait3A_349, %dma_wait3A_352, %dma_wait3A_353] : memref<3x80x128xf32, #tpu.memory_space<vmem>> -> memref<1x80x128xf32, #tpu.memory_space<vmem>>
            %dma_wait3A_355 = tpu.memref_squeeze %dma_wait3A_354 : memref<1x80x128xf32, #tpu.memory_space<vmem>> -> memref<80x128xf32, #tpu.memory_space<vmem>>
            %dma_wait3A_356 = arith.constant 0 : i32
            %dma_wait3A_357 = tpu.memref_slice %arg6[%dma_wait3A_350, %dma_wait3A_351, %dma_wait3A_356] : memref<4x2x80xi32, #tpu.memory_space<vmem>> -> memref<1x1x80xi32, #tpu.memory_space<vmem>>
            %dma_wait3A_358 = tpu.memref_squeeze %dma_wait3A_357 : memref<1x1x80xi32, #tpu.memory_space<vmem>> -> memref<80xi32, #tpu.memory_space<vmem>>
            %dma_wait3A_359 = arith.constant 0 : i32
            %dma_wait3A_360 = arith.constant 0 : i32
            %dma_wait3A_361 = tpu.memref_slice %arg9[%dma_wait3A_359, %dma_wait3A_360] : memref<10240x128xf32, #tpu.memory_space<vmem_shared>> -> memref<10240x128xf32, #tpu.memory_space<vmem_shared>>
            tpu.wait_indirect_dma semaphore(%arg15 : memref<!tpu.dma_semaphore, #tpu.memory_space<semaphore_mem>>) src(%dma_wait3A_355 : memref<80x128xf32, #tpu.memory_space<vmem>>) dst(%dma_wait3A_361 : memref<10240x128xf32, #tpu.memory_space<vmem_shared>>)
            %dma_wait3A_362 = arith.constant 0 : i32
            %dma_wait3A_363 = arith.constant 1 : i32
            %dma_wait3A_364 = arith.constant 0 : i32
            %dma_wait3A_365 = tpu.memref_slice %arg6[%dma_wait3A_362, %dma_wait3A_363, %dma_wait3A_364] : memref<4x2x80xi32, #tpu.memory_space<vmem>> -> memref<1x1x80xi32, #tpu.memory_space<vmem>>
            %dma_wait3A_366 = tpu.memref_squeeze %dma_wait3A_365 : memref<1x1x80xi32, #tpu.memory_space<vmem>> -> memref<80xi32, #tpu.memory_space<vmem>>
            %dma_wait3A_367 = arith.constant 0 : i32
            %dma_wait3A_368 = arith.constant 0 : i32
            %dma_wait3A_369 = tpu.memref_slice %arg10[%dma_wait3A_367, %dma_wait3A_368] : memref<10240x16xf32, #tpu.memory_space<vmem_shared>> -> memref<10240x16xf32, #tpu.memory_space<vmem_shared>>
            tpu.wait_indirect_dma semaphore(%arg18 : memref<!tpu.dma_semaphore, #tpu.memory_space<semaphore_mem>>) src(%arg8 : memref<80x16xf32, #tpu.memory_space<vmem>>) dst(%dma_wait3A_369 : memref<10240x16xf32, #tpu.memory_space<vmem_shared>>)
          } else {
          }
        } else {
        }
        %add3A_297 = arith.constant 2 : i32
        %add3A_298 = arith.addi %add3A_228, %add3A_297 : i32
        %lt3A_299 = arith.constant 125 : i32
        %lt3A_300 = arith.cmpi slt, %add3A_298, %lt3A_299 : i32
        %convert_element_type3A_301 = arith.extui %lt3A_300 : i1 to i32
        %cond3A_302 = arith.constant 0 : i32
        %cond3A_303 = arith.cmpi ne, %convert_element_type3A_301, %cond3A_302 : i32
        scf.if %cond3A_303 {
          %add3A_345 = arith.constant 2 : i32
          %add3A_346 = arith.addi %add3A_228, %add3A_345 : i32
          %mul3A_347 = arith.constant 10000 : i32
          %mul3A_348 = arith.muli %add3A, %mul3A_347 : i32
          %mul3A_349 = arith.constant 80 : i32
          %mul3A_350 = arith.muli %add3A_346, %mul3A_349 : i32
          %add3A_351 = arith.addi %mul3A_348, %mul3A_350 : i32
          %dma_start3A_352 = arith.constant 1 : i32
          %dma_start3A_353 = arith.constant 0 : i32
          %dma_start3A_354 = arith.constant 0 : i32
          %dma_start3A_355 = tpu.memref_slice %arg6[%dma_start3A_352, %dma_start3A_353, %dma_start3A_354] : memref<4x2x80xi32, #tpu.memory_space<vmem>> -> memref<1x2x80xi32, #tpu.memory_space<vmem>>
          %dma_start3A_356 = tpu.memref_squeeze %dma_start3A_355 : memref<1x2x80xi32, #tpu.memory_space<vmem>> -> memref<2x80xi32, #tpu.memory_space<vmem>>
          %dma_start3A_357 = arith.constant 0 : i32
          %dma_start3A_358 = tpu.memref_slice %arg3[%dma_start3A_357, %add3A_351] : memref<2x320000xi32, #tpu.memory_space<hbm>> -> memref<2x80xi32, #tpu.memory_space<hbm>>
          %dma_start3A_359 = arith.constant 0 : i32
          %dma_start3A_360 = arith.constant 0 : i32
          %dma_start3A_361 = tpu.memref_slice %arg6[%dma_start3A_352, %dma_start3A_359, %dma_start3A_360] : memref<4x2x80xi32, #tpu.memory_space<vmem>> -> memref<1x2x80xi32, #tpu.memory_space<vmem>>
          %dma_start3A_362 = tpu.memref_squeeze %dma_start3A_361 : memref<1x2x80xi32, #tpu.memory_space<vmem>> -> memref<2x80xi32, #tpu.memory_space<vmem>>
          %dma_start3A_363 = arith.constant 0 : i32
          %dma_start3A_364 = tpu.memref_slice %arg3[%dma_start3A_363, %add3A_351] : memref<2x320000xi32, #tpu.memory_space<hbm>> -> memref<2x80xi32, #tpu.memory_space<hbm>>
          tpu.enqueue_dma source(%dma_start3A_364 : memref<2x80xi32, #tpu.memory_space<hbm>>) target(%dma_start3A_362 : memref<2x80xi32, #tpu.memory_space<vmem>>) target_semaphore(%arg21 : memref<!tpu.dma_semaphore, #tpu.memory_space<semaphore_mem>>)
        } else {
        }
        %add3A_304 = arith.constant 1 : i32
        %add3A_305 = arith.addi %add3A_228, %add3A_304 : i32
        %lt3A_306 = arith.constant 125 : i32
        %lt3A_307 = arith.cmpi slt, %add3A_305, %lt3A_306 : i32
        %convert_element_type3A_308 = arith.extui %lt3A_307 : i1 to i32
        %cond3A_309 = arith.constant 0 : i32
        %cond3A_310 = arith.cmpi ne, %convert_element_type3A_308, %cond3A_309 : i32
        scf.if %cond3A_310 {
          %add3A_345 = arith.constant 1 : i32
          %add3A_346 = arith.addi %add3A_228, %add3A_345 : i32
          %mul3A_347 = arith.constant 10000 : i32
          %mul3A_348 = arith.muli %add3A, %mul3A_347 : i32
          %mul3A_349 = arith.constant 80 : i32
          %mul3A_350 = arith.muli %add3A_346, %mul3A_349 : i32
          %add3A_351 = arith.addi %mul3A_348, %mul3A_350 : i32
          %dma_wait3A_352 = arith.constant 0 : i32
          %dma_wait3A_353 = arith.constant 0 : i32
          %dma_wait3A_354 = arith.constant 0 : i32
          %dma_wait3A_355 = tpu.memref_slice %arg6[%dma_wait3A_352, %dma_wait3A_353, %dma_wait3A_354] : memref<4x2x80xi32, #tpu.memory_space<vmem>> -> memref<1x2x80xi32, #tpu.memory_space<vmem>>
          %dma_wait3A_356 = tpu.memref_squeeze %dma_wait3A_355 : memref<1x2x80xi32, #tpu.memory_space<vmem>> -> memref<2x80xi32, #tpu.memory_space<vmem>>
          %dma_wait3A_357 = arith.constant 0 : i32
          %dma_wait3A_358 = tpu.memref_slice %arg3[%dma_wait3A_357, %add3A_351] : memref<2x320000xi32, #tpu.memory_space<hbm>> -> memref<2x80xi32, #tpu.memory_space<hbm>>
          %dma_wait3A_359 = arith.constant 0 : i32
          %dma_wait3A_360 = arith.constant 0 : i32
          %dma_wait3A_361 = tpu.memref_slice %arg6[%dma_wait3A_352, %dma_wait3A_359, %dma_wait3A_360] : memref<4x2x80xi32, #tpu.memory_space<vmem>> -> memref<1x2x80xi32, #tpu.memory_space<vmem>>
          %dma_wait3A_362 = tpu.memref_squeeze %dma_wait3A_361 : memref<1x2x80xi32, #tpu.memory_space<vmem>> -> memref<2x80xi32, #tpu.memory_space<vmem>>
          %dma_wait3A_363 = arith.constant 0 : i32
          %dma_wait3A_364 = tpu.memref_slice %arg3[%dma_wait3A_363, %add3A_351] : memref<2x320000xi32, #tpu.memory_space<hbm>> -> memref<2x80xi32, #tpu.memory_space<hbm>>
          tpu.wait_dma2 semaphore(%arg20 : memref<!tpu.dma_semaphore, #tpu.memory_space<semaphore_mem>>) src(%dma_wait3A_364 : memref<2x80xi32, #tpu.memory_space<hbm>>) dst(%dma_wait3A_362 : memref<2x80xi32, #tpu.memory_space<vmem>>)
          %dma_start3A_365 = arith.constant 0 : i32
          %dma_start3A_366 = arith.constant 0 : i32
          %dma_start3A_367 = arith.constant 1 : i32
          %dma_start3A_368 = arith.constant 0 : i32
          %dma_start3A_369 = arith.constant 0 : i32
          %dma_start3A_370 = tpu.memref_slice %arg7[%dma_start3A_367, %dma_start3A_368, %dma_start3A_369] : memref<3x80x128xf32, #tpu.memory_space<vmem>> -> memref<1x80x128xf32, #tpu.memory_space<vmem>>
          %dma_start3A_371 = tpu.memref_squeeze %dma_start3A_370 : memref<1x80x128xf32, #tpu.memory_space<vmem>> -> memref<80x128xf32, #tpu.memory_space<vmem>>
          %dma_start3A_372 = arith.constant 0 : i32
          %dma_start3A_373 = tpu.memref_slice %arg6[%dma_start3A_365, %dma_start3A_366, %dma_start3A_372] : memref<4x2x80xi32, #tpu.memory_space<vmem>> -> memref<1x1x80xi32, #tpu.memory_space<vmem>>
          %dma_start3A_374 = tpu.memref_squeeze %dma_start3A_373 : memref<1x1x80xi32, #tpu.memory_space<vmem>> -> memref<80xi32, #tpu.memory_space<vmem>>
          %dma_start3A_375 = arith.constant 0 : i32
          %dma_start3A_376 = arith.constant 0 : i32
          %dma_start3A_377 = tpu.memref_slice %arg2[%dma_start3A_375, %dma_start3A_376] : memref<10000x128xf32, #tpu.memory_space<hbm>> -> memref<10000x128xf32, #tpu.memory_space<hbm>>
          tpu.enqueue_indirect_dma source(%dma_start3A_377 : memref<10000x128xf32, #tpu.memory_space<hbm>>) target(%dma_start3A_371 : memref<80x128xf32, #tpu.memory_space<vmem>>) offsets(%dma_start3A_374 : memref<80xi32, #tpu.memory_space<vmem>>) semaphore(%arg12 : memref<!tpu.dma_semaphore, #tpu.memory_space<semaphore_mem>>)
        } else {
        }
        %dma_wait3A_311 = arith.constant 3 : i32
        %dma_wait3A_312 = arith.constant 0 : i32
        %dma_wait3A_313 = arith.constant 0 : i32
        %dma_wait3A_314 = arith.constant 0 : i32
        %dma_wait3A_315 = arith.constant 0 : i32
        %dma_wait3A_316 = tpu.memref_slice %arg7[%dma_wait3A_313, %dma_wait3A_314, %dma_wait3A_315] : memref<3x80x128xf32, #tpu.memory_space<vmem>> -> memref<1x80x128xf32, #tpu.memory_space<vmem>>
        %dma_wait3A_317 = tpu.memref_squeeze %dma_wait3A_316 : memref<1x80x128xf32, #tpu.memory_space<vmem>> -> memref<80x128xf32, #tpu.memory_space<vmem>>
        %dma_wait3A_318 = arith.constant 0 : i32
        %dma_wait3A_319 = tpu.memref_slice %arg6[%dma_wait3A_311, %dma_wait3A_312, %dma_wait3A_318] : memref<4x2x80xi32, #tpu.memory_space<vmem>> -> memref<1x1x80xi32, #tpu.memory_space<vmem>>
        %dma_wait3A_320 = tpu.memref_squeeze %dma_wait3A_319 : memref<1x1x80xi32, #tpu.memory_space<vmem>> -> memref<80xi32, #tpu.memory_space<vmem>>
        %dma_wait3A_321 = arith.constant 0 : i32
        %dma_wait3A_322 = arith.constant 0 : i32
        %dma_wait3A_323 = tpu.memref_slice %arg2[%dma_wait3A_321, %dma_wait3A_322] : memref<10000x128xf32, #tpu.memory_space<hbm>> -> memref<10000x128xf32, #tpu.memory_space<hbm>>
        tpu.wait_indirect_dma semaphore(%arg11 : memref<!tpu.dma_semaphore, #tpu.memory_space<semaphore_mem>>) src(%dma_wait3A_323 : memref<10000x128xf32, #tpu.memory_space<hbm>>) dst(%dma_wait3A_317 : memref<80x128xf32, #tpu.memory_space<vmem>>)
        %dma_start3A_324 = arith.constant 0 : i32
        %dma_start3A_325 = arith.constant 3 : i32
        %dma_start3A_326 = arith.constant 1 : i32
        %dma_start3A_327 = arith.constant 0 : i32
        %dma_start3A_328 = arith.constant 0 : i32
        %dma_start3A_329 = tpu.memref_slice %arg7[%dma_start3A_324, %dma_start3A_327, %dma_start3A_328] : memref<3x80x128xf32, #tpu.memory_space<vmem>> -> memref<1x80x128xf32, #tpu.memory_space<vmem>>
        %dma_start3A_330 = tpu.memref_squeeze %dma_start3A_329 : memref<1x80x128xf32, #tpu.memory_space<vmem>> -> memref<80x128xf32, #tpu.memory_space<vmem>>
        %dma_start3A_331 = arith.constant 0 : i32
        %dma_start3A_332 = tpu.memref_slice %arg6[%dma_start3A_325, %dma_start3A_326, %dma_start3A_331] : memref<4x2x80xi32, #tpu.memory_space<vmem>> -> memref<1x1x80xi32, #tpu.memory_space<vmem>>
        %dma_start3A_333 = tpu.memref_squeeze %dma_start3A_332 : memref<1x1x80xi32, #tpu.memory_space<vmem>> -> memref<80xi32, #tpu.memory_space<vmem>>
        %dma_start3A_334 = arith.constant 0 : i32
        %dma_start3A_335 = arith.constant 0 : i32
        %dma_start3A_336 = tpu.memref_slice %arg9[%dma_start3A_334, %dma_start3A_335] : memref<10240x128xf32, #tpu.memory_space<vmem_shared>> -> memref<10240x128xf32, #tpu.memory_space<vmem_shared>>
        tpu.enqueue_indirect_dma source(%dma_start3A_330 : memref<80x128xf32, #tpu.memory_space<vmem>>) target(%dma_start3A_336 : memref<10240x128xf32, #tpu.memory_space<vmem_shared>>) offsets(%dma_start3A_333 : memref<80xi32, #tpu.memory_space<vmem>>) semaphore(%arg14 : memref<!tpu.dma_semaphore, #tpu.memory_space<semaphore_mem>>) {add = true}
        %dma_start3A_337 = arith.constant 3 : i32
        %dma_start3A_338 = arith.constant 1 : i32
        %dma_start3A_339 = arith.constant 0 : i32
        %dma_start3A_340 = tpu.memref_slice %arg6[%dma_start3A_337, %dma_start3A_338, %dma_start3A_339] : memref<4x2x80xi32, #tpu.memory_space<vmem>> -> memref<1x1x80xi32, #tpu.memory_space<vmem>>
        %dma_start3A_341 = tpu.memref_squeeze %dma_start3A_340 : memref<1x1x80xi32, #tpu.memory_space<vmem>> -> memref<80xi32, #tpu.memory_space<vmem>>
        %dma_start3A_342 = arith.constant 0 : i32
        %dma_start3A_343 = arith.constant 0 : i32
        %dma_start3A_344 = tpu.memref_slice %arg10[%dma_start3A_342, %dma_start3A_343] : memref<10240x16xf32, #tpu.memory_space<vmem_shared>> -> memref<10240x16xf32, #tpu.memory_space<vmem_shared>>
        tpu.enqueue_indirect_dma source(%arg8 : memref<80x16xf32, #tpu.memory_space<vmem>>) target(%dma_start3A_344 : memref<10240x16xf32, #tpu.memory_space<vmem_shared>>) offsets(%dma_start3A_341 : memref<80xi32, #tpu.memory_space<vmem>>) semaphore(%arg17 : memref<!tpu.dma_semaphore, #tpu.memory_space<semaphore_mem>>) {add = true}
      } else {
      }
      %add3A_234 = arith.constant 4 : i32
      %add3A_235 = arith.addi %add3A_208, %add3A_234 : i32
      %lt3A_236 = arith.constant 125 : i32
      %lt3A_237 = arith.cmpi slt, %add3A_235, %lt3A_236 : i32
      %convert_element_type3A_238 = arith.extui %lt3A_237 : i1 to i32
      %cond3A_239 = arith.constant 0 : i32
      %cond3A_240 = arith.cmpi ne, %convert_element_type3A_238, %cond3A_239 : i32
      scf.if %cond3A_240 {
        %add3A_290 = arith.constant 1 : i32
        %add3A_291 = arith.addi %add3A_235, %add3A_290 : i32
        %lt3A_292 = arith.constant 125 : i32
        %lt3A_293 = arith.cmpi slt, %add3A_291, %lt3A_292 : i32
        %convert_element_type3A_294 = arith.extui %lt3A_293 : i1 to i32
        %cond3A_295 = arith.constant 0 : i32
        %cond3A_296 = arith.cmpi ne, %convert_element_type3A_294, %cond3A_295 : i32
        scf.if %cond3A_296 {
          %ge3A = arith.constant 2 : i32
          %ge3A_345 = arith.cmpi sge, %add3A_235, %ge3A : i32
          %convert_element_type3A_346 = arith.extui %ge3A_345 : i1 to i32
          %cond3A_347 = arith.constant 0 : i32
          %cond3A_348 = arith.cmpi ne, %convert_element_type3A_346, %cond3A_347 : i32
          scf.if %cond3A_348 {
            %dma_wait3A_349 = arith.constant 2 : i32
            %dma_wait3A_350 = arith.constant 1 : i32
            %dma_wait3A_351 = arith.constant 1 : i32
            %dma_wait3A_352 = arith.constant 0 : i32
            %dma_wait3A_353 = arith.constant 0 : i32
            %dma_wait3A_354 = tpu.memref_slice %arg7[%dma_wait3A_349, %dma_wait3A_352, %dma_wait3A_353] : memref<3x80x128xf32, #tpu.memory_space<vmem>> -> memref<1x80x128xf32, #tpu.memory_space<vmem>>
            %dma_wait3A_355 = tpu.memref_squeeze %dma_wait3A_354 : memref<1x80x128xf32, #tpu.memory_space<vmem>> -> memref<80x128xf32, #tpu.memory_space<vmem>>
            %dma_wait3A_356 = arith.constant 0 : i32
            %dma_wait3A_357 = tpu.memref_slice %arg6[%dma_wait3A_350, %dma_wait3A_351, %dma_wait3A_356] : memref<4x2x80xi32, #tpu.memory_space<vmem>> -> memref<1x1x80xi32, #tpu.memory_space<vmem>>
            %dma_wait3A_358 = tpu.memref_squeeze %dma_wait3A_357 : memref<1x1x80xi32, #tpu.memory_space<vmem>> -> memref<80xi32, #tpu.memory_space<vmem>>
            %dma_wait3A_359 = arith.constant 0 : i32
            %dma_wait3A_360 = arith.constant 0 : i32
            %dma_wait3A_361 = tpu.memref_slice %arg9[%dma_wait3A_359, %dma_wait3A_360] : memref<10240x128xf32, #tpu.memory_space<vmem_shared>> -> memref<10240x128xf32, #tpu.memory_space<vmem_shared>>
            tpu.wait_indirect_dma semaphore(%arg16 : memref<!tpu.dma_semaphore, #tpu.memory_space<semaphore_mem>>) src(%dma_wait3A_355 : memref<80x128xf32, #tpu.memory_space<vmem>>) dst(%dma_wait3A_361 : memref<10240x128xf32, #tpu.memory_space<vmem_shared>>)
            %dma_wait3A_362 = arith.constant 1 : i32
            %dma_wait3A_363 = arith.constant 1 : i32
            %dma_wait3A_364 = arith.constant 0 : i32
            %dma_wait3A_365 = tpu.memref_slice %arg6[%dma_wait3A_362, %dma_wait3A_363, %dma_wait3A_364] : memref<4x2x80xi32, #tpu.memory_space<vmem>> -> memref<1x1x80xi32, #tpu.memory_space<vmem>>
            %dma_wait3A_366 = tpu.memref_squeeze %dma_wait3A_365 : memref<1x1x80xi32, #tpu.memory_space<vmem>> -> memref<80xi32, #tpu.memory_space<vmem>>
            %dma_wait3A_367 = arith.constant 0 : i32
            %dma_wait3A_368 = arith.constant 0 : i32
            %dma_wait3A_369 = tpu.memref_slice %arg10[%dma_wait3A_367, %dma_wait3A_368] : memref<10240x16xf32, #tpu.memory_space<vmem_shared>> -> memref<10240x16xf32, #tpu.memory_space<vmem_shared>>
            tpu.wait_indirect_dma semaphore(%arg19 : memref<!tpu.dma_semaphore, #tpu.memory_space<semaphore_mem>>) src(%arg8 : memref<80x16xf32, #tpu.memory_space<vmem>>) dst(%dma_wait3A_369 : memref<10240x16xf32, #tpu.memory_space<vmem_shared>>)
          } else {
          }
        } else {
        }
        %add3A_297 = arith.constant 2 : i32
        %add3A_298 = arith.addi %add3A_235, %add3A_297 : i32
        %lt3A_299 = arith.constant 125 : i32
        %lt3A_300 = arith.cmpi slt, %add3A_298, %lt3A_299 : i32
        %convert_element_type3A_301 = arith.extui %lt3A_300 : i1 to i32
        %cond3A_302 = arith.constant 0 : i32
        %cond3A_303 = arith.cmpi ne, %convert_element_type3A_301, %cond3A_302 : i32
        scf.if %cond3A_303 {
          %add3A_345 = arith.constant 2 : i32
          %add3A_346 = arith.addi %add3A_235, %add3A_345 : i32
          %mul3A_347 = arith.constant 10000 : i32
          %mul3A_348 = arith.muli %add3A, %mul3A_347 : i32
          %mul3A_349 = arith.constant 80 : i32
          %mul3A_350 = arith.muli %add3A_346, %mul3A_349 : i32
          %add3A_351 = arith.addi %mul3A_348, %mul3A_350 : i32
          %dma_start3A_352 = arith.constant 2 : i32
          %dma_start3A_353 = arith.constant 0 : i32
          %dma_start3A_354 = arith.constant 0 : i32
          %dma_start3A_355 = tpu.memref_slice %arg6[%dma_start3A_352, %dma_start3A_353, %dma_start3A_354] : memref<4x2x80xi32, #tpu.memory_space<vmem>> -> memref<1x2x80xi32, #tpu.memory_space<vmem>>
          %dma_start3A_356 = tpu.memref_squeeze %dma_start3A_355 : memref<1x2x80xi32, #tpu.memory_space<vmem>> -> memref<2x80xi32, #tpu.memory_space<vmem>>
          %dma_start3A_357 = arith.constant 0 : i32
          %dma_start3A_358 = tpu.memref_slice %arg3[%dma_start3A_357, %add3A_351] : memref<2x320000xi32, #tpu.memory_space<hbm>> -> memref<2x80xi32, #tpu.memory_space<hbm>>
          %dma_start3A_359 = arith.constant 0 : i32
          %dma_start3A_360 = arith.constant 0 : i32
          %dma_start3A_361 = tpu.memref_slice %arg6[%dma_start3A_352, %dma_start3A_359, %dma_start3A_360] : memref<4x2x80xi32, #tpu.memory_space<vmem>> -> memref<1x2x80xi32, #tpu.memory_space<vmem>>
          %dma_start3A_362 = tpu.memref_squeeze %dma_start3A_361 : memref<1x2x80xi32, #tpu.memory_space<vmem>> -> memref<2x80xi32, #tpu.memory_space<vmem>>
          %dma_start3A_363 = arith.constant 0 : i32
          %dma_start3A_364 = tpu.memref_slice %arg3[%dma_start3A_363, %add3A_351] : memref<2x320000xi32, #tpu.memory_space<hbm>> -> memref<2x80xi32, #tpu.memory_space<hbm>>
          tpu.enqueue_dma source(%dma_start3A_364 : memref<2x80xi32, #tpu.memory_space<hbm>>) target(%dma_start3A_362 : memref<2x80xi32, #tpu.memory_space<vmem>>) target_semaphore(%arg22 : memref<!tpu.dma_semaphore, #tpu.memory_space<semaphore_mem>>)
        } else {
        }
        %add3A_304 = arith.constant 1 : i32
        %add3A_305 = arith.addi %add3A_235, %add3A_304 : i32
        %lt3A_306 = arith.constant 125 : i32
        %lt3A_307 = arith.cmpi slt, %add3A_305, %lt3A_306 : i32
        %convert_element_type3A_308 = arith.extui %lt3A_307 : i1 to i32
        %cond3A_309 = arith.constant 0 : i32
        %cond3A_310 = arith.cmpi ne, %convert_element_type3A_308, %cond3A_309 : i32
        scf.if %cond3A_310 {
          %add3A_345 = arith.constant 1 : i32
          %add3A_346 = arith.addi %add3A_235, %add3A_345 : i32
          %mul3A_347 = arith.constant 10000 : i32
          %mul3A_348 = arith.muli %add3A, %mul3A_347 : i32
          %mul3A_349 = arith.constant 80 : i32
          %mul3A_350 = arith.muli %add3A_346, %mul3A_349 : i32
          %add3A_351 = arith.addi %mul3A_348, %mul3A_350 : i32
          %dma_wait3A_352 = arith.constant 1 : i32
          %dma_wait3A_353 = arith.constant 0 : i32
          %dma_wait3A_354 = arith.constant 0 : i32
          %dma_wait3A_355 = tpu.memref_slice %arg6[%dma_wait3A_352, %dma_wait3A_353, %dma_wait3A_354] : memref<4x2x80xi32, #tpu.memory_space<vmem>> -> memref<1x2x80xi32, #tpu.memory_space<vmem>>
          %dma_wait3A_356 = tpu.memref_squeeze %dma_wait3A_355 : memref<1x2x80xi32, #tpu.memory_space<vmem>> -> memref<2x80xi32, #tpu.memory_space<vmem>>
          %dma_wait3A_357 = arith.constant 0 : i32
          %dma_wait3A_358 = tpu.memref_slice %arg3[%dma_wait3A_357, %add3A_351] : memref<2x320000xi32, #tpu.memory_space<hbm>> -> memref<2x80xi32, #tpu.memory_space<hbm>>
          %dma_wait3A_359 = arith.constant 0 : i32
          %dma_wait3A_360 = arith.constant 0 : i32
          %dma_wait3A_361 = tpu.memref_slice %arg6[%dma_wait3A_352, %dma_wait3A_359, %dma_wait3A_360] : memref<4x2x80xi32, #tpu.memory_space<vmem>> -> memref<1x2x80xi32, #tpu.memory_space<vmem>>
          %dma_wait3A_362 = tpu.memref_squeeze %dma_wait3A_361 : memref<1x2x80xi32, #tpu.memory_space<vmem>> -> memref<2x80xi32, #tpu.memory_space<vmem>>
          %dma_wait3A_363 = arith.constant 0 : i32
          %dma_wait3A_364 = tpu.memref_slice %arg3[%dma_wait3A_363, %add3A_351] : memref<2x320000xi32, #tpu.memory_space<hbm>> -> memref<2x80xi32, #tpu.memory_space<hbm>>
          tpu.wait_dma2 semaphore(%arg21 : memref<!tpu.dma_semaphore, #tpu.memory_space<semaphore_mem>>) src(%dma_wait3A_364 : memref<2x80xi32, #tpu.memory_space<hbm>>) dst(%dma_wait3A_362 : memref<2x80xi32, #tpu.memory_space<vmem>>)
          %dma_start3A_365 = arith.constant 1 : i32
          %dma_start3A_366 = arith.constant 0 : i32
          %dma_start3A_367 = arith.constant 2 : i32
          %dma_start3A_368 = arith.constant 0 : i32
          %dma_start3A_369 = arith.constant 0 : i32
          %dma_start3A_370 = tpu.memref_slice %arg7[%dma_start3A_367, %dma_start3A_368, %dma_start3A_369] : memref<3x80x128xf32, #tpu.memory_space<vmem>> -> memref<1x80x128xf32, #tpu.memory_space<vmem>>
          %dma_start3A_371 = tpu.memref_squeeze %dma_start3A_370 : memref<1x80x128xf32, #tpu.memory_space<vmem>> -> memref<80x128xf32, #tpu.memory_space<vmem>>
          %dma_start3A_372 = arith.constant 0 : i32
          %dma_start3A_373 = tpu.memref_slice %arg6[%dma_start3A_365, %dma_start3A_366, %dma_start3A_372] : memref<4x2x80xi32, #tpu.memory_space<vmem>> -> memref<1x1x80xi32, #tpu.memory_space<vmem>>
          %dma_start3A_374 = tpu.memref_squeeze %dma_start3A_373 : memref<1x1x80xi32, #tpu.memory_space<vmem>> -> memref<80xi32, #tpu.memory_space<vmem>>
          %dma_start3A_375 = arith.constant 0 : i32
          %dma_start3A_376 = arith.constant 0 : i32
          %dma_start3A_377 = tpu.memref_slice %arg2[%dma_start3A_375, %dma_start3A_376] : memref<10000x128xf32, #tpu.memory_space<hbm>> -> memref<10000x128xf32, #tpu.memory_space<hbm>>
          tpu.enqueue_indirect_dma source(%dma_start3A_377 : memref<10000x128xf32, #tpu.memory_space<hbm>>) target(%dma_start3A_371 : memref<80x128xf32, #tpu.memory_space<vmem>>) offsets(%dma_start3A_374 : memref<80xi32, #tpu.memory_space<vmem>>) semaphore(%arg13 : memref<!tpu.dma_semaphore, #tpu.memory_space<semaphore_mem>>)
        } else {
        }
        %dma_wait3A_311 = arith.constant 0 : i32
        %dma_wait3A_312 = arith.constant 0 : i32
        %dma_wait3A_313 = arith.constant 1 : i32
        %dma_wait3A_314 = arith.constant 0 : i32
        %dma_wait3A_315 = arith.constant 0 : i32
        %dma_wait3A_316 = tpu.memref_slice %arg7[%dma_wait3A_313, %dma_wait3A_314, %dma_wait3A_315] : memref<3x80x128xf32, #tpu.memory_space<vmem>> -> memref<1x80x128xf32, #tpu.memory_space<vmem>>
        %dma_wait3A_317 = tpu.memref_squeeze %dma_wait3A_316 : memref<1x80x128xf32, #tpu.memory_space<vmem>> -> memref<80x128xf32, #tpu.memory_space<vmem>>
        %dma_wait3A_318 = arith.constant 0 : i32
        %dma_wait3A_319 = tpu.memref_slice %arg6[%dma_wait3A_311, %dma_wait3A_312, %dma_wait3A_318] : memref<4x2x80xi32, #tpu.memory_space<vmem>> -> memref<1x1x80xi32, #tpu.memory_space<vmem>>
        %dma_wait3A_320 = tpu.memref_squeeze %dma_wait3A_319 : memref<1x1x80xi32, #tpu.memory_space<vmem>> -> memref<80xi32, #tpu.memory_space<vmem>>
        %dma_wait3A_321 = arith.constant 0 : i32
        %dma_wait3A_322 = arith.constant 0 : i32
        %dma_wait3A_323 = tpu.memref_slice %arg2[%dma_wait3A_321, %dma_wait3A_322] : memref<10000x128xf32, #tpu.memory_space<hbm>> -> memref<10000x128xf32, #tpu.memory_space<hbm>>
        tpu.wait_indirect_dma semaphore(%arg12 : memref<!tpu.dma_semaphore, #tpu.memory_space<semaphore_mem>>) src(%dma_wait3A_323 : memref<10000x128xf32, #tpu.memory_space<hbm>>) dst(%dma_wait3A_317 : memref<80x128xf32, #tpu.memory_space<vmem>>)
        %dma_start3A_324 = arith.constant 1 : i32
        %dma_start3A_325 = arith.constant 0 : i32
        %dma_start3A_326 = arith.constant 1 : i32
        %dma_start3A_327 = arith.constant 0 : i32
        %dma_start3A_328 = arith.constant 0 : i32
        %dma_start3A_329 = tpu.memref_slice %arg7[%dma_start3A_324, %dma_start3A_327, %dma_start3A_328] : memref<3x80x128xf32, #tpu.memory_space<vmem>> -> memref<1x80x128xf32, #tpu.memory_space<vmem>>
        %dma_start3A_330 = tpu.memref_squeeze %dma_start3A_329 : memref<1x80x128xf32, #tpu.memory_space<vmem>> -> memref<80x128xf32, #tpu.memory_space<vmem>>
        %dma_start3A_331 = arith.constant 0 : i32
        %dma_start3A_332 = tpu.memref_slice %arg6[%dma_start3A_325, %dma_start3A_326, %dma_start3A_331] : memref<4x2x80xi32, #tpu.memory_space<vmem>> -> memref<1x1x80xi32, #tpu.memory_space<vmem>>
        %dma_start3A_333 = tpu.memref_squeeze %dma_start3A_332 : memref<1x1x80xi32, #tpu.memory_space<vmem>> -> memref<80xi32, #tpu.memory_space<vmem>>
        %dma_start3A_334 = arith.constant 0 : i32
        %dma_start3A_335 = arith.constant 0 : i32
        %dma_start3A_336 = tpu.memref_slice %arg9[%dma_start3A_334, %dma_start3A_335] : memref<10240x128xf32, #tpu.memory_space<vmem_shared>> -> memref<10240x128xf32, #tpu.memory_space<vmem_shared>>
        tpu.enqueue_indirect_dma source(%dma_start3A_330 : memref<80x128xf32, #tpu.memory_space<vmem>>) target(%dma_start3A_336 : memref<10240x128xf32, #tpu.memory_space<vmem_shared>>) offsets(%dma_start3A_333 : memref<80xi32, #tpu.memory_space<vmem>>) semaphore(%arg15 : memref<!tpu.dma_semaphore, #tpu.memory_space<semaphore_mem>>) {add = true}
        %dma_start3A_337 = arith.constant 0 : i32
        %dma_start3A_338 = arith.constant 1 : i32
        %dma_start3A_339 = arith.constant 0 : i32
        %dma_start3A_340 = tpu.memref_slice %arg6[%dma_start3A_337, %dma_start3A_338, %dma_start3A_339] : memref<4x2x80xi32, #tpu.memory_space<vmem>> -> memref<1x1x80xi32, #tpu.memory_space<vmem>>
        %dma_start3A_341 = tpu.memref_squeeze %dma_start3A_340 : memref<1x1x80xi32, #tpu.memory_space<vmem>> -> memref<80xi32, #tpu.memory_space<vmem>>
        %dma_start3A_342 = arith.constant 0 : i32
        %dma_start3A_343 = arith.constant 0 : i32
        %dma_start3A_344 = tpu.memref_slice %arg10[%dma_start3A_342, %dma_start3A_343] : memref<10240x16xf32, #tpu.memory_space<vmem_shared>> -> memref<10240x16xf32, #tpu.memory_space<vmem_shared>>
        tpu.enqueue_indirect_dma source(%arg8 : memref<80x16xf32, #tpu.memory_space<vmem>>) target(%dma_start3A_344 : memref<10240x16xf32, #tpu.memory_space<vmem_shared>>) offsets(%dma_start3A_341 : memref<80xi32, #tpu.memory_space<vmem>>) semaphore(%arg18 : memref<!tpu.dma_semaphore, #tpu.memory_space<semaphore_mem>>) {add = true}
      } else {
      }
      %add3A_241 = arith.constant 5 : i32
      %add3A_242 = arith.addi %add3A_208, %add3A_241 : i32
      %lt3A_243 = arith.constant 125 : i32
      %lt3A_244 = arith.cmpi slt, %add3A_242, %lt3A_243 : i32
      %convert_element_type3A_245 = arith.extui %lt3A_244 : i1 to i32
      %cond3A_246 = arith.constant 0 : i32
      %cond3A_247 = arith.cmpi ne, %convert_element_type3A_245, %cond3A_246 : i32
      scf.if %cond3A_247 {
        %add3A_290 = arith.constant 1 : i32
        %add3A_291 = arith.addi %add3A_242, %add3A_290 : i32
        %lt3A_292 = arith.constant 125 : i32
        %lt3A_293 = arith.cmpi slt, %add3A_291, %lt3A_292 : i32
        %convert_element_type3A_294 = arith.extui %lt3A_293 : i1 to i32
        %cond3A_295 = arith.constant 0 : i32
        %cond3A_296 = arith.cmpi ne, %convert_element_type3A_294, %cond3A_295 : i32
        scf.if %cond3A_296 {
          %ge3A = arith.constant 2 : i32
          %ge3A_345 = arith.cmpi sge, %add3A_242, %ge3A : i32
          %convert_element_type3A_346 = arith.extui %ge3A_345 : i1 to i32
          %cond3A_347 = arith.constant 0 : i32
          %cond3A_348 = arith.cmpi ne, %convert_element_type3A_346, %cond3A_347 : i32
          scf.if %cond3A_348 {
            %dma_wait3A_349 = arith.constant 0 : i32
            %dma_wait3A_350 = arith.constant 2 : i32
            %dma_wait3A_351 = arith.constant 1 : i32
            %dma_wait3A_352 = arith.constant 0 : i32
            %dma_wait3A_353 = arith.constant 0 : i32
            %dma_wait3A_354 = tpu.memref_slice %arg7[%dma_wait3A_349, %dma_wait3A_352, %dma_wait3A_353] : memref<3x80x128xf32, #tpu.memory_space<vmem>> -> memref<1x80x128xf32, #tpu.memory_space<vmem>>
            %dma_wait3A_355 = tpu.memref_squeeze %dma_wait3A_354 : memref<1x80x128xf32, #tpu.memory_space<vmem>> -> memref<80x128xf32, #tpu.memory_space<vmem>>
            %dma_wait3A_356 = arith.constant 0 : i32
            %dma_wait3A_357 = tpu.memref_slice %arg6[%dma_wait3A_350, %dma_wait3A_351, %dma_wait3A_356] : memref<4x2x80xi32, #tpu.memory_space<vmem>> -> memref<1x1x80xi32, #tpu.memory_space<vmem>>
            %dma_wait3A_358 = tpu.memref_squeeze %dma_wait3A_357 : memref<1x1x80xi32, #tpu.memory_space<vmem>> -> memref<80xi32, #tpu.memory_space<vmem>>
            %dma_wait3A_359 = arith.constant 0 : i32
            %dma_wait3A_360 = arith.constant 0 : i32
            %dma_wait3A_361 = tpu.memref_slice %arg9[%dma_wait3A_359, %dma_wait3A_360] : memref<10240x128xf32, #tpu.memory_space<vmem_shared>> -> memref<10240x128xf32, #tpu.memory_space<vmem_shared>>
            tpu.wait_indirect_dma semaphore(%arg14 : memref<!tpu.dma_semaphore, #tpu.memory_space<semaphore_mem>>) src(%dma_wait3A_355 : memref<80x128xf32, #tpu.memory_space<vmem>>) dst(%dma_wait3A_361 : memref<10240x128xf32, #tpu.memory_space<vmem_shared>>)
            %dma_wait3A_362 = arith.constant 2 : i32
            %dma_wait3A_363 = arith.constant 1 : i32
            %dma_wait3A_364 = arith.constant 0 : i32
            %dma_wait3A_365 = tpu.memref_slice %arg6[%dma_wait3A_362, %dma_wait3A_363, %dma_wait3A_364] : memref<4x2x80xi32, #tpu.memory_space<vmem>> -> memref<1x1x80xi32, #tpu.memory_space<vmem>>
            %dma_wait3A_366 = tpu.memref_squeeze %dma_wait3A_365 : memref<1x1x80xi32, #tpu.memory_space<vmem>> -> memref<80xi32, #tpu.memory_space<vmem>>
            %dma_wait3A_367 = arith.constant 0 : i32
            %dma_wait3A_368 = arith.constant 0 : i32
            %dma_wait3A_369 = tpu.memref_slice %arg10[%dma_wait3A_367, %dma_wait3A_368] : memref<10240x16xf32, #tpu.memory_space<vmem_shared>> -> memref<10240x16xf32, #tpu.memory_space<vmem_shared>>
            tpu.wait_indirect_dma semaphore(%arg17 : memref<!tpu.dma_semaphore, #tpu.memory_space<semaphore_mem>>) src(%arg8 : memref<80x16xf32, #tpu.memory_space<vmem>>) dst(%dma_wait3A_369 : memref<10240x16xf32, #tpu.memory_space<vmem_shared>>)
          } else {
          }
        } else {
        }
        %add3A_297 = arith.constant 2 : i32
        %add3A_298 = arith.addi %add3A_242, %add3A_297 : i32
        %lt3A_299 = arith.constant 125 : i32
        %lt3A_300 = arith.cmpi slt, %add3A_298, %lt3A_299 : i32
        %convert_element_type3A_301 = arith.extui %lt3A_300 : i1 to i32
        %cond3A_302 = arith.constant 0 : i32
        %cond3A_303 = arith.cmpi ne, %convert_element_type3A_301, %cond3A_302 : i32
        scf.if %cond3A_303 {
          %add3A_345 = arith.constant 2 : i32
          %add3A_346 = arith.addi %add3A_242, %add3A_345 : i32
          %mul3A_347 = arith.constant 10000 : i32
          %mul3A_348 = arith.muli %add3A, %mul3A_347 : i32
          %mul3A_349 = arith.constant 80 : i32
          %mul3A_350 = arith.muli %add3A_346, %mul3A_349 : i32
          %add3A_351 = arith.addi %mul3A_348, %mul3A_350 : i32
          %dma_start3A_352 = arith.constant 3 : i32
          %dma_start3A_353 = arith.constant 0 : i32
          %dma_start3A_354 = arith.constant 0 : i32
          %dma_start3A_355 = tpu.memref_slice %arg6[%dma_start3A_352, %dma_start3A_353, %dma_start3A_354] : memref<4x2x80xi32, #tpu.memory_space<vmem>> -> memref<1x2x80xi32, #tpu.memory_space<vmem>>
          %dma_start3A_356 = tpu.memref_squeeze %dma_start3A_355 : memref<1x2x80xi32, #tpu.memory_space<vmem>> -> memref<2x80xi32, #tpu.memory_space<vmem>>
          %dma_start3A_357 = arith.constant 0 : i32
          %dma_start3A_358 = tpu.memref_slice %arg3[%dma_start3A_357, %add3A_351] : memref<2x320000xi32, #tpu.memory_space<hbm>> -> memref<2x80xi32, #tpu.memory_space<hbm>>
          %dma_start3A_359 = arith.constant 0 : i32
          %dma_start3A_360 = arith.constant 0 : i32
          %dma_start3A_361 = tpu.memref_slice %arg6[%dma_start3A_352, %dma_start3A_359, %dma_start3A_360] : memref<4x2x80xi32, #tpu.memory_space<vmem>> -> memref<1x2x80xi32, #tpu.memory_space<vmem>>
          %dma_start3A_362 = tpu.memref_squeeze %dma_start3A_361 : memref<1x2x80xi32, #tpu.memory_space<vmem>> -> memref<2x80xi32, #tpu.memory_space<vmem>>
          %dma_start3A_363 = arith.constant 0 : i32
          %dma_start3A_364 = tpu.memref_slice %arg3[%dma_start3A_363, %add3A_351] : memref<2x320000xi32, #tpu.memory_space<hbm>> -> memref<2x80xi32, #tpu.memory_space<hbm>>
          tpu.enqueue_dma source(%dma_start3A_364 : memref<2x80xi32, #tpu.memory_space<hbm>>) target(%dma_start3A_362 : memref<2x80xi32, #tpu.memory_space<vmem>>) target_semaphore(%arg23 : memref<!tpu.dma_semaphore, #tpu.memory_space<semaphore_mem>>)
        } else {
        }
        %add3A_304 = arith.constant 1 : i32
        %add3A_305 = arith.addi %add3A_242, %add3A_304 : i32
        %lt3A_306 = arith.constant 125 : i32
        %lt3A_307 = arith.cmpi slt, %add3A_305, %lt3A_306 : i32
        %convert_element_type3A_308 = arith.extui %lt3A_307 : i1 to i32
        %cond3A_309 = arith.constant 0 : i32
        %cond3A_310 = arith.cmpi ne, %convert_element_type3A_308, %cond3A_309 : i32
        scf.if %cond3A_310 {
          %add3A_345 = arith.constant 1 : i32
          %add3A_346 = arith.addi %add3A_242, %add3A_345 : i32
          %mul3A_347 = arith.constant 10000 : i32
          %mul3A_348 = arith.muli %add3A, %mul3A_347 : i32
          %mul3A_349 = arith.constant 80 : i32
          %mul3A_350 = arith.muli %add3A_346, %mul3A_349 : i32
          %add3A_351 = arith.addi %mul3A_348, %mul3A_350 : i32
          %dma_wait3A_352 = arith.constant 2 : i32
          %dma_wait3A_353 = arith.constant 0 : i32
          %dma_wait3A_354 = arith.constant 0 : i32
          %dma_wait3A_355 = tpu.memref_slice %arg6[%dma_wait3A_352, %dma_wait3A_353, %dma_wait3A_354] : memref<4x2x80xi32, #tpu.memory_space<vmem>> -> memref<1x2x80xi32, #tpu.memory_space<vmem>>
          %dma_wait3A_356 = tpu.memref_squeeze %dma_wait3A_355 : memref<1x2x80xi32, #tpu.memory_space<vmem>> -> memref<2x80xi32, #tpu.memory_space<vmem>>
          %dma_wait3A_357 = arith.constant 0 : i32
          %dma_wait3A_358 = tpu.memref_slice %arg3[%dma_wait3A_357, %add3A_351] : memref<2x320000xi32, #tpu.memory_space<hbm>> -> memref<2x80xi32, #tpu.memory_space<hbm>>
          %dma_wait3A_359 = arith.constant 0 : i32
          %dma_wait3A_360 = arith.constant 0 : i32
          %dma_wait3A_361 = tpu.memref_slice %arg6[%dma_wait3A_352, %dma_wait3A_359, %dma_wait3A_360] : memref<4x2x80xi32, #tpu.memory_space<vmem>> -> memref<1x2x80xi32, #tpu.memory_space<vmem>>
          %dma_wait3A_362 = tpu.memref_squeeze %dma_wait3A_361 : memref<1x2x80xi32, #tpu.memory_space<vmem>> -> memref<2x80xi32, #tpu.memory_space<vmem>>
          %dma_wait3A_363 = arith.constant 0 : i32
          %dma_wait3A_364 = tpu.memref_slice %arg3[%dma_wait3A_363, %add3A_351] : memref<2x320000xi32, #tpu.memory_space<hbm>> -> memref<2x80xi32, #tpu.memory_space<hbm>>
          tpu.wait_dma2 semaphore(%arg22 : memref<!tpu.dma_semaphore, #tpu.memory_space<semaphore_mem>>) src(%dma_wait3A_364 : memref<2x80xi32, #tpu.memory_space<hbm>>) dst(%dma_wait3A_362 : memref<2x80xi32, #tpu.memory_space<vmem>>)
          %dma_start3A_365 = arith.constant 2 : i32
          %dma_start3A_366 = arith.constant 0 : i32
          %dma_start3A_367 = arith.constant 0 : i32
          %dma_start3A_368 = arith.constant 0 : i32
          %dma_start3A_369 = arith.constant 0 : i32
          %dma_start3A_370 = tpu.memref_slice %arg7[%dma_start3A_367, %dma_start3A_368, %dma_start3A_369] : memref<3x80x128xf32, #tpu.memory_space<vmem>> -> memref<1x80x128xf32, #tpu.memory_space<vmem>>
          %dma_start3A_371 = tpu.memref_squeeze %dma_start3A_370 : memref<1x80x128xf32, #tpu.memory_space<vmem>> -> memref<80x128xf32, #tpu.memory_space<vmem>>
          %dma_start3A_372 = arith.constant 0 : i32
          %dma_start3A_373 = tpu.memref_slice %arg6[%dma_start3A_365, %dma_start3A_366, %dma_start3A_372] : memref<4x2x80xi32, #tpu.memory_space<vmem>> -> memref<1x1x80xi32, #tpu.memory_space<vmem>>
          %dma_start3A_374 = tpu.memref_squeeze %dma_start3A_373 : memref<1x1x80xi32, #tpu.memory_space<vmem>> -> memref<80xi32, #tpu.memory_space<vmem>>
          %dma_start3A_375 = arith.constant 0 : i32
          %dma_start3A_376 = arith.constant 0 : i32
          %dma_start3A_377 = tpu.memref_slice %arg2[%dma_start3A_375, %dma_start3A_376] : memref<10000x128xf32, #tpu.memory_space<hbm>> -> memref<10000x128xf32, #tpu.memory_space<hbm>>
          tpu.enqueue_indirect_dma source(%dma_start3A_377 : memref<10000x128xf32, #tpu.memory_space<hbm>>) target(%dma_start3A_371 : memref<80x128xf32, #tpu.memory_space<vmem>>) offsets(%dma_start3A_374 : memref<80xi32, #tpu.memory_space<vmem>>) semaphore(%arg11 : memref<!tpu.dma_semaphore, #tpu.memory_space<semaphore_mem>>)
        } else {
        }
        %dma_wait3A_311 = arith.constant 1 : i32
        %dma_wait3A_312 = arith.constant 0 : i32
        %dma_wait3A_313 = arith.constant 2 : i32
        %dma_wait3A_314 = arith.constant 0 : i32
        %dma_wait3A_315 = arith.constant 0 : i32
        %dma_wait3A_316 = tpu.memref_slice %arg7[%dma_wait3A_313, %dma_wait3A_314, %dma_wait3A_315] : memref<3x80x128xf32, #tpu.memory_space<vmem>> -> memref<1x80x128xf32, #tpu.memory_space<vmem>>
        %dma_wait3A_317 = tpu.memref_squeeze %dma_wait3A_316 : memref<1x80x128xf32, #tpu.memory_space<vmem>> -> memref<80x128xf32, #tpu.memory_space<vmem>>
        %dma_wait3A_318 = arith.constant 0 : i32
        %dma_wait3A_319 = tpu.memref_slice %arg6[%dma_wait3A_311, %dma_wait3A_312, %dma_wait3A_318] : memref<4x2x80xi32, #tpu.memory_space<vmem>> -> memref<1x1x80xi32, #tpu.memory_space<vmem>>
        %dma_wait3A_320 = tpu.memref_squeeze %dma_wait3A_319 : memref<1x1x80xi32, #tpu.memory_space<vmem>> -> memref<80xi32, #tpu.memory_space<vmem>>
        %dma_wait3A_321 = arith.constant 0 : i32
        %dma_wait3A_322 = arith.constant 0 : i32
        %dma_wait3A_323 = tpu.memref_slice %arg2[%dma_wait3A_321, %dma_wait3A_322] : memref<10000x128xf32, #tpu.memory_space<hbm>> -> memref<10000x128xf32, #tpu.memory_space<hbm>>
        tpu.wait_indirect_dma semaphore(%arg13 : memref<!tpu.dma_semaphore, #tpu.memory_space<semaphore_mem>>) src(%dma_wait3A_323 : memref<10000x128xf32, #tpu.memory_space<hbm>>) dst(%dma_wait3A_317 : memref<80x128xf32, #tpu.memory_space<vmem>>)
        %dma_start3A_324 = arith.constant 2 : i32
        %dma_start3A_325 = arith.constant 1 : i32
        %dma_start3A_326 = arith.constant 1 : i32
        %dma_start3A_327 = arith.constant 0 : i32
        %dma_start3A_328 = arith.constant 0 : i32
        %dma_start3A_329 = tpu.memref_slice %arg7[%dma_start3A_324, %dma_start3A_327, %dma_start3A_328] : memref<3x80x128xf32, #tpu.memory_space<vmem>> -> memref<1x80x128xf32, #tpu.memory_space<vmem>>
        %dma_start3A_330 = tpu.memref_squeeze %dma_start3A_329 : memref<1x80x128xf32, #tpu.memory_space<vmem>> -> memref<80x128xf32, #tpu.memory_space<vmem>>
        %dma_start3A_331 = arith.constant 0 : i32
        %dma_start3A_332 = tpu.memref_slice %arg6[%dma_start3A_325, %dma_start3A_326, %dma_start3A_331] : memref<4x2x80xi32, #tpu.memory_space<vmem>> -> memref<1x1x80xi32, #tpu.memory_space<vmem>>
        %dma_start3A_333 = tpu.memref_squeeze %dma_start3A_332 : memref<1x1x80xi32, #tpu.memory_space<vmem>> -> memref<80xi32, #tpu.memory_space<vmem>>
        %dma_start3A_334 = arith.constant 0 : i32
        %dma_start3A_335 = arith.constant 0 : i32
        %dma_start3A_336 = tpu.memref_slice %arg9[%dma_start3A_334, %dma_start3A_335] : memref<10240x128xf32, #tpu.memory_space<vmem_shared>> -> memref<10240x128xf32, #tpu.memory_space<vmem_shared>>
        tpu.enqueue_indirect_dma source(%dma_start3A_330 : memref<80x128xf32, #tpu.memory_space<vmem>>) target(%dma_start3A_336 : memref<10240x128xf32, #tpu.memory_space<vmem_shared>>) offsets(%dma_start3A_333 : memref<80xi32, #tpu.memory_space<vmem>>) semaphore(%arg16 : memref<!tpu.dma_semaphore, #tpu.memory_space<semaphore_mem>>) {add = true}
        %dma_start3A_337 = arith.constant 1 : i32
        %dma_start3A_338 = arith.constant 1 : i32
        %dma_start3A_339 = arith.constant 0 : i32
        %dma_start3A_340 = tpu.memref_slice %arg6[%dma_start3A_337, %dma_start3A_338, %dma_start3A_339] : memref<4x2x80xi32, #tpu.memory_space<vmem>> -> memref<1x1x80xi32, #tpu.memory_space<vmem>>
        %dma_start3A_341 = tpu.memref_squeeze %dma_start3A_340 : memref<1x1x80xi32, #tpu.memory_space<vmem>> -> memref<80xi32, #tpu.memory_space<vmem>>
        %dma_start3A_342 = arith.constant 0 : i32
        %dma_start3A_343 = arith.constant 0 : i32
        %dma_start3A_344 = tpu.memref_slice %arg10[%dma_start3A_342, %dma_start3A_343] : memref<10240x16xf32, #tpu.memory_space<vmem_shared>> -> memref<10240x16xf32, #tpu.memory_space<vmem_shared>>
        tpu.enqueue_indirect_dma source(%arg8 : memref<80x16xf32, #tpu.memory_space<vmem>>) target(%dma_start3A_344 : memref<10240x16xf32, #tpu.memory_space<vmem_shared>>) offsets(%dma_start3A_341 : memref<80xi32, #tpu.memory_space<vmem>>) semaphore(%arg19 : memref<!tpu.dma_semaphore, #tpu.memory_space<semaphore_mem>>) {add = true}
      } else {
      }
      %add3A_248 = arith.constant 6 : i32
      %add3A_249 = arith.addi %add3A_208, %add3A_248 : i32
      %lt3A_250 = arith.constant 125 : i32
      %lt3A_251 = arith.cmpi slt, %add3A_249, %lt3A_250 : i32
      %convert_element_type3A_252 = arith.extui %lt3A_251 : i1 to i32
      %cond3A_253 = arith.constant 0 : i32
      %cond3A_254 = arith.cmpi ne, %convert_element_type3A_252, %cond3A_253 : i32
      scf.if %cond3A_254 {
        %add3A_290 = arith.constant 1 : i32
        %add3A_291 = arith.addi %add3A_249, %add3A_290 : i32
        %lt3A_292 = arith.constant 125 : i32
        %lt3A_293 = arith.cmpi slt, %add3A_291, %lt3A_292 : i32
        %convert_element_type3A_294 = arith.extui %lt3A_293 : i1 to i32
        %cond3A_295 = arith.constant 0 : i32
        %cond3A_296 = arith.cmpi ne, %convert_element_type3A_294, %cond3A_295 : i32
        scf.if %cond3A_296 {
          %ge3A = arith.constant 2 : i32
          %ge3A_345 = arith.cmpi sge, %add3A_249, %ge3A : i32
          %convert_element_type3A_346 = arith.extui %ge3A_345 : i1 to i32
          %cond3A_347 = arith.constant 0 : i32
          %cond3A_348 = arith.cmpi ne, %convert_element_type3A_346, %cond3A_347 : i32
          scf.if %cond3A_348 {
            %dma_wait3A_349 = arith.constant 1 : i32
            %dma_wait3A_350 = arith.constant 3 : i32
            %dma_wait3A_351 = arith.constant 1 : i32
            %dma_wait3A_352 = arith.constant 0 : i32
            %dma_wait3A_353 = arith.constant 0 : i32
            %dma_wait3A_354 = tpu.memref_slice %arg7[%dma_wait3A_349, %dma_wait3A_352, %dma_wait3A_353] : memref<3x80x128xf32, #tpu.memory_space<vmem>> -> memref<1x80x128xf32, #tpu.memory_space<vmem>>
            %dma_wait3A_355 = tpu.memref_squeeze %dma_wait3A_354 : memref<1x80x128xf32, #tpu.memory_space<vmem>> -> memref<80x128xf32, #tpu.memory_space<vmem>>
            %dma_wait3A_356 = arith.constant 0 : i32
            %dma_wait3A_357 = tpu.memref_slice %arg6[%dma_wait3A_350, %dma_wait3A_351, %dma_wait3A_356] : memref<4x2x80xi32, #tpu.memory_space<vmem>> -> memref<1x1x80xi32, #tpu.memory_space<vmem>>
            %dma_wait3A_358 = tpu.memref_squeeze %dma_wait3A_357 : memref<1x1x80xi32, #tpu.memory_space<vmem>> -> memref<80xi32, #tpu.memory_space<vmem>>
            %dma_wait3A_359 = arith.constant 0 : i32
            %dma_wait3A_360 = arith.constant 0 : i32
            %dma_wait3A_361 = tpu.memref_slice %arg9[%dma_wait3A_359, %dma_wait3A_360] : memref<10240x128xf32, #tpu.memory_space<vmem_shared>> -> memref<10240x128xf32, #tpu.memory_space<vmem_shared>>
            tpu.wait_indirect_dma semaphore(%arg15 : memref<!tpu.dma_semaphore, #tpu.memory_space<semaphore_mem>>) src(%dma_wait3A_355 : memref<80x128xf32, #tpu.memory_space<vmem>>) dst(%dma_wait3A_361 : memref<10240x128xf32, #tpu.memory_space<vmem_shared>>)
            %dma_wait3A_362 = arith.constant 3 : i32
            %dma_wait3A_363 = arith.constant 1 : i32
            %dma_wait3A_364 = arith.constant 0 : i32
            %dma_wait3A_365 = tpu.memref_slice %arg6[%dma_wait3A_362, %dma_wait3A_363, %dma_wait3A_364] : memref<4x2x80xi32, #tpu.memory_space<vmem>> -> memref<1x1x80xi32, #tpu.memory_space<vmem>>
            %dma_wait3A_366 = tpu.memref_squeeze %dma_wait3A_365 : memref<1x1x80xi32, #tpu.memory_space<vmem>> -> memref<80xi32, #tpu.memory_space<vmem>>
            %dma_wait3A_367 = arith.constant 0 : i32
            %dma_wait3A_368 = arith.constant 0 : i32
            %dma_wait3A_369 = tpu.memref_slice %arg10[%dma_wait3A_367, %dma_wait3A_368] : memref<10240x16xf32, #tpu.memory_space<vmem_shared>> -> memref<10240x16xf32, #tpu.memory_space<vmem_shared>>
            tpu.wait_indirect_dma semaphore(%arg18 : memref<!tpu.dma_semaphore, #tpu.memory_space<semaphore_mem>>) src(%arg8 : memref<80x16xf32, #tpu.memory_space<vmem>>) dst(%dma_wait3A_369 : memref<10240x16xf32, #tpu.memory_space<vmem_shared>>)
          } else {
          }
        } else {
        }
        %add3A_297 = arith.constant 2 : i32
        %add3A_298 = arith.addi %add3A_249, %add3A_297 : i32
        %lt3A_299 = arith.constant 125 : i32
        %lt3A_300 = arith.cmpi slt, %add3A_298, %lt3A_299 : i32
        %convert_element_type3A_301 = arith.extui %lt3A_300 : i1 to i32
        %cond3A_302 = arith.constant 0 : i32
        %cond3A_303 = arith.cmpi ne, %convert_element_type3A_301, %cond3A_302 : i32
        scf.if %cond3A_303 {
          %add3A_345 = arith.constant 2 : i32
          %add3A_346 = arith.addi %add3A_249, %add3A_345 : i32
          %mul3A_347 = arith.constant 10000 : i32
          %mul3A_348 = arith.muli %add3A, %mul3A_347 : i32
          %mul3A_349 = arith.constant 80 : i32
          %mul3A_350 = arith.muli %add3A_346, %mul3A_349 : i32
          %add3A_351 = arith.addi %mul3A_348, %mul3A_350 : i32
          %dma_start3A_352 = arith.constant 0 : i32
          %dma_start3A_353 = arith.constant 0 : i32
          %dma_start3A_354 = arith.constant 0 : i32
          %dma_start3A_355 = tpu.memref_slice %arg6[%dma_start3A_352, %dma_start3A_353, %dma_start3A_354] : memref<4x2x80xi32, #tpu.memory_space<vmem>> -> memref<1x2x80xi32, #tpu.memory_space<vmem>>
          %dma_start3A_356 = tpu.memref_squeeze %dma_start3A_355 : memref<1x2x80xi32, #tpu.memory_space<vmem>> -> memref<2x80xi32, #tpu.memory_space<vmem>>
          %dma_start3A_357 = arith.constant 0 : i32
          %dma_start3A_358 = tpu.memref_slice %arg3[%dma_start3A_357, %add3A_351] : memref<2x320000xi32, #tpu.memory_space<hbm>> -> memref<2x80xi32, #tpu.memory_space<hbm>>
          %dma_start3A_359 = arith.constant 0 : i32
          %dma_start3A_360 = arith.constant 0 : i32
          %dma_start3A_361 = tpu.memref_slice %arg6[%dma_start3A_352, %dma_start3A_359, %dma_start3A_360] : memref<4x2x80xi32, #tpu.memory_space<vmem>> -> memref<1x2x80xi32, #tpu.memory_space<vmem>>
          %dma_start3A_362 = tpu.memref_squeeze %dma_start3A_361 : memref<1x2x80xi32, #tpu.memory_space<vmem>> -> memref<2x80xi32, #tpu.memory_space<vmem>>
          %dma_start3A_363 = arith.constant 0 : i32
          %dma_start3A_364 = tpu.memref_slice %arg3[%dma_start3A_363, %add3A_351] : memref<2x320000xi32, #tpu.memory_space<hbm>> -> memref<2x80xi32, #tpu.memory_space<hbm>>
          tpu.enqueue_dma source(%dma_start3A_364 : memref<2x80xi32, #tpu.memory_space<hbm>>) target(%dma_start3A_362 : memref<2x80xi32, #tpu.memory_space<vmem>>) target_semaphore(%arg20 : memref<!tpu.dma_semaphore, #tpu.memory_space<semaphore_mem>>)
        } else {
        }
        %add3A_304 = arith.constant 1 : i32
        %add3A_305 = arith.addi %add3A_249, %add3A_304 : i32
        %lt3A_306 = arith.constant 125 : i32
        %lt3A_307 = arith.cmpi slt, %add3A_305, %lt3A_306 : i32
        %convert_element_type3A_308 = arith.extui %lt3A_307 : i1 to i32
        %cond3A_309 = arith.constant 0 : i32
        %cond3A_310 = arith.cmpi ne, %convert_element_type3A_308, %cond3A_309 : i32
        scf.if %cond3A_310 {
          %add3A_345 = arith.constant 1 : i32
          %add3A_346 = arith.addi %add3A_249, %add3A_345 : i32
          %mul3A_347 = arith.constant 10000 : i32
          %mul3A_348 = arith.muli %add3A, %mul3A_347 : i32
          %mul3A_349 = arith.constant 80 : i32
          %mul3A_350 = arith.muli %add3A_346, %mul3A_349 : i32
          %add3A_351 = arith.addi %mul3A_348, %mul3A_350 : i32
          %dma_wait3A_352 = arith.constant 3 : i32
          %dma_wait3A_353 = arith.constant 0 : i32
          %dma_wait3A_354 = arith.constant 0 : i32
          %dma_wait3A_355 = tpu.memref_slice %arg6[%dma_wait3A_352, %dma_wait3A_353, %dma_wait3A_354] : memref<4x2x80xi32, #tpu.memory_space<vmem>> -> memref<1x2x80xi32, #tpu.memory_space<vmem>>
          %dma_wait3A_356 = tpu.memref_squeeze %dma_wait3A_355 : memref<1x2x80xi32, #tpu.memory_space<vmem>> -> memref<2x80xi32, #tpu.memory_space<vmem>>
          %dma_wait3A_357 = arith.constant 0 : i32
          %dma_wait3A_358 = tpu.memref_slice %arg3[%dma_wait3A_357, %add3A_351] : memref<2x320000xi32, #tpu.memory_space<hbm>> -> memref<2x80xi32, #tpu.memory_space<hbm>>
          %dma_wait3A_359 = arith.constant 0 : i32
          %dma_wait3A_360 = arith.constant 0 : i32
          %dma_wait3A_361 = tpu.memref_slice %arg6[%dma_wait3A_352, %dma_wait3A_359, %dma_wait3A_360] : memref<4x2x80xi32, #tpu.memory_space<vmem>> -> memref<1x2x80xi32, #tpu.memory_space<vmem>>
          %dma_wait3A_362 = tpu.memref_squeeze %dma_wait3A_361 : memref<1x2x80xi32, #tpu.memory_space<vmem>> -> memref<2x80xi32, #tpu.memory_space<vmem>>
          %dma_wait3A_363 = arith.constant 0 : i32
          %dma_wait3A_364 = tpu.memref_slice %arg3[%dma_wait3A_363, %add3A_351] : memref<2x320000xi32, #tpu.memory_space<hbm>> -> memref<2x80xi32, #tpu.memory_space<hbm>>
          tpu.wait_dma2 semaphore(%arg23 : memref<!tpu.dma_semaphore, #tpu.memory_space<semaphore_mem>>) src(%dma_wait3A_364 : memref<2x80xi32, #tpu.memory_space<hbm>>) dst(%dma_wait3A_362 : memref<2x80xi32, #tpu.memory_space<vmem>>)
          %dma_start3A_365 = arith.constant 3 : i32
          %dma_start3A_366 = arith.constant 0 : i32
          %dma_start3A_367 = arith.constant 1 : i32
          %dma_start3A_368 = arith.constant 0 : i32
          %dma_start3A_369 = arith.constant 0 : i32
          %dma_start3A_370 = tpu.memref_slice %arg7[%dma_start3A_367, %dma_start3A_368, %dma_start3A_369] : memref<3x80x128xf32, #tpu.memory_space<vmem>> -> memref<1x80x128xf32, #tpu.memory_space<vmem>>
          %dma_start3A_371 = tpu.memref_squeeze %dma_start3A_370 : memref<1x80x128xf32, #tpu.memory_space<vmem>> -> memref<80x128xf32, #tpu.memory_space<vmem>>
          %dma_start3A_372 = arith.constant 0 : i32
          %dma_start3A_373 = tpu.memref_slice %arg6[%dma_start3A_365, %dma_start3A_366, %dma_start3A_372] : memref<4x2x80xi32, #tpu.memory_space<vmem>> -> memref<1x1x80xi32, #tpu.memory_space<vmem>>
          %dma_start3A_374 = tpu.memref_squeeze %dma_start3A_373 : memref<1x1x80xi32, #tpu.memory_space<vmem>> -> memref<80xi32, #tpu.memory_space<vmem>>
          %dma_start3A_375 = arith.constant 0 : i32
          %dma_start3A_376 = arith.constant 0 : i32
          %dma_start3A_377 = tpu.memref_slice %arg2[%dma_start3A_375, %dma_start3A_376] : memref<10000x128xf32, #tpu.memory_space<hbm>> -> memref<10000x128xf32, #tpu.memory_space<hbm>>
          tpu.enqueue_indirect_dma source(%dma_start3A_377 : memref<10000x128xf32, #tpu.memory_space<hbm>>) target(%dma_start3A_371 : memref<80x128xf32, #tpu.memory_space<vmem>>) offsets(%dma_start3A_374 : memref<80xi32, #tpu.memory_space<vmem>>) semaphore(%arg12 : memref<!tpu.dma_semaphore, #tpu.memory_space<semaphore_mem>>)
        } else {
        }
        %dma_wait3A_311 = arith.constant 2 : i32
        %dma_wait3A_312 = arith.constant 0 : i32
        %dma_wait3A_313 = arith.constant 0 : i32
        %dma_wait3A_314 = arith.constant 0 : i32
        %dma_wait3A_315 = arith.constant 0 : i32
        %dma_wait3A_316 = tpu.memref_slice %arg7[%dma_wait3A_313, %dma_wait3A_314, %dma_wait3A_315] : memref<3x80x128xf32, #tpu.memory_space<vmem>> -> memref<1x80x128xf32, #tpu.memory_space<vmem>>
        %dma_wait3A_317 = tpu.memref_squeeze %dma_wait3A_316 : memref<1x80x128xf32, #tpu.memory_space<vmem>> -> memref<80x128xf32, #tpu.memory_space<vmem>>
        %dma_wait3A_318 = arith.constant 0 : i32
        %dma_wait3A_319 = tpu.memref_slice %arg6[%dma_wait3A_311, %dma_wait3A_312, %dma_wait3A_318] : memref<4x2x80xi32, #tpu.memory_space<vmem>> -> memref<1x1x80xi32, #tpu.memory_space<vmem>>
        %dma_wait3A_320 = tpu.memref_squeeze %dma_wait3A_319 : memref<1x1x80xi32, #tpu.memory_space<vmem>> -> memref<80xi32, #tpu.memory_space<vmem>>
        %dma_wait3A_321 = arith.constant 0 : i32
        %dma_wait3A_322 = arith.constant 0 : i32
        %dma_wait3A_323 = tpu.memref_slice %arg2[%dma_wait3A_321, %dma_wait3A_322] : memref<10000x128xf32, #tpu.memory_space<hbm>> -> memref<10000x128xf32, #tpu.memory_space<hbm>>
        tpu.wait_indirect_dma semaphore(%arg11 : memref<!tpu.dma_semaphore, #tpu.memory_space<semaphore_mem>>) src(%dma_wait3A_323 : memref<10000x128xf32, #tpu.memory_space<hbm>>) dst(%dma_wait3A_317 : memref<80x128xf32, #tpu.memory_space<vmem>>)
        %dma_start3A_324 = arith.constant 0 : i32
        %dma_start3A_325 = arith.constant 2 : i32
        %dma_start3A_326 = arith.constant 1 : i32
        %dma_start3A_327 = arith.constant 0 : i32
        %dma_start3A_328 = arith.constant 0 : i32
        %dma_start3A_329 = tpu.memref_slice %arg7[%dma_start3A_324, %dma_start3A_327, %dma_start3A_328] : memref<3x80x128xf32, #tpu.memory_space<vmem>> -> memref<1x80x128xf32, #tpu.memory_space<vmem>>
        %dma_start3A_330 = tpu.memref_squeeze %dma_start3A_329 : memref<1x80x128xf32, #tpu.memory_space<vmem>> -> memref<80x128xf32, #tpu.memory_space<vmem>>
        %dma_start3A_331 = arith.constant 0 : i32
        %dma_start3A_332 = tpu.memref_slice %arg6[%dma_start3A_325, %dma_start3A_326, %dma_start3A_331] : memref<4x2x80xi32, #tpu.memory_space<vmem>> -> memref<1x1x80xi32, #tpu.memory_space<vmem>>
        %dma_start3A_333 = tpu.memref_squeeze %dma_start3A_332 : memref<1x1x80xi32, #tpu.memory_space<vmem>> -> memref<80xi32, #tpu.memory_space<vmem>>
        %dma_start3A_334 = arith.constant 0 : i32
        %dma_start3A_335 = arith.constant 0 : i32
        %dma_start3A_336 = tpu.memref_slice %arg9[%dma_start3A_334, %dma_start3A_335] : memref<10240x128xf32, #tpu.memory_space<vmem_shared>> -> memref<10240x128xf32, #tpu.memory_space<vmem_shared>>
        tpu.enqueue_indirect_dma source(%dma_start3A_330 : memref<80x128xf32, #tpu.memory_space<vmem>>) target(%dma_start3A_336 : memref<10240x128xf32, #tpu.memory_space<vmem_shared>>) offsets(%dma_start3A_333 : memref<80xi32, #tpu.memory_space<vmem>>) semaphore(%arg14 : memref<!tpu.dma_semaphore, #tpu.memory_space<semaphore_mem>>) {add = true}
        %dma_start3A_337 = arith.constant 2 : i32
        %dma_start3A_338 = arith.constant 1 : i32
        %dma_start3A_339 = arith.constant 0 : i32
        %dma_start3A_340 = tpu.memref_slice %arg6[%dma_start3A_337, %dma_start3A_338, %dma_start3A_339] : memref<4x2x80xi32, #tpu.memory_space<vmem>> -> memref<1x1x80xi32, #tpu.memory_space<vmem>>
        %dma_start3A_341 = tpu.memref_squeeze %dma_start3A_340 : memref<1x1x80xi32, #tpu.memory_space<vmem>> -> memref<80xi32, #tpu.memory_space<vmem>>
        %dma_start3A_342 = arith.constant 0 : i32
        %dma_start3A_343 = arith.constant 0 : i32
        %dma_start3A_344 = tpu.memref_slice %arg10[%dma_start3A_342, %dma_start3A_343] : memref<10240x16xf32, #tpu.memory_space<vmem_shared>> -> memref<10240x16xf32, #tpu.memory_space<vmem_shared>>
        tpu.enqueue_indirect_dma source(%arg8 : memref<80x16xf32, #tpu.memory_space<vmem>>) target(%dma_start3A_344 : memref<10240x16xf32, #tpu.memory_space<vmem_shared>>) offsets(%dma_start3A_341 : memref<80xi32, #tpu.memory_space<vmem>>) semaphore(%arg17 : memref<!tpu.dma_semaphore, #tpu.memory_space<semaphore_mem>>) {add = true}
      } else {
      }
      %add3A_255 = arith.constant 7 : i32
      %add3A_256 = arith.addi %add3A_208, %add3A_255 : i32
      %lt3A_257 = arith.constant 125 : i32
      %lt3A_258 = arith.cmpi slt, %add3A_256, %lt3A_257 : i32
      %convert_element_type3A_259 = arith.extui %lt3A_258 : i1 to i32
      %cond3A_260 = arith.constant 0 : i32
      %cond3A_261 = arith.cmpi ne, %convert_element_type3A_259, %cond3A_260 : i32
      scf.if %cond3A_261 {
        %add3A_290 = arith.constant 1 : i32
        %add3A_291 = arith.addi %add3A_256, %add3A_290 : i32
        %lt3A_292 = arith.constant 125 : i32
        %lt3A_293 = arith.cmpi slt, %add3A_291, %lt3A_292 : i32
        %convert_element_type3A_294 = arith.extui %lt3A_293 : i1 to i32
        %cond3A_295 = arith.constant 0 : i32
        %cond3A_296 = arith.cmpi ne, %convert_element_type3A_294, %cond3A_295 : i32
        scf.if %cond3A_296 {
          %ge3A = arith.constant 2 : i32
          %ge3A_345 = arith.cmpi sge, %add3A_256, %ge3A : i32
          %convert_element_type3A_346 = arith.extui %ge3A_345 : i1 to i32
          %cond3A_347 = arith.constant 0 : i32
          %cond3A_348 = arith.cmpi ne, %convert_element_type3A_346, %cond3A_347 : i32
          scf.if %cond3A_348 {
            %dma_wait3A_349 = arith.constant 2 : i32
            %dma_wait3A_350 = arith.constant 0 : i32
            %dma_wait3A_351 = arith.constant 1 : i32
            %dma_wait3A_352 = arith.constant 0 : i32
            %dma_wait3A_353 = arith.constant 0 : i32
            %dma_wait3A_354 = tpu.memref_slice %arg7[%dma_wait3A_349, %dma_wait3A_352, %dma_wait3A_353] : memref<3x80x128xf32, #tpu.memory_space<vmem>> -> memref<1x80x128xf32, #tpu.memory_space<vmem>>
            %dma_wait3A_355 = tpu.memref_squeeze %dma_wait3A_354 : memref<1x80x128xf32, #tpu.memory_space<vmem>> -> memref<80x128xf32, #tpu.memory_space<vmem>>
            %dma_wait3A_356 = arith.constant 0 : i32
            %dma_wait3A_357 = tpu.memref_slice %arg6[%dma_wait3A_350, %dma_wait3A_351, %dma_wait3A_356] : memref<4x2x80xi32, #tpu.memory_space<vmem>> -> memref<1x1x80xi32, #tpu.memory_space<vmem>>
            %dma_wait3A_358 = tpu.memref_squeeze %dma_wait3A_357 : memref<1x1x80xi32, #tpu.memory_space<vmem>> -> memref<80xi32, #tpu.memory_space<vmem>>
            %dma_wait3A_359 = arith.constant 0 : i32
            %dma_wait3A_360 = arith.constant 0 : i32
            %dma_wait3A_361 = tpu.memref_slice %arg9[%dma_wait3A_359, %dma_wait3A_360] : memref<10240x128xf32, #tpu.memory_space<vmem_shared>> -> memref<10240x128xf32, #tpu.memory_space<vmem_shared>>
            tpu.wait_indirect_dma semaphore(%arg16 : memref<!tpu.dma_semaphore, #tpu.memory_space<semaphore_mem>>) src(%dma_wait3A_355 : memref<80x128xf32, #tpu.memory_space<vmem>>) dst(%dma_wait3A_361 : memref<10240x128xf32, #tpu.memory_space<vmem_shared>>)
            %dma_wait3A_362 = arith.constant 0 : i32
            %dma_wait3A_363 = arith.constant 1 : i32
            %dma_wait3A_364 = arith.constant 0 : i32
            %dma_wait3A_365 = tpu.memref_slice %arg6[%dma_wait3A_362, %dma_wait3A_363, %dma_wait3A_364] : memref<4x2x80xi32, #tpu.memory_space<vmem>> -> memref<1x1x80xi32, #tpu.memory_space<vmem>>
            %dma_wait3A_366 = tpu.memref_squeeze %dma_wait3A_365 : memref<1x1x80xi32, #tpu.memory_space<vmem>> -> memref<80xi32, #tpu.memory_space<vmem>>
            %dma_wait3A_367 = arith.constant 0 : i32
            %dma_wait3A_368 = arith.constant 0 : i32
            %dma_wait3A_369 = tpu.memref_slice %arg10[%dma_wait3A_367, %dma_wait3A_368] : memref<10240x16xf32, #tpu.memory_space<vmem_shared>> -> memref<10240x16xf32, #tpu.memory_space<vmem_shared>>
            tpu.wait_indirect_dma semaphore(%arg19 : memref<!tpu.dma_semaphore, #tpu.memory_space<semaphore_mem>>) src(%arg8 : memref<80x16xf32, #tpu.memory_space<vmem>>) dst(%dma_wait3A_369 : memref<10240x16xf32, #tpu.memory_space<vmem_shared>>)
          } else {
          }
        } else {
        }
        %add3A_297 = arith.constant 2 : i32
        %add3A_298 = arith.addi %add3A_256, %add3A_297 : i32
        %lt3A_299 = arith.constant 125 : i32
        %lt3A_300 = arith.cmpi slt, %add3A_298, %lt3A_299 : i32
        %convert_element_type3A_301 = arith.extui %lt3A_300 : i1 to i32
        %cond3A_302 = arith.constant 0 : i32
        %cond3A_303 = arith.cmpi ne, %convert_element_type3A_301, %cond3A_302 : i32
        scf.if %cond3A_303 {
          %add3A_345 = arith.constant 2 : i32
          %add3A_346 = arith.addi %add3A_256, %add3A_345 : i32
          %mul3A_347 = arith.constant 10000 : i32
          %mul3A_348 = arith.muli %add3A, %mul3A_347 : i32
          %mul3A_349 = arith.constant 80 : i32
          %mul3A_350 = arith.muli %add3A_346, %mul3A_349 : i32
          %add3A_351 = arith.addi %mul3A_348, %mul3A_350 : i32
          %dma_start3A_352 = arith.constant 1 : i32
          %dma_start3A_353 = arith.constant 0 : i32
          %dma_start3A_354 = arith.constant 0 : i32
          %dma_start3A_355 = tpu.memref_slice %arg6[%dma_start3A_352, %dma_start3A_353, %dma_start3A_354] : memref<4x2x80xi32, #tpu.memory_space<vmem>> -> memref<1x2x80xi32, #tpu.memory_space<vmem>>
          %dma_start3A_356 = tpu.memref_squeeze %dma_start3A_355 : memref<1x2x80xi32, #tpu.memory_space<vmem>> -> memref<2x80xi32, #tpu.memory_space<vmem>>
          %dma_start3A_357 = arith.constant 0 : i32
          %dma_start3A_358 = tpu.memref_slice %arg3[%dma_start3A_357, %add3A_351] : memref<2x320000xi32, #tpu.memory_space<hbm>> -> memref<2x80xi32, #tpu.memory_space<hbm>>
          %dma_start3A_359 = arith.constant 0 : i32
          %dma_start3A_360 = arith.constant 0 : i32
          %dma_start3A_361 = tpu.memref_slice %arg6[%dma_start3A_352, %dma_start3A_359, %dma_start3A_360] : memref<4x2x80xi32, #tpu.memory_space<vmem>> -> memref<1x2x80xi32, #tpu.memory_space<vmem>>
          %dma_start3A_362 = tpu.memref_squeeze %dma_start3A_361 : memref<1x2x80xi32, #tpu.memory_space<vmem>> -> memref<2x80xi32, #tpu.memory_space<vmem>>
          %dma_start3A_363 = arith.constant 0 : i32
          %dma_start3A_364 = tpu.memref_slice %arg3[%dma_start3A_363, %add3A_351] : memref<2x320000xi32, #tpu.memory_space<hbm>> -> memref<2x80xi32, #tpu.memory_space<hbm>>
          tpu.enqueue_dma source(%dma_start3A_364 : memref<2x80xi32, #tpu.memory_space<hbm>>) target(%dma_start3A_362 : memref<2x80xi32, #tpu.memory_space<vmem>>) target_semaphore(%arg21 : memref<!tpu.dma_semaphore, #tpu.memory_space<semaphore_mem>>)
        } else {
        }
        %add3A_304 = arith.constant 1 : i32
        %add3A_305 = arith.addi %add3A_256, %add3A_304 : i32
        %lt3A_306 = arith.constant 125 : i32
        %lt3A_307 = arith.cmpi slt, %add3A_305, %lt3A_306 : i32
        %convert_element_type3A_308 = arith.extui %lt3A_307 : i1 to i32
        %cond3A_309 = arith.constant 0 : i32
        %cond3A_310 = arith.cmpi ne, %convert_element_type3A_308, %cond3A_309 : i32
        scf.if %cond3A_310 {
          %add3A_345 = arith.constant 1 : i32
          %add3A_346 = arith.addi %add3A_256, %add3A_345 : i32
          %mul3A_347 = arith.constant 10000 : i32
          %mul3A_348 = arith.muli %add3A, %mul3A_347 : i32
          %mul3A_349 = arith.constant 80 : i32
          %mul3A_350 = arith.muli %add3A_346, %mul3A_349 : i32
          %add3A_351 = arith.addi %mul3A_348, %mul3A_350 : i32
          %dma_wait3A_352 = arith.constant 0 : i32
          %dma_wait3A_353 = arith.constant 0 : i32
          %dma_wait3A_354 = arith.constant 0 : i32
          %dma_wait3A_355 = tpu.memref_slice %arg6[%dma_wait3A_352, %dma_wait3A_353, %dma_wait3A_354] : memref<4x2x80xi32, #tpu.memory_space<vmem>> -> memref<1x2x80xi32, #tpu.memory_space<vmem>>
          %dma_wait3A_356 = tpu.memref_squeeze %dma_wait3A_355 : memref<1x2x80xi32, #tpu.memory_space<vmem>> -> memref<2x80xi32, #tpu.memory_space<vmem>>
          %dma_wait3A_357 = arith.constant 0 : i32
          %dma_wait3A_358 = tpu.memref_slice %arg3[%dma_wait3A_357, %add3A_351] : memref<2x320000xi32, #tpu.memory_space<hbm>> -> memref<2x80xi32, #tpu.memory_space<hbm>>
          %dma_wait3A_359 = arith.constant 0 : i32
          %dma_wait3A_360 = arith.constant 0 : i32
          %dma_wait3A_361 = tpu.memref_slice %arg6[%dma_wait3A_352, %dma_wait3A_359, %dma_wait3A_360] : memref<4x2x80xi32, #tpu.memory_space<vmem>> -> memref<1x2x80xi32, #tpu.memory_space<vmem>>
          %dma_wait3A_362 = tpu.memref_squeeze %dma_wait3A_361 : memref<1x2x80xi32, #tpu.memory_space<vmem>> -> memref<2x80xi32, #tpu.memory_space<vmem>>
          %dma_wait3A_363 = arith.constant 0 : i32
          %dma_wait3A_364 = tpu.memref_slice %arg3[%dma_wait3A_363, %add3A_351] : memref<2x320000xi32, #tpu.memory_space<hbm>> -> memref<2x80xi32, #tpu.memory_space<hbm>>
          tpu.wait_dma2 semaphore(%arg20 : memref<!tpu.dma_semaphore, #tpu.memory_space<semaphore_mem>>) src(%dma_wait3A_364 : memref<2x80xi32, #tpu.memory_space<hbm>>) dst(%dma_wait3A_362 : memref<2x80xi32, #tpu.memory_space<vmem>>)
          %dma_start3A_365 = arith.constant 0 : i32
          %dma_start3A_366 = arith.constant 0 : i32
          %dma_start3A_367 = arith.constant 2 : i32
          %dma_start3A_368 = arith.constant 0 : i32
          %dma_start3A_369 = arith.constant 0 : i32
          %dma_start3A_370 = tpu.memref_slice %arg7[%dma_start3A_367, %dma_start3A_368, %dma_start3A_369] : memref<3x80x128xf32, #tpu.memory_space<vmem>> -> memref<1x80x128xf32, #tpu.memory_space<vmem>>
          %dma_start3A_371 = tpu.memref_squeeze %dma_start3A_370 : memref<1x80x128xf32, #tpu.memory_space<vmem>> -> memref<80x128xf32, #tpu.memory_space<vmem>>
          %dma_start3A_372 = arith.constant 0 : i32
          %dma_start3A_373 = tpu.memref_slice %arg6[%dma_start3A_365, %dma_start3A_366, %dma_start3A_372] : memref<4x2x80xi32, #tpu.memory_space<vmem>> -> memref<1x1x80xi32, #tpu.memory_space<vmem>>
          %dma_start3A_374 = tpu.memref_squeeze %dma_start3A_373 : memref<1x1x80xi32, #tpu.memory_space<vmem>> -> memref<80xi32, #tpu.memory_space<vmem>>
          %dma_start3A_375 = arith.constant 0 : i32
          %dma_start3A_376 = arith.constant 0 : i32
          %dma_start3A_377 = tpu.memref_slice %arg2[%dma_start3A_375, %dma_start3A_376] : memref<10000x128xf32, #tpu.memory_space<hbm>> -> memref<10000x128xf32, #tpu.memory_space<hbm>>
          tpu.enqueue_indirect_dma source(%dma_start3A_377 : memref<10000x128xf32, #tpu.memory_space<hbm>>) target(%dma_start3A_371 : memref<80x128xf32, #tpu.memory_space<vmem>>) offsets(%dma_start3A_374 : memref<80xi32, #tpu.memory_space<vmem>>) semaphore(%arg13 : memref<!tpu.dma_semaphore, #tpu.memory_space<semaphore_mem>>)
        } else {
        }
        %dma_wait3A_311 = arith.constant 3 : i32
        %dma_wait3A_312 = arith.constant 0 : i32
        %dma_wait3A_313 = arith.constant 1 : i32
        %dma_wait3A_314 = arith.constant 0 : i32
        %dma_wait3A_315 = arith.constant 0 : i32
        %dma_wait3A_316 = tpu.memref_slice %arg7[%dma_wait3A_313, %dma_wait3A_314, %dma_wait3A_315] : memref<3x80x128xf32, #tpu.memory_space<vmem>> -> memref<1x80x128xf32, #tpu.memory_space<vmem>>
        %dma_wait3A_317 = tpu.memref_squeeze %dma_wait3A_316 : memref<1x80x128xf32, #tpu.memory_space<vmem>> -> memref<80x128xf32, #tpu.memory_space<vmem>>
        %dma_wait3A_318 = arith.constant 0 : i32
        %dma_wait3A_319 = tpu.memref_slice %arg6[%dma_wait3A_311, %dma_wait3A_312, %dma_wait3A_318] : memref<4x2x80xi32, #tpu.memory_space<vmem>> -> memref<1x1x80xi32, #tpu.memory_space<vmem>>
        %dma_wait3A_320 = tpu.memref_squeeze %dma_wait3A_319 : memref<1x1x80xi32, #tpu.memory_space<vmem>> -> memref<80xi32, #tpu.memory_space<vmem>>
        %dma_wait3A_321 = arith.constant 0 : i32
        %dma_wait3A_322 = arith.constant 0 : i32
        %dma_wait3A_323 = tpu.memref_slice %arg2[%dma_wait3A_321, %dma_wait3A_322] : memref<10000x128xf32, #tpu.memory_space<hbm>> -> memref<10000x128xf32, #tpu.memory_space<hbm>>
        tpu.wait_indirect_dma semaphore(%arg12 : memref<!tpu.dma_semaphore, #tpu.memory_space<semaphore_mem>>) src(%dma_wait3A_323 : memref<10000x128xf32, #tpu.memory_space<hbm>>) dst(%dma_wait3A_317 : memref<80x128xf32, #tpu.memory_space<vmem>>)
        %dma_start3A_324 = arith.constant 1 : i32
        %dma_start3A_325 = arith.constant 3 : i32
        %dma_start3A_326 = arith.constant 1 : i32
        %dma_start3A_327 = arith.constant 0 : i32
        %dma_start3A_328 = arith.constant 0 : i32
        %dma_start3A_329 = tpu.memref_slice %arg7[%dma_start3A_324, %dma_start3A_327, %dma_start3A_328] : memref<3x80x128xf32, #tpu.memory_space<vmem>> -> memref<1x80x128xf32, #tpu.memory_space<vmem>>
        %dma_start3A_330 = tpu.memref_squeeze %dma_start3A_329 : memref<1x80x128xf32, #tpu.memory_space<vmem>> -> memref<80x128xf32, #tpu.memory_space<vmem>>
        %dma_start3A_331 = arith.constant 0 : i32
        %dma_start3A_332 = tpu.memref_slice %arg6[%dma_start3A_325, %dma_start3A_326, %dma_start3A_331] : memref<4x2x80xi32, #tpu.memory_space<vmem>> -> memref<1x1x80xi32, #tpu.memory_space<vmem>>
        %dma_start3A_333 = tpu.memref_squeeze %dma_start3A_332 : memref<1x1x80xi32, #tpu.memory_space<vmem>> -> memref<80xi32, #tpu.memory_space<vmem>>
        %dma_start3A_334 = arith.constant 0 : i32
        %dma_start3A_335 = arith.constant 0 : i32
        %dma_start3A_336 = tpu.memref_slice %arg9[%dma_start3A_334, %dma_start3A_335] : memref<10240x128xf32, #tpu.memory_space<vmem_shared>> -> memref<10240x128xf32, #tpu.memory_space<vmem_shared>>
        tpu.enqueue_indirect_dma source(%dma_start3A_330 : memref<80x128xf32, #tpu.memory_space<vmem>>) target(%dma_start3A_336 : memref<10240x128xf32, #tpu.memory_space<vmem_shared>>) offsets(%dma_start3A_333 : memref<80xi32, #tpu.memory_space<vmem>>) semaphore(%arg15 : memref<!tpu.dma_semaphore, #tpu.memory_space<semaphore_mem>>) {add = true}
        %dma_start3A_337 = arith.constant 3 : i32
        %dma_start3A_338 = arith.constant 1 : i32
        %dma_start3A_339 = arith.constant 0 : i32
        %dma_start3A_340 = tpu.memref_slice %arg6[%dma_start3A_337, %dma_start3A_338, %dma_start3A_339] : memref<4x2x80xi32, #tpu.memory_space<vmem>> -> memref<1x1x80xi32, #tpu.memory_space<vmem>>
        %dma_start3A_341 = tpu.memref_squeeze %dma_start3A_340 : memref<1x1x80xi32, #tpu.memory_space<vmem>> -> memref<80xi32, #tpu.memory_space<vmem>>
        %dma_start3A_342 = arith.constant 0 : i32
        %dma_start3A_343 = arith.constant 0 : i32
        %dma_start3A_344 = tpu.memref_slice %arg10[%dma_start3A_342, %dma_start3A_343] : memref<10240x16xf32, #tpu.memory_space<vmem_shared>> -> memref<10240x16xf32, #tpu.memory_space<vmem_shared>>
        tpu.enqueue_indirect_dma source(%arg8 : memref<80x16xf32, #tpu.memory_space<vmem>>) target(%dma_start3A_344 : memref<10240x16xf32, #tpu.memory_space<vmem_shared>>) offsets(%dma_start3A_341 : memref<80xi32, #tpu.memory_space<vmem>>) semaphore(%arg18 : memref<!tpu.dma_semaphore, #tpu.memory_space<semaphore_mem>>) {add = true}
      } else {
      }
      %add3A_262 = arith.constant 8 : i32
      %add3A_263 = arith.addi %add3A_208, %add3A_262 : i32
      %lt3A_264 = arith.constant 125 : i32
      %lt3A_265 = arith.cmpi slt, %add3A_263, %lt3A_264 : i32
      %convert_element_type3A_266 = arith.extui %lt3A_265 : i1 to i32
      %cond3A_267 = arith.constant 0 : i32
      %cond3A_268 = arith.cmpi ne, %convert_element_type3A_266, %cond3A_267 : i32
      scf.if %cond3A_268 {
        %add3A_290 = arith.constant 1 : i32
        %add3A_291 = arith.addi %add3A_263, %add3A_290 : i32
        %lt3A_292 = arith.constant 125 : i32
        %lt3A_293 = arith.cmpi slt, %add3A_291, %lt3A_292 : i32
        %convert_element_type3A_294 = arith.extui %lt3A_293 : i1 to i32
        %cond3A_295 = arith.constant 0 : i32
        %cond3A_296 = arith.cmpi ne, %convert_element_type3A_294, %cond3A_295 : i32
        scf.if %cond3A_296 {
          %ge3A = arith.constant 2 : i32
          %ge3A_345 = arith.cmpi sge, %add3A_263, %ge3A : i32
          %convert_element_type3A_346 = arith.extui %ge3A_345 : i1 to i32
          %cond3A_347 = arith.constant 0 : i32
          %cond3A_348 = arith.cmpi ne, %convert_element_type3A_346, %cond3A_347 : i32
          scf.if %cond3A_348 {
            %dma_wait3A_349 = arith.constant 0 : i32
            %dma_wait3A_350 = arith.constant 1 : i32
            %dma_wait3A_351 = arith.constant 1 : i32
            %dma_wait3A_352 = arith.constant 0 : i32
            %dma_wait3A_353 = arith.constant 0 : i32
            %dma_wait3A_354 = tpu.memref_slice %arg7[%dma_wait3A_349, %dma_wait3A_352, %dma_wait3A_353] : memref<3x80x128xf32, #tpu.memory_space<vmem>> -> memref<1x80x128xf32, #tpu.memory_space<vmem>>
            %dma_wait3A_355 = tpu.memref_squeeze %dma_wait3A_354 : memref<1x80x128xf32, #tpu.memory_space<vmem>> -> memref<80x128xf32, #tpu.memory_space<vmem>>
            %dma_wait3A_356 = arith.constant 0 : i32
            %dma_wait3A_357 = tpu.memref_slice %arg6[%dma_wait3A_350, %dma_wait3A_351, %dma_wait3A_356] : memref<4x2x80xi32, #tpu.memory_space<vmem>> -> memref<1x1x80xi32, #tpu.memory_space<vmem>>
            %dma_wait3A_358 = tpu.memref_squeeze %dma_wait3A_357 : memref<1x1x80xi32, #tpu.memory_space<vmem>> -> memref<80xi32, #tpu.memory_space<vmem>>
            %dma_wait3A_359 = arith.constant 0 : i32
            %dma_wait3A_360 = arith.constant 0 : i32
            %dma_wait3A_361 = tpu.memref_slice %arg9[%dma_wait3A_359, %dma_wait3A_360] : memref<10240x128xf32, #tpu.memory_space<vmem_shared>> -> memref<10240x128xf32, #tpu.memory_space<vmem_shared>>
            tpu.wait_indirect_dma semaphore(%arg14 : memref<!tpu.dma_semaphore, #tpu.memory_space<semaphore_mem>>) src(%dma_wait3A_355 : memref<80x128xf32, #tpu.memory_space<vmem>>) dst(%dma_wait3A_361 : memref<10240x128xf32, #tpu.memory_space<vmem_shared>>)
            %dma_wait3A_362 = arith.constant 1 : i32
            %dma_wait3A_363 = arith.constant 1 : i32
            %dma_wait3A_364 = arith.constant 0 : i32
            %dma_wait3A_365 = tpu.memref_slice %arg6[%dma_wait3A_362, %dma_wait3A_363, %dma_wait3A_364] : memref<4x2x80xi32, #tpu.memory_space<vmem>> -> memref<1x1x80xi32, #tpu.memory_space<vmem>>
            %dma_wait3A_366 = tpu.memref_squeeze %dma_wait3A_365 : memref<1x1x80xi32, #tpu.memory_space<vmem>> -> memref<80xi32, #tpu.memory_space<vmem>>
            %dma_wait3A_367 = arith.constant 0 : i32
            %dma_wait3A_368 = arith.constant 0 : i32
            %dma_wait3A_369 = tpu.memref_slice %arg10[%dma_wait3A_367, %dma_wait3A_368] : memref<10240x16xf32, #tpu.memory_space<vmem_shared>> -> memref<10240x16xf32, #tpu.memory_space<vmem_shared>>
            tpu.wait_indirect_dma semaphore(%arg17 : memref<!tpu.dma_semaphore, #tpu.memory_space<semaphore_mem>>) src(%arg8 : memref<80x16xf32, #tpu.memory_space<vmem>>) dst(%dma_wait3A_369 : memref<10240x16xf32, #tpu.memory_space<vmem_shared>>)
          } else {
          }
        } else {
        }
        %add3A_297 = arith.constant 2 : i32
        %add3A_298 = arith.addi %add3A_263, %add3A_297 : i32
        %lt3A_299 = arith.constant 125 : i32
        %lt3A_300 = arith.cmpi slt, %add3A_298, %lt3A_299 : i32
        %convert_element_type3A_301 = arith.extui %lt3A_300 : i1 to i32
        %cond3A_302 = arith.constant 0 : i32
        %cond3A_303 = arith.cmpi ne, %convert_element_type3A_301, %cond3A_302 : i32
        scf.if %cond3A_303 {
          %add3A_345 = arith.constant 2 : i32
          %add3A_346 = arith.addi %add3A_263, %add3A_345 : i32
          %mul3A_347 = arith.constant 10000 : i32
          %mul3A_348 = arith.muli %add3A, %mul3A_347 : i32
          %mul3A_349 = arith.constant 80 : i32
          %mul3A_350 = arith.muli %add3A_346, %mul3A_349 : i32
          %add3A_351 = arith.addi %mul3A_348, %mul3A_350 : i32
          %dma_start3A_352 = arith.constant 2 : i32
          %dma_start3A_353 = arith.constant 0 : i32
          %dma_start3A_354 = arith.constant 0 : i32
          %dma_start3A_355 = tpu.memref_slice %arg6[%dma_start3A_352, %dma_start3A_353, %dma_start3A_354] : memref<4x2x80xi32, #tpu.memory_space<vmem>> -> memref<1x2x80xi32, #tpu.memory_space<vmem>>
          %dma_start3A_356 = tpu.memref_squeeze %dma_start3A_355 : memref<1x2x80xi32, #tpu.memory_space<vmem>> -> memref<2x80xi32, #tpu.memory_space<vmem>>
          %dma_start3A_357 = arith.constant 0 : i32
          %dma_start3A_358 = tpu.memref_slice %arg3[%dma_start3A_357, %add3A_351] : memref<2x320000xi32, #tpu.memory_space<hbm>> -> memref<2x80xi32, #tpu.memory_space<hbm>>
          %dma_start3A_359 = arith.constant 0 : i32
          %dma_start3A_360 = arith.constant 0 : i32
          %dma_start3A_361 = tpu.memref_slice %arg6[%dma_start3A_352, %dma_start3A_359, %dma_start3A_360] : memref<4x2x80xi32, #tpu.memory_space<vmem>> -> memref<1x2x80xi32, #tpu.memory_space<vmem>>
          %dma_start3A_362 = tpu.memref_squeeze %dma_start3A_361 : memref<1x2x80xi32, #tpu.memory_space<vmem>> -> memref<2x80xi32, #tpu.memory_space<vmem>>
          %dma_start3A_363 = arith.constant 0 : i32
          %dma_start3A_364 = tpu.memref_slice %arg3[%dma_start3A_363, %add3A_351] : memref<2x320000xi32, #tpu.memory_space<hbm>> -> memref<2x80xi32, #tpu.memory_space<hbm>>
          tpu.enqueue_dma source(%dma_start3A_364 : memref<2x80xi32, #tpu.memory_space<hbm>>) target(%dma_start3A_362 : memref<2x80xi32, #tpu.memory_space<vmem>>) target_semaphore(%arg22 : memref<!tpu.dma_semaphore, #tpu.memory_space<semaphore_mem>>)
        } else {
        }
        %add3A_304 = arith.constant 1 : i32
        %add3A_305 = arith.addi %add3A_263, %add3A_304 : i32
        %lt3A_306 = arith.constant 125 : i32
        %lt3A_307 = arith.cmpi slt, %add3A_305, %lt3A_306 : i32
        %convert_element_type3A_308 = arith.extui %lt3A_307 : i1 to i32
        %cond3A_309 = arith.constant 0 : i32
        %cond3A_310 = arith.cmpi ne, %convert_element_type3A_308, %cond3A_309 : i32
        scf.if %cond3A_310 {
          %add3A_345 = arith.constant 1 : i32
          %add3A_346 = arith.addi %add3A_263, %add3A_345 : i32
          %mul3A_347 = arith.constant 10000 : i32
          %mul3A_348 = arith.muli %add3A, %mul3A_347 : i32
          %mul3A_349 = arith.constant 80 : i32
          %mul3A_350 = arith.muli %add3A_346, %mul3A_349 : i32
          %add3A_351 = arith.addi %mul3A_348, %mul3A_350 : i32
          %dma_wait3A_352 = arith.constant 1 : i32
          %dma_wait3A_353 = arith.constant 0 : i32
          %dma_wait3A_354 = arith.constant 0 : i32
          %dma_wait3A_355 = tpu.memref_slice %arg6[%dma_wait3A_352, %dma_wait3A_353, %dma_wait3A_354] : memref<4x2x80xi32, #tpu.memory_space<vmem>> -> memref<1x2x80xi32, #tpu.memory_space<vmem>>
          %dma_wait3A_356 = tpu.memref_squeeze %dma_wait3A_355 : memref<1x2x80xi32, #tpu.memory_space<vmem>> -> memref<2x80xi32, #tpu.memory_space<vmem>>
          %dma_wait3A_357 = arith.constant 0 : i32
          %dma_wait3A_358 = tpu.memref_slice %arg3[%dma_wait3A_357, %add3A_351] : memref<2x320000xi32, #tpu.memory_space<hbm>> -> memref<2x80xi32, #tpu.memory_space<hbm>>
          %dma_wait3A_359 = arith.constant 0 : i32
          %dma_wait3A_360 = arith.constant 0 : i32
          %dma_wait3A_361 = tpu.memref_slice %arg6[%dma_wait3A_352, %dma_wait3A_359, %dma_wait3A_360] : memref<4x2x80xi32, #tpu.memory_space<vmem>> -> memref<1x2x80xi32, #tpu.memory_space<vmem>>
          %dma_wait3A_362 = tpu.memref_squeeze %dma_wait3A_361 : memref<1x2x80xi32, #tpu.memory_space<vmem>> -> memref<2x80xi32, #tpu.memory_space<vmem>>
          %dma_wait3A_363 = arith.constant 0 : i32
          %dma_wait3A_364 = tpu.memref_slice %arg3[%dma_wait3A_363, %add3A_351] : memref<2x320000xi32, #tpu.memory_space<hbm>> -> memref<2x80xi32, #tpu.memory_space<hbm>>
          tpu.wait_dma2 semaphore(%arg21 : memref<!tpu.dma_semaphore, #tpu.memory_space<semaphore_mem>>) src(%dma_wait3A_364 : memref<2x80xi32, #tpu.memory_space<hbm>>) dst(%dma_wait3A_362 : memref<2x80xi32, #tpu.memory_space<vmem>>)
          %dma_start3A_365 = arith.constant 1 : i32
          %dma_start3A_366 = arith.constant 0 : i32
          %dma_start3A_367 = arith.constant 0 : i32
          %dma_start3A_368 = arith.constant 0 : i32
          %dma_start3A_369 = arith.constant 0 : i32
          %dma_start3A_370 = tpu.memref_slice %arg7[%dma_start3A_367, %dma_start3A_368, %dma_start3A_369] : memref<3x80x128xf32, #tpu.memory_space<vmem>> -> memref<1x80x128xf32, #tpu.memory_space<vmem>>
          %dma_start3A_371 = tpu.memref_squeeze %dma_start3A_370 : memref<1x80x128xf32, #tpu.memory_space<vmem>> -> memref<80x128xf32, #tpu.memory_space<vmem>>
          %dma_start3A_372 = arith.constant 0 : i32
          %dma_start3A_373 = tpu.memref_slice %arg6[%dma_start3A_365, %dma_start3A_366, %dma_start3A_372] : memref<4x2x80xi32, #tpu.memory_space<vmem>> -> memref<1x1x80xi32, #tpu.memory_space<vmem>>
          %dma_start3A_374 = tpu.memref_squeeze %dma_start3A_373 : memref<1x1x80xi32, #tpu.memory_space<vmem>> -> memref<80xi32, #tpu.memory_space<vmem>>
          %dma_start3A_375 = arith.constant 0 : i32
          %dma_start3A_376 = arith.constant 0 : i32
          %dma_start3A_377 = tpu.memref_slice %arg2[%dma_start3A_375, %dma_start3A_376] : memref<10000x128xf32, #tpu.memory_space<hbm>> -> memref<10000x128xf32, #tpu.memory_space<hbm>>
          tpu.enqueue_indirect_dma source(%dma_start3A_377 : memref<10000x128xf32, #tpu.memory_space<hbm>>) target(%dma_start3A_371 : memref<80x128xf32, #tpu.memory_space<vmem>>) offsets(%dma_start3A_374 : memref<80xi32, #tpu.memory_space<vmem>>) semaphore(%arg11 : memref<!tpu.dma_semaphore, #tpu.memory_space<semaphore_mem>>)
        } else {
        }
        %dma_wait3A_311 = arith.constant 0 : i32
        %dma_wait3A_312 = arith.constant 0 : i32
        %dma_wait3A_313 = arith.constant 2 : i32
        %dma_wait3A_314 = arith.constant 0 : i32
        %dma_wait3A_315 = arith.constant 0 : i32
        %dma_wait3A_316 = tpu.memref_slice %arg7[%dma_wait3A_313, %dma_wait3A_314, %dma_wait3A_315] : memref<3x80x128xf32, #tpu.memory_space<vmem>> -> memref<1x80x128xf32, #tpu.memory_space<vmem>>
        %dma_wait3A_317 = tpu.memref_squeeze %dma_wait3A_316 : memref<1x80x128xf32, #tpu.memory_space<vmem>> -> memref<80x128xf32, #tpu.memory_space<vmem>>
        %dma_wait3A_318 = arith.constant 0 : i32
        %dma_wait3A_319 = tpu.memref_slice %arg6[%dma_wait3A_311, %dma_wait3A_312, %dma_wait3A_318] : memref<4x2x80xi32, #tpu.memory_space<vmem>> -> memref<1x1x80xi32, #tpu.memory_space<vmem>>
        %dma_wait3A_320 = tpu.memref_squeeze %dma_wait3A_319 : memref<1x1x80xi32, #tpu.memory_space<vmem>> -> memref<80xi32, #tpu.memory_space<vmem>>
        %dma_wait3A_321 = arith.constant 0 : i32
        %dma_wait3A_322 = arith.constant 0 : i32
        %dma_wait3A_323 = tpu.memref_slice %arg2[%dma_wait3A_321, %dma_wait3A_322] : memref<10000x128xf32, #tpu.memory_space<hbm>> -> memref<10000x128xf32, #tpu.memory_space<hbm>>
        tpu.wait_indirect_dma semaphore(%arg13 : memref<!tpu.dma_semaphore, #tpu.memory_space<semaphore_mem>>) src(%dma_wait3A_323 : memref<10000x128xf32, #tpu.memory_space<hbm>>) dst(%dma_wait3A_317 : memref<80x128xf32, #tpu.memory_space<vmem>>)
        %dma_start3A_324 = arith.constant 2 : i32
        %dma_start3A_325 = arith.constant 0 : i32
        %dma_start3A_326 = arith.constant 1 : i32
        %dma_start3A_327 = arith.constant 0 : i32
        %dma_start3A_328 = arith.constant 0 : i32
        %dma_start3A_329 = tpu.memref_slice %arg7[%dma_start3A_324, %dma_start3A_327, %dma_start3A_328] : memref<3x80x128xf32, #tpu.memory_space<vmem>> -> memref<1x80x128xf32, #tpu.memory_space<vmem>>
        %dma_start3A_330 = tpu.memref_squeeze %dma_start3A_329 : memref<1x80x128xf32, #tpu.memory_space<vmem>> -> memref<80x128xf32, #tpu.memory_space<vmem>>
        %dma_start3A_331 = arith.constant 0 : i32
        %dma_start3A_332 = tpu.memref_slice %arg6[%dma_start3A_325, %dma_start3A_326, %dma_start3A_331] : memref<4x2x80xi32, #tpu.memory_space<vmem>> -> memref<1x1x80xi32, #tpu.memory_space<vmem>>
        %dma_start3A_333 = tpu.memref_squeeze %dma_start3A_332 : memref<1x1x80xi32, #tpu.memory_space<vmem>> -> memref<80xi32, #tpu.memory_space<vmem>>
        %dma_start3A_334 = arith.constant 0 : i32
        %dma_start3A_335 = arith.constant 0 : i32
        %dma_start3A_336 = tpu.memref_slice %arg9[%dma_start3A_334, %dma_start3A_335] : memref<10240x128xf32, #tpu.memory_space<vmem_shared>> -> memref<10240x128xf32, #tpu.memory_space<vmem_shared>>
        tpu.enqueue_indirect_dma source(%dma_start3A_330 : memref<80x128xf32, #tpu.memory_space<vmem>>) target(%dma_start3A_336 : memref<10240x128xf32, #tpu.memory_space<vmem_shared>>) offsets(%dma_start3A_333 : memref<80xi32, #tpu.memory_space<vmem>>) semaphore(%arg16 : memref<!tpu.dma_semaphore, #tpu.memory_space<semaphore_mem>>) {add = true}
        %dma_start3A_337 = arith.constant 0 : i32
        %dma_start3A_338 = arith.constant 1 : i32
        %dma_start3A_339 = arith.constant 0 : i32
        %dma_start3A_340 = tpu.memref_slice %arg6[%dma_start3A_337, %dma_start3A_338, %dma_start3A_339] : memref<4x2x80xi32, #tpu.memory_space<vmem>> -> memref<1x1x80xi32, #tpu.memory_space<vmem>>
        %dma_start3A_341 = tpu.memref_squeeze %dma_start3A_340 : memref<1x1x80xi32, #tpu.memory_space<vmem>> -> memref<80xi32, #tpu.memory_space<vmem>>
        %dma_start3A_342 = arith.constant 0 : i32
        %dma_start3A_343 = arith.constant 0 : i32
        %dma_start3A_344 = tpu.memref_slice %arg10[%dma_start3A_342, %dma_start3A_343] : memref<10240x16xf32, #tpu.memory_space<vmem_shared>> -> memref<10240x16xf32, #tpu.memory_space<vmem_shared>>
        tpu.enqueue_indirect_dma source(%arg8 : memref<80x16xf32, #tpu.memory_space<vmem>>) target(%dma_start3A_344 : memref<10240x16xf32, #tpu.memory_space<vmem_shared>>) offsets(%dma_start3A_341 : memref<80xi32, #tpu.memory_space<vmem>>) semaphore(%arg19 : memref<!tpu.dma_semaphore, #tpu.memory_space<semaphore_mem>>) {add = true}
      } else {
      }
      %add3A_269 = arith.constant 9 : i32
      %add3A_270 = arith.addi %add3A_208, %add3A_269 : i32
      %lt3A_271 = arith.constant 125 : i32
      %lt3A_272 = arith.cmpi slt, %add3A_270, %lt3A_271 : i32
      %convert_element_type3A_273 = arith.extui %lt3A_272 : i1 to i32
      %cond3A_274 = arith.constant 0 : i32
      %cond3A_275 = arith.cmpi ne, %convert_element_type3A_273, %cond3A_274 : i32
      scf.if %cond3A_275 {
        %add3A_290 = arith.constant 1 : i32
        %add3A_291 = arith.addi %add3A_270, %add3A_290 : i32
        %lt3A_292 = arith.constant 125 : i32
        %lt3A_293 = arith.cmpi slt, %add3A_291, %lt3A_292 : i32
        %convert_element_type3A_294 = arith.extui %lt3A_293 : i1 to i32
        %cond3A_295 = arith.constant 0 : i32
        %cond3A_296 = arith.cmpi ne, %convert_element_type3A_294, %cond3A_295 : i32
        scf.if %cond3A_296 {
          %ge3A = arith.constant 2 : i32
          %ge3A_345 = arith.cmpi sge, %add3A_270, %ge3A : i32
          %convert_element_type3A_346 = arith.extui %ge3A_345 : i1 to i32
          %cond3A_347 = arith.constant 0 : i32
          %cond3A_348 = arith.cmpi ne, %convert_element_type3A_346, %cond3A_347 : i32
          scf.if %cond3A_348 {
            %dma_wait3A_349 = arith.constant 1 : i32
            %dma_wait3A_350 = arith.constant 2 : i32
            %dma_wait3A_351 = arith.constant 1 : i32
            %dma_wait3A_352 = arith.constant 0 : i32
            %dma_wait3A_353 = arith.constant 0 : i32
            %dma_wait3A_354 = tpu.memref_slice %arg7[%dma_wait3A_349, %dma_wait3A_352, %dma_wait3A_353] : memref<3x80x128xf32, #tpu.memory_space<vmem>> -> memref<1x80x128xf32, #tpu.memory_space<vmem>>
            %dma_wait3A_355 = tpu.memref_squeeze %dma_wait3A_354 : memref<1x80x128xf32, #tpu.memory_space<vmem>> -> memref<80x128xf32, #tpu.memory_space<vmem>>
            %dma_wait3A_356 = arith.constant 0 : i32
            %dma_wait3A_357 = tpu.memref_slice %arg6[%dma_wait3A_350, %dma_wait3A_351, %dma_wait3A_356] : memref<4x2x80xi32, #tpu.memory_space<vmem>> -> memref<1x1x80xi32, #tpu.memory_space<vmem>>
            %dma_wait3A_358 = tpu.memref_squeeze %dma_wait3A_357 : memref<1x1x80xi32, #tpu.memory_space<vmem>> -> memref<80xi32, #tpu.memory_space<vmem>>
            %dma_wait3A_359 = arith.constant 0 : i32
            %dma_wait3A_360 = arith.constant 0 : i32
            %dma_wait3A_361 = tpu.memref_slice %arg9[%dma_wait3A_359, %dma_wait3A_360] : memref<10240x128xf32, #tpu.memory_space<vmem_shared>> -> memref<10240x128xf32, #tpu.memory_space<vmem_shared>>
            tpu.wait_indirect_dma semaphore(%arg15 : memref<!tpu.dma_semaphore, #tpu.memory_space<semaphore_mem>>) src(%dma_wait3A_355 : memref<80x128xf32, #tpu.memory_space<vmem>>) dst(%dma_wait3A_361 : memref<10240x128xf32, #tpu.memory_space<vmem_shared>>)
            %dma_wait3A_362 = arith.constant 2 : i32
            %dma_wait3A_363 = arith.constant 1 : i32
            %dma_wait3A_364 = arith.constant 0 : i32
            %dma_wait3A_365 = tpu.memref_slice %arg6[%dma_wait3A_362, %dma_wait3A_363, %dma_wait3A_364] : memref<4x2x80xi32, #tpu.memory_space<vmem>> -> memref<1x1x80xi32, #tpu.memory_space<vmem>>
            %dma_wait3A_366 = tpu.memref_squeeze %dma_wait3A_365 : memref<1x1x80xi32, #tpu.memory_space<vmem>> -> memref<80xi32, #tpu.memory_space<vmem>>
            %dma_wait3A_367 = arith.constant 0 : i32
            %dma_wait3A_368 = arith.constant 0 : i32
            %dma_wait3A_369 = tpu.memref_slice %arg10[%dma_wait3A_367, %dma_wait3A_368] : memref<10240x16xf32, #tpu.memory_space<vmem_shared>> -> memref<10240x16xf32, #tpu.memory_space<vmem_shared>>
            tpu.wait_indirect_dma semaphore(%arg18 : memref<!tpu.dma_semaphore, #tpu.memory_space<semaphore_mem>>) src(%arg8 : memref<80x16xf32, #tpu.memory_space<vmem>>) dst(%dma_wait3A_369 : memref<10240x16xf32, #tpu.memory_space<vmem_shared>>)
          } else {
          }
        } else {
        }
        %add3A_297 = arith.constant 2 : i32
        %add3A_298 = arith.addi %add3A_270, %add3A_297 : i32
        %lt3A_299 = arith.constant 125 : i32
        %lt3A_300 = arith.cmpi slt, %add3A_298, %lt3A_299 : i32
        %convert_element_type3A_301 = arith.extui %lt3A_300 : i1 to i32
        %cond3A_302 = arith.constant 0 : i32
        %cond3A_303 = arith.cmpi ne, %convert_element_type3A_301, %cond3A_302 : i32
        scf.if %cond3A_303 {
          %add3A_345 = arith.constant 2 : i32
          %add3A_346 = arith.addi %add3A_270, %add3A_345 : i32
          %mul3A_347 = arith.constant 10000 : i32
          %mul3A_348 = arith.muli %add3A, %mul3A_347 : i32
          %mul3A_349 = arith.constant 80 : i32
          %mul3A_350 = arith.muli %add3A_346, %mul3A_349 : i32
          %add3A_351 = arith.addi %mul3A_348, %mul3A_350 : i32
          %dma_start3A_352 = arith.constant 3 : i32
          %dma_start3A_353 = arith.constant 0 : i32
          %dma_start3A_354 = arith.constant 0 : i32
          %dma_start3A_355 = tpu.memref_slice %arg6[%dma_start3A_352, %dma_start3A_353, %dma_start3A_354] : memref<4x2x80xi32, #tpu.memory_space<vmem>> -> memref<1x2x80xi32, #tpu.memory_space<vmem>>
          %dma_start3A_356 = tpu.memref_squeeze %dma_start3A_355 : memref<1x2x80xi32, #tpu.memory_space<vmem>> -> memref<2x80xi32, #tpu.memory_space<vmem>>
          %dma_start3A_357 = arith.constant 0 : i32
          %dma_start3A_358 = tpu.memref_slice %arg3[%dma_start3A_357, %add3A_351] : memref<2x320000xi32, #tpu.memory_space<hbm>> -> memref<2x80xi32, #tpu.memory_space<hbm>>
          %dma_start3A_359 = arith.constant 0 : i32
          %dma_start3A_360 = arith.constant 0 : i32
          %dma_start3A_361 = tpu.memref_slice %arg6[%dma_start3A_352, %dma_start3A_359, %dma_start3A_360] : memref<4x2x80xi32, #tpu.memory_space<vmem>> -> memref<1x2x80xi32, #tpu.memory_space<vmem>>
          %dma_start3A_362 = tpu.memref_squeeze %dma_start3A_361 : memref<1x2x80xi32, #tpu.memory_space<vmem>> -> memref<2x80xi32, #tpu.memory_space<vmem>>
          %dma_start3A_363 = arith.constant 0 : i32
          %dma_start3A_364 = tpu.memref_slice %arg3[%dma_start3A_363, %add3A_351] : memref<2x320000xi32, #tpu.memory_space<hbm>> -> memref<2x80xi32, #tpu.memory_space<hbm>>
          tpu.enqueue_dma source(%dma_start3A_364 : memref<2x80xi32, #tpu.memory_space<hbm>>) target(%dma_start3A_362 : memref<2x80xi32, #tpu.memory_space<vmem>>) target_semaphore(%arg23 : memref<!tpu.dma_semaphore, #tpu.memory_space<semaphore_mem>>)
        } else {
        }
        %add3A_304 = arith.constant 1 : i32
        %add3A_305 = arith.addi %add3A_270, %add3A_304 : i32
        %lt3A_306 = arith.constant 125 : i32
        %lt3A_307 = arith.cmpi slt, %add3A_305, %lt3A_306 : i32
        %convert_element_type3A_308 = arith.extui %lt3A_307 : i1 to i32
        %cond3A_309 = arith.constant 0 : i32
        %cond3A_310 = arith.cmpi ne, %convert_element_type3A_308, %cond3A_309 : i32
        scf.if %cond3A_310 {
          %add3A_345 = arith.constant 1 : i32
          %add3A_346 = arith.addi %add3A_270, %add3A_345 : i32
          %mul3A_347 = arith.constant 10000 : i32
          %mul3A_348 = arith.muli %add3A, %mul3A_347 : i32
          %mul3A_349 = arith.constant 80 : i32
          %mul3A_350 = arith.muli %add3A_346, %mul3A_349 : i32
          %add3A_351 = arith.addi %mul3A_348, %mul3A_350 : i32
          %dma_wait3A_352 = arith.constant 2 : i32
          %dma_wait3A_353 = arith.constant 0 : i32
          %dma_wait3A_354 = arith.constant 0 : i32
          %dma_wait3A_355 = tpu.memref_slice %arg6[%dma_wait3A_352, %dma_wait3A_353, %dma_wait3A_354] : memref<4x2x80xi32, #tpu.memory_space<vmem>> -> memref<1x2x80xi32, #tpu.memory_space<vmem>>
          %dma_wait3A_356 = tpu.memref_squeeze %dma_wait3A_355 : memref<1x2x80xi32, #tpu.memory_space<vmem>> -> memref<2x80xi32, #tpu.memory_space<vmem>>
          %dma_wait3A_357 = arith.constant 0 : i32
          %dma_wait3A_358 = tpu.memref_slice %arg3[%dma_wait3A_357, %add3A_351] : memref<2x320000xi32, #tpu.memory_space<hbm>> -> memref<2x80xi32, #tpu.memory_space<hbm>>
          %dma_wait3A_359 = arith.constant 0 : i32
          %dma_wait3A_360 = arith.constant 0 : i32
          %dma_wait3A_361 = tpu.memref_slice %arg6[%dma_wait3A_352, %dma_wait3A_359, %dma_wait3A_360] : memref<4x2x80xi32, #tpu.memory_space<vmem>> -> memref<1x2x80xi32, #tpu.memory_space<vmem>>
          %dma_wait3A_362 = tpu.memref_squeeze %dma_wait3A_361 : memref<1x2x80xi32, #tpu.memory_space<vmem>> -> memref<2x80xi32, #tpu.memory_space<vmem>>
          %dma_wait3A_363 = arith.constant 0 : i32
          %dma_wait3A_364 = tpu.memref_slice %arg3[%dma_wait3A_363, %add3A_351] : memref<2x320000xi32, #tpu.memory_space<hbm>> -> memref<2x80xi32, #tpu.memory_space<hbm>>
          tpu.wait_dma2 semaphore(%arg22 : memref<!tpu.dma_semaphore, #tpu.memory_space<semaphore_mem>>) src(%dma_wait3A_364 : memref<2x80xi32, #tpu.memory_space<hbm>>) dst(%dma_wait3A_362 : memref<2x80xi32, #tpu.memory_space<vmem>>)
          %dma_start3A_365 = arith.constant 2 : i32
          %dma_start3A_366 = arith.constant 0 : i32
          %dma_start3A_367 = arith.constant 1 : i32
          %dma_start3A_368 = arith.constant 0 : i32
          %dma_start3A_369 = arith.constant 0 : i32
          %dma_start3A_370 = tpu.memref_slice %arg7[%dma_start3A_367, %dma_start3A_368, %dma_start3A_369] : memref<3x80x128xf32, #tpu.memory_space<vmem>> -> memref<1x80x128xf32, #tpu.memory_space<vmem>>
          %dma_start3A_371 = tpu.memref_squeeze %dma_start3A_370 : memref<1x80x128xf32, #tpu.memory_space<vmem>> -> memref<80x128xf32, #tpu.memory_space<vmem>>
          %dma_start3A_372 = arith.constant 0 : i32
          %dma_start3A_373 = tpu.memref_slice %arg6[%dma_start3A_365, %dma_start3A_366, %dma_start3A_372] : memref<4x2x80xi32, #tpu.memory_space<vmem>> -> memref<1x1x80xi32, #tpu.memory_space<vmem>>
          %dma_start3A_374 = tpu.memref_squeeze %dma_start3A_373 : memref<1x1x80xi32, #tpu.memory_space<vmem>> -> memref<80xi32, #tpu.memory_space<vmem>>
          %dma_start3A_375 = arith.constant 0 : i32
          %dma_start3A_376 = arith.constant 0 : i32
          %dma_start3A_377 = tpu.memref_slice %arg2[%dma_start3A_375, %dma_start3A_376] : memref<10000x128xf32, #tpu.memory_space<hbm>> -> memref<10000x128xf32, #tpu.memory_space<hbm>>
          tpu.enqueue_indirect_dma source(%dma_start3A_377 : memref<10000x128xf32, #tpu.memory_space<hbm>>) target(%dma_start3A_371 : memref<80x128xf32, #tpu.memory_space<vmem>>) offsets(%dma_start3A_374 : memref<80xi32, #tpu.memory_space<vmem>>) semaphore(%arg12 : memref<!tpu.dma_semaphore, #tpu.memory_space<semaphore_mem>>)
        } else {
        }
        %dma_wait3A_311 = arith.constant 1 : i32
        %dma_wait3A_312 = arith.constant 0 : i32
        %dma_wait3A_313 = arith.constant 0 : i32
        %dma_wait3A_314 = arith.constant 0 : i32
        %dma_wait3A_315 = arith.constant 0 : i32
        %dma_wait3A_316 = tpu.memref_slice %arg7[%dma_wait3A_313, %dma_wait3A_314, %dma_wait3A_315] : memref<3x80x128xf32, #tpu.memory_space<vmem>> -> memref<1x80x128xf32, #tpu.memory_space<vmem>>
        %dma_wait3A_317 = tpu.memref_squeeze %dma_wait3A_316 : memref<1x80x128xf32, #tpu.memory_space<vmem>> -> memref<80x128xf32, #tpu.memory_space<vmem>>
        %dma_wait3A_318 = arith.constant 0 : i32
        %dma_wait3A_319 = tpu.memref_slice %arg6[%dma_wait3A_311, %dma_wait3A_312, %dma_wait3A_318] : memref<4x2x80xi32, #tpu.memory_space<vmem>> -> memref<1x1x80xi32, #tpu.memory_space<vmem>>
        %dma_wait3A_320 = tpu.memref_squeeze %dma_wait3A_319 : memref<1x1x80xi32, #tpu.memory_space<vmem>> -> memref<80xi32, #tpu.memory_space<vmem>>
        %dma_wait3A_321 = arith.constant 0 : i32
        %dma_wait3A_322 = arith.constant 0 : i32
        %dma_wait3A_323 = tpu.memref_slice %arg2[%dma_wait3A_321, %dma_wait3A_322] : memref<10000x128xf32, #tpu.memory_space<hbm>> -> memref<10000x128xf32, #tpu.memory_space<hbm>>
        tpu.wait_indirect_dma semaphore(%arg11 : memref<!tpu.dma_semaphore, #tpu.memory_space<semaphore_mem>>) src(%dma_wait3A_323 : memref<10000x128xf32, #tpu.memory_space<hbm>>) dst(%dma_wait3A_317 : memref<80x128xf32, #tpu.memory_space<vmem>>)
        %dma_start3A_324 = arith.constant 0 : i32
        %dma_start3A_325 = arith.constant 1 : i32
        %dma_start3A_326 = arith.constant 1 : i32
        %dma_start3A_327 = arith.constant 0 : i32
        %dma_start3A_328 = arith.constant 0 : i32
        %dma_start3A_329 = tpu.memref_slice %arg7[%dma_start3A_324, %dma_start3A_327, %dma_start3A_328] : memref<3x80x128xf32, #tpu.memory_space<vmem>> -> memref<1x80x128xf32, #tpu.memory_space<vmem>>
        %dma_start3A_330 = tpu.memref_squeeze %dma_start3A_329 : memref<1x80x128xf32, #tpu.memory_space<vmem>> -> memref<80x128xf32, #tpu.memory_space<vmem>>
        %dma_start3A_331 = arith.constant 0 : i32
        %dma_start3A_332 = tpu.memref_slice %arg6[%dma_start3A_325, %dma_start3A_326, %dma_start3A_331] : memref<4x2x80xi32, #tpu.memory_space<vmem>> -> memref<1x1x80xi32, #tpu.memory_space<vmem>>
        %dma_start3A_333 = tpu.memref_squeeze %dma_start3A_332 : memref<1x1x80xi32, #tpu.memory_space<vmem>> -> memref<80xi32, #tpu.memory_space<vmem>>
        %dma_start3A_334 = arith.constant 0 : i32
        %dma_start3A_335 = arith.constant 0 : i32
        %dma_start3A_336 = tpu.memref_slice %arg9[%dma_start3A_334, %dma_start3A_335] : memref<10240x128xf32, #tpu.memory_space<vmem_shared>> -> memref<10240x128xf32, #tpu.memory_space<vmem_shared>>
        tpu.enqueue_indirect_dma source(%dma_start3A_330 : memref<80x128xf32, #tpu.memory_space<vmem>>) target(%dma_start3A_336 : memref<10240x128xf32, #tpu.memory_space<vmem_shared>>) offsets(%dma_start3A_333 : memref<80xi32, #tpu.memory_space<vmem>>) semaphore(%arg14 : memref<!tpu.dma_semaphore, #tpu.memory_space<semaphore_mem>>) {add = true}
        %dma_start3A_337 = arith.constant 1 : i32
        %dma_start3A_338 = arith.constant 1 : i32
        %dma_start3A_339 = arith.constant 0 : i32
        %dma_start3A_340 = tpu.memref_slice %arg6[%dma_start3A_337, %dma_start3A_338, %dma_start3A_339] : memref<4x2x80xi32, #tpu.memory_space<vmem>> -> memref<1x1x80xi32, #tpu.memory_space<vmem>>
        %dma_start3A_341 = tpu.memref_squeeze %dma_start3A_340 : memref<1x1x80xi32, #tpu.memory_space<vmem>> -> memref<80xi32, #tpu.memory_space<vmem>>
        %dma_start3A_342 = arith.constant 0 : i32
        %dma_start3A_343 = arith.constant 0 : i32
        %dma_start3A_344 = tpu.memref_slice %arg10[%dma_start3A_342, %dma_start3A_343] : memref<10240x16xf32, #tpu.memory_space<vmem_shared>> -> memref<10240x16xf32, #tpu.memory_space<vmem_shared>>
        tpu.enqueue_indirect_dma source(%arg8 : memref<80x16xf32, #tpu.memory_space<vmem>>) target(%dma_start3A_344 : memref<10240x16xf32, #tpu.memory_space<vmem_shared>>) offsets(%dma_start3A_341 : memref<80xi32, #tpu.memory_space<vmem>>) semaphore(%arg17 : memref<!tpu.dma_semaphore, #tpu.memory_space<semaphore_mem>>) {add = true}
      } else {
      }
      %add3A_276 = arith.constant 10 : i32
      %add3A_277 = arith.addi %add3A_208, %add3A_276 : i32
      %lt3A_278 = arith.constant 125 : i32
      %lt3A_279 = arith.cmpi slt, %add3A_277, %lt3A_278 : i32
      %convert_element_type3A_280 = arith.extui %lt3A_279 : i1 to i32
      %cond3A_281 = arith.constant 0 : i32
      %cond3A_282 = arith.cmpi ne, %convert_element_type3A_280, %cond3A_281 : i32
      scf.if %cond3A_282 {
        %add3A_290 = arith.constant 1 : i32
        %add3A_291 = arith.addi %add3A_277, %add3A_290 : i32
        %lt3A_292 = arith.constant 125 : i32
        %lt3A_293 = arith.cmpi slt, %add3A_291, %lt3A_292 : i32
        %convert_element_type3A_294 = arith.extui %lt3A_293 : i1 to i32
        %cond3A_295 = arith.constant 0 : i32
        %cond3A_296 = arith.cmpi ne, %convert_element_type3A_294, %cond3A_295 : i32
        scf.if %cond3A_296 {
          %ge3A = arith.constant 2 : i32
          %ge3A_345 = arith.cmpi sge, %add3A_277, %ge3A : i32
          %convert_element_type3A_346 = arith.extui %ge3A_345 : i1 to i32
          %cond3A_347 = arith.constant 0 : i32
          %cond3A_348 = arith.cmpi ne, %convert_element_type3A_346, %cond3A_347 : i32
          scf.if %cond3A_348 {
            %dma_wait3A_349 = arith.constant 2 : i32
            %dma_wait3A_350 = arith.constant 3 : i32
            %dma_wait3A_351 = arith.constant 1 : i32
            %dma_wait3A_352 = arith.constant 0 : i32
            %dma_wait3A_353 = arith.constant 0 : i32
            %dma_wait3A_354 = tpu.memref_slice %arg7[%dma_wait3A_349, %dma_wait3A_352, %dma_wait3A_353] : memref<3x80x128xf32, #tpu.memory_space<vmem>> -> memref<1x80x128xf32, #tpu.memory_space<vmem>>
            %dma_wait3A_355 = tpu.memref_squeeze %dma_wait3A_354 : memref<1x80x128xf32, #tpu.memory_space<vmem>> -> memref<80x128xf32, #tpu.memory_space<vmem>>
            %dma_wait3A_356 = arith.constant 0 : i32
            %dma_wait3A_357 = tpu.memref_slice %arg6[%dma_wait3A_350, %dma_wait3A_351, %dma_wait3A_356] : memref<4x2x80xi32, #tpu.memory_space<vmem>> -> memref<1x1x80xi32, #tpu.memory_space<vmem>>
            %dma_wait3A_358 = tpu.memref_squeeze %dma_wait3A_357 : memref<1x1x80xi32, #tpu.memory_space<vmem>> -> memref<80xi32, #tpu.memory_space<vmem>>
            %dma_wait3A_359 = arith.constant 0 : i32
            %dma_wait3A_360 = arith.constant 0 : i32
            %dma_wait3A_361 = tpu.memref_slice %arg9[%dma_wait3A_359, %dma_wait3A_360] : memref<10240x128xf32, #tpu.memory_space<vmem_shared>> -> memref<10240x128xf32, #tpu.memory_space<vmem_shared>>
            tpu.wait_indirect_dma semaphore(%arg16 : memref<!tpu.dma_semaphore, #tpu.memory_space<semaphore_mem>>) src(%dma_wait3A_355 : memref<80x128xf32, #tpu.memory_space<vmem>>) dst(%dma_wait3A_361 : memref<10240x128xf32, #tpu.memory_space<vmem_shared>>)
            %dma_wait3A_362 = arith.constant 3 : i32
            %dma_wait3A_363 = arith.constant 1 : i32
            %dma_wait3A_364 = arith.constant 0 : i32
            %dma_wait3A_365 = tpu.memref_slice %arg6[%dma_wait3A_362, %dma_wait3A_363, %dma_wait3A_364] : memref<4x2x80xi32, #tpu.memory_space<vmem>> -> memref<1x1x80xi32, #tpu.memory_space<vmem>>
            %dma_wait3A_366 = tpu.memref_squeeze %dma_wait3A_365 : memref<1x1x80xi32, #tpu.memory_space<vmem>> -> memref<80xi32, #tpu.memory_space<vmem>>
            %dma_wait3A_367 = arith.constant 0 : i32
            %dma_wait3A_368 = arith.constant 0 : i32
            %dma_wait3A_369 = tpu.memref_slice %arg10[%dma_wait3A_367, %dma_wait3A_368] : memref<10240x16xf32, #tpu.memory_space<vmem_shared>> -> memref<10240x16xf32, #tpu.memory_space<vmem_shared>>
            tpu.wait_indirect_dma semaphore(%arg19 : memref<!tpu.dma_semaphore, #tpu.memory_space<semaphore_mem>>) src(%arg8 : memref<80x16xf32, #tpu.memory_space<vmem>>) dst(%dma_wait3A_369 : memref<10240x16xf32, #tpu.memory_space<vmem_shared>>)
          } else {
          }
        } else {
        }
        %add3A_297 = arith.constant 2 : i32
        %add3A_298 = arith.addi %add3A_277, %add3A_297 : i32
        %lt3A_299 = arith.constant 125 : i32
        %lt3A_300 = arith.cmpi slt, %add3A_298, %lt3A_299 : i32
        %convert_element_type3A_301 = arith.extui %lt3A_300 : i1 to i32
        %cond3A_302 = arith.constant 0 : i32
        %cond3A_303 = arith.cmpi ne, %convert_element_type3A_301, %cond3A_302 : i32
        scf.if %cond3A_303 {
          %add3A_345 = arith.constant 2 : i32
          %add3A_346 = arith.addi %add3A_277, %add3A_345 : i32
          %mul3A_347 = arith.constant 10000 : i32
          %mul3A_348 = arith.muli %add3A, %mul3A_347 : i32
          %mul3A_349 = arith.constant 80 : i32
          %mul3A_350 = arith.muli %add3A_346, %mul3A_349 : i32
          %add3A_351 = arith.addi %mul3A_348, %mul3A_350 : i32
          %dma_start3A_352 = arith.constant 0 : i32
          %dma_start3A_353 = arith.constant 0 : i32
          %dma_start3A_354 = arith.constant 0 : i32
          %dma_start3A_355 = tpu.memref_slice %arg6[%dma_start3A_352, %dma_start3A_353, %dma_start3A_354] : memref<4x2x80xi32, #tpu.memory_space<vmem>> -> memref<1x2x80xi32, #tpu.memory_space<vmem>>
          %dma_start3A_356 = tpu.memref_squeeze %dma_start3A_355 : memref<1x2x80xi32, #tpu.memory_space<vmem>> -> memref<2x80xi32, #tpu.memory_space<vmem>>
          %dma_start3A_357 = arith.constant 0 : i32
          %dma_start3A_358 = tpu.memref_slice %arg3[%dma_start3A_357, %add3A_351] : memref<2x320000xi32, #tpu.memory_space<hbm>> -> memref<2x80xi32, #tpu.memory_space<hbm>>
          %dma_start3A_359 = arith.constant 0 : i32
          %dma_start3A_360 = arith.constant 0 : i32
          %dma_start3A_361 = tpu.memref_slice %arg6[%dma_start3A_352, %dma_start3A_359, %dma_start3A_360] : memref<4x2x80xi32, #tpu.memory_space<vmem>> -> memref<1x2x80xi32, #tpu.memory_space<vmem>>
          %dma_start3A_362 = tpu.memref_squeeze %dma_start3A_361 : memref<1x2x80xi32, #tpu.memory_space<vmem>> -> memref<2x80xi32, #tpu.memory_space<vmem>>
          %dma_start3A_363 = arith.constant 0 : i32
          %dma_start3A_364 = tpu.memref_slice %arg3[%dma_start3A_363, %add3A_351] : memref<2x320000xi32, #tpu.memory_space<hbm>> -> memref<2x80xi32, #tpu.memory_space<hbm>>
          tpu.enqueue_dma source(%dma_start3A_364 : memref<2x80xi32, #tpu.memory_space<hbm>>) target(%dma_start3A_362 : memref<2x80xi32, #tpu.memory_space<vmem>>) target_semaphore(%arg20 : memref<!tpu.dma_semaphore, #tpu.memory_space<semaphore_mem>>)
        } else {
        }
        %add3A_304 = arith.constant 1 : i32
        %add3A_305 = arith.addi %add3A_277, %add3A_304 : i32
        %lt3A_306 = arith.constant 125 : i32
        %lt3A_307 = arith.cmpi slt, %add3A_305, %lt3A_306 : i32
        %convert_element_type3A_308 = arith.extui %lt3A_307 : i1 to i32
        %cond3A_309 = arith.constant 0 : i32
        %cond3A_310 = arith.cmpi ne, %convert_element_type3A_308, %cond3A_309 : i32
        scf.if %cond3A_310 {
          %add3A_345 = arith.constant 1 : i32
          %add3A_346 = arith.addi %add3A_277, %add3A_345 : i32
          %mul3A_347 = arith.constant 10000 : i32
          %mul3A_348 = arith.muli %add3A, %mul3A_347 : i32
          %mul3A_349 = arith.constant 80 : i32
          %mul3A_350 = arith.muli %add3A_346, %mul3A_349 : i32
          %add3A_351 = arith.addi %mul3A_348, %mul3A_350 : i32
          %dma_wait3A_352 = arith.constant 3 : i32
          %dma_wait3A_353 = arith.constant 0 : i32
          %dma_wait3A_354 = arith.constant 0 : i32
          %dma_wait3A_355 = tpu.memref_slice %arg6[%dma_wait3A_352, %dma_wait3A_353, %dma_wait3A_354] : memref<4x2x80xi32, #tpu.memory_space<vmem>> -> memref<1x2x80xi32, #tpu.memory_space<vmem>>
          %dma_wait3A_356 = tpu.memref_squeeze %dma_wait3A_355 : memref<1x2x80xi32, #tpu.memory_space<vmem>> -> memref<2x80xi32, #tpu.memory_space<vmem>>
          %dma_wait3A_357 = arith.constant 0 : i32
          %dma_wait3A_358 = tpu.memref_slice %arg3[%dma_wait3A_357, %add3A_351] : memref<2x320000xi32, #tpu.memory_space<hbm>> -> memref<2x80xi32, #tpu.memory_space<hbm>>
          %dma_wait3A_359 = arith.constant 0 : i32
          %dma_wait3A_360 = arith.constant 0 : i32
          %dma_wait3A_361 = tpu.memref_slice %arg6[%dma_wait3A_352, %dma_wait3A_359, %dma_wait3A_360] : memref<4x2x80xi32, #tpu.memory_space<vmem>> -> memref<1x2x80xi32, #tpu.memory_space<vmem>>
          %dma_wait3A_362 = tpu.memref_squeeze %dma_wait3A_361 : memref<1x2x80xi32, #tpu.memory_space<vmem>> -> memref<2x80xi32, #tpu.memory_space<vmem>>
          %dma_wait3A_363 = arith.constant 0 : i32
          %dma_wait3A_364 = tpu.memref_slice %arg3[%dma_wait3A_363, %add3A_351] : memref<2x320000xi32, #tpu.memory_space<hbm>> -> memref<2x80xi32, #tpu.memory_space<hbm>>
          tpu.wait_dma2 semaphore(%arg23 : memref<!tpu.dma_semaphore, #tpu.memory_space<semaphore_mem>>) src(%dma_wait3A_364 : memref<2x80xi32, #tpu.memory_space<hbm>>) dst(%dma_wait3A_362 : memref<2x80xi32, #tpu.memory_space<vmem>>)
          %dma_start3A_365 = arith.constant 3 : i32
          %dma_start3A_366 = arith.constant 0 : i32
          %dma_start3A_367 = arith.constant 2 : i32
          %dma_start3A_368 = arith.constant 0 : i32
          %dma_start3A_369 = arith.constant 0 : i32
          %dma_start3A_370 = tpu.memref_slice %arg7[%dma_start3A_367, %dma_start3A_368, %dma_start3A_369] : memref<3x80x128xf32, #tpu.memory_space<vmem>> -> memref<1x80x128xf32, #tpu.memory_space<vmem>>
          %dma_start3A_371 = tpu.memref_squeeze %dma_start3A_370 : memref<1x80x128xf32, #tpu.memory_space<vmem>> -> memref<80x128xf32, #tpu.memory_space<vmem>>
          %dma_start3A_372 = arith.constant 0 : i32
          %dma_start3A_373 = tpu.memref_slice %arg6[%dma_start3A_365, %dma_start3A_366, %dma_start3A_372] : memref<4x2x80xi32, #tpu.memory_space<vmem>> -> memref<1x1x80xi32, #tpu.memory_space<vmem>>
          %dma_start3A_374 = tpu.memref_squeeze %dma_start3A_373 : memref<1x1x80xi32, #tpu.memory_space<vmem>> -> memref<80xi32, #tpu.memory_space<vmem>>
          %dma_start3A_375 = arith.constant 0 : i32
          %dma_start3A_376 = arith.constant 0 : i32
          %dma_start3A_377 = tpu.memref_slice %arg2[%dma_start3A_375, %dma_start3A_376] : memref<10000x128xf32, #tpu.memory_space<hbm>> -> memref<10000x128xf32, #tpu.memory_space<hbm>>
          tpu.enqueue_indirect_dma source(%dma_start3A_377 : memref<10000x128xf32, #tpu.memory_space<hbm>>) target(%dma_start3A_371 : memref<80x128xf32, #tpu.memory_space<vmem>>) offsets(%dma_start3A_374 : memref<80xi32, #tpu.memory_space<vmem>>) semaphore(%arg13 : memref<!tpu.dma_semaphore, #tpu.memory_space<semaphore_mem>>)
        } else {
        }
        %dma_wait3A_311 = arith.constant 2 : i32
        %dma_wait3A_312 = arith.constant 0 : i32
        %dma_wait3A_313 = arith.constant 1 : i32
        %dma_wait3A_314 = arith.constant 0 : i32
        %dma_wait3A_315 = arith.constant 0 : i32
        %dma_wait3A_316 = tpu.memref_slice %arg7[%dma_wait3A_313, %dma_wait3A_314, %dma_wait3A_315] : memref<3x80x128xf32, #tpu.memory_space<vmem>> -> memref<1x80x128xf32, #tpu.memory_space<vmem>>
        %dma_wait3A_317 = tpu.memref_squeeze %dma_wait3A_316 : memref<1x80x128xf32, #tpu.memory_space<vmem>> -> memref<80x128xf32, #tpu.memory_space<vmem>>
        %dma_wait3A_318 = arith.constant 0 : i32
        %dma_wait3A_319 = tpu.memref_slice %arg6[%dma_wait3A_311, %dma_wait3A_312, %dma_wait3A_318] : memref<4x2x80xi32, #tpu.memory_space<vmem>> -> memref<1x1x80xi32, #tpu.memory_space<vmem>>
        %dma_wait3A_320 = tpu.memref_squeeze %dma_wait3A_319 : memref<1x1x80xi32, #tpu.memory_space<vmem>> -> memref<80xi32, #tpu.memory_space<vmem>>
        %dma_wait3A_321 = arith.constant 0 : i32
        %dma_wait3A_322 = arith.constant 0 : i32
        %dma_wait3A_323 = tpu.memref_slice %arg2[%dma_wait3A_321, %dma_wait3A_322] : memref<10000x128xf32, #tpu.memory_space<hbm>> -> memref<10000x128xf32, #tpu.memory_space<hbm>>
        tpu.wait_indirect_dma semaphore(%arg12 : memref<!tpu.dma_semaphore, #tpu.memory_space<semaphore_mem>>) src(%dma_wait3A_323 : memref<10000x128xf32, #tpu.memory_space<hbm>>) dst(%dma_wait3A_317 : memref<80x128xf32, #tpu.memory_space<vmem>>)
        %dma_start3A_324 = arith.constant 1 : i32
        %dma_start3A_325 = arith.constant 2 : i32
        %dma_start3A_326 = arith.constant 1 : i32
        %dma_start3A_327 = arith.constant 0 : i32
        %dma_start3A_328 = arith.constant 0 : i32
        %dma_start3A_329 = tpu.memref_slice %arg7[%dma_start3A_324, %dma_start3A_327, %dma_start3A_328] : memref<3x80x128xf32, #tpu.memory_space<vmem>> -> memref<1x80x128xf32, #tpu.memory_space<vmem>>
        %dma_start3A_330 = tpu.memref_squeeze %dma_start3A_329 : memref<1x80x128xf32, #tpu.memory_space<vmem>> -> memref<80x128xf32, #tpu.memory_space<vmem>>
        %dma_start3A_331 = arith.constant 0 : i32
        %dma_start3A_332 = tpu.memref_slice %arg6[%dma_start3A_325, %dma_start3A_326, %dma_start3A_331] : memref<4x2x80xi32, #tpu.memory_space<vmem>> -> memref<1x1x80xi32, #tpu.memory_space<vmem>>
        %dma_start3A_333 = tpu.memref_squeeze %dma_start3A_332 : memref<1x1x80xi32, #tpu.memory_space<vmem>> -> memref<80xi32, #tpu.memory_space<vmem>>
        %dma_start3A_334 = arith.constant 0 : i32
        %dma_start3A_335 = arith.constant 0 : i32
        %dma_start3A_336 = tpu.memref_slice %arg9[%dma_start3A_334, %dma_start3A_335] : memref<10240x128xf32, #tpu.memory_space<vmem_shared>> -> memref<10240x128xf32, #tpu.memory_space<vmem_shared>>
        tpu.enqueue_indirect_dma source(%dma_start3A_330 : memref<80x128xf32, #tpu.memory_space<vmem>>) target(%dma_start3A_336 : memref<10240x128xf32, #tpu.memory_space<vmem_shared>>) offsets(%dma_start3A_333 : memref<80xi32, #tpu.memory_space<vmem>>) semaphore(%arg15 : memref<!tpu.dma_semaphore, #tpu.memory_space<semaphore_mem>>) {add = true}
        %dma_start3A_337 = arith.constant 2 : i32
        %dma_start3A_338 = arith.constant 1 : i32
        %dma_start3A_339 = arith.constant 0 : i32
        %dma_start3A_340 = tpu.memref_slice %arg6[%dma_start3A_337, %dma_start3A_338, %dma_start3A_339] : memref<4x2x80xi32, #tpu.memory_space<vmem>> -> memref<1x1x80xi32, #tpu.memory_space<vmem>>
        %dma_start3A_341 = tpu.memref_squeeze %dma_start3A_340 : memref<1x1x80xi32, #tpu.memory_space<vmem>> -> memref<80xi32, #tpu.memory_space<vmem>>
        %dma_start3A_342 = arith.constant 0 : i32
        %dma_start3A_343 = arith.constant 0 : i32
        %dma_start3A_344 = tpu.memref_slice %arg10[%dma_start3A_342, %dma_start3A_343] : memref<10240x16xf32, #tpu.memory_space<vmem_shared>> -> memref<10240x16xf32, #tpu.memory_space<vmem_shared>>
        tpu.enqueue_indirect_dma source(%arg8 : memref<80x16xf32, #tpu.memory_space<vmem>>) target(%dma_start3A_344 : memref<10240x16xf32, #tpu.memory_space<vmem_shared>>) offsets(%dma_start3A_341 : memref<80xi32, #tpu.memory_space<vmem>>) semaphore(%arg18 : memref<!tpu.dma_semaphore, #tpu.memory_space<semaphore_mem>>) {add = true}
      } else {
      }
      %add3A_283 = arith.constant 11 : i32
      %add3A_284 = arith.addi %add3A_208, %add3A_283 : i32
      %lt3A_285 = arith.constant 125 : i32
      %lt3A_286 = arith.cmpi slt, %add3A_284, %lt3A_285 : i32
      %convert_element_type3A_287 = arith.extui %lt3A_286 : i1 to i32
      %cond3A_288 = arith.constant 0 : i32
      %cond3A_289 = arith.cmpi ne, %convert_element_type3A_287, %cond3A_288 : i32
      scf.if %cond3A_289 {
        %add3A_290 = arith.constant 1 : i32
        %add3A_291 = arith.addi %add3A_284, %add3A_290 : i32
        %lt3A_292 = arith.constant 125 : i32
        %lt3A_293 = arith.cmpi slt, %add3A_291, %lt3A_292 : i32
        %convert_element_type3A_294 = arith.extui %lt3A_293 : i1 to i32
        %cond3A_295 = arith.constant 0 : i32
        %cond3A_296 = arith.cmpi ne, %convert_element_type3A_294, %cond3A_295 : i32
        scf.if %cond3A_296 {
          %ge3A = arith.constant 2 : i32
          %ge3A_345 = arith.cmpi sge, %add3A_284, %ge3A : i32
          %convert_element_type3A_346 = arith.extui %ge3A_345 : i1 to i32
          %cond3A_347 = arith.constant 0 : i32
          %cond3A_348 = arith.cmpi ne, %convert_element_type3A_346, %cond3A_347 : i32
          scf.if %cond3A_348 {
            %dma_wait3A_349 = arith.constant 0 : i32
            %dma_wait3A_350 = arith.constant 0 : i32
            %dma_wait3A_351 = arith.constant 1 : i32
            %dma_wait3A_352 = arith.constant 0 : i32
            %dma_wait3A_353 = arith.constant 0 : i32
            %dma_wait3A_354 = tpu.memref_slice %arg7[%dma_wait3A_349, %dma_wait3A_352, %dma_wait3A_353] : memref<3x80x128xf32, #tpu.memory_space<vmem>> -> memref<1x80x128xf32, #tpu.memory_space<vmem>>
            %dma_wait3A_355 = tpu.memref_squeeze %dma_wait3A_354 : memref<1x80x128xf32, #tpu.memory_space<vmem>> -> memref<80x128xf32, #tpu.memory_space<vmem>>
            %dma_wait3A_356 = arith.constant 0 : i32
            %dma_wait3A_357 = tpu.memref_slice %arg6[%dma_wait3A_350, %dma_wait3A_351, %dma_wait3A_356] : memref<4x2x80xi32, #tpu.memory_space<vmem>> -> memref<1x1x80xi32, #tpu.memory_space<vmem>>
            %dma_wait3A_358 = tpu.memref_squeeze %dma_wait3A_357 : memref<1x1x80xi32, #tpu.memory_space<vmem>> -> memref<80xi32, #tpu.memory_space<vmem>>
            %dma_wait3A_359 = arith.constant 0 : i32
            %dma_wait3A_360 = arith.constant 0 : i32
            %dma_wait3A_361 = tpu.memref_slice %arg9[%dma_wait3A_359, %dma_wait3A_360] : memref<10240x128xf32, #tpu.memory_space<vmem_shared>> -> memref<10240x128xf32, #tpu.memory_space<vmem_shared>>
            tpu.wait_indirect_dma semaphore(%arg14 : memref<!tpu.dma_semaphore, #tpu.memory_space<semaphore_mem>>) src(%dma_wait3A_355 : memref<80x128xf32, #tpu.memory_space<vmem>>) dst(%dma_wait3A_361 : memref<10240x128xf32, #tpu.memory_space<vmem_shared>>)
            %dma_wait3A_362 = arith.constant 0 : i32
            %dma_wait3A_363 = arith.constant 1 : i32
            %dma_wait3A_364 = arith.constant 0 : i32
            %dma_wait3A_365 = tpu.memref_slice %arg6[%dma_wait3A_362, %dma_wait3A_363, %dma_wait3A_364] : memref<4x2x80xi32, #tpu.memory_space<vmem>> -> memref<1x1x80xi32, #tpu.memory_space<vmem>>
            %dma_wait3A_366 = tpu.memref_squeeze %dma_wait3A_365 : memref<1x1x80xi32, #tpu.memory_space<vmem>> -> memref<80xi32, #tpu.memory_space<vmem>>
            %dma_wait3A_367 = arith.constant 0 : i32
            %dma_wait3A_368 = arith.constant 0 : i32
            %dma_wait3A_369 = tpu.memref_slice %arg10[%dma_wait3A_367, %dma_wait3A_368] : memref<10240x16xf32, #tpu.memory_space<vmem_shared>> -> memref<10240x16xf32, #tpu.memory_space<vmem_shared>>
            tpu.wait_indirect_dma semaphore(%arg17 : memref<!tpu.dma_semaphore, #tpu.memory_space<semaphore_mem>>) src(%arg8 : memref<80x16xf32, #tpu.memory_space<vmem>>) dst(%dma_wait3A_369 : memref<10240x16xf32, #tpu.memory_space<vmem_shared>>)
          } else {
          }
        } else {
        }
        %add3A_297 = arith.constant 2 : i32
        %add3A_298 = arith.addi %add3A_284, %add3A_297 : i32
        %lt3A_299 = arith.constant 125 : i32
        %lt3A_300 = arith.cmpi slt, %add3A_298, %lt3A_299 : i32
        %convert_element_type3A_301 = arith.extui %lt3A_300 : i1 to i32
        %cond3A_302 = arith.constant 0 : i32
        %cond3A_303 = arith.cmpi ne, %convert_element_type3A_301, %cond3A_302 : i32
        scf.if %cond3A_303 {
          %add3A_345 = arith.constant 2 : i32
          %add3A_346 = arith.addi %add3A_284, %add3A_345 : i32
          %mul3A_347 = arith.constant 10000 : i32
          %mul3A_348 = arith.muli %add3A, %mul3A_347 : i32
          %mul3A_349 = arith.constant 80 : i32
          %mul3A_350 = arith.muli %add3A_346, %mul3A_349 : i32
          %add3A_351 = arith.addi %mul3A_348, %mul3A_350 : i32
          %dma_start3A_352 = arith.constant 1 : i32
          %dma_start3A_353 = arith.constant 0 : i32
          %dma_start3A_354 = arith.constant 0 : i32
          %dma_start3A_355 = tpu.memref_slice %arg6[%dma_start3A_352, %dma_start3A_353, %dma_start3A_354] : memref<4x2x80xi32, #tpu.memory_space<vmem>> -> memref<1x2x80xi32, #tpu.memory_space<vmem>>
          %dma_start3A_356 = tpu.memref_squeeze %dma_start3A_355 : memref<1x2x80xi32, #tpu.memory_space<vmem>> -> memref<2x80xi32, #tpu.memory_space<vmem>>
          %dma_start3A_357 = arith.constant 0 : i32
          %dma_start3A_358 = tpu.memref_slice %arg3[%dma_start3A_357, %add3A_351] : memref<2x320000xi32, #tpu.memory_space<hbm>> -> memref<2x80xi32, #tpu.memory_space<hbm>>
          %dma_start3A_359 = arith.constant 0 : i32
          %dma_start3A_360 = arith.constant 0 : i32
          %dma_start3A_361 = tpu.memref_slice %arg6[%dma_start3A_352, %dma_start3A_359, %dma_start3A_360] : memref<4x2x80xi32, #tpu.memory_space<vmem>> -> memref<1x2x80xi32, #tpu.memory_space<vmem>>
          %dma_start3A_362 = tpu.memref_squeeze %dma_start3A_361 : memref<1x2x80xi32, #tpu.memory_space<vmem>> -> memref<2x80xi32, #tpu.memory_space<vmem>>
          %dma_start3A_363 = arith.constant 0 : i32
          %dma_start3A_364 = tpu.memref_slice %arg3[%dma_start3A_363, %add3A_351] : memref<2x320000xi32, #tpu.memory_space<hbm>> -> memref<2x80xi32, #tpu.memory_space<hbm>>
          tpu.enqueue_dma source(%dma_start3A_364 : memref<2x80xi32, #tpu.memory_space<hbm>>) target(%dma_start3A_362 : memref<2x80xi32, #tpu.memory_space<vmem>>) target_semaphore(%arg21 : memref<!tpu.dma_semaphore, #tpu.memory_space<semaphore_mem>>)
        } else {
        }
        %add3A_304 = arith.constant 1 : i32
        %add3A_305 = arith.addi %add3A_284, %add3A_304 : i32
        %lt3A_306 = arith.constant 125 : i32
        %lt3A_307 = arith.cmpi slt, %add3A_305, %lt3A_306 : i32
        %convert_element_type3A_308 = arith.extui %lt3A_307 : i1 to i32
        %cond3A_309 = arith.constant 0 : i32
        %cond3A_310 = arith.cmpi ne, %convert_element_type3A_308, %cond3A_309 : i32
        scf.if %cond3A_310 {
          %add3A_345 = arith.constant 1 : i32
          %add3A_346 = arith.addi %add3A_284, %add3A_345 : i32
          %mul3A_347 = arith.constant 10000 : i32
          %mul3A_348 = arith.muli %add3A, %mul3A_347 : i32
          %mul3A_349 = arith.constant 80 : i32
          %mul3A_350 = arith.muli %add3A_346, %mul3A_349 : i32
          %add3A_351 = arith.addi %mul3A_348, %mul3A_350 : i32
          %dma_wait3A_352 = arith.constant 0 : i32
          %dma_wait3A_353 = arith.constant 0 : i32
          %dma_wait3A_354 = arith.constant 0 : i32
          %dma_wait3A_355 = tpu.memref_slice %arg6[%dma_wait3A_352, %dma_wait3A_353, %dma_wait3A_354] : memref<4x2x80xi32, #tpu.memory_space<vmem>> -> memref<1x2x80xi32, #tpu.memory_space<vmem>>
          %dma_wait3A_356 = tpu.memref_squeeze %dma_wait3A_355 : memref<1x2x80xi32, #tpu.memory_space<vmem>> -> memref<2x80xi32, #tpu.memory_space<vmem>>
          %dma_wait3A_357 = arith.constant 0 : i32
          %dma_wait3A_358 = tpu.memref_slice %arg3[%dma_wait3A_357, %add3A_351] : memref<2x320000xi32, #tpu.memory_space<hbm>> -> memref<2x80xi32, #tpu.memory_space<hbm>>
          %dma_wait3A_359 = arith.constant 0 : i32
          %dma_wait3A_360 = arith.constant 0 : i32
          %dma_wait3A_361 = tpu.memref_slice %arg6[%dma_wait3A_352, %dma_wait3A_359, %dma_wait3A_360] : memref<4x2x80xi32, #tpu.memory_space<vmem>> -> memref<1x2x80xi32, #tpu.memory_space<vmem>>
          %dma_wait3A_362 = tpu.memref_squeeze %dma_wait3A_361 : memref<1x2x80xi32, #tpu.memory_space<vmem>> -> memref<2x80xi32, #tpu.memory_space<vmem>>
          %dma_wait3A_363 = arith.constant 0 : i32
          %dma_wait3A_364 = tpu.memref_slice %arg3[%dma_wait3A_363, %add3A_351] : memref<2x320000xi32, #tpu.memory_space<hbm>> -> memref<2x80xi32, #tpu.memory_space<hbm>>
          tpu.wait_dma2 semaphore(%arg20 : memref<!tpu.dma_semaphore, #tpu.memory_space<semaphore_mem>>) src(%dma_wait3A_364 : memref<2x80xi32, #tpu.memory_space<hbm>>) dst(%dma_wait3A_362 : memref<2x80xi32, #tpu.memory_space<vmem>>)
          %dma_start3A_365 = arith.constant 0 : i32
          %dma_start3A_366 = arith.constant 0 : i32
          %dma_start3A_367 = arith.constant 0 : i32
          %dma_start3A_368 = arith.constant 0 : i32
          %dma_start3A_369 = arith.constant 0 : i32
          %dma_start3A_370 = tpu.memref_slice %arg7[%dma_start3A_367, %dma_start3A_368, %dma_start3A_369] : memref<3x80x128xf32, #tpu.memory_space<vmem>> -> memref<1x80x128xf32, #tpu.memory_space<vmem>>
          %dma_start3A_371 = tpu.memref_squeeze %dma_start3A_370 : memref<1x80x128xf32, #tpu.memory_space<vmem>> -> memref<80x128xf32, #tpu.memory_space<vmem>>
          %dma_start3A_372 = arith.constant 0 : i32
          %dma_start3A_373 = tpu.memref_slice %arg6[%dma_start3A_365, %dma_start3A_366, %dma_start3A_372] : memref<4x2x80xi32, #tpu.memory_space<vmem>> -> memref<1x1x80xi32, #tpu.memory_space<vmem>>
          %dma_start3A_374 = tpu.memref_squeeze %dma_start3A_373 : memref<1x1x80xi32, #tpu.memory_space<vmem>> -> memref<80xi32, #tpu.memory_space<vmem>>
          %dma_start3A_375 = arith.constant 0 : i32
          %dma_start3A_376 = arith.constant 0 : i32
          %dma_start3A_377 = tpu.memref_slice %arg2[%dma_start3A_375, %dma_start3A_376] : memref<10000x128xf32, #tpu.memory_space<hbm>> -> memref<10000x128xf32, #tpu.memory_space<hbm>>
          tpu.enqueue_indirect_dma source(%dma_start3A_377 : memref<10000x128xf32, #tpu.memory_space<hbm>>) target(%dma_start3A_371 : memref<80x128xf32, #tpu.memory_space<vmem>>) offsets(%dma_start3A_374 : memref<80xi32, #tpu.memory_space<vmem>>) semaphore(%arg11 : memref<!tpu.dma_semaphore, #tpu.memory_space<semaphore_mem>>)
        } else {
        }
        %dma_wait3A_311 = arith.constant 3 : i32
        %dma_wait3A_312 = arith.constant 0 : i32
        %dma_wait3A_313 = arith.constant 2 : i32
        %dma_wait3A_314 = arith.constant 0 : i32
        %dma_wait3A_315 = arith.constant 0 : i32
        %dma_wait3A_316 = tpu.memref_slice %arg7[%dma_wait3A_313, %dma_wait3A_314, %dma_wait3A_315] : memref<3x80x128xf32, #tpu.memory_space<vmem>> -> memref<1x80x128xf32, #tpu.memory_space<vmem>>
        %dma_wait3A_317 = tpu.memref_squeeze %dma_wait3A_316 : memref<1x80x128xf32, #tpu.memory_space<vmem>> -> memref<80x128xf32, #tpu.memory_space<vmem>>
        %dma_wait3A_318 = arith.constant 0 : i32
        %dma_wait3A_319 = tpu.memref_slice %arg6[%dma_wait3A_311, %dma_wait3A_312, %dma_wait3A_318] : memref<4x2x80xi32, #tpu.memory_space<vmem>> -> memref<1x1x80xi32, #tpu.memory_space<vmem>>
        %dma_wait3A_320 = tpu.memref_squeeze %dma_wait3A_319 : memref<1x1x80xi32, #tpu.memory_space<vmem>> -> memref<80xi32, #tpu.memory_space<vmem>>
        %dma_wait3A_321 = arith.constant 0 : i32
        %dma_wait3A_322 = arith.constant 0 : i32
        %dma_wait3A_323 = tpu.memref_slice %arg2[%dma_wait3A_321, %dma_wait3A_322] : memref<10000x128xf32, #tpu.memory_space<hbm>> -> memref<10000x128xf32, #tpu.memory_space<hbm>>
        tpu.wait_indirect_dma semaphore(%arg13 : memref<!tpu.dma_semaphore, #tpu.memory_space<semaphore_mem>>) src(%dma_wait3A_323 : memref<10000x128xf32, #tpu.memory_space<hbm>>) dst(%dma_wait3A_317 : memref<80x128xf32, #tpu.memory_space<vmem>>)
        %dma_start3A_324 = arith.constant 2 : i32
        %dma_start3A_325 = arith.constant 3 : i32
        %dma_start3A_326 = arith.constant 1 : i32
        %dma_start3A_327 = arith.constant 0 : i32
        %dma_start3A_328 = arith.constant 0 : i32
        %dma_start3A_329 = tpu.memref_slice %arg7[%dma_start3A_324, %dma_start3A_327, %dma_start3A_328] : memref<3x80x128xf32, #tpu.memory_space<vmem>> -> memref<1x80x128xf32, #tpu.memory_space<vmem>>
        %dma_start3A_330 = tpu.memref_squeeze %dma_start3A_329 : memref<1x80x128xf32, #tpu.memory_space<vmem>> -> memref<80x128xf32, #tpu.memory_space<vmem>>
        %dma_start3A_331 = arith.constant 0 : i32
        %dma_start3A_332 = tpu.memref_slice %arg6[%dma_start3A_325, %dma_start3A_326, %dma_start3A_331] : memref<4x2x80xi32, #tpu.memory_space<vmem>> -> memref<1x1x80xi32, #tpu.memory_space<vmem>>
        %dma_start3A_333 = tpu.memref_squeeze %dma_start3A_332 : memref<1x1x80xi32, #tpu.memory_space<vmem>> -> memref<80xi32, #tpu.memory_space<vmem>>
        %dma_start3A_334 = arith.constant 0 : i32
        %dma_start3A_335 = arith.constant 0 : i32
        %dma_start3A_336 = tpu.memref_slice %arg9[%dma_start3A_334, %dma_start3A_335] : memref<10240x128xf32, #tpu.memory_space<vmem_shared>> -> memref<10240x128xf32, #tpu.memory_space<vmem_shared>>
        tpu.enqueue_indirect_dma source(%dma_start3A_330 : memref<80x128xf32, #tpu.memory_space<vmem>>) target(%dma_start3A_336 : memref<10240x128xf32, #tpu.memory_space<vmem_shared>>) offsets(%dma_start3A_333 : memref<80xi32, #tpu.memory_space<vmem>>) semaphore(%arg16 : memref<!tpu.dma_semaphore, #tpu.memory_space<semaphore_mem>>) {add = true}
        %dma_start3A_337 = arith.constant 3 : i32
        %dma_start3A_338 = arith.constant 1 : i32
        %dma_start3A_339 = arith.constant 0 : i32
        %dma_start3A_340 = tpu.memref_slice %arg6[%dma_start3A_337, %dma_start3A_338, %dma_start3A_339] : memref<4x2x80xi32, #tpu.memory_space<vmem>> -> memref<1x1x80xi32, #tpu.memory_space<vmem>>
        %dma_start3A_341 = tpu.memref_squeeze %dma_start3A_340 : memref<1x1x80xi32, #tpu.memory_space<vmem>> -> memref<80xi32, #tpu.memory_space<vmem>>
        %dma_start3A_342 = arith.constant 0 : i32
        %dma_start3A_343 = arith.constant 0 : i32
        %dma_start3A_344 = tpu.memref_slice %arg10[%dma_start3A_342, %dma_start3A_343] : memref<10240x16xf32, #tpu.memory_space<vmem_shared>> -> memref<10240x16xf32, #tpu.memory_space<vmem_shared>>
        tpu.enqueue_indirect_dma source(%arg8 : memref<80x16xf32, #tpu.memory_space<vmem>>) target(%dma_start3A_344 : memref<10240x16xf32, #tpu.memory_space<vmem_shared>>) offsets(%dma_start3A_341 : memref<80xi32, #tpu.memory_space<vmem>>) semaphore(%arg19 : memref<!tpu.dma_semaphore, #tpu.memory_space<semaphore_mem>>) {add = true}
      } else {
      }
    }
    %scan3A_119 = arith.constant 11 : i32
    %dma_wait3A_120 = arith.constant 2 : i32
    %dma_wait3A_121 = arith.constant 2 : i32
    %dma_wait3A_122 = arith.constant 1 : i32
    %dma_wait3A_123 = arith.constant 0 : i32
    %dma_wait3A_124 = arith.constant 0 : i32
    %dma_wait3A_125 = tpu.memref_slice %arg7[%dma_wait3A_120, %dma_wait3A_123, %dma_wait3A_124] : memref<3x80x128xf32, #tpu.memory_space<vmem>> -> memref<1x80x128xf32, #tpu.memory_space<vmem>>
    %dma_wait3A_126 = tpu.memref_squeeze %dma_wait3A_125 : memref<1x80x128xf32, #tpu.memory_space<vmem>> -> memref<80x128xf32, #tpu.memory_space<vmem>>
    %dma_wait3A_127 = arith.constant 0 : i32
    %dma_wait3A_128 = tpu.memref_slice %arg6[%dma_wait3A_121, %dma_wait3A_122, %dma_wait3A_127] : memref<4x2x80xi32, #tpu.memory_space<vmem>> -> memref<1x1x80xi32, #tpu.memory_space<vmem>>
    %dma_wait3A_129 = tpu.memref_squeeze %dma_wait3A_128 : memref<1x1x80xi32, #tpu.memory_space<vmem>> -> memref<80xi32, #tpu.memory_space<vmem>>
    %dma_wait3A_130 = arith.constant 0 : i32
    %dma_wait3A_131 = arith.constant 0 : i32
    %dma_wait3A_132 = tpu.memref_slice %arg9[%dma_wait3A_130, %dma_wait3A_131] : memref<10240x128xf32, #tpu.memory_space<vmem_shared>> -> memref<10240x128xf32, #tpu.memory_space<vmem_shared>>
    tpu.wait_indirect_dma semaphore(%arg16 : memref<!tpu.dma_semaphore, #tpu.memory_space<semaphore_mem>>) src(%dma_wait3A_126 : memref<80x128xf32, #tpu.memory_space<vmem>>) dst(%dma_wait3A_132 : memref<10240x128xf32, #tpu.memory_space<vmem_shared>>)
    %dma_wait3A_133 = arith.constant 2 : i32
    %dma_wait3A_134 = arith.constant 1 : i32
    %dma_wait3A_135 = arith.constant 0 : i32
    %dma_wait3A_136 = tpu.memref_slice %arg6[%dma_wait3A_133, %dma_wait3A_134, %dma_wait3A_135] : memref<4x2x80xi32, #tpu.memory_space<vmem>> -> memref<1x1x80xi32, #tpu.memory_space<vmem>>
    %dma_wait3A_137 = tpu.memref_squeeze %dma_wait3A_136 : memref<1x1x80xi32, #tpu.memory_space<vmem>> -> memref<80xi32, #tpu.memory_space<vmem>>
    %dma_wait3A_138 = arith.constant 0 : i32
    %dma_wait3A_139 = arith.constant 0 : i32
    %dma_wait3A_140 = tpu.memref_slice %arg10[%dma_wait3A_138, %dma_wait3A_139] : memref<10240x16xf32, #tpu.memory_space<vmem_shared>> -> memref<10240x16xf32, #tpu.memory_space<vmem_shared>>
    tpu.wait_indirect_dma semaphore(%arg19 : memref<!tpu.dma_semaphore, #tpu.memory_space<semaphore_mem>>) src(%arg8 : memref<80x16xf32, #tpu.memory_space<vmem>>) dst(%dma_wait3A_140 : memref<10240x16xf32, #tpu.memory_space<vmem_shared>>)
    %dma_wait3A_141 = arith.constant 0 : i32
    %dma_wait3A_142 = arith.constant 3 : i32
    %dma_wait3A_143 = arith.constant 1 : i32
    %dma_wait3A_144 = arith.constant 0 : i32
    %dma_wait3A_145 = arith.constant 0 : i32
    %dma_wait3A_146 = tpu.memref_slice %arg7[%dma_wait3A_141, %dma_wait3A_144, %dma_wait3A_145] : memref<3x80x128xf32, #tpu.memory_space<vmem>> -> memref<1x80x128xf32, #tpu.memory_space<vmem>>
    %dma_wait3A_147 = tpu.memref_squeeze %dma_wait3A_146 : memref<1x80x128xf32, #tpu.memory_space<vmem>> -> memref<80x128xf32, #tpu.memory_space<vmem>>
    %dma_wait3A_148 = arith.constant 0 : i32
    %dma_wait3A_149 = tpu.memref_slice %arg6[%dma_wait3A_142, %dma_wait3A_143, %dma_wait3A_148] : memref<4x2x80xi32, #tpu.memory_space<vmem>> -> memref<1x1x80xi32, #tpu.memory_space<vmem>>
    %dma_wait3A_150 = tpu.memref_squeeze %dma_wait3A_149 : memref<1x1x80xi32, #tpu.memory_space<vmem>> -> memref<80xi32, #tpu.memory_space<vmem>>
    %dma_wait3A_151 = arith.constant 0 : i32
    %dma_wait3A_152 = arith.constant 0 : i32
    %dma_wait3A_153 = tpu.memref_slice %arg9[%dma_wait3A_151, %dma_wait3A_152] : memref<10240x128xf32, #tpu.memory_space<vmem_shared>> -> memref<10240x128xf32, #tpu.memory_space<vmem_shared>>
    tpu.wait_indirect_dma semaphore(%arg14 : memref<!tpu.dma_semaphore, #tpu.memory_space<semaphore_mem>>) src(%dma_wait3A_147 : memref<80x128xf32, #tpu.memory_space<vmem>>) dst(%dma_wait3A_153 : memref<10240x128xf32, #tpu.memory_space<vmem_shared>>)
    %dma_wait3A_154 = arith.constant 3 : i32
    %dma_wait3A_155 = arith.constant 1 : i32
    %dma_wait3A_156 = arith.constant 0 : i32
    %dma_wait3A_157 = tpu.memref_slice %arg6[%dma_wait3A_154, %dma_wait3A_155, %dma_wait3A_156] : memref<4x2x80xi32, #tpu.memory_space<vmem>> -> memref<1x1x80xi32, #tpu.memory_space<vmem>>
    %dma_wait3A_158 = tpu.memref_squeeze %dma_wait3A_157 : memref<1x1x80xi32, #tpu.memory_space<vmem>> -> memref<80xi32, #tpu.memory_space<vmem>>
    %dma_wait3A_159 = arith.constant 0 : i32
    %dma_wait3A_160 = arith.constant 0 : i32
    %dma_wait3A_161 = tpu.memref_slice %arg10[%dma_wait3A_159, %dma_wait3A_160] : memref<10240x16xf32, #tpu.memory_space<vmem_shared>> -> memref<10240x16xf32, #tpu.memory_space<vmem_shared>>
    tpu.wait_indirect_dma semaphore(%arg17 : memref<!tpu.dma_semaphore, #tpu.memory_space<semaphore_mem>>) src(%arg8 : memref<80x16xf32, #tpu.memory_space<vmem>>) dst(%dma_wait3A_161 : memref<10240x16xf32, #tpu.memory_space<vmem_shared>>)
    %dma_wait3A_162 = arith.constant 1 : i32
    %dma_wait3A_163 = arith.constant 0 : i32
    %dma_wait3A_164 = arith.constant 1 : i32
    %dma_wait3A_165 = arith.constant 0 : i32
    %dma_wait3A_166 = arith.constant 0 : i32
    %dma_wait3A_167 = tpu.memref_slice %arg7[%dma_wait3A_162, %dma_wait3A_165, %dma_wait3A_166] : memref<3x80x128xf32, #tpu.memory_space<vmem>> -> memref<1x80x128xf32, #tpu.memory_space<vmem>>
    %dma_wait3A_168 = tpu.memref_squeeze %dma_wait3A_167 : memref<1x80x128xf32, #tpu.memory_space<vmem>> -> memref<80x128xf32, #tpu.memory_space<vmem>>
    %dma_wait3A_169 = arith.constant 0 : i32
    %dma_wait3A_170 = tpu.memref_slice %arg6[%dma_wait3A_163, %dma_wait3A_164, %dma_wait3A_169] : memref<4x2x80xi32, #tpu.memory_space<vmem>> -> memref<1x1x80xi32, #tpu.memory_space<vmem>>
    %dma_wait3A_171 = tpu.memref_squeeze %dma_wait3A_170 : memref<1x1x80xi32, #tpu.memory_space<vmem>> -> memref<80xi32, #tpu.memory_space<vmem>>
    %dma_wait3A_172 = arith.constant 0 : i32
    %dma_wait3A_173 = arith.constant 0 : i32
    %dma_wait3A_174 = tpu.memref_slice %arg9[%dma_wait3A_172, %dma_wait3A_173] : memref<10240x128xf32, #tpu.memory_space<vmem_shared>> -> memref<10240x128xf32, #tpu.memory_space<vmem_shared>>
    tpu.wait_indirect_dma semaphore(%arg15 : memref<!tpu.dma_semaphore, #tpu.memory_space<semaphore_mem>>) src(%dma_wait3A_168 : memref<80x128xf32, #tpu.memory_space<vmem>>) dst(%dma_wait3A_174 : memref<10240x128xf32, #tpu.memory_space<vmem_shared>>)
    %dma_wait3A_175 = arith.constant 0 : i32
    %dma_wait3A_176 = arith.constant 1 : i32
    %dma_wait3A_177 = arith.constant 0 : i32
    %dma_wait3A_178 = tpu.memref_slice %arg6[%dma_wait3A_175, %dma_wait3A_176, %dma_wait3A_177] : memref<4x2x80xi32, #tpu.memory_space<vmem>> -> memref<1x1x80xi32, #tpu.memory_space<vmem>>
    %dma_wait3A_179 = tpu.memref_squeeze %dma_wait3A_178 : memref<1x1x80xi32, #tpu.memory_space<vmem>> -> memref<80xi32, #tpu.memory_space<vmem>>
    %dma_wait3A_180 = arith.constant 0 : i32
    %dma_wait3A_181 = arith.constant 0 : i32
    %dma_wait3A_182 = tpu.memref_slice %arg10[%dma_wait3A_180, %dma_wait3A_181] : memref<10240x16xf32, #tpu.memory_space<vmem_shared>> -> memref<10240x16xf32, #tpu.memory_space<vmem_shared>>
    tpu.wait_indirect_dma semaphore(%arg18 : memref<!tpu.dma_semaphore, #tpu.memory_space<semaphore_mem>>) src(%arg8 : memref<80x16xf32, #tpu.memory_space<vmem>>) dst(%dma_wait3A_182 : memref<10240x16xf32, #tpu.memory_space<vmem_shared>>)
    %barrier3A_183 = arith.constant 0 : index
    tpu.barrier barrier_id(%barrier3A_183)
    %mul3A_184 = arith.constant 640 : i32
    %mul3A_185 = arith.muli %arg1, %mul3A_184 : i32
    %add3A_186 = arith.constant 0 : i32
    %add3A_187 = arith.addi %mul3A_185, %add3A_186 : i32
    "tpu.region"() ({
      %run_scoped3A_204 = tpu.sem_alloc : memref<!tpu.dma_semaphore, #tpu.memory_space<semaphore_mem>>
      %dma_start3A_205 = arith.constant 0 : i32
      %dma_start3A_206 = tpu.memref_slice %arg4[%arg0, %add3A_187, %dma_start3A_205] : memref<2x10240x128xf32, #tpu.memory_space<hbm>> -> memref<1x128x128xf32, #tpu.memory_space<hbm>>
      %dma_start3A_207 = tpu.memref_squeeze %dma_start3A_206 : memref<1x128x128xf32, #tpu.memory_space<hbm>> -> memref<128x128xf32, #tpu.memory_space<hbm>>
      %dma_start3A_208 = arith.constant 0 : i32
      %dma_start3A_209 = tpu.memref_slice %arg9[%add3A_187, %dma_start3A_208] : memref<10240x128xf32, #tpu.memory_space<vmem_shared>> -> memref<128x128xf32, #tpu.memory_space<vmem_shared>>
      tpu.enqueue_dma source(%dma_start3A_209 : memref<128x128xf32, #tpu.memory_space<vmem_shared>>) target(%dma_start3A_207 : memref<128x128xf32, #tpu.memory_space<hbm>>) target_semaphore(%run_scoped3A_204 : memref<!tpu.dma_semaphore, #tpu.memory_space<semaphore_mem>>)
      %dma_wait3A_210 = arith.constant 0 : i32
      %dma_wait3A_211 = tpu.memref_slice %arg4[%arg0, %add3A_187, %dma_wait3A_210] : memref<2x10240x128xf32, #tpu.memory_space<hbm>> -> memref<1x128x128xf32, #tpu.memory_space<hbm>>
      %dma_wait3A_212 = tpu.memref_squeeze %dma_wait3A_211 : memref<1x128x128xf32, #tpu.memory_space<hbm>> -> memref<128x128xf32, #tpu.memory_space<hbm>>
      %dma_wait3A_213 = arith.constant 0 : i32
      %dma_wait3A_214 = tpu.memref_slice %arg9[%add3A_187, %dma_wait3A_213] : memref<10240x128xf32, #tpu.memory_space<vmem_shared>> -> memref<128x128xf32, #tpu.memory_space<vmem_shared>>
      tpu.wait_dma2 semaphore(%run_scoped3A_204 : memref<!tpu.dma_semaphore, #tpu.memory_space<semaphore_mem>>) src(%dma_wait3A_214 : memref<128x128xf32, #tpu.memory_space<vmem_shared>>) dst(%dma_wait3A_212 : memref<128x128xf32, #tpu.memory_space<hbm>>)
      tpu.yield
    }) : () -> ()
    "tpu.region"() ({
      %run_scoped3A_204 = tpu.sem_alloc : memref<!tpu.dma_semaphore, #tpu.memory_space<semaphore_mem>>
      %dma_start3A_205 = arith.constant 0 : i32
      %dma_start3A_206 = tpu.memref_slice %arg5[%arg0, %add3A_187, %dma_start3A_205] : memref<2x10240x16xf32, #tpu.memory_space<hbm>> -> memref<1x128x16xf32, #tpu.memory_space<hbm>>
      %dma_start3A_207 = tpu.memref_squeeze %dma_start3A_206 : memref<1x128x16xf32, #tpu.memory_space<hbm>> -> memref<128x16xf32, #tpu.memory_space<hbm>>
      %dma_start3A_208 = arith.constant 0 : i32
      %dma_start3A_209 = tpu.memref_slice %arg10[%add3A_187, %dma_start3A_208] : memref<10240x16xf32, #tpu.memory_space<vmem_shared>> -> memref<128x16xf32, #tpu.memory_space<vmem_shared>>
      tpu.enqueue_dma source(%dma_start3A_209 : memref<128x16xf32, #tpu.memory_space<vmem_shared>>) target(%dma_start3A_207 : memref<128x16xf32, #tpu.memory_space<hbm>>) target_semaphore(%run_scoped3A_204 : memref<!tpu.dma_semaphore, #tpu.memory_space<semaphore_mem>>)
      %dma_wait3A_210 = arith.constant 0 : i32
      %dma_wait3A_211 = tpu.memref_slice %arg5[%arg0, %add3A_187, %dma_wait3A_210] : memref<2x10240x16xf32, #tpu.memory_space<hbm>> -> memref<1x128x16xf32, #tpu.memory_space<hbm>>
      %dma_wait3A_212 = tpu.memref_squeeze %dma_wait3A_211 : memref<1x128x16xf32, #tpu.memory_space<hbm>> -> memref<128x16xf32, #tpu.memory_space<hbm>>
      %dma_wait3A_213 = arith.constant 0 : i32
      %dma_wait3A_214 = tpu.memref_slice %arg10[%add3A_187, %dma_wait3A_213] : memref<10240x16xf32, #tpu.memory_space<vmem_shared>> -> memref<128x16xf32, #tpu.memory_space<vmem_shared>>
      tpu.wait_dma2 semaphore(%run_scoped3A_204 : memref<!tpu.dma_semaphore, #tpu.memory_space<semaphore_mem>>) src(%dma_wait3A_214 : memref<128x16xf32, #tpu.memory_space<vmem_shared>>) dst(%dma_wait3A_212 : memref<128x16xf32, #tpu.memory_space<hbm>>)
      tpu.yield
    }) : () -> ()
    %mul3A_188 = arith.constant 640 : i32
    %mul3A_189 = arith.muli %arg1, %mul3A_188 : i32
    %add3A_190 = arith.constant 128 : i32
    %add3A_191 = arith.addi %mul3A_189, %add3A_190 : i32
    "tpu.region"() ({
      %run_scoped3A_204 = tpu.sem_alloc : memref<!tpu.dma_semaphore, #tpu.memory_space<semaphore_mem>>
      %dma_start3A_205 = arith.constant 0 : i32
      %dma_start3A_206 = tpu.memref_slice %arg4[%arg0, %add3A_191, %dma_start3A_205] : memref<2x10240x128xf32, #tpu.memory_space<hbm>> -> memref<1x128x128xf32, #tpu.memory_space<hbm>>
      %dma_start3A_207 = tpu.memref_squeeze %dma_start3A_206 : memref<1x128x128xf32, #tpu.memory_space<hbm>> -> memref<128x128xf32, #tpu.memory_space<hbm>>
      %dma_start3A_208 = arith.constant 0 : i32
      %dma_start3A_209 = tpu.memref_slice %arg9[%add3A_191, %dma_start3A_208] : memref<10240x128xf32, #tpu.memory_space<vmem_shared>> -> memref<128x128xf32, #tpu.memory_space<vmem_shared>>
      tpu.enqueue_dma source(%dma_start3A_209 : memref<128x128xf32, #tpu.memory_space<vmem_shared>>) target(%dma_start3A_207 : memref<128x128xf32, #tpu.memory_space<hbm>>) target_semaphore(%run_scoped3A_204 : memref<!tpu.dma_semaphore, #tpu.memory_space<semaphore_mem>>)
      %dma_wait3A_210 = arith.constant 0 : i32
      %dma_wait3A_211 = tpu.memref_slice %arg4[%arg0, %add3A_191, %dma_wait3A_210] : memref<2x10240x128xf32, #tpu.memory_space<hbm>> -> memref<1x128x128xf32, #tpu.memory_space<hbm>>
      %dma_wait3A_212 = tpu.memref_squeeze %dma_wait3A_211 : memref<1x128x128xf32, #tpu.memory_space<hbm>> -> memref<128x128xf32, #tpu.memory_space<hbm>>
      %dma_wait3A_213 = arith.constant 0 : i32
      %dma_wait3A_214 = tpu.memref_slice %arg9[%add3A_191, %dma_wait3A_213] : memref<10240x128xf32, #tpu.memory_space<vmem_shared>> -> memref<128x128xf32, #tpu.memory_space<vmem_shared>>
      tpu.wait_dma2 semaphore(%run_scoped3A_204 : memref<!tpu.dma_semaphore, #tpu.memory_space<semaphore_mem>>) src(%dma_wait3A_214 : memref<128x128xf32, #tpu.memory_space<vmem_shared>>) dst(%dma_wait3A_212 : memref<128x128xf32, #tpu.memory_space<hbm>>)
      tpu.yield
    }) : () -> ()
    "tpu.region"() ({
      %run_scoped3A_204 = tpu.sem_alloc : memref<!tpu.dma_semaphore, #tpu.memory_space<semaphore_mem>>
      %dma_start3A_205 = arith.constant 0 : i32
      %dma_start3A_206 = tpu.memref_slice %arg5[%arg0, %add3A_191, %dma_start3A_205] : memref<2x10240x16xf32, #tpu.memory_space<hbm>> -> memref<1x128x16xf32, #tpu.memory_space<hbm>>
      %dma_start3A_207 = tpu.memref_squeeze %dma_start3A_206 : memref<1x128x16xf32, #tpu.memory_space<hbm>> -> memref<128x16xf32, #tpu.memory_space<hbm>>
      %dma_start3A_208 = arith.constant 0 : i32
      %dma_start3A_209 = tpu.memref_slice %arg10[%add3A_191, %dma_start3A_208] : memref<10240x16xf32, #tpu.memory_space<vmem_shared>> -> memref<128x16xf32, #tpu.memory_space<vmem_shared>>
      tpu.enqueue_dma source(%dma_start3A_209 : memref<128x16xf32, #tpu.memory_space<vmem_shared>>) target(%dma_start3A_207 : memref<128x16xf32, #tpu.memory_space<hbm>>) target_semaphore(%run_scoped3A_204 : memref<!tpu.dma_semaphore, #tpu.memory_space<semaphore_mem>>)
      %dma_wait3A_210 = arith.constant 0 : i32
      %dma_wait3A_211 = tpu.memref_slice %arg5[%arg0, %add3A_191, %dma_wait3A_210] : memref<2x10240x16xf32, #tpu.memory_space<hbm>> -> memref<1x128x16xf32, #tpu.memory_space<hbm>>
      %dma_wait3A_212 = tpu.memref_squeeze %dma_wait3A_211 : memref<1x128x16xf32, #tpu.memory_space<hbm>> -> memref<128x16xf32, #tpu.memory_space<hbm>>
      %dma_wait3A_213 = arith.constant 0 : i32
      %dma_wait3A_214 = tpu.memref_slice %arg10[%add3A_191, %dma_wait3A_213] : memref<10240x16xf32, #tpu.memory_space<vmem_shared>> -> memref<128x16xf32, #tpu.memory_space<vmem_shared>>
      tpu.wait_dma2 semaphore(%run_scoped3A_204 : memref<!tpu.dma_semaphore, #tpu.memory_space<semaphore_mem>>) src(%dma_wait3A_214 : memref<128x16xf32, #tpu.memory_space<vmem_shared>>) dst(%dma_wait3A_212 : memref<128x16xf32, #tpu.memory_space<hbm>>)
      tpu.yield
    }) : () -> ()
    %mul3A_192 = arith.constant 640 : i32
    %mul3A_193 = arith.muli %arg1, %mul3A_192 : i32
    %add3A_194 = arith.constant 256 : i32
    %add3A_195 = arith.addi %mul3A_193, %add3A_194 : i32
    "tpu.region"() ({
      %run_scoped3A_204 = tpu.sem_alloc : memref<!tpu.dma_semaphore, #tpu.memory_space<semaphore_mem>>
      %dma_start3A_205 = arith.constant 0 : i32
      %dma_start3A_206 = tpu.memref_slice %arg4[%arg0, %add3A_195, %dma_start3A_205] : memref<2x10240x128xf32, #tpu.memory_space<hbm>> -> memref<1x128x128xf32, #tpu.memory_space<hbm>>
      %dma_start3A_207 = tpu.memref_squeeze %dma_start3A_206 : memref<1x128x128xf32, #tpu.memory_space<hbm>> -> memref<128x128xf32, #tpu.memory_space<hbm>>
      %dma_start3A_208 = arith.constant 0 : i32
      %dma_start3A_209 = tpu.memref_slice %arg9[%add3A_195, %dma_start3A_208] : memref<10240x128xf32, #tpu.memory_space<vmem_shared>> -> memref<128x128xf32, #tpu.memory_space<vmem_shared>>
      tpu.enqueue_dma source(%dma_start3A_209 : memref<128x128xf32, #tpu.memory_space<vmem_shared>>) target(%dma_start3A_207 : memref<128x128xf32, #tpu.memory_space<hbm>>) target_semaphore(%run_scoped3A_204 : memref<!tpu.dma_semaphore, #tpu.memory_space<semaphore_mem>>)
      %dma_wait3A_210 = arith.constant 0 : i32
      %dma_wait3A_211 = tpu.memref_slice %arg4[%arg0, %add3A_195, %dma_wait3A_210] : memref<2x10240x128xf32, #tpu.memory_space<hbm>> -> memref<1x128x128xf32, #tpu.memory_space<hbm>>
      %dma_wait3A_212 = tpu.memref_squeeze %dma_wait3A_211 : memref<1x128x128xf32, #tpu.memory_space<hbm>> -> memref<128x128xf32, #tpu.memory_space<hbm>>
      %dma_wait3A_213 = arith.constant 0 : i32
      %dma_wait3A_214 = tpu.memref_slice %arg9[%add3A_195, %dma_wait3A_213] : memref<10240x128xf32, #tpu.memory_space<vmem_shared>> -> memref<128x128xf32, #tpu.memory_space<vmem_shared>>
      tpu.wait_dma2 semaphore(%run_scoped3A_204 : memref<!tpu.dma_semaphore, #tpu.memory_space<semaphore_mem>>) src(%dma_wait3A_214 : memref<128x128xf32, #tpu.memory_space<vmem_shared>>) dst(%dma_wait3A_212 : memref<128x128xf32, #tpu.memory_space<hbm>>)
      tpu.yield
    }) : () -> ()
    "tpu.region"() ({
      %run_scoped3A_204 = tpu.sem_alloc : memref<!tpu.dma_semaphore, #tpu.memory_space<semaphore_mem>>
      %dma_start3A_205 = arith.constant 0 : i32
      %dma_start3A_206 = tpu.memref_slice %arg5[%arg0, %add3A_195, %dma_start3A_205] : memref<2x10240x16xf32, #tpu.memory_space<hbm>> -> memref<1x128x16xf32, #tpu.memory_space<hbm>>
      %dma_start3A_207 = tpu.memref_squeeze %dma_start3A_206 : memref<1x128x16xf32, #tpu.memory_space<hbm>> -> memref<128x16xf32, #tpu.memory_space<hbm>>
      %dma_start3A_208 = arith.constant 0 : i32
      %dma_start3A_209 = tpu.memref_slice %arg10[%add3A_195, %dma_start3A_208] : memref<10240x16xf32, #tpu.memory_space<vmem_shared>> -> memref<128x16xf32, #tpu.memory_space<vmem_shared>>
      tpu.enqueue_dma source(%dma_start3A_209 : memref<128x16xf32, #tpu.memory_space<vmem_shared>>) target(%dma_start3A_207 : memref<128x16xf32, #tpu.memory_space<hbm>>) target_semaphore(%run_scoped3A_204 : memref<!tpu.dma_semaphore, #tpu.memory_space<semaphore_mem>>)
      %dma_wait3A_210 = arith.constant 0 : i32
      %dma_wait3A_211 = tpu.memref_slice %arg5[%arg0, %add3A_195, %dma_wait3A_210] : memref<2x10240x16xf32, #tpu.memory_space<hbm>> -> memref<1x128x16xf32, #tpu.memory_space<hbm>>
      %dma_wait3A_212 = tpu.memref_squeeze %dma_wait3A_211 : memref<1x128x16xf32, #tpu.memory_space<hbm>> -> memref<128x16xf32, #tpu.memory_space<hbm>>
      %dma_wait3A_213 = arith.constant 0 : i32
      %dma_wait3A_214 = tpu.memref_slice %arg10[%add3A_195, %dma_wait3A_213] : memref<10240x16xf32, #tpu.memory_space<vmem_shared>> -> memref<128x16xf32, #tpu.memory_space<vmem_shared>>
      tpu.wait_dma2 semaphore(%run_scoped3A_204 : memref<!tpu.dma_semaphore, #tpu.memory_space<semaphore_mem>>) src(%dma_wait3A_214 : memref<128x16xf32, #tpu.memory_space<vmem_shared>>) dst(%dma_wait3A_212 : memref<128x16xf32, #tpu.memory_space<hbm>>)
      tpu.yield
    }) : () -> ()
    %mul3A_196 = arith.constant 640 : i32
    %mul3A_197 = arith.muli %arg1, %mul3A_196 : i32
    %add3A_198 = arith.constant 384 : i32
    %add3A_199 = arith.addi %mul3A_197, %add3A_198 : i32
    "tpu.region"() ({
      %run_scoped3A_204 = tpu.sem_alloc : memref<!tpu.dma_semaphore, #tpu.memory_space<semaphore_mem>>
      %dma_start3A_205 = arith.constant 0 : i32
      %dma_start3A_206 = tpu.memref_slice %arg4[%arg0, %add3A_199, %dma_start3A_205] : memref<2x10240x128xf32, #tpu.memory_space<hbm>> -> memref<1x128x128xf32, #tpu.memory_space<hbm>>
      %dma_start3A_207 = tpu.memref_squeeze %dma_start3A_206 : memref<1x128x128xf32, #tpu.memory_space<hbm>> -> memref<128x128xf32, #tpu.memory_space<hbm>>
      %dma_start3A_208 = arith.constant 0 : i32
      %dma_start3A_209 = tpu.memref_slice %arg9[%add3A_199, %dma_start3A_208] : memref<10240x128xf32, #tpu.memory_space<vmem_shared>> -> memref<128x128xf32, #tpu.memory_space<vmem_shared>>
      tpu.enqueue_dma source(%dma_start3A_209 : memref<128x128xf32, #tpu.memory_space<vmem_shared>>) target(%dma_start3A_207 : memref<128x128xf32, #tpu.memory_space<hbm>>) target_semaphore(%run_scoped3A_204 : memref<!tpu.dma_semaphore, #tpu.memory_space<semaphore_mem>>)
      %dma_wait3A_210 = arith.constant 0 : i32
      %dma_wait3A_211 = tpu.memref_slice %arg4[%arg0, %add3A_199, %dma_wait3A_210] : memref<2x10240x128xf32, #tpu.memory_space<hbm>> -> memref<1x128x128xf32, #tpu.memory_space<hbm>>
      %dma_wait3A_212 = tpu.memref_squeeze %dma_wait3A_211 : memref<1x128x128xf32, #tpu.memory_space<hbm>> -> memref<128x128xf32, #tpu.memory_space<hbm>>
      %dma_wait3A_213 = arith.constant 0 : i32
      %dma_wait3A_214 = tpu.memref_slice %arg9[%add3A_199, %dma_wait3A_213] : memref<10240x128xf32, #tpu.memory_space<vmem_shared>> -> memref<128x128xf32, #tpu.memory_space<vmem_shared>>
      tpu.wait_dma2 semaphore(%run_scoped3A_204 : memref<!tpu.dma_semaphore, #tpu.memory_space<semaphore_mem>>) src(%dma_wait3A_214 : memref<128x128xf32, #tpu.memory_space<vmem_shared>>) dst(%dma_wait3A_212 : memref<128x128xf32, #tpu.memory_space<hbm>>)
      tpu.yield
    }) : () -> ()
    "tpu.region"() ({
      %run_scoped3A_204 = tpu.sem_alloc : memref<!tpu.dma_semaphore, #tpu.memory_space<semaphore_mem>>
      %dma_start3A_205 = arith.constant 0 : i32
      %dma_start3A_206 = tpu.memref_slice %arg5[%arg0, %add3A_199, %dma_start3A_205] : memref<2x10240x16xf32, #tpu.memory_space<hbm>> -> memref<1x128x16xf32, #tpu.memory_space<hbm>>
      %dma_start3A_207 = tpu.memref_squeeze %dma_start3A_206 : memref<1x128x16xf32, #tpu.memory_space<hbm>> -> memref<128x16xf32, #tpu.memory_space<hbm>>
      %dma_start3A_208 = arith.constant 0 : i32
      %dma_start3A_209 = tpu.memref_slice %arg10[%add3A_199, %dma_start3A_208] : memref<10240x16xf32, #tpu.memory_space<vmem_shared>> -> memref<128x16xf32, #tpu.memory_space<vmem_shared>>
      tpu.enqueue_dma source(%dma_start3A_209 : memref<128x16xf32, #tpu.memory_space<vmem_shared>>) target(%dma_start3A_207 : memref<128x16xf32, #tpu.memory_space<hbm>>) target_semaphore(%run_scoped3A_204 : memref<!tpu.dma_semaphore, #tpu.memory_space<semaphore_mem>>)
      %dma_wait3A_210 = arith.constant 0 : i32
      %dma_wait3A_211 = tpu.memref_slice %arg5[%arg0, %add3A_199, %dma_wait3A_210] : memref<2x10240x16xf32, #tpu.memory_space<hbm>> -> memref<1x128x16xf32, #tpu.memory_space<hbm>>
      %dma_wait3A_212 = tpu.memref_squeeze %dma_wait3A_211 : memref<1x128x16xf32, #tpu.memory_space<hbm>> -> memref<128x16xf32, #tpu.memory_space<hbm>>
      %dma_wait3A_213 = arith.constant 0 : i32
      %dma_wait3A_214 = tpu.memref_slice %arg10[%add3A_199, %dma_wait3A_213] : memref<10240x16xf32, #tpu.memory_space<vmem_shared>> -> memref<128x16xf32, #tpu.memory_space<vmem_shared>>
      tpu.wait_dma2 semaphore(%run_scoped3A_204 : memref<!tpu.dma_semaphore, #tpu.memory_space<semaphore_mem>>) src(%dma_wait3A_214 : memref<128x16xf32, #tpu.memory_space<vmem_shared>>) dst(%dma_wait3A_212 : memref<128x16xf32, #tpu.memory_space<hbm>>)
      tpu.yield
    }) : () -> ()
    %mul3A_200 = arith.constant 640 : i32
    %mul3A_201 = arith.muli %arg1, %mul3A_200 : i32
    %add3A_202 = arith.constant 512 : i32
    %add3A_203 = arith.addi %mul3A_201, %add3A_202 : i32
    "tpu.region"() ({
      %run_scoped3A_204 = tpu.sem_alloc : memref<!tpu.dma_semaphore, #tpu.memory_space<semaphore_mem>>
      %dma_start3A_205 = arith.constant 0 : i32
      %dma_start3A_206 = tpu.memref_slice %arg4[%arg0, %add3A_203, %dma_start3A_205] : memref<2x10240x128xf32, #tpu.memory_space<hbm>> -> memref<1x128x128xf32, #tpu.memory_space<hbm>>
      %dma_start3A_207 = tpu.memref_squeeze %dma_start3A_206 : memref<1x128x128xf32, #tpu.memory_space<hbm>> -> memref<128x128xf32, #tpu.memory_space<hbm>>
      %dma_start3A_208 = arith.constant 0 : i32
      %dma_start3A_209 = tpu.memref_slice %arg9[%add3A_203, %dma_start3A_208] : memref<10240x128xf32, #tpu.memory_space<vmem_shared>> -> memref<128x128xf32, #tpu.memory_space<vmem_shared>>
      tpu.enqueue_dma source(%dma_start3A_209 : memref<128x128xf32, #tpu.memory_space<vmem_shared>>) target(%dma_start3A_207 : memref<128x128xf32, #tpu.memory_space<hbm>>) target_semaphore(%run_scoped3A_204 : memref<!tpu.dma_semaphore, #tpu.memory_space<semaphore_mem>>)
      %dma_wait3A_210 = arith.constant 0 : i32
      %dma_wait3A_211 = tpu.memref_slice %arg4[%arg0, %add3A_203, %dma_wait3A_210] : memref<2x10240x128xf32, #tpu.memory_space<hbm>> -> memref<1x128x128xf32, #tpu.memory_space<hbm>>
      %dma_wait3A_212 = tpu.memref_squeeze %dma_wait3A_211 : memref<1x128x128xf32, #tpu.memory_space<hbm>> -> memref<128x128xf32, #tpu.memory_space<hbm>>
      %dma_wait3A_213 = arith.constant 0 : i32
      %dma_wait3A_214 = tpu.memref_slice %arg9[%add3A_203, %dma_wait3A_213] : memref<10240x128xf32, #tpu.memory_space<vmem_shared>> -> memref<128x128xf32, #tpu.memory_space<vmem_shared>>
      tpu.wait_dma2 semaphore(%run_scoped3A_204 : memref<!tpu.dma_semaphore, #tpu.memory_space<semaphore_mem>>) src(%dma_wait3A_214 : memref<128x128xf32, #tpu.memory_space<vmem_shared>>) dst(%dma_wait3A_212 : memref<128x128xf32, #tpu.memory_space<hbm>>)
      tpu.yield
    }) : () -> ()
    "tpu.region"() ({
      %run_scoped3A_204 = tpu.sem_alloc : memref<!tpu.dma_semaphore, #tpu.memory_space<semaphore_mem>>
      %dma_start3A_205 = arith.constant 0 : i32
      %dma_start3A_206 = tpu.memref_slice %arg5[%arg0, %add3A_203, %dma_start3A_205] : memref<2x10240x16xf32, #tpu.memory_space<hbm>> -> memref<1x128x16xf32, #tpu.memory_space<hbm>>
      %dma_start3A_207 = tpu.memref_squeeze %dma_start3A_206 : memref<1x128x16xf32, #tpu.memory_space<hbm>> -> memref<128x16xf32, #tpu.memory_space<hbm>>
      %dma_start3A_208 = arith.constant 0 : i32
      %dma_start3A_209 = tpu.memref_slice %arg10[%add3A_203, %dma_start3A_208] : memref<10240x16xf32, #tpu.memory_space<vmem_shared>> -> memref<128x16xf32, #tpu.memory_space<vmem_shared>>
      tpu.enqueue_dma source(%dma_start3A_209 : memref<128x16xf32, #tpu.memory_space<vmem_shared>>) target(%dma_start3A_207 : memref<128x16xf32, #tpu.memory_space<hbm>>) target_semaphore(%run_scoped3A_204 : memref<!tpu.dma_semaphore, #tpu.memory_space<semaphore_mem>>)
      %dma_wait3A_210 = arith.constant 0 : i32
      %dma_wait3A_211 = tpu.memref_slice %arg5[%arg0, %add3A_203, %dma_wait3A_210] : memref<2x10240x16xf32, #tpu.memory_space<hbm>> -> memref<1x128x16xf32, #tpu.memory_space<hbm>>
      %dma_wait3A_212 = tpu.memref_squeeze %dma_wait3A_211 : memref<1x128x16xf32, #tpu.memory_space<hbm>> -> memref<128x16xf32, #tpu.memory_space<hbm>>
      %dma_wait3A_213 = arith.constant 0 : i32
      %dma_wait3A_214 = tpu.memref_slice %arg10[%add3A_203, %dma_wait3A_213] : memref<10240x16xf32, #tpu.memory_space<vmem_shared>> -> memref<128x16xf32, #tpu.memory_space<vmem_shared>>
      tpu.wait_dma2 semaphore(%run_scoped3A_204 : memref<!tpu.dma_semaphore, #tpu.memory_space<semaphore_mem>>) src(%dma_wait3A_214 : memref<128x16xf32, #tpu.memory_space<vmem_shared>>) dst(%dma_wait3A_212 : memref<128x16xf32, #tpu.memory_space<hbm>>)
      tpu.yield
    }) : () -> ()
    return
  }
}

module attributes {stable_mosaic.version = 14 : i64} {
  func.func @_dense_body(%arg0: i32, %arg1: memref<2000x128xf32, #tpu.memory_space<vmem>>, %arg2: memref<2000x128xf32, #tpu.memory_space<vmem>>, %arg3: memref<2000x16xf32, #tpu.memory_space<vmem>>, %arg4: memref<2000x16xf32, #tpu.memory_space<vmem>>, %arg5: memref<128x128xf32, #tpu.memory_space<vmem>>, %arg6: memref<1x128xf32, #tpu.memory_space<vmem>>, %arg7: memref<128x128xf32, #tpu.memory_space<vmem>>, %arg8: memref<128x128xf32, #tpu.memory_space<vmem>>, %arg9: memref<1x128xf32, #tpu.memory_space<vmem>>, %arg10: memref<2000x128xbf16, #tpu.memory_space<vmem>>, %arg11: memref<2000x128xbf16, #tpu.memory_space<vmem>>) attributes {dimension_semantics = [#tpu.dimension_semantics<arbitrary>], iteration_bounds = array<i64: 5>, scalar_prefetch = 0 : i64, scratch_operands = 0 : i64, tpu.core_type = #tpu.core_type<tc>, window_params = [{transform_indices = @transform_0, window_bounds = array<i64: 2000, 128>}, {transform_indices = @transform_1, window_bounds = array<i64: 2000, 128>}, {transform_indices = @transform_2, window_bounds = array<i64: 2000, 16>}, {transform_indices = @transform_3, window_bounds = array<i64: 2000, 16>}, {pipeline_mode = #tpu.pipeline_mode<synchronous>, transform_indices = @transform_4, window_bounds = array<i64: 128, 128>}, {pipeline_mode = #tpu.pipeline_mode<synchronous>, transform_indices = @transform_5, window_bounds = array<i64: 1, 128>}, {pipeline_mode = #tpu.pipeline_mode<synchronous>, transform_indices = @transform_6, window_bounds = array<i64: 128, 128>}, {pipeline_mode = #tpu.pipeline_mode<synchronous>, transform_indices = @transform_7, window_bounds = array<i64: 128, 128>}, {pipeline_mode = #tpu.pipeline_mode<synchronous>, transform_indices = @transform_8, window_bounds = array<i64: 1, 128>}, {transform_indices = @transform_9, window_bounds = array<i64: 2000, 128>}, {transform_indices = @transform_10, window_bounds = array<i64: 2000, 128>}]} {
    %get3A = arith.constant 0 : index
    %get3A_0 = arith.constant 0 : index
    %get3A_1 = vector.load %arg1[%get3A, %get3A_0] : memref<2000x128xf32, #tpu.memory_space<vmem>>, vector<2000x128xf32>
    %get3A_2 = arith.constant 0 : index
    %get3A_3 = arith.constant 0 : index
    %get3A_4 = vector.load %arg2[%get3A_2, %get3A_3] : memref<2000x128xf32, #tpu.memory_space<vmem>>, vector<2000x128xf32>
    %add3A = arith.addf %get3A_1, %get3A_4 : vector<2000x128xf32>
    %get3A_5 = arith.constant 0 : index
    %get3A_6 = arith.constant 0 : index
    %get3A_7 = vector.load %arg3[%get3A_5, %get3A_6] : memref<2000x16xf32, #tpu.memory_space<vmem>>, vector<2000x1xf32>
    %get3A_8 = arith.constant 0 : index
    %get3A_9 = arith.constant 0 : index
    %get3A_10 = vector.load %arg4[%get3A_8, %get3A_9] : memref<2000x16xf32, #tpu.memory_space<vmem>>, vector<2000x1xf32>
    %add3A_11 = arith.addf %get3A_7, %get3A_10 : vector<2000x1xf32>
    %max3A = arith.constant 1.000000e+00 : f32
    %max3A_12 = vector.broadcast %max3A : f32 to vector<2000x1xf32>
    %max3A_13 = arith.maximumf %add3A_11, %max3A_12 : vector<2000x1xf32>
    %div3A = vector.broadcast %max3A_13 : vector<2000x1xf32> to vector<2000x128xf32>
    %div3A_14 = arith.divf %add3A, %div3A : vector<2000x128xf32>
    %get3A_15 = arith.constant 0 : index
    %get3A_16 = arith.constant 0 : index
    %get3A_17 = vector.load %arg5[%get3A_15, %get3A_16] : memref<128x128xf32, #tpu.memory_space<vmem>>, vector<128x128xf32>
    %dot_general3A = arith.constant dense<0.000000e+00> : vector<2000x128xf32>
    %dot_general3A_18 = tpu.matmul %div3A_14, %get3A_17, %dot_general3A {dimension_numbers = #tpu.dot_dimension_numbers<[1], [0], [0], [1], [0, 0, 1, 1], [], []>, transpose_lhs_hint = false} : vector<2000x128xf32>, vector<128x128xf32>, vector<2000x128xf32> -> vector<2000x128xf32>
    %get3A_19 = arith.constant 0 : index
    %get3A_20 = arith.constant 0 : index
    %get3A_21 = vector.load %arg6[%get3A_19, %get3A_20] : memref<1x128xf32, #tpu.memory_space<vmem>>, vector<1x128xf32>
    %add3A_22 = vector.broadcast %get3A_21 : vector<1x128xf32> to vector<2000x128xf32>
    %add3A_23 = arith.addf %dot_general3A_18, %add3A_22 : vector<2000x128xf32>
    %max3A_24 = arith.constant 0.000000e+00 : f32
    %max3A_25 = vector.broadcast %max3A_24 : f32 to vector<2000x128xf32>
    %max3A_26 = arith.maximumf %add3A_23, %max3A_25 : vector<2000x128xf32>
    %get3A_27 = arith.constant 0 : index
    %get3A_28 = arith.constant 0 : index
    %get3A_29 = vector.load %arg7[%get3A_27, %get3A_28] : memref<128x128xf32, #tpu.memory_space<vmem>>, vector<128x128xf32>
    %dot_general3A_30 = arith.constant dense<0.000000e+00> : vector<2000x128xf32>
    %dot_general3A_31 = tpu.matmul %max3A_26, %get3A_29, %dot_general3A_30 {dimension_numbers = #tpu.dot_dimension_numbers<[1], [0], [0], [1], [0, 0, 1, 1], [], []>, transpose_lhs_hint = false} : vector<2000x128xf32>, vector<128x128xf32>, vector<2000x128xf32> -> vector<2000x128xf32>
    %get3A_32 = arith.constant 0 : index
    %get3A_33 = arith.constant 0 : index
    %get3A_34 = vector.load %arg9[%get3A_32, %get3A_33] : memref<1x128xf32, #tpu.memory_space<vmem>>, vector<1x128xf32>
    %add3A_35 = vector.broadcast %get3A_34 : vector<1x128xf32> to vector<2000x128xf32>
    %add3A_36 = arith.addf %dot_general3A_31, %add3A_35 : vector<2000x128xf32>
    %convert_element_type3A = arith.truncf %add3A_36 : vector<2000x128xf32> to vector<2000x128xbf16>
    %swap3A = arith.constant 0 : index
    %swap3A_37 = arith.constant 0 : index
    %swap3A_38 = vector.load %arg10[%swap3A, %swap3A_37] : memref<2000x128xbf16, #tpu.memory_space<vmem>>, vector<2000x128xbf16>
    tpu.vector_store %arg10[%swap3A, %swap3A_37], %convert_element_type3A {strides = array<i32>} : memref<2000x128xbf16, #tpu.memory_space<vmem>>, vector<2000x128xbf16>,
    %get3A_39 = arith.constant 0 : index
    %get3A_40 = arith.constant 0 : index
    %get3A_41 = vector.load %arg8[%get3A_39, %get3A_40] : memref<128x128xf32, #tpu.memory_space<vmem>>, vector<128x128xf32>
    %dot_general3A_42 = arith.constant dense<0.000000e+00> : vector<2000x128xf32>
    %dot_general3A_43 = tpu.matmul %max3A_26, %get3A_41, %dot_general3A_42 {dimension_numbers = #tpu.dot_dimension_numbers<[1], [0], [0], [1], [0, 0, 1, 1], [], []>, transpose_lhs_hint = false} : vector<2000x128xf32>, vector<128x128xf32>, vector<2000x128xf32> -> vector<2000x128xf32>
    %convert_element_type3A_44 = arith.truncf %dot_general3A_43 : vector<2000x128xf32> to vector<2000x128xbf16>
    %swap3A_45 = arith.constant 0 : index
    %swap3A_46 = arith.constant 0 : index
    %swap3A_47 = vector.load %arg11[%swap3A_45, %swap3A_46] : memref<2000x128xbf16, #tpu.memory_space<vmem>>, vector<2000x128xbf16>
    tpu.vector_store %arg11[%swap3A_45, %swap3A_46], %convert_element_type3A_44 {strides = array<i32>} : memref<2000x128xbf16, #tpu.memory_space<vmem>>, vector<2000x128xbf16>,
    return
  }
  func.func @transform_0(%arg0: i32) -> (i32, i32) {
    %c0_i32 = arith.constant 0 : i32
    %c0_i32_0 = arith.constant 0 : i32
    return %arg0, %c0_i32 : i32, i32
  }
  func.func @transform_1(%arg0: i32) -> (i32, i32) {
    %c0_i32 = arith.constant 0 : i32
    %c0_i32_0 = arith.constant 0 : i32
    return %arg0, %c0_i32 : i32, i32
  }
  func.func @transform_2(%arg0: i32) -> (i32, i32) {
    %c0_i32 = arith.constant 0 : i32
    %c0_i32_0 = arith.constant 0 : i32
    return %arg0, %c0_i32 : i32, i32
  }
  func.func @transform_3(%arg0: i32) -> (i32, i32) {
    %c0_i32 = arith.constant 0 : i32
    %c0_i32_0 = arith.constant 0 : i32
    return %arg0, %c0_i32 : i32, i32
  }
  func.func @transform_4(%arg0: i32) -> (i32, i32) {
    %c0_i32 = arith.constant 0 : i32
    %c0_i32_0 = arith.constant 0 : i32
    %c0_i32_1 = arith.constant 0 : i32
    return %c0_i32, %c0_i32_0 : i32, i32
  }
  func.func @transform_5(%arg0: i32) -> (i32, i32) {
    %c0_i32 = arith.constant 0 : i32
    %c0_i32_0 = arith.constant 0 : i32
    %c0_i32_1 = arith.constant 0 : i32
    return %c0_i32, %c0_i32_0 : i32, i32
  }
  func.func @transform_6(%arg0: i32) -> (i32, i32) {
    %c0_i32 = arith.constant 0 : i32
    %c0_i32_0 = arith.constant 0 : i32
    %c0_i32_1 = arith.constant 0 : i32
    return %c0_i32, %c0_i32_0 : i32, i32
  }
  func.func @transform_7(%arg0: i32) -> (i32, i32) {
    %c0_i32 = arith.constant 0 : i32
    %c0_i32_0 = arith.constant 0 : i32
    %c0_i32_1 = arith.constant 0 : i32
    return %c0_i32, %c0_i32_0 : i32, i32
  }
  func.func @transform_8(%arg0: i32) -> (i32, i32) {
    %c0_i32 = arith.constant 0 : i32
    %c0_i32_0 = arith.constant 0 : i32
    %c0_i32_1 = arith.constant 0 : i32
    return %c0_i32, %c0_i32_0 : i32, i32
  }
  func.func @transform_9(%arg0: i32) -> (i32, i32) {
    %c0_i32 = arith.constant 0 : i32
    %c0_i32_0 = arith.constant 0 : i32
    return %arg0, %c0_i32 : i32, i32
  }
  func.func @transform_10(%arg0: i32) -> (i32, i32) {
    %c0_i32 = arith.constant 0 : i32
    %c0_i32_0 = arith.constant 0 : i32
    return %arg0, %c0_i32 : i32, i32
  }
}

</mosaic_0001>

<sc_bundles>
// kernel: kernel.5.cloned.1.call-start
scs
__scs_entry_jumppad:
0x0: {  	(pc) =	sbr.rel $0x88, $3  }
0x1: {  	(tag) =	ssettag $0x0;
	lr =	simm.s32 $0x1  }
0x2: {  	[smem:$0x3F99] =	sst lr;
	_ =	strace $0xD0000000  }
0x3: {  	_ = 	snop  }
0x4: {  	_ = 	snop  }
0x5: {  	_ = 	snop  }
0x6: {  	_ = 	snop  }
0x7: {  	_ = 	snop  }
__scs_overlays_trampoline_lowered:
0x8: {  	[smem:$0x3FA8] =	sst s0  }
0x9: {  	[smem:$0x3FA9] =	sst s1  }
0xa: {  	[smem:$0x3FAA] =	sst s2  }
0xb: {  	[smem:$0x3FAB] =	sst s3  }
0xc: {  	[smem:$0x3FAC] =	sst s4  }
0xd: {  	[smem:$0x3FAD] =	sst s5  }
0xe: {  	[smem:$0x3FAE] =	sst s6  }
0xf: {  	[smem:$0x3FAF] =	sst s7  }
0x10: {  	[smem:$0x3FB0] =	sst s8  }
0x11: {  	[smem:$0x3FB1] =	sst s9;
	s0 =	simm.s32 @!p0 $0x0  }
0x12: {  	s1 =	sld [smem:$0x3F97];
	s0 =	simm.s32 @p0 $0x1  }
0x13: {  	[smem:$0x3FB2] =	sst s0;
	s0 =	simm.s32 @!p1 $0x0  }
0x14: {  	s2 =	sld [smem:$0x3F96];
	s0 =	simm.s32 @p1 $0x1  }
0x15: {  	[smem:$0x3FB3] =	sst s0;
	s0 =	simm.s32 @!p2 $0x0  }
0x16: {  	s3 =	sld [smem:$0x3FDB];
	s0 =	simm.s32 @p2 $0x1  }
0x17: {  	s4 =	simm.s32 $0x1BF5;
	[smem:$0x3FB5] =	sst s0  }
0x18: {  	s0 =	sld [smem:$0x3F98];
	_ =	swait.ge [sflag:s4], $0x0  }
0x19: {  	s7 =	sld [smem:$0x3F99]  }
0x1a: {  	s8 =	sadd.s32 $0xFFFFE003, lr  }
0x1b: {  	s9 =	sadd.s32 $0xFFFFFEF7, lr;
	s5 =	simm.s32 $0xFFFFFFFF;
	p2 =	slt.u32 s8, $0xFFFFF086  }
0x1c: {  	p1 =	slt.u32 s9, $0xF7A;
	s5 =	simm.s32 @!p2 $0x0  }
0x1d: {  	s5 =	simm.s32 @p1 $0x1;
	p0 =	seq.s32 s7, s2  }
0x1e: {  	s7 =	smul.u32 @!p0 $0xF7A, s2;
	p2 =	seq.s32 @!p0 s5, $0x0  }
0x1f: {  	s9 =	smul.u32 $0xF7A, s1;
	s8 =	simm.s32 @!p0 $0x1BF5;
	p2 =	por !p2, p0  }
0x20: {  	[sflag:s8] =	ssyncset.s32 @!p0 $0xFFFFF086;
	s6 =	sadd.s32 @!p0 s3, s7;
	s7 =	simm.s32 @!p0 $0x108  }
0x21: {  	s3 =	sadd.s32 s3, s9;
	s6 =	sadd.s32 @!p0 $0x88, s6;
	s7 =	simm.s32 @p2 $0x1082  }
0x22: {  	[simem:s7], [sflag:s8] =	dma.local @!p0 [hbm:s6], $0xF7A  }
0x23: {  	s9 =	sor.u32 $0xD0000000, s2;
	s6 =	simm.s32 $0x108;
	_ =	swait.ge @!p0 [sflag:s8], $0x0  }
0x24: {  	s3 =	sadd.s32 $0x88, s3;
	s6 =	simm.s32 @!p1 $0x1082;
	[sflag:s4] =	ssyncset.s32 $0xFFFFF086  }
0x25: {  	[simem:s6], [sflag:s4] =	dma.local [hbm:s3], $0xF7A  }
0x26: {  	[smem:$0x3F99] =	sst s1;
	(tag) =	ssettag s2;
	_ =	strace s9  }
0x27: {  	s1 =	sld [smem:$0x3FA9]  }
0x28: {  	s2 =	sld [smem:$0x3FAA]  }
0x29: {  	s4 =	sld [smem:$0x3FAC]  }
0x2a: {  	p0 =	seq.s32 s5, $0x0;
	s5 =	sld [smem:$0x3FAD]  }
0x2b: {  	s6 =	sld [smem:$0x3FAE]  }
0x2c: {  	s7 =	sld [smem:$0x3FAF]  }
0x2d: {  	s3 =	simm.s32 $0x108;
	s8 =	sld [smem:$0x3FB0]  }
0x2e: {  	s3 =	simm.s32 @!p0 $0x1082;
	s9 =	sld [smem:$0x3FB1]  }
0x2f: {  	lr =	sadd.s32 s0, s3;
	s0 =	sld [smem:$0x3FA8]  }
0x30: {  	s3 =	sld [smem:$0x3FAB]  }
0x31: {  	[smem:$0x3FB4] =	sst s10  }
0x32: {  	s10 =	sld [smem:$0x3FB2];
	_ =	sdelay $0x3  }
0x33: {  	p0 =	seq.s32 s10, $0x1;
	s10 =	sld [smem:$0x3FB4];
	_ =	sdelay $0x3  }
0x34: {  	[smem:$0x3FB4] =	sst s10  }
0x35: {  	s10 =	sld [smem:$0x3FB3];
	_ =	sdelay $0x3  }
0x36: {  	p1 =	seq.s32 s10, $0x1;
	s10 =	sld [smem:$0x3FB4];
	_ =	sdelay $0x3  }
0x37: {  	[smem:$0x3FB4] =	sst s10  }
0x38: {  	s10 =	sld [smem:$0x3FB5]  }
0x39: {  	_ = 	snop;
	(pc) =	sbr.ind lr, $3  }
0x3a: {  	_ = 	snop  }
0x3b: {  	_ = 	snop  }
0x3c: {  	p2 =	seq.s32 s10, $0x1;
	s10 =	sld [smem:$0x3FB4]  }
0x3d: {  	_ =	shalt  }
0x3e: {  	_ =	shalt  }
0x3f: {  	_ =	shalt  }
0x40: {  	_ =	shalt  }
0x41: {  	_ =	shalt  }
0x42: {  	_ =	shalt  }
0x43: {  	_ =	shalt  }
0x44: {  	_ =	shalt  }
0x45: {  	_ =	shalt  }
0x46: {  	_ =	shalt  }
0x47: {  	_ =	shalt  }
0x48: {  	_ =	shalt  }
0x49: {  	_ =	shalt  }
0x4a: {  	_ =	shalt  }
0x4b: {  	_ =	shalt  }
0x4c: {  	_ =	shalt  }
0x4d: {  	_ =	shalt  }
0x4e: {  	_ =	shalt  }
0x4f: {  	_ =	shalt  }
0x50: {  	_ =	shalt  }
0x51: {  	_ =	shalt  }
0x52: {  	_ =	shalt  }
0x53: {  	_ =	shalt  }
0x54: {  	_ =	shalt  }
0x55: {  	_ =	shalt  }
0x56: {  	_ =	shalt  }
0x57: {  	_ =	shalt  }
0x58: {  	_ =	shalt  }
0x59: {  	_ =	shalt  }
0x5a: {  	_ =	shalt  }
0x5b: {  	_ =	shalt  }
0x5c: {  	_ =	shalt  }
0x5d: {  	_ =	shalt  }
0x5e: {  	_ =	shalt  }
0x5f: {  	_ =	shalt  }
0x60: {  	_ =	shalt  }
0x61: {  	_ =	shalt  }
0x62: {  	_ =	shalt  }
0x63: {  	_ =	shalt  }
0x64: {  	_ =	shalt  }
0x65: {  	_ =	shalt  }
0x66: {  	_ =	shalt  }
0x67: {  	_ =	shalt  }
0x68: {  	_ =	shalt  }
0x69: {  	_ =	shalt  }
0x6a: {  	_ =	shalt  }
0x6b: {  	_ =	shalt  }
0x6c: {  	_ =	shalt  }
0x6d: {  	_ =	shalt  }
0x6e: {  	_ =	shalt  }
0x6f: {  	_ =	shalt  }
0x70: {  	_ =	shalt  }
0x71: {  	_ =	shalt  }
0x72: {  	_ =	shalt  }
0x73: {  	_ =	shalt  }
0x74: {  	_ =	shalt  }
0x75: {  	_ =	shalt  }
0x76: {  	_ =	shalt  }
0x77: {  	_ =	shalt  }
0x78: {  	_ =	shalt  }
0x79: {  	_ =	shalt  }
0x7a: {  	_ =	shalt  }
0x7b: {  	_ =	shalt  }
0x7c: {  	_ =	shalt  }
0x7d: {  	_ =	shalt  }
0x7e: {  	_ =	shalt  }
0x7f: {  	_ =	shalt  }
0x80: {  	_ =	shalt  }
0x81: {  	_ =	shalt  }
0x82: {  	_ =	shalt  }
0x83: {  	_ =	shalt  }
0x84: {  	_ =	shalt  }
0x85: {  	_ =	shalt  }
0x86: {  	_ =	shalt  }
0x87: {  	_ =	shalt  }
.Lfunc_end0:
.L_simem_size_0:
called_computation_lowered:
.L_overlay_start_0:
0x88: {  	s2 =	sld [smem:$0x3FD9]  }
0x89: {  	s3 =	sld [smem:$0x3FFE];
	_ =	sdelay $0x1  }
0x8a: {  	s1 =	srdreg.scid  }
0x8b: {  	s0 =	sand.u32 $0x1, s1  }
0x8c: {  	s17 =	sshll.u32 s0, $0xA;
	s2 =	sadd.s32 s3, s2  }
0x8d: {  	s2 =	sadd.s32 s2, s17  }
0x8e: {  	[smem:$0x3FC0] =	sst s2  }
0x8f: {  	_ = 	snop  }
0x90: {  	s2 =	sld [smem:$0x3FC9];
	(tm) =	ssettm $0x1  }
0x91: {  	s18 =	sld [smem:$0x3FFB];
	_ =	sdelay $0x3  }
0x92: {  	_ =	strace s18  }
0x93: {  	s3 =	sld [smem:$0x3FFC];
	_ =	sdelay $0x3  }
0x94: {  	_ =	strace s3  }
0x95: {  	s3 =	sld [smem:$0x3FFD];
	_ =	sdelay $0x3  }
0x96: {  	_ =	strace s3  }
0x97: {  	_ =	strace $0x8FFFFFFF  }
0x98: {  	s19 =	sld [smem:$0x3FDB];
	_ =	sdelay $0x1  }
0x99: {  	s4 =	simm.s32 $_scs_section_size  }
0x9a: {  	s5 =	simm.s32 $_size__tile_overlayer_lowered;
	s6 =	simm.s32 $_tile_overlayer_lowered  }
0x9b: {  	s22 =	simm.s32 $0x1BFF;
	s21 =	sshll.u32 s6, $0x1;
	s3 =	sadd.s32 s4, s19  }
0x9c: {  	s7 =	simm.s32 $0x0;
	s20 =	sshll.u32 s5, $0x1;
	s5 =	sadd.s32 s21, s3  }
0x9d: {  	[timem:s7], [sflag:s22] =	dma.local [hbm:s5], s20  }
0x9e: {  	_ =	swait.ge [sflag:s22], s20  }
0x9f: {  	s4 =	ssub.s32 $0x0, s20;
	[sflag:s22] =	ssyncset.done $0x0  }
0xa0: {  	[sflag:s22] =	ssyncadd.s32 s4;
	_ =	sdelay $0x1  }
0xa1: {  	s23 =	simm.s32 $0x1B8B  }
0xa2: {  	_ =	swait.ge [sflag:s23], $0x1  }
0xa3: {  	[sflag:s23] =	ssyncset.done $0x0  }
0xa4: {  	s25 =	simm.s32 $0x1B8E;
	s24 =	sld [smem:$0x3FFE];
	[sflag:s23] =	ssyncadd.s32 $0xFFFFFFFF  }
0xa5: {  	s26 =	simm.s32 $execute0_lowered;
	[smem:$0x3FD2] =	sst s25  }
0xa6: {  	s5 =	sshll.u32 s26, $0x1;
	_ =	strace $0x80000046;
	[dreg:$0x1] =	wrdreg $0xFFFFFFFF  }
0xa7: {  	s28 =	simm.s32 $_size_execute0_lowered;
	s3 =	sadd.s32 s3, s5;
	[dreg:$0x0] =	wrdreg $0x0  }
0xa8: {  	s5 =	sshll.u32 s28, $0x1;
	[dreg:$0x2] =	wrdreg s3  }
0xa9: {  	[dreg:$0x3] =	wrdreg s5  }
0xaa: {  	[dreg:$0x4] =	wrdreg $0xC0  }
0xab: {  	_ =	task [dreg:s7], $0x5FFFF  }
0xac: {  	[dreg:$0x1] =	wrdreg $0xFFFFFFFF  }
0xad: {  	[dreg:$0x0] =	wrdreg $0x60  }
0xae: {  	[dreg:$0x2] =	wrdreg s2  }
0xaf: {  	[dreg:$0x3] =	wrdreg s24  }
0xb0: {  	[dreg:$0x4] =	wrdreg $0x7F800  }
0xb1: {  	[dreg:$0x5] =	wrdreg $0x1BF800  }
0xb2: {  	[dreg:$0x6] =	wrdreg $0x9  }
0xb3: {  	_ =	task.clear_ibuf [dreg:s7], $0x7FFFF;
	_ =	strace $0x90000046  }
0xb4: {  	s29 =	simm.s32 $0x9;
	_ =	strace $0x80000048  }
0xb5: {  	_ =	swait.ge [sflag:s29], $0x1  }
0xb6: {  	[sflag:s29] =	ssyncadd.s32 $0xFFFFFFFF  }
0xb7: {  	_ =	strace $0x90000048  }
0xb8: {  	_ =	sfence  }
0xb9: {  	s30 =	sld [smem:$0x0];
	_ =	sdelay $0x2  }
0xba: {  	s31 =	sshll.u32 s1, $0xD;
	s1 =	sshrl.u32 s1, $0x2  }
0xbb: {  	s3 =	sand.u32 $0x4000, s31;
	s1 =	sadd.s32 s1, s30  }
0xbc: {  	s0 =	sor.u32 s3, s0;
	s1 =	sshll.u32 s1, $0x11  }
0xbd: {  	s0 =	sor.u32 s1, s0  }
0xbe: {  	s0 =	sadd.s32 $0x8F2B, s0  }
0xbf: {  	[sflag:s0] =	ssyncadd.remote.s32 $0x1  }
0xc0: {  	_ =	sfence.sel $0xFFFF  }
0xc1: {  	[dreg:$0x0] =	wrdreg $0xFFFFFFFF;
	(pc) =	sbr.abs _section_cstart, $3  }
0xc2: {  	[dreg:$0x1] =	wrdreg $0xFFFFFFFF  }
0xc3: {  	_ =	task.clear_ibuf [dreg:s7], $0x2FFFF;
	_ =	strace $0x9FFFFFFF  }
0xc4: {  	(tm) =	ssettm $0x7FFFFFFF  }
0xc5: {  	_ =	shalt  }
tec
execute0_lowered:
.L_overlay_start_1:
0x0: {  	(tag) =	ssettag $0x1  }
0x1: {  	s22 =	stileid.u32  }
0x2: {  	s0 =	smul.u32 $0x280, s22  }
0x3: {  	s1 =	srdreg.scid;
	s9 =	smul.u32 $0x14000, s22  }
0x4: {  	s16 =	sand.u32 $0x1, s1;
	s12 =	smul.u32 $0x2800, s22  }
0x5: {  	s15 =	rddreg [dreg:$0x1];
	s2 =	simm.s32 $0x0;
	s5 =	smul.u32 $0x140000, s16  }
0x6: {  	[smem:$0x7FF] =	sst s2;
	s10 =	sadd.s32 $0x14C00, s15;
	s11 =	smul.u32 $0x28000, s16  }
0x7: {  	s17 =	sadd.s32 $0x64C00, s15;
	s1 =	ssub.s32 $0x2, s16;
	s26 =	smul.u32 $0x27100, s16  }
0x8: {  	s16 =	sshll.u32 s16, $0x4;
	s7 =	sshrl.u32 s1, $0x1;
	s4 =	sadd.s32 $0x80, s0  }
0x9: {  	s30 =	sshll.u32 s0, $0x7;
	s1 =	ssub.s32 s1, s7;
	s8 =	sadd.s32 s9, s5  }
0xa: {  	s3 =	sadd.s32 s12, s11;
	s2 =	sshll.u32 s4, $0x7;
	s6 =	sshrl.u32 s8, $0x3  }
0xb: {  	s3 =	sshrl.u32 s3, $0x3;
	s13 =	sadd.s32 s5, s2;
	s6 =	sadd.s32 s10, s6  }
0xc: {  	s8 =	sadd.s32 $0x100, s0;
	s3 =	sadd.s32 s17, s3;
	[dreg:$0x5] =	wrdreg s6  }
0xd: {  	s1 =	smax.u32 s1, $0x1;
	s14 =	sshrl.u32 s13, $0x3;
	[dreg:$0x6] =	wrdreg s3  }
0xe: {  	s3 =	sshll.u32 s4, $0x4;
	s18 =	sadd.s32 s10, s14;
	s4 =	sshll.u32 s8, $0x7  }
0xf: {  	s14 =	sadd.s32 $0x180, s0;
	s8 =	sshll.u32 s8, $0x4;
	[dreg:$0x7] =	wrdreg s18  }
0x10: {  	s13 =	sadd.s32 s11, s3;
	s19 =	sadd.s32 s5, s4;
	s18 =	sadd.s32 $0x200, s0  }
0x11: {  	s7 =	sshll.u32 s14, $0x7;
	s21 =	sadd.s32 s11, s8;
	s14 =	sshll.u32 s14, $0x4  }
0x12: {  	s19 =	sshrl.u32 s19, $0x3;
	s6 =	sshll.u32 s18, $0x7;
	s20 =	sadd.s32 s5, s7  }
0x13: {  	s23 =	sshrl.u32 s13, $0x3;
	s24 =	sadd.s32 s11, s14;
	s19 =	sadd.s32 s10, s19  }
0x14: {  	s5 =	sadd.s32 s5, s6;
	[dreg:$0x8] =	wrdreg s19;
	s19 =	sshrl.u32 s20, $0x3  }
0x15: {  	s13 =	rddreg [dreg:$0x3];
	s5 =	sshrl.u32 s5, $0x3;
	s19 =	sadd.s32 s10, s19  }
0x16: {  	s3 =	sadd.s32 s3, s13;
	s5 =	sadd.s32 s10, s5;
	[dreg:$0x9] =	wrdreg s19  }
0x17: {  	s8 =	sadd.s32 s8, s13;
	s10 =	sadd.s32 s17, s23;
	[dreg:$0xa] =	wrdreg s5  }
0x18: {  	s5 =	sshrl.u32 s21, $0x3;
	[dreg:$0xb] =	wrdreg s10;
	s19 =	sshll.u32 s18, $0x4  }
0x19: {  	s10 =	rddreg [dreg:$0x0];
	s21 =	smul.u32 $0x2710, s22;
	s18 =	sadd.s32 s12, s13  }
0x1a: {  	s5 =	sadd.s32 s17, s5;
	s25 =	sadd.s32 s11, s19;
	s11 =	rddreg [dreg:$0x2]  }
0x1b: {  	[dreg:$0xc] =	wrdreg s5;
	s5 =	sshrl.u32 s24, $0x3;
	s20 =	sshrl.u32 s25, $0x3  }
0x1c: {  	s9 =	sadd.s32 s9, s11;
	s24 =	sadd.s32 $0xF0, s0;
	s2 =	sadd.s32 s2, s11  }
0x1d: {  	s7 =	sadd.s32 s7, s11;
	s6 =	sadd.s32 s6, s11;
	s5 =	sadd.s32 s17, s5  }
0x1e: {  	s29 =	sadd.s32 s17, s20;
	s20 =	sadd.s32 $0x1200, s15;
	s15 =	sor.u32 s22, s16  }
0x1f: {  	s16 =	sadd.s32 s30, s11;
	s17 =	sadd.s32 $0xA0, s0;
	[dreg:$0xd] =	wrdreg s5  }
0x20: {  	s25 =	sshll.u32 s24, $0x7;
	s2 =	sshrl.u32 s2, $0x3;
	[dreg:$0xe] =	wrdreg s29  }
0x21: {  	s5 =	sadd.s32 s21, s26;
	s21 =	sshll.u32 s17, $0x7;
	s23 =	sshll.u32 s17, $0x4  }
0x22: {  	s26 =	sadd.s32 $0x140, s0;
	_ =	strace $0x80000047;
	[dreg:$0xf] =	wrdreg s9  }
0x23: {  	s29 =	sshll.u32 s24, $0x4;
	s24 =	sadd.s32 $0x190, s0;
	[dreg:$0x19] =	wrdreg s1  }
0x24: {  	s9 =	sadd.s32 $0x2800, s16;
	s30 =	sshll.u32 s26, $0x7;
	[smem:$0x7F4] =	sst s2  }
0x25: {  	s17 =	sshll.u32 s26, $0x4;
	s26 =	sadd.s32 $0x1E0, s0;
	[smem:$0x7FD] =	sst s20  }
0x26: {  	s0 =	sadd.s32 $0x230, s0;
	[dreg:$0x10] =	wrdreg s9;
	s9 =	sadd.s32 s21, s11  }
0x27: {  	s21 =	sadd.s32 s23, s13;
	s23 =	sadd.s32 s29, s13;
	s12 =	sadd.s32 s30, s11  }
0x28: {  	s29 =	sshll.u32 s24, $0x7;
	s30 =	sshll.u32 s26, $0x7;
	[dreg:$0x11] =	wrdreg s9  }
0x29: {  	s26 =	sshll.u32 s26, $0x4;
	s9 =	sadd.s32 s25, s11;
	[dreg:$0x13] =	wrdreg s12  }
0x2a: {  	s25 =	sadd.s32 s17, s13;
	s16 =	sadd.s32 s29, s11;
	s29 =	smul.u32 $0x2710, s15  }
0x2b: {  	s31 =	sadd.s32 s26, s13;
	s12 =	sadd.s32 s14, s13;
	s14 =	sadd.s32 s19, s13  }
0x2c: {  	s19 =	sadd.s32 $0x230, s5;
	s26 =	sadd.s32 $0x280, s5;
	[dreg:$0x12] =	wrdreg s9  }
0x2d: {  	s9 =	sshll.u32 s24, $0x4;
	[dreg:$0x14] =	wrdreg s16;
	s24 =	sadd.s32 s30, s11  }
0x2e: {  	s30 =	sshll.u32 s0, $0x7;
	s16 =	smul.u32 $0xA000, s22;
	s1 =	sshrl.u32 s26, $0x3  }
0x2f: {  	s26 =	sadd.s32 $0x370, s5;
	s28 =	sadd.s32 s9, s13;
	[dreg:$0x15] =	wrdreg s24  }
0x30: {  	s9 =	sadd.s32 s30, s11;
	[dreg:$0x16] =	wrdreg s29;
	s15 =	sshrl.u32 s29, $0x3  }
0x31: {  	s29 =	sadd.s32 $0x2D0, s5;
	s30 =	sadd.s32 $0x320, s5;
	s1 =	sadd.s32 s1, s20  }
0x32: {  	[dreg:$0x17] =	wrdreg s9;
	s17 =	sadd.s32 s20, s15;
	s9 =	sadd.s32 s4, s11  }
0x33: {  	s4 =	sshrl.u32 s16, $0x2;
	s15 =	sshrl.u32 s19, $0x3;
	[dreg:$0x1b] =	wrdreg s1  }
0x34: {  	s19 =	sshrl.u32 s29, $0x3;
	s29 =	sadd.s32 $0x410, s5;
	s22 =	sadd.s32 s4, s13  }
0x35: {  	s24 =	sadd.s32 s15, s20;
	s1 =	sadd.s32 s19, s20;
	[dreg:$0x18] =	wrdreg s17  }
0x36: {  	s4 =	sadd.s32 $0x500, s22;
	[dreg:$0x1a] =	wrdreg s24;
	s22 =	sshrl.u32 s30, $0x3  }
0x37: {  	[dreg:$0x1c] =	wrdreg s1;
	s1 =	sshrl.u32 s26, $0x3;
	s24 =	sadd.s32 s22, s20  }
0x38: {  	s15 =	sshrl.u32 s29, $0x3;
	s1 =	sadd.s32 s1, s20;
	[dreg:$0x1d] =	wrdreg s24  }
0x39: {  	s30 =	sadd.s32 $0x1E0, s5;
	s22 =	sadd.s32 $0x3C0, s5;
	[dreg:$0x1e] =	wrdreg s1  }
0x3a: {  	s16 =	sshrl.u32 s30, $0x3;
	s1 =	sadd.s32 s15, s20;
	[smem:$0x7F0] =	sst s22  }
0x3b: {  	s2 =	simm.s32 $0x0;
	s19 =	sadd.s32 s16, s20;
	[dreg:$0x1f] =	wrdreg s1  }
0x3c: {  	s0 =	sshll.u32 s0, $0x4;
	s16 =	sshrl.u32 s9, $0x3;
	[smem:$0x7EF] =	sst s19  }
0x3d: {  	s26 =	sadd.s32 $0x140, s5;
	s22 =	sshrl.u32 s7, $0x3;
	[smem:$0x7F6] =	sst s16  }
0x3e: {  	s15 =	sshrl.u32 s26, $0x3;
	s26 =	sshrl.u32 s6, $0x3;
	[smem:$0x7F8] =	sst s22  }
0x3f: {  	s24 =	sadd.s32 $0x190, s5;
	s29 =	sadd.s32 s15, s20;
	[smem:$0x7FA] =	sst s26  }
0x40: {  	s5 =	sadd.s32 $0xF0, s5;
	s15 =	sshrl.u32 s3, $0x3;
	[smem:$0x7F2] =	sst s29  }
0x41: {  	s1 =	sshrl.u32 s24, $0x3;
	s19 =	sshrl.u32 s8, $0x3;
	[smem:$0x7F5] =	sst s15  }
0x42: {  	s5 =	sshrl.u32 s5, $0x3;
	s24 =	sshrl.u32 s12, $0x3;
	[smem:$0x7F7] =	sst s19  }
.Ltmp0:
0x43: {  	s1 =	sadd.s32 s1, s20;
	[smem:$0x7F9] =	sst s24;
	(pc) =	sbr.rel .LBB2_1-.Ltmp0, $4  }
0x44: {  	s0 =	sadd.s32 s0, s13;
	s30 =	sadd.s32 s5, s20;
	[smem:$0x7F1] =	sst s1  }
0x45: {  	s3 =	simm.s32 $0xE;
	s29 =	sshrl.u32 s14, $0x3;
	[smem:$0x7F3] =	sst s30  }
0x46: {  	s26 =	simm.s32 $0x50;
	[smem:$0x7FB] =	sst s29;
	s30 =	sadd.s32 $0xA, s17  }
0x47: {  	v0 =	vimm.f32 $0.0e+00;
	v1 =	vimm.f32 $1.000000000e+00;
	s5 =	smov.u32 s20;
	s1 =	simm.s32 $0x4E200;
	[smem:$0x7FC] =	sst s30  }
.LBB2_22:
0x48: {  	s3 =	simm.s32 $0xA  }
0x49: {  	_ =	swait.ge [sflag:s3], $0xA0  }
0x4a: {  	[sflag:s3] =	ssyncset.done $0x0  }
0x4b: {  	[sflag:s3] =	ssyncadd.s32 $0xFFFFFF60  }
0x4c: {  	[tilespmem:s1], [sflag:$0x2] =	stream.indirect.gather [hbm4b:s10+s26], $0x80, s14, s26, $0xb8;
	[tilespmem:$0x1E780] =	vst v63  }
0x4d: {  	_ =	swait.ge [sflag:s19], $0x2800  }
0x4e: {  	[sflag:s19] =	ssyncset.done $0x0  }
0x4f: {  	s6 =	simm.s32 $0x230;
	[sflag:s19] =	ssyncadd.s32 $0xFFFFD800  }
0x50: {  	[spmem:s11] =	stream.indirect.scatter.add.f32 [tilespmem:s29], [sflag:$0x4], $0x80, s6, s26, $0xb8;
	[tilespmem:$0x1E780] =	vst v63  }
0x51: {  	_ = 	snop  }
0x52: {  	[spmem:s13] =	stream.indirect.scatter.add.f32 [tilespmem:s7], [sflag:$0x7], $0x10, s6, s26, $0xb8;
	[tilespmem:$0x1E780] =	vst v63  }
0x53: {  	_ =	swait.ge [sflag:s16], $0x2800  }
0x54: {  	[sflag:s16] =	ssyncset.done $0x0  }
0x55: {  	s30 =	simm.s32 $0x2A80;
	[sflag:s16] =	ssyncadd.s32 $0xFFFFD800  }
0x56: {  	[spmem:s11] =	stream.indirect.scatter.add.f32 [tilespmem:s30], [sflag:$0x5], $0x80, s26, s26, $0xb8;
	[tilespmem:$0x1E780] =	vst v63  }
0x57: {  	s8 =	simm.s32 $0x6  }
0x58: {  	[spmem:s13] =	stream.indirect.scatter.add.f32 [tilespmem:s7], [sflag:$0x8], $0x10, s26, s26, $0xb8;
	[tilespmem:$0x1E780] =	vst v63  }
0x59: {  	_ =	swait.ge [sflag:s8], $0x2800  }
0x5a: {  	[sflag:s8] =	ssyncset.done $0x0  }
0x5b: {  	s9 =	simm.s32 $0x9;
	[sflag:s8] =	ssyncadd.s32 $0xFFFFD800  }
0x5c: {  	_ =	swait.ge [sflag:s9], $0x500  }
0x5d: {  	[sflag:s9] =	ssyncset.done $0x0  }
0x5e: {  	s12 =	simm.s32 $0x4;
	[sflag:s9] =	ssyncadd.s32 $0xFFFFFB00  }
0x5f: {  	_ =	swait.ge [sflag:s12], $0x2800  }
0x60: {  	[sflag:s12] =	ssyncset.done $0x0  }
0x61: {  	s14 =	simm.s32 $0x7;
	[sflag:s12] =	ssyncadd.s32 $0xFFFFD800  }
0x62: {  	_ =	swait.ge [sflag:s14], $0x500  }
0x63: {  	[sflag:s14] =	ssyncset.done $0x0  }
0x64: {  	[sflag:s14] =	ssyncadd.s32 $0xFFFFFB00  }
0x65: {  	_ =	swait.ge [sflag:s5], $0x2800  }
0x66: {  	[sflag:s5] =	ssyncset.done $0x0  }
0x67: {  	[sflag:s5] =	ssyncadd.s32 $0xFFFFD800  }
0x68: {  	_ =	swait.ge [sflag:s2], $0x500  }
0x69: {  	[sflag:s2] =	ssyncset.done $0x0  }
0x6a: {  	s6 =	stileid.u32;
	[sflag:s2] =	ssyncadd.s32 $0xFFFFFB00  }
0x6b: {  	s6 =	sshll.u32 s6, $0x6;
	[bflag:$0x0] =	sbarrier.arrive $0xFFFF  }
0x6c: {  	s6 =	sor.u32 $0x1C0E, s6;
	s15 =	rddreg [dreg:$0xf]  }
0x6d: {  	s16 =	rddreg [dreg:$0x5];
	s9 =	sshrl.u32 s15, $0x3;
	s15 =	simm.s32 $0xE  }
0x6e: {  	[hbm:s16], [sflag:s6] =	dma.local [spmem:s9], $0x800  }
0x6f: {  	_ =	swait.ge [sflag:s15], $0x800  }
0x70: {  	[sflag:s15] =	ssyncset.done $0x0  }
0x71: {  	s17 =	sshrl.u32 s18, $0x3;
	s19 =	rddreg [dreg:$0x6];
	[sflag:s15] =	ssyncadd.s32 $0xFFFFF800  }
0x72: {  	[hbm:s19], [sflag:s6] =	dma.local [spmem:s17], $0x100  }
0x73: {  	_ =	swait.ge [sflag:s15], $0x100  }
0x74: {  	s24 =	sld [smem:$0x7F4]  }
0x75: {  	[sflag:s15] =	ssyncset.done $0x0  }
0x76: {  	s20 =	rddreg [dreg:$0x7];
	[sflag:s15] =	ssyncadd.s32 $0xFFFFFF00  }
0x77: {  	[hbm:s20], [sflag:s6] =	dma.local [spmem:s24], $0x800  }
0x78: {  	_ =	swait.ge [sflag:s15], $0x800  }
0x79: {  	s30 =	sld [smem:$0x7F5]  }
0x7a: {  	[sflag:s15] =	ssyncset.done $0x0  }
0x7b: {  	s29 =	rddreg [dreg:$0xb];
	[sflag:s15] =	ssyncadd.s32 $0xFFFFF800  }
0x7c: {  	[hbm:s29], [sflag:s6] =	dma.local [spmem:s30], $0x100  }
0x7d: {  	_ =	swait.ge [sflag:s15], $0x100  }
0x7e: {  	s2 =	sld [smem:$0x7F6]  }
0x7f: {  	[sflag:s15] =	ssyncset.done $0x0  }
0x80: {  	s1 =	rddreg [dreg:$0x8];
	[sflag:s15] =	ssyncadd.s32 $0xFFFFFF00  }
0x81: {  	[hbm:s1], [sflag:s6] =	dma.local [spmem:s2], $0x800  }
0x82: {  	_ =	swait.ge [sflag:s15], $0x800  }
0x83: {  	s8 =	sld [smem:$0x7F7]  }
0x84: {  	[sflag:s15] =	ssyncset.done $0x0  }
0x85: {  	s7 =	rddreg [dreg:$0xc];
	[sflag:s15] =	ssyncadd.s32 $0xFFFFF800  }
0x86: {  	[hbm:s7], [sflag:s6] =	dma.local [spmem:s8], $0x100  }
0x87: {  	_ =	swait.ge [sflag:s15], $0x100  }
0x88: {  	s12 =	sld [smem:$0x7F8]  }
0x89: {  	[sflag:s15] =	ssyncset.done $0x0  }
0x8a: {  	s9 =	rddreg [dreg:$0x9];
	[sflag:s15] =	ssyncadd.s32 $0xFFFFFF00  }
0x8b: {  	[hbm:s9], [sflag:s6] =	dma.local [spmem:s12], $0x800  }
0x8c: {  	_ =	swait.ge [sflag:s15], $0x800  }
0x8d: {  	s16 =	sld [smem:$0x7F9]  }
0x8e: {  	[sflag:s15] =	ssyncset.done $0x0  }
0x8f: {  	s14 =	rddreg [dreg:$0xd];
	[sflag:s15] =	ssyncadd.s32 $0xFFFFF800  }
0x90: {  	[hbm:s14], [sflag:s6] =	dma.local [spmem:s16], $0x100  }
0x91: {  	_ =	swait.ge [sflag:s15], $0x100  }
0x92: {  	s19 =	sld [smem:$0x7FA]  }
0x93: {  	[sflag:s15] =	ssyncset.done $0x0  }
0x94: {  	s17 =	rddreg [dreg:$0xa];
	[sflag:s15] =	ssyncadd.s32 $0xFFFFFF00  }
0x95: {  	[hbm:s17], [sflag:s6] =	dma.local [spmem:s19], $0x800  }
0x96: {  	_ =	swait.ge [sflag:s15], $0x800  }
0x97: {  	s24 =	sld [smem:$0x7FB]  }
0x98: {  	[sflag:s15] =	ssyncset.done $0x0  }
0x99: {  	s20 =	rddreg [dreg:$0xe];
	[sflag:s15] =	ssyncadd.s32 $0xFFFFF800  }
0x9a: {  	[hbm:s20], [sflag:s6] =	dma.local [spmem:s24], $0x100  }
0x9b: {  	_ =	swait.ge [sflag:s15], $0x100  }
0x9c: {  	s29 =	sld [smem:$0x7EE];
	_ =	sdelay $0x2  }
0x9d: {  	s30 =	rddreg [dreg:$0x19];
	s2 =	sadd.s32 $0x1, s29  }
0x9e: {  	p0 =	sne.s32 s2, s30  }
.Ltmp1:
0x9f: {  	_ = 	snop;
	(pc) =	sbr.rel @!p0 .LBB2_23-.Ltmp1, $3  }
0xa0: {  	_ =	sdelay $0x1  }
0xa1: {  	s3 =	simm.s32 $0xE;
	[sflag:s15] =	ssyncset.done $0x0  }
0xa2: {  	s5 =	smov.u32 s22;
	s1 =	simm.s32 $0x4E200;
	[sflag:s3] =	ssyncadd.s32 $0xFFFFFF00  }
.LBB2_1:
0xa3: {  	s9 =	simm.s32 $0x2C0  }
0xa4: {  	[tilespmem:s9+$0xFFFFFFD0] =	vst v0  }
0xa5: {  	[tilespmem:s9+$0xFFFFFFE0] =	vst v0  }
0xa6: {  	[tilespmem:s9+$0xFFFFFFF0] =	vst v0  }
0xa7: {  	[tilespmem:s9+$0x0] =	vst v0  }
0xa8: {  	[tilespmem:s9+$0x10] =	vst v0  }
0xa9: {  	[tilespmem:s9+$0x20] =	vst v0  }
0xaa: {  	[tilespmem:s9+$0x30] =	vst v0  }
0xab: {  	s6 =	simm.s32 $0x0;
	s17 =	simm.s32 $0x40;
	[tilespmem:s9+$0xFFFFFFC0] =	vst v0  }
.LBB2_2:
0xac: {  	p0 =	sne.s32 s17, $0x13C0;
	[tilespmem:s6+$0x7A80] =	vst v1;
	s9 =	sadd.s32 $0x80, s9  }
0xad: {  	[tilespmem:s9+$0xFFFFFFD0] =	vst v0  }
0xae: {  	[tilespmem:s9+$0xFFFFFFE0] =	vst v0  }
0xaf: {  	[tilespmem:s9+$0xFFFFFFF0] =	vst v0  }
.Ltmp2:
0xb0: {  	[tilespmem:s9+$0x0] =	vst v0;
	(pc) =	sbr.rel @p0 .LBB2_2-.Ltmp2, $4  }
0xb1: {  	[tilespmem:s9+$0x10] =	vst v0  }
0xb2: {  	[tilespmem:s9+$0x20] =	vst v0  }
0xb3: {  	[tilespmem:s9+$0x30] =	vst v0  }
0xb4: {  	s6 =	sshra.s32 s17, $0x2;
	s17 =	sadd.s32 $0x40, s17;
	[tilespmem:s9+$0xFFFFFFC0] =	vst v0  }
0xb5: {  	[tilespmem:s6+$0x7A80] =	vst v1;
	s9 =	simm.s32 $0x280;
	s29 =	rddreg [dreg:$0xf]  }
0xb6: {  	[spmem:s29] =	stream.linear.scatter [tilespmem:s9], [sflag:$0xE], $0x2800, $0x38;
	[tilespmem:$0x1E780] =	vst v63  }
0xb7: {  	_ =	swait.ge [sflag:s3], $0x2800  }
0xb8: {  	[sflag:s3] =	ssyncset.done $0x0  }
0xb9: {  	s30 =	sadd.s32 $0x0, s18;
	s17 =	simm.s32 $0x40;
	[sflag:s3] =	ssyncadd.s32 $0xFFFFD800  }
0xba: {  	[spmem:s30] =	stream.linear.scatter [tilespmem:s9], [sflag:$0xE], $0x10, $0x38;
	[tilespmem:$0x1E780] =	vst v63  }
.LBB2_4:
0xbb: {  	p0 =	sne.s32 s17, $0x13C0  }
.Ltmp3:
0xbc: {  	_ = 	snop;
	(pc) =	sbr.rel @p0 .LBB2_4-.Ltmp3, $4  }
0xbd: {  	_ = 	snop  }
0xbe: {  	s6 =	sshra.s32 s17, $0x2;
	s17 =	sadd.s32 $0x40, s17  }
0xbf: {  	s9 =	sadd.s32 $0x80, s9;
	s6 =	sadd.s32 s6, s18  }
0xc0: {  	[spmem:s6] =	stream.linear.scatter [tilespmem:s9], [sflag:$0xE], $0x10, $0x38;
	[tilespmem:$0x1E780] =	vst v63  }
0xc1: {  	_ =	swait.ge [sflag:s3], $0x500  }
0xc2: {  	[sflag:s3] =	ssyncset.done $0x0  }
0xc3: {  	s9 =	simm.s32 $0x280;
	s6 =	rddreg [dreg:$0x10];
	[sflag:s3] =	ssyncadd.s32 $0xFFFFFB00  }
0xc4: {  	[spmem:s6] =	stream.linear.scatter [tilespmem:s9], [sflag:$0xE], $0x2800, $0x38;
	[tilespmem:$0x1E780] =	vst v63  }
0xc5: {  	_ =	swait.ge [sflag:s3], $0x2800  }
0xc6: {  	[sflag:s3] =	ssyncset.done $0x0  }
0xc7: {  	s30 =	sadd.s32 $0x0, s4;
	s17 =	simm.s32 $0x40;
	[sflag:s3] =	ssyncadd.s32 $0xFFFFD800  }
0xc8: {  	[spmem:s30] =	stream.linear.scatter [tilespmem:s9], [sflag:$0xE], $0x10, $0x38;
	[tilespmem:$0x1E780] =	vst v63  }
.LBB2_6:
0xc9: {  	p0 =	sne.s32 s17, $0x13C0  }
.Ltmp4:
0xca: {  	_ = 	snop;
	(pc) =	sbr.rel @p0 .LBB2_6-.Ltmp4, $4  }
0xcb: {  	_ = 	snop  }
0xcc: {  	s6 =	sshra.s32 s17, $0x2;
	s17 =	sadd.s32 $0x40, s17  }
0xcd: {  	s9 =	sadd.s32 $0x80, s9;
	s6 =	sadd.s32 s6, s4  }
0xce: {  	[spmem:s6] =	stream.linear.scatter [tilespmem:s9], [sflag:$0xE], $0x10, $0x38;
	[tilespmem:$0x1E780] =	vst v63  }
0xcf: {  	_ =	swait.ge [sflag:s3], $0x500  }
0xd0: {  	[sflag:s3] =	ssyncset.done $0x0  }
0xd1: {  	s9 =	simm.s32 $0x280;
	s6 =	rddreg [dreg:$0x11];
	[sflag:s3] =	ssyncadd.s32 $0xFFFFFB00  }
0xd2: {  	[spmem:s6] =	stream.linear.scatter [tilespmem:s9], [sflag:$0xE], $0x2800, $0x38;
	[tilespmem:$0x1E780] =	vst v63  }
0xd3: {  	_ =	swait.ge [sflag:s3], $0x2800  }
0xd4: {  	[sflag:s3] =	ssyncset.done $0x0  }
0xd5: {  	s30 =	sadd.s32 $0x0, s21;
	s17 =	simm.s32 $0x40;
	[sflag:s3] =	ssyncadd.s32 $0xFFFFD800  }
0xd6: {  	[spmem:s30] =	stream.linear.scatter [tilespmem:s9], [sflag:$0xE], $0x10, $0x38;
	[tilespmem:$0x1E780] =	vst v63  }
.LBB2_8:
0xd7: {  	p0 =	sne.s32 s17, $0x13C0  }
.Ltmp5:
0xd8: {  	_ = 	snop;
	(pc) =	sbr.rel @p0 .LBB2_8-.Ltmp5, $4  }
0xd9: {  	_ = 	snop  }
0xda: {  	s6 =	sshra.s32 s17, $0x2;
	s17 =	sadd.s32 $0x40, s17  }
0xdb: {  	s9 =	sadd.s32 $0x80, s9;
	s6 =	sadd.s32 s6, s21  }
0xdc: {  	[spmem:s6] =	stream.linear.scatter [tilespmem:s9], [sflag:$0xE], $0x10, $0x38;
	[tilespmem:$0x1E780] =	vst v63  }
0xdd: {  	_ =	swait.ge [sflag:s3], $0x500  }
0xde: {  	[sflag:s3] =	ssyncset.done $0x0  }
0xdf: {  	s9 =	simm.s32 $0x280;
	s6 =	rddreg [dreg:$0x12];
	[sflag:s3] =	ssyncadd.s32 $0xFFFFFB00  }
0xe0: {  	[spmem:s6] =	stream.linear.scatter [tilespmem:s9], [sflag:$0xE], $0x2800, $0x38;
	[tilespmem:$0x1E780] =	vst v63  }
0xe1: {  	_ =	swait.ge [sflag:s3], $0x2800  }
0xe2: {  	[sflag:s3] =	ssyncset.done $0x0  }
0xe3: {  	s30 =	sadd.s32 $0x0, s23;
	s17 =	simm.s32 $0x40;
	[sflag:s3] =	ssyncadd.s32 $0xFFFFD800  }
0xe4: {  	[spmem:s30] =	stream.linear.scatter [tilespmem:s9], [sflag:$0xE], $0x10, $0x38;
	[tilespmem:$0x1E780] =	vst v63  }
.LBB2_10:
0xe5: {  	p0 =	sne.s32 s17, $0x13C0  }
.Ltmp6:
0xe6: {  	_ = 	snop;
	(pc) =	sbr.rel @p0 .LBB2_10-.Ltmp6, $4  }
0xe7: {  	_ = 	snop  }
0xe8: {  	s6 =	sshra.s32 s17, $0x2;
	s17 =	sadd.s32 $0x40, s17  }
0xe9: {  	s9 =	sadd.s32 $0x80, s9;
	s6 =	sadd.s32 s6, s23  }
0xea: {  	[spmem:s6] =	stream.linear.scatter [tilespmem:s9], [sflag:$0xE], $0x10, $0x38;
	[tilespmem:$0x1E780] =	vst v63  }
0xeb: {  	_ =	swait.ge [sflag:s3], $0x500  }
0xec: {  	[sflag:s3] =	ssyncset.done $0x0  }
0xed: {  	s9 =	simm.s32 $0x280;
	s6 =	rddreg [dreg:$0x13];
	[sflag:s3] =	ssyncadd.s32 $0xFFFFFB00  }
0xee: {  	[spmem:s6] =	stream.linear.scatter [tilespmem:s9], [sflag:$0xE], $0x2800, $0x38;
	[tilespmem:$0x1E780] =	vst v63  }
0xef: {  	_ =	swait.ge [sflag:s3], $0x2800  }
0xf0: {  	[sflag:s3] =	ssyncset.done $0x0  }
0xf1: {  	s30 =	sadd.s32 $0x0, s25;
	s17 =	simm.s32 $0x40;
	[sflag:s3] =	ssyncadd.s32 $0xFFFFD800  }
0xf2: {  	[spmem:s30] =	stream.linear.scatter [tilespmem:s9], [sflag:$0xE], $0x10, $0x38;
	[tilespmem:$0x1E780] =	vst v63  }
.LBB2_12:
0xf3: {  	p0 =	sne.s32 s17, $0x13C0  }
.Ltmp7:
0xf4: {  	_ = 	snop;
	(pc) =	sbr.rel @p0 .LBB2_12-.Ltmp7, $4  }
0xf5: {  	_ = 	snop  }
0xf6: {  	s6 =	sshra.s32 s17, $0x2;
	s17 =	sadd.s32 $0x40, s17  }
0xf7: {  	s9 =	sadd.s32 $0x80, s9;
	s6 =	sadd.s32 s6, s25  }
0xf8: {  	[spmem:s6] =	stream.linear.scatter [tilespmem:s9], [sflag:$0xE], $0x10, $0x38;
	[tilespmem:$0x1E780] =	vst v63  }
0xf9: {  	_ =	swait.ge [sflag:s3], $0x500  }
0xfa: {  	[sflag:s3] =	ssyncset.done $0x0  }
0xfb: {  	s9 =	simm.s32 $0x280;
	s6 =	rddreg [dreg:$0x14];
	[sflag:s3] =	ssyncadd.s32 $0xFFFFFB00  }
0xfc: {  	[spmem:s6] =	stream.linear.scatter [tilespmem:s9], [sflag:$0xE], $0x2800, $0x38;
	[tilespmem:$0x1E780] =	vst v63  }
0xfd: {  	_ =	swait.ge [sflag:s3], $0x2800  }
0xfe: {  	[sflag:s3] =	ssyncset.done $0x0  }
0xff: {  	s30 =	sadd.s32 $0x0, s28;
	s17 =	simm.s32 $0x40;
	[sflag:s3] =	ssyncadd.s32 $0xFFFFD800  }
0x100: {  	[spmem:s30] =	stream.linear.scatter [tilespmem:s9], [sflag:$0xE], $0x10, $0x38;
	[tilespmem:$0x1E780] =	vst v63  }
.LBB2_14:
0x101: {  	p0 =	sne.s32 s17, $0x13C0  }
.Ltmp8:
0x102: {  	_ = 	snop;
	(pc) =	sbr.rel @p0 .LBB2_14-.Ltmp8, $4  }
0x103: {  	_ = 	snop  }
0x104: {  	s6 =	sshra.s32 s17, $0x2;
	s17 =	sadd.s32 $0x40, s17  }
0x105: {  	s9 =	sadd.s32 $0x80, s9;
	s6 =	sadd.s32 s6, s28  }
0x106: {  	[spmem:s6] =	stream.linear.scatter [tilespmem:s9], [sflag:$0xE], $0x10, $0x38;
	[tilespmem:$0x1E780] =	vst v63  }
0x107: {  	_ =	swait.ge [sflag:s3], $0x500  }
0x108: {  	[sflag:s3] =	ssyncset.done $0x0  }
0x109: {  	s9 =	simm.s32 $0x280;
	s6 =	rddreg [dreg:$0x15];
	[sflag:s3] =	ssyncadd.s32 $0xFFFFFB00  }
0x10a: {  	[spmem:s6] =	stream.linear.scatter [tilespmem:s9], [sflag:$0xE], $0x2800, $0x38;
	[tilespmem:$0x1E780] =	vst v63  }
0x10b: {  	_ =	swait.ge [sflag:s3], $0x2800  }
0x10c: {  	[sflag:s3] =	ssyncset.done $0x0  }
0x10d: {  	s30 =	sadd.s32 $0x0, s31;
	s17 =	simm.s32 $0x40;
	[sflag:s3] =	ssyncadd.s32 $0xFFFFD800  }
0x10e: {  	[spmem:s30] =	stream.linear.scatter [tilespmem:s9], [sflag:$0xE], $0x10, $0x38;
	[tilespmem:$0x1E780] =	vst v63  }
.LBB2_16:
0x10f: {  	p0 =	sne.s32 s17, $0x13C0  }
.Ltmp9:
0x110: {  	_ = 	snop;
	(pc) =	sbr.rel @p0 .LBB2_16-.Ltmp9, $4  }
0x111: {  	_ = 	snop  }
0x112: {  	s6 =	sshra.s32 s17, $0x2;
	s17 =	sadd.s32 $0x40, s17  }
0x113: {  	s9 =	sadd.s32 $0x80, s9;
	s6 =	sadd.s32 s6, s31  }
0x114: {  	[spmem:s6] =	stream.linear.scatter [tilespmem:s9], [sflag:$0xE], $0x10, $0x38;
	[tilespmem:$0x1E780] =	vst v63  }
0x115: {  	[smem:$0x7EE] =	sst s2  }
0x116: {  	_ =	swait.ge [sflag:s3], $0x500  }
0x117: {  	s9 =	simm.s32 $0x280;
	[sflag:s3] =	ssyncset.done $0x0  }
0x118: {  	s30 =	rddreg [dreg:$0x17];
	[sflag:s3] =	ssyncadd.s32 $0xFFFFFB00;
	s3 =	simm.s32 $0xE  }
0x119: {  	[spmem:s30] =	stream.linear.scatter [tilespmem:s9], [sflag:$0xE], $0x2800, $0x38;
	[tilespmem:$0x1E780] =	vst v63  }
0x11a: {  	_ =	swait.ge [sflag:s3], $0x2800  }
0x11b: {  	s15 =	smov.u32 s5;
	[sflag:s3] =	ssyncset.done $0x0  }
0x11c: {  	s6 =	sadd.s32 $0x0, s0;
	s17 =	simm.s32 $0x40;
	[sflag:s3] =	ssyncadd.s32 $0xFFFFD800  }
0x11d: {  	[spmem:s6] =	stream.linear.scatter [tilespmem:s9], [sflag:$0xE], $0x10, $0x38;
	[tilespmem:$0x1E780] =	vst v63  }
.LBB2_18:
0x11e: {  	p0 =	sne.s32 s17, $0x13C0  }
.Ltmp10:
0x11f: {  	_ = 	snop;
	(pc) =	sbr.rel @p0 .LBB2_18-.Ltmp10, $4  }
0x120: {  	_ = 	snop  }
0x121: {  	s6 =	sshra.s32 s17, $0x2;
	s17 =	sadd.s32 $0x40, s17  }
0x122: {  	s9 =	sadd.s32 $0x80, s9;
	s6 =	sadd.s32 s6, s0  }
0x123: {  	[spmem:s6] =	stream.linear.scatter [tilespmem:s9], [sflag:$0xE], $0x10, $0x38;
	[tilespmem:$0x1E780] =	vst v63  }
0x124: {  	_ =	swait.ge [sflag:s3], $0x500  }
0x125: {  	[sflag:s3] =	ssyncset.done $0x0  }
0x126: {  	s9 =	simm.s32 $0x0;
	s2 =	simm.s32 $0xA0;
	[sflag:s3] =	ssyncadd.s32 $0xFFFFFB00  }
0x127: {  	s24 =	simm.s32 $0xA;
	s29 =	simm.s32 $0x280;
	[bflag:$0x0] =	sbarrier.arrive $0xFFFF  }
0x128: {  	s17 =	simm.s32 $0x0;
	s5 =	simm.s32 $0x0;
	s20 =	rddreg [dreg:$0x18]  }
0x129: {  	s8 =	simm.s32 $0x4E200;
	s7 =	simm.s32 $0x7A80;
	s22 =	sld [smem:$0x7FC]  }
0x12a: {  	[tilespmem:s9], [sflag:$0xA] =	stream.strided.gather [hbm4b:s20+s26], $0xA0, s1, s26, $0x38;
	[tilespmem:$0x1E780] =	vst v63  }
0x12b: {  	s19 =	simm.s32 $0x1;
	s16 =	simm.s32 $0x2;
	s30 =	simm.s32 $0x3  }
0x12c: {  	[tilespmem:s2], [sflag:$0xB] =	stream.strided.gather [hbm4b:s22+s26], $0xA0, s1, s26, $0x38;
	[tilespmem:$0x1E780] =	vst v63  }
0x12d: {  	s12 =	simm.s32 $0x5;
	s20 =	simm.s32 $0xA0;
	_ =	swait.ge [sflag:s24], $0xA0  }
0x12e: {  	s22 =	smov.u32 s15;
	s1 =	simm.s32 $0x2A80;
	[sflag:s24] =	ssyncset.done $0x0  }
0x12f: {  	s2 =	simm.s32 $0x8;
	[sflag:s24] =	ssyncadd.s32 $0xFFFFFF60;
	s24 =	simm.s32 $0x5280  }
0x130: {  	[tilespmem:s29], [sflag:$0x1] =	stream.indirect.gather [hbm4b:s10+s26], $0x80, s9, s26, $0xb8;
	[tilespmem:$0x1E780] =	vst v63  }
.LBB2_20:
0x131: {  	p0 =	seq.s32 s9, $0x0  }
0x132: {  	s6 =	simm.s32 @!p0 $0x5  }
0x133: {  	_ =	swait.ge @!p0 [sflag:s6], $0x2800  }
0x134: {  	[sflag:s6] =	ssyncset.done @!p0 $0x0  }
0x135: {  	[sflag:s6] =	ssyncadd.s32 @!p0 $0xFFFFD800;
	s6 =	simm.s32 @!p0 $0x8  }
0x136: {  	s15 =	sadd.s32 @!p0 $0xA0, s17;
	_ =	swait.ge @!p0 [sflag:s6], $0x500  }
0x137: {  	s15 =	simm.s32 @p0 $0xA0;
	s3 =	rddreg [dreg:$0x16]  }
0x138: {  	[sflag:s6] =	ssyncset.done @!p0 $0x0;
	s15 =	sadd.s32 s3, s15  }
0x139: {  	[sflag:s6] =	ssyncadd.s32 @!p0 $0xFFFFFB00;
	s15 =	sshrl.u32 s15, $0x3  }
0x13a: {  	s6 =	simm.s32 $0xB;
	s3 =	sadd.s32 s22, s15;
	s15 =	simm.s32 $0x140  }
0x13b: {  	[tilespmem:s15], [sflag:$0xC] =	stream.strided.gather [hbm4b:s3+s26], $0xA0, s8, s26, $0x38;
	[tilespmem:$0x1E780] =	vst v63  }
0x13c: {  	_ =	swait.ge [sflag:s6], $0xA0  }
0x13d: {  	[sflag:s6] =	ssyncset.done $0x0  }
0x13e: {  	[sflag:s6] =	ssyncadd.s32 $0xFFFFFF60  }
0x13f: {  	[tilespmem:s1], [sflag:$0x2] =	stream.indirect.gather [hbm4b:s10+s26], $0x80, s20, s26, $0xb8;
	[tilespmem:$0x1E780] =	vst v63  }
0x140: {  	_ =	swait.ge [sflag:s19], $0x2800  }
0x141: {  	[sflag:s19] =	ssyncset.done $0x0  }
0x142: {  	[sflag:s19] =	ssyncadd.s32 $0xFFFFD800  }
0x143: {  	[spmem:s11] =	stream.indirect.scatter.add.f32 [tilespmem:s29], [sflag:$0x4], $0x80, s26, s26, $0xb8;
	[tilespmem:$0x1E780] =	vst v63  }
0x144: {  	s6 =	simm.s32 @!p0 $0x6  }
0x145: {  	[spmem:s13] =	stream.indirect.scatter.add.f32 [tilespmem:s7], [sflag:$0x7], $0x10, s26, s26, $0xb8;
	[tilespmem:$0x1E780] =	vst v63  }
0x146: {  	_ =	swait.ge @!p0 [sflag:s6], $0x2800  }
0x147: {  	[sflag:s6] =	ssyncset.done @!p0 $0x0  }
0x148: {  	[sflag:s6] =	ssyncadd.s32 @!p0 $0xFFFFD800;
	s6 =	simm.s32 @!p0 $0x9  }
0x149: {  	_ =	swait.ge @!p0 [sflag:s6], $0x500  }
0x14a: {  	s14 =	sld [smem:$0x7F3]  }
0x14b: {  	[sflag:s6] =	ssyncset.done @!p0 $0x0  }
0x14c: {  	[sflag:s6] =	ssyncadd.s32 @!p0 $0xFFFFFB00  }
0x14d: {  	s6 =	simm.s32 $0xC;
	s3 =	sadd.s32 s9, s14;
	s14 =	simm.s32 $0x1E0  }
0x14e: {  	[tilespmem:s14], [sflag:$0xD] =	stream.strided.gather [hbm4b:s3+s26], $0xA0, s8, s26, $0x38;
	[tilespmem:$0x1E780] =	vst v63  }
0x14f: {  	_ =	swait.ge [sflag:s6], $0xA0  }
0x150: {  	[sflag:s6] =	ssyncset.done $0x0  }
0x151: {  	[sflag:s6] =	ssyncadd.s32 $0xFFFFFF60  }
0x152: {  	[tilespmem:s24], [sflag:$0x3] =	stream.indirect.gather [hbm4b:s10+s26], $0x80, s15, s26, $0xb8;
	[tilespmem:$0x1E780] =	vst v63  }
0x153: {  	_ =	swait.ge [sflag:s16], $0x2800  }
0x154: {  	[sflag:s16] =	ssyncset.done $0x0  }
0x155: {  	s6 =	simm.s32 $0xF0;
	[sflag:s16] =	ssyncadd.s32 $0xFFFFD800  }
0x156: {  	[spmem:s11] =	stream.indirect.scatter.add.f32 [tilespmem:s1], [sflag:$0x5], $0x80, s6, s26, $0xb8;
	[tilespmem:$0x1E780] =	vst v63  }
0x157: {  	s15 =	simm.s32 $0x4  }
0x158: {  	[spmem:s13] =	stream.indirect.scatter.add.f32 [tilespmem:s7], [sflag:$0x8], $0x10, s6, s26, $0xb8;
	[tilespmem:$0x1E780] =	vst v63  }
0x159: {  	_ =	swait.ge [sflag:s15], $0x2800  }
0x15a: {  	[sflag:s15] =	ssyncset.done $0x0  }
0x15b: {  	s6 =	simm.s32 $0x7;
	[sflag:s15] =	ssyncadd.s32 $0xFFFFD800  }
0x15c: {  	_ =	swait.ge [sflag:s6], $0x500  }
0x15d: {  	s15 =	sld [smem:$0x7F2];
	_ =	sdelay $0x1  }
0x15e: {  	[sflag:s6] =	ssyncset.done $0x0  }
0x15f: {  	[sflag:s6] =	ssyncadd.s32 $0xFFFFFB00;
	s6 =	simm.s32 $0xD;
	s3 =	sadd.s32 s9, s15  }
0x160: {  	[tilespmem:s5], [sflag:$0xA] =	stream.strided.gather [hbm4b:s3+s26], $0xA0, s8, s26, $0x38;
	[tilespmem:$0x1E780] =	vst v63  }
0x161: {  	_ =	swait.ge [sflag:s6], $0xA0  }
0x162: {  	[sflag:s6] =	ssyncset.done $0x0  }
0x163: {  	[sflag:s6] =	ssyncadd.s32 $0xFFFFFF60  }
0x164: {  	[tilespmem:s29], [sflag:$0x1] =	stream.indirect.gather [hbm4b:s10+s26], $0x80, s14, s26, $0xb8;
	[tilespmem:$0x1E780] =	vst v63  }
0x165: {  	_ =	swait.ge [sflag:s30], $0x2800  }
0x166: {  	[sflag:s30] =	ssyncset.done $0x0  }
0x167: {  	s15 =	simm.s32 $0x190;
	[sflag:s30] =	ssyncadd.s32 $0xFFFFD800  }
0x168: {  	[spmem:s11] =	stream.indirect.scatter.add.f32 [tilespmem:s24], [sflag:$0x6], $0x80, s15, s26, $0xb8;
	[tilespmem:$0x1E780] =	vst v63  }
0x169: {  	_ = 	snop  }
0x16a: {  	[spmem:s13] =	stream.indirect.scatter.add.f32 [tilespmem:s7], [sflag:$0x9], $0x10, s15, s26, $0xb8;
	[tilespmem:$0x1E780] =	vst v63  }
0x16b: {  	p0 =	seq.s32 s9, $0x4B0;
	_ =	swait.ge [sflag:s12], $0x2800  }
.Ltmp11:
0x16c: {  	[sflag:s12] =	ssyncset.done $0x0;
	(pc) =	sbr.rel @p0 .LBB2_22-.Ltmp11, $4  }
0x16d: {  	[sflag:s12] =	ssyncadd.s32 $0xFFFFD800  }
0x16e: {  	_ =	swait.ge [sflag:s2], $0x500  }
0x16f: {  	s5 =	simm.s32 $0x5;
	[sflag:s2] =	ssyncset.done $0x0  }
0x170: {  	s14 =	simm.s32 $0x0;
	[sflag:s2] =	ssyncadd.s32 $0xFFFFFB00;
	s2 =	simm.s32 $0x8  }
0x171: {  	s3 =	sld [smem:$0x7F1];
	_ =	sdelay $0x2  }
0x172: {  	s15 =	simm.s32 $0xA;
	s6 =	sadd.s32 s9, s3  }
0x173: {  	[tilespmem:s20], [sflag:$0xB] =	stream.strided.gather [hbm4b:s6+s26], $0xA0, s8, s26, $0x38;
	[tilespmem:$0x1E780] =	vst v63  }
0x174: {  	_ =	swait.ge [sflag:s15], $0xA0  }
0x175: {  	[sflag:s15] =	ssyncset.done $0x0  }
0x176: {  	[sflag:s15] =	ssyncadd.s32 $0xFFFFFF60  }
0x177: {  	[tilespmem:s1], [sflag:$0x2] =	stream.indirect.gather [hbm4b:s10+s26], $0x80, s14, s26, $0xb8;
	[tilespmem:$0x1E780] =	vst v63  }
0x178: {  	_ =	swait.ge [sflag:s19], $0x2800  }
0x179: {  	[sflag:s19] =	ssyncset.done $0x0  }
0x17a: {  	[sflag:s19] =	ssyncadd.s32 $0xFFFFD800;
	s19 =	simm.s32 $0x230  }
0x17b: {  	[spmem:s11] =	stream.indirect.scatter.add.f32 [tilespmem:s29], [sflag:$0x4], $0x80, s19, s26, $0xb8;
	[tilespmem:$0x1E780] =	vst v63  }
0x17c: {  	s22 =	simm.s32 $0x6;
	[smem:$0x7ED] =	sst s17  }
0x17d: {  	[spmem:s13] =	stream.indirect.scatter.add.f32 [tilespmem:s7], [sflag:$0x7], $0x10, s19, s26, $0xb8;
	[tilespmem:$0x1E780] =	vst v63  }
0x17e: {  	_ =	swait.ge [sflag:s22], $0x2800  }
0x17f: {  	[sflag:s22] =	ssyncset.done $0x0  }
0x180: {  	s1 =	simm.s32 $0x9;
	[sflag:s22] =	ssyncadd.s32 $0xFFFFD800  }
0x181: {  	_ =	swait.ge [sflag:s1], $0x500  }
0x182: {  	s20 =	sld [smem:$0x7EF];
	_ =	sdelay $0x1  }
0x183: {  	s5 =	simm.s32 $0x140;
	[sflag:s1] =	ssyncset.done $0x0  }
0x184: {  	s14 =	simm.s32 $0xB;
	[sflag:s1] =	ssyncadd.s32 $0xFFFFFB00;
	s3 =	sadd.s32 s9, s20  }
0x185: {  	[tilespmem:s5], [sflag:$0xC] =	stream.strided.gather [hbm4b:s3+s26], $0xA0, s8, s26, $0x38;
	[tilespmem:$0x1E780] =	vst v63  }
0x186: {  	_ =	swait.ge [sflag:s14], $0xA0  }
0x187: {  	[sflag:s14] =	ssyncset.done $0x0  }
0x188: {  	s6 =	simm.s32 $0xA0;
	[sflag:s14] =	ssyncadd.s32 $0xFFFFFF60  }
0x189: {  	[tilespmem:s24], [sflag:$0x3] =	stream.indirect.gather [hbm4b:s10+s26], $0x80, s6, s26, $0xb8;
	[tilespmem:$0x1E780] =	vst v63  }
0x18a: {  	_ =	swait.ge [sflag:s16], $0x2800  }
0x18b: {  	[sflag:s16] =	ssyncset.done $0x0  }
0x18c: {  	s15 =	simm.s32 $0x2A80;
	[sflag:s16] =	ssyncadd.s32 $0xFFFFD800  }
0x18d: {  	[spmem:s11] =	stream.indirect.scatter.add.f32 [tilespmem:s15], [sflag:$0x5], $0x80, s26, s26, $0xb8;
	[tilespmem:$0x1E780] =	vst v63  }
0x18e: {  	s15 =	simm.s32 $0x4  }
0x18f: {  	[spmem:s13] =	stream.indirect.scatter.add.f32 [tilespmem:s7], [sflag:$0x8], $0x10, s26, s26, $0xb8;
	[tilespmem:$0x1E780] =	vst v63  }
0x190: {  	_ =	swait.ge [sflag:s15], $0x2800  }
0x191: {  	[sflag:s15] =	ssyncset.done $0x0  }
0x192: {  	s24 =	simm.s32 $0x7;
	[sflag:s15] =	ssyncadd.s32 $0xFFFFD800  }
0x193: {  	_ =	swait.ge [sflag:s24], $0x500  }
0x194: {  	s19 =	simm.s32 $0x1E0;
	[sflag:s24] =	ssyncset.done $0x0;
	s16 =	rddreg [dreg:$0x1a]  }
0x195: {  	s7 =	simm.s32 $0xC;
	[sflag:s24] =	ssyncadd.s32 $0xFFFFFB00;
	s17 =	sadd.s32 s9, s16  }
0x196: {  	[tilespmem:s19], [sflag:$0xD] =	stream.strided.gather [hbm4b:s17+s26], $0xA0, s8, s26, $0x38;
	[tilespmem:$0x1E780] =	vst v63  }
0x197: {  	_ =	swait.ge [sflag:s7], $0xA0  }
0x198: {  	[sflag:s7] =	ssyncset.done $0x0  }
0x199: {  	s20 =	simm.s32 $0x280;
	s5 =	simm.s32 $0x140;
	[sflag:s7] =	ssyncadd.s32 $0xFFFFFF60  }
0x19a: {  	[tilespmem:s20], [sflag:$0x1] =	stream.indirect.gather [hbm4b:s10+s26], $0x80, s5, s26, $0xb8;
	[tilespmem:$0x1E780] =	vst v63  }
0x19b: {  	_ =	swait.ge [sflag:s30], $0x2800  }
0x19c: {  	[sflag:s30] =	ssyncset.done $0x0  }
0x19d: {  	s6 =	simm.s32 $0x5280;
	s17 =	simm.s32 $0xF0;
	[sflag:s30] =	ssyncadd.s32 $0xFFFFD800  }
0x19e: {  	[spmem:s11] =	stream.indirect.scatter.add.f32 [tilespmem:s6], [sflag:$0x6], $0x80, s17, s26, $0xb8;
	[tilespmem:$0x1E780] =	vst v63  }
0x19f: {  	s12 =	simm.s32 $0x5;
	s16 =	simm.s32 $0x7A80  }
0x1a0: {  	[spmem:s13] =	stream.indirect.scatter.add.f32 [tilespmem:s16], [sflag:$0x9], $0x10, s17, s26, $0xb8;
	[tilespmem:$0x1E780] =	vst v63  }
0x1a1: {  	_ =	swait.ge [sflag:s12], $0x2800  }
0x1a2: {  	[sflag:s12] =	ssyncset.done $0x0  }
0x1a3: {  	s2 =	simm.s32 $0x8;
	[sflag:s12] =	ssyncadd.s32 $0xFFFFD800  }
0x1a4: {  	s29 =	simm.s32 $0x4E200;
	_ =	swait.ge [sflag:s2], $0x500  }
0x1a5: {  	s5 =	simm.s32 $0x0;
	[sflag:s2] =	ssyncset.done $0x0;
	s20 =	rddreg [dreg:$0x1b]  }
0x1a6: {  	[sflag:s2] =	ssyncadd.s32 $0xFFFFFB00;
	s3 =	sadd.s32 s9, s20;
	s20 =	simm.s32 $0xD  }
0x1a7: {  	[tilespmem:s5], [sflag:$0xA] =	stream.strided.gather [hbm4b:s3+s26], $0xA0, s29, s26, $0x38;
	[tilespmem:$0x1E780] =	vst v63  }
0x1a8: {  	_ =	swait.ge [sflag:s20], $0xA0  }
0x1a9: {  	s8 =	simm.s32 $0x1;
	[sflag:s20] =	ssyncset.done $0x0  }
0x1aa: {  	s6 =	simm.s32 $0x1E0;
	s3 =	simm.s32 $0x2A80;
	[sflag:s20] =	ssyncadd.s32 $0xFFFFFF60  }
0x1ab: {  	[tilespmem:s3], [sflag:$0x2] =	stream.indirect.gather [hbm4b:s10+s26], $0x80, s6, s26, $0xb8;
	[tilespmem:$0x1E780] =	vst v63  }
0x1ac: {  	_ =	swait.ge [sflag:s8], $0x2800  }
0x1ad: {  	[sflag:s8] =	ssyncset.done $0x0  }
0x1ae: {  	s30 =	simm.s32 $0x190;
	s6 =	simm.s32 $0x280;
	[sflag:s8] =	ssyncadd.s32 $0xFFFFD800  }
0x1af: {  	[spmem:s11] =	stream.indirect.scatter.add.f32 [tilespmem:s6], [sflag:$0x4], $0x80, s30, s26, $0xb8;
	[tilespmem:$0x1E780] =	vst v63  }
0x1b0: {  	_ = 	snop  }
0x1b1: {  	[spmem:s13] =	stream.indirect.scatter.add.f32 [tilespmem:s16], [sflag:$0x7], $0x10, s30, s26, $0xb8;
	[tilespmem:$0x1E780] =	vst v63  }
0x1b2: {  	_ =	swait.ge [sflag:s22], $0x2800  }
0x1b3: {  	[sflag:s22] =	ssyncset.done $0x0  }
0x1b4: {  	[sflag:s22] =	ssyncadd.s32 $0xFFFFD800  }
0x1b5: {  	_ =	swait.ge [sflag:s1], $0x500  }
0x1b6: {  	s3 =	simm.s32 $0xA0;
	[sflag:s1] =	ssyncset.done $0x0;
	s6 =	rddreg [dreg:$0x1c]  }
0x1b7: {  	s8 =	simm.s32 $0x4E200;
	[sflag:s1] =	ssyncadd.s32 $0xFFFFFB00;
	s6 =	sadd.s32 s9, s6  }
0x1b8: {  	[tilespmem:s3], [sflag:$0xB] =	stream.strided.gather [hbm4b:s6+s26], $0xA0, s8, s26, $0x38;
	[tilespmem:$0x1E780] =	vst v63  }
0x1b9: {  	s6 =	simm.s32 $0xA  }
0x1ba: {  	_ =	swait.ge [sflag:s6], $0xA0  }
0x1bb: {  	[sflag:s6] =	ssyncset.done $0x0  }
0x1bc: {  	s19 =	simm.s32 $0x2;
	[sflag:s6] =	ssyncadd.s32 $0xFFFFFF60;
	s6 =	simm.s32 $0x5280  }
0x1bd: {  	[tilespmem:s6], [sflag:$0x3] =	stream.indirect.gather [hbm4b:s10+s26], $0x80, s5, s26, $0xb8;
	[tilespmem:$0x1E780] =	vst v63  }
0x1be: {  	_ =	swait.ge [sflag:s19], $0x2800  }
0x1bf: {  	[sflag:s19] =	ssyncset.done $0x0  }
0x1c0: {  	s6 =	simm.s32 $0x2A80;
	s5 =	simm.s32 $0x230;
	[sflag:s19] =	ssyncadd.s32 $0xFFFFD800  }
0x1c1: {  	[spmem:s11] =	stream.indirect.scatter.add.f32 [tilespmem:s6], [sflag:$0x5], $0x80, s5, s26, $0xb8;
	[tilespmem:$0x1E780] =	vst v63  }
0x1c2: {  	_ = 	snop  }
0x1c3: {  	[spmem:s13] =	stream.indirect.scatter.add.f32 [tilespmem:s16], [sflag:$0x8], $0x10, s5, s26, $0xb8;
	[tilespmem:$0x1E780] =	vst v63  }
0x1c4: {  	_ =	swait.ge [sflag:s15], $0x2800  }
0x1c5: {  	[sflag:s15] =	ssyncset.done $0x0  }
0x1c6: {  	[sflag:s15] =	ssyncadd.s32 $0xFFFFD800  }
0x1c7: {  	_ =	swait.ge [sflag:s24], $0x500  }
0x1c8: {  	[sflag:s24] =	ssyncset.done $0x0;
	s6 =	rddreg [dreg:$0x1d]  }
0x1c9: {  	s5 =	simm.s32 $0x140;
	[sflag:s24] =	ssyncadd.s32 $0xFFFFFB00;
	s3 =	sadd.s32 s9, s6  }
0x1ca: {  	[tilespmem:s5], [sflag:$0xC] =	stream.strided.gather [hbm4b:s3+s26], $0xA0, s8, s26, $0x38;
	[tilespmem:$0x1E780] =	vst v63  }
0x1cb: {  	_ =	swait.ge [sflag:s14], $0xA0  }
0x1cc: {  	s29 =	simm.s32 $0x3;
	[sflag:s14] =	ssyncset.done $0x0  }
0x1cd: {  	s6 =	simm.s32 $0xA0;
	[sflag:s14] =	ssyncadd.s32 $0xFFFFFF60;
	s14 =	simm.s32 $0x280  }
0x1ce: {  	[tilespmem:s14], [sflag:$0x1] =	stream.indirect.gather [hbm4b:s10+s26], $0x80, s6, s26, $0xb8;
	[tilespmem:$0x1E780] =	vst v63  }
0x1cf: {  	_ =	swait.ge [sflag:s29], $0x2800  }
0x1d0: {  	[sflag:s29] =	ssyncset.done $0x0  }
0x1d1: {  	s6 =	simm.s32 $0x5280;
	[sflag:s29] =	ssyncadd.s32 $0xFFFFD800  }
0x1d2: {  	[spmem:s11] =	stream.indirect.scatter.add.f32 [tilespmem:s6], [sflag:$0x6], $0x80, s26, s26, $0xb8;
	[tilespmem:$0x1E780] =	vst v63  }
0x1d3: {  	_ = 	snop  }
0x1d4: {  	[spmem:s13] =	stream.indirect.scatter.add.f32 [tilespmem:s16], [sflag:$0x9], $0x10, s26, s26, $0xb8;
	[tilespmem:$0x1E780] =	vst v63  }
0x1d5: {  	_ =	swait.ge [sflag:s12], $0x2800  }
0x1d6: {  	[sflag:s12] =	ssyncset.done $0x0  }
0x1d7: {  	[sflag:s12] =	ssyncadd.s32 $0xFFFFD800  }
0x1d8: {  	_ =	swait.ge [sflag:s2], $0x500  }
0x1d9: {  	[sflag:s2] =	ssyncset.done $0x0;
	s14 =	rddreg [dreg:$0x1e]  }
0x1da: {  	[sflag:s2] =	ssyncadd.s32 $0xFFFFFB00;
	s3 =	sadd.s32 s9, s14;
	s14 =	simm.s32 $0x1E0  }
0x1db: {  	[tilespmem:s14], [sflag:$0xD] =	stream.strided.gather [hbm4b:s3+s26], $0xA0, s8, s26, $0x38;
	[tilespmem:$0x1E780] =	vst v63  }
0x1dc: {  	_ =	swait.ge [sflag:s7], $0xA0  }
0x1dd: {  	[sflag:s7] =	ssyncset.done $0x0  }
0x1de: {  	s19 =	simm.s32 $0x1;
	s6 =	simm.s32 $0x2A80;
	[sflag:s7] =	ssyncadd.s32 $0xFFFFFF60  }
0x1df: {  	[tilespmem:s6], [sflag:$0x2] =	stream.indirect.gather [hbm4b:s10+s26], $0x80, s5, s26, $0xb8;
	[tilespmem:$0x1E780] =	vst v63  }
0x1e0: {  	_ =	swait.ge [sflag:s19], $0x2800  }
0x1e1: {  	[sflag:s19] =	ssyncset.done $0x0  }
0x1e2: {  	s29 =	simm.s32 $0x280;
	[sflag:s19] =	ssyncadd.s32 $0xFFFFD800  }
0x1e3: {  	[spmem:s11] =	stream.indirect.scatter.add.f32 [tilespmem:s29], [sflag:$0x4], $0x80, s17, s26, $0xb8;
	[tilespmem:$0x1E780] =	vst v63  }
0x1e4: {  	s7 =	simm.s32 $0x7A80  }
0x1e5: {  	[spmem:s13] =	stream.indirect.scatter.add.f32 [tilespmem:s7], [sflag:$0x7], $0x10, s17, s26, $0xb8;
	[tilespmem:$0x1E780] =	vst v63  }
0x1e6: {  	_ =	swait.ge [sflag:s22], $0x2800  }
0x1e7: {  	[sflag:s22] =	ssyncset.done $0x0  }
0x1e8: {  	[sflag:s22] =	ssyncadd.s32 $0xFFFFD800  }
0x1e9: {  	s22 =	sld [smem:$0x7FD];
	_ =	swait.ge [sflag:s1], $0x500  }
0x1ea: {  	s6 =	sld [smem:$0x7F0]  }
0x1eb: {  	s17 =	sld [smem:$0x7ED];
	_ =	sdelay $0x2  }
0x1ec: {  	s6 =	sadd.s32 s17, s6  }
0x1ed: {  	[sflag:s1] =	ssyncset.done $0x0;
	s6 =	sshrl.u32 s6, $0x3  }
0x1ee: {  	s5 =	simm.s32 $0x0;
	[sflag:s1] =	ssyncadd.s32 $0xFFFFFB00;
	s6 =	sadd.s32 s22, s6  }
0x1ef: {  	[tilespmem:s5], [sflag:$0xA] =	stream.strided.gather [hbm4b:s6+s26], $0xA0, s8, s26, $0x38;
	[tilespmem:$0x1E780] =	vst v63  }
0x1f0: {  	_ =	swait.ge [sflag:s20], $0xA0  }
0x1f1: {  	[sflag:s20] =	ssyncset.done $0x0  }
0x1f2: {  	s16 =	simm.s32 $0x2;
	s6 =	simm.s32 $0x5280;
	[sflag:s20] =	ssyncadd.s32 $0xFFFFFF60  }
0x1f3: {  	[tilespmem:s6], [sflag:$0x3] =	stream.indirect.gather [hbm4b:s10+s26], $0x80, s14, s26, $0xb8;
	[tilespmem:$0x1E780] =	vst v63  }
0x1f4: {  	_ =	swait.ge [sflag:s16], $0x2800  }
0x1f5: {  	[sflag:s16] =	ssyncset.done $0x0  }
0x1f6: {  	s1 =	simm.s32 $0x2A80;
	[sflag:s16] =	ssyncadd.s32 $0xFFFFD800  }
0x1f7: {  	[spmem:s11] =	stream.indirect.scatter.add.f32 [tilespmem:s1], [sflag:$0x5], $0x80, s30, s26, $0xb8;
	[tilespmem:$0x1E780] =	vst v63  }
0x1f8: {  	_ = 	snop  }
0x1f9: {  	[spmem:s13] =	stream.indirect.scatter.add.f32 [tilespmem:s7], [sflag:$0x8], $0x10, s30, s26, $0xb8;
	[tilespmem:$0x1E780] =	vst v63  }
0x1fa: {  	_ =	swait.ge [sflag:s15], $0x2800  }
0x1fb: {  	[sflag:s15] =	ssyncset.done $0x0  }
0x1fc: {  	[sflag:s15] =	ssyncadd.s32 $0xFFFFD800  }
0x1fd: {  	_ =	swait.ge [sflag:s24], $0x500  }
0x1fe: {  	s5 =	simm.s32 $0xA0;
	[sflag:s24] =	ssyncset.done $0x0;
	s20 =	rddreg [dreg:$0x1f]  }
0x1ff: {  	s6 =	simm.s32 $0xA;
	[sflag:s24] =	ssyncadd.s32 $0xFFFFFB00;
	s3 =	sadd.s32 s9, s20  }
0x200: {  	[tilespmem:s5], [sflag:$0xB] =	stream.strided.gather [hbm4b:s3+s26], $0xA0, s8, s26, $0x38;
	[tilespmem:$0x1E780] =	vst v63  }
0x201: {  	_ =	swait.ge [sflag:s6], $0xA0  }
0x202: {  	[sflag:s6] =	ssyncset.done $0x0  }
0x203: {  	s17 =	simm.s32 $0x0;
	s30 =	simm.s32 $0x3;
	[sflag:s6] =	ssyncadd.s32 $0xFFFFFF60  }
0x204: {  	[tilespmem:s29], [sflag:$0x1] =	stream.indirect.gather [hbm4b:s10+s26], $0x80, s17, s26, $0xb8;
	[tilespmem:$0x1E780] =	vst v63  }
0x205: {  	s14 =	simm.s32 $0x230;
	_ =	swait.ge [sflag:s30], $0x2800  }
.Ltmp12:
0x206: {  	[sflag:s30] =	ssyncset.done $0x0;
	s15 =	sld [smem:$0x7ED];
	(pc) =	sbr.rel .LBB2_20-.Ltmp12, $4  }
0x207: {  	s24 =	simm.s32 $0x5280;
	s20 =	simm.s32 $0xA0;
	[sflag:s30] =	ssyncadd.s32 $0xFFFFD800  }
0x208: {  	[spmem:s11] =	stream.indirect.scatter.add.f32 [tilespmem:s24], [sflag:$0x6], $0x80, s14, s26, $0xb8;
	[tilespmem:$0x1E780] =	vst v63  }
0x209: {  	s9 =	sadd.s32 $0x78, s9;
	s5 =	simm.s32 $0x0;
	s17 =	sadd.s32 $0x3C0, s15  }
0x20a: {  	[spmem:s13] =	stream.indirect.scatter.add.f32 [tilespmem:s7], [sflag:$0x9], $0x10, s14, s26, $0xb8;
	[tilespmem:$0x1E780] =	vst v63  }
.LBB2_23:
0x20b: {  	_ =	sfence.sel $0x180000  }
0x20c: {  	[bflag:$0x0] =	sbarrier.arrive $0xFFFF  }
0x20d: {  	_ =	strace $0x90000047  }
0x20e: {  	s0 =	stileid.u32;
	[bflag:$0x2] =	sbarrier.arrive $0xFFFF  }
0x20f: {  	p0 =	sne.s32 s0, $0x0;
	s0 =	rddreg [dreg:$0x4]  }
0x210: {  	s0 =	sadd.s32 @!p0 $0x100000, s0  }
0x211: {  	[sflag:s0] =	ssyncadd.tile.s32 @!p0 $0x1;
	_ =	shalt  }
.Lfunc_end2:
_tile_overlayer_lowered:
.L_overlay_start_2:
0x212: {  	(tag) =	ssettag $0x2  }
0x213: {  	s0 =	rddreg [dreg:$0x0];
	s2 =	stileid.u32  }
0x214: {  	s1 =	rddreg [dreg:$0x1];
	p0 =	sne.s32 s2, $0x0  }
0x215: {  	s3 =	rddreg [dreg:$0x2];
	[bflag:$0x3] =	sbarrier.arrive $0xFFFF;
	s2 =	simm.s32 @!p0 $0x1C0E  }
0x216: {  	[timem:s3], [sflag:s2] =	dma.local @!p0 [hbm:s0], s1  }
0x217: {  	s0 =	simm.s32 @!p0 $0xE  }
0x218: {  	_ =	swait.ge @!p0 [sflag:s0], s1  }
0x219: {  	s1 =	ssub.s32 @!p0 $0x0, s1;
	[sflag:s0] =	ssyncset.done @!p0 $0x0  }
0x21a: {  	[sflag:s0] =	ssyncadd.s32 @!p0 s1  }
0x21b: {  	[bflag:$0x3] =	sbarrier.arrive $0xFFFF  }
0x21c: {  	_ =	shalt  }

// kernel: kernel.8.cloned.1.call-start
scs
__scs_entry_jumppad:
0x0: {  	(pc) =	sbr.rel $0x88, $3  }
0x1: {  	(tag) =	ssettag $0x0;
	lr =	simm.s32 $0x1  }
0x2: {  	[smem:$0x3F99] =	sst lr;
	_ =	strace $0xD0000000  }
0x3: {  	_ = 	snop  }
0x4: {  	_ = 	snop  }
0x5: {  	_ = 	snop  }
0x6: {  	_ = 	snop  }
0x7: {  	_ = 	snop  }
__scs_overlays_trampoline_lowered:
0x8: {  	[smem:$0x3FA8] =	sst s0  }
0x9: {  	[smem:$0x3FA9] =	sst s1  }
0xa: {  	[smem:$0x3FAA] =	sst s2  }
0xb: {  	[smem:$0x3FAB] =	sst s3  }
0xc: {  	[smem:$0x3FAC] =	sst s4  }
0xd: {  	[smem:$0x3FAD] =	sst s5  }
0xe: {  	[smem:$0x3FAE] =	sst s6  }
0xf: {  	[smem:$0x3FAF] =	sst s7  }
0x10: {  	[smem:$0x3FB0] =	sst s8  }
0x11: {  	[smem:$0x3FB1] =	sst s9;
	s0 =	simm.s32 @!p0 $0x0  }
0x12: {  	s1 =	sld [smem:$0x3F97];
	s0 =	simm.s32 @p0 $0x1  }
0x13: {  	[smem:$0x3FB2] =	sst s0;
	s0 =	simm.s32 @!p1 $0x0  }
0x14: {  	s2 =	sld [smem:$0x3F96];
	s0 =	simm.s32 @p1 $0x1  }
0x15: {  	[smem:$0x3FB3] =	sst s0;
	s0 =	simm.s32 @!p2 $0x0  }
0x16: {  	s3 =	sld [smem:$0x3FDB];
	s0 =	simm.s32 @p2 $0x1  }
0x17: {  	s4 =	simm.s32 $0x1BF5;
	[smem:$0x3FB5] =	sst s0  }
0x18: {  	s0 =	sld [smem:$0x3F98];
	_ =	swait.ge [sflag:s4], $0x0  }
0x19: {  	s7 =	sld [smem:$0x3F99]  }
0x1a: {  	s8 =	sadd.s32 $0xFFFFE003, lr  }
0x1b: {  	s9 =	sadd.s32 $0xFFFFFEF7, lr;
	s5 =	simm.s32 $0xFFFFFFFF;
	p2 =	slt.u32 s8, $0xFFFFF086  }
0x1c: {  	p1 =	slt.u32 s9, $0xF7A;
	s5 =	simm.s32 @!p2 $0x0  }
0x1d: {  	s5 =	simm.s32 @p1 $0x1;
	p0 =	seq.s32 s7, s2  }
0x1e: {  	s7 =	smul.u32 @!p0 $0xF7A, s2;
	p2 =	seq.s32 @!p0 s5, $0x0  }
0x1f: {  	s9 =	smul.u32 $0xF7A, s1;
	s8 =	simm.s32 @!p0 $0x1BF5;
	p2 =	por !p2, p0  }
0x20: {  	[sflag:s8] =	ssyncset.s32 @!p0 $0xFFFFF086;
	s6 =	sadd.s32 @!p0 s3, s7;
	s7 =	simm.s32 @!p0 $0x108  }
0x21: {  	s3 =	sadd.s32 s3, s9;
	s6 =	sadd.s32 @!p0 $0x88, s6;
	s7 =	simm.s32 @p2 $0x1082  }
0x22: {  	[simem:s7], [sflag:s8] =	dma.local @!p0 [hbm:s6], $0xF7A  }
0x23: {  	s9 =	sor.u32 $0xD0000000, s2;
	s6 =	simm.s32 $0x108;
	_ =	swait.ge @!p0 [sflag:s8], $0x0  }
0x24: {  	s3 =	sadd.s32 $0x88, s3;
	s6 =	simm.s32 @!p1 $0x1082;
	[sflag:s4] =	ssyncset.s32 $0xFFFFF086  }
0x25: {  	[simem:s6], [sflag:s4] =	dma.local [hbm:s3], $0xF7A  }
0x26: {  	[smem:$0x3F99] =	sst s1;
	(tag) =	ssettag s2;
	_ =	strace s9  }
0x27: {  	s1 =	sld [smem:$0x3FA9]  }
0x28: {  	s2 =	sld [smem:$0x3FAA]  }
0x29: {  	s4 =	sld [smem:$0x3FAC]  }
0x2a: {  	p0 =	seq.s32 s5, $0x0;
	s5 =	sld [smem:$0x3FAD]  }
0x2b: {  	s6 =	sld [smem:$0x3FAE]  }
0x2c: {  	s7 =	sld [smem:$0x3FAF]  }
0x2d: {  	s3 =	simm.s32 $0x108;
	s8 =	sld [smem:$0x3FB0]  }
0x2e: {  	s3 =	simm.s32 @!p0 $0x1082;
	s9 =	sld [smem:$0x3FB1]  }
0x2f: {  	lr =	sadd.s32 s0, s3;
	s0 =	sld [smem:$0x3FA8]  }
0x30: {  	s3 =	sld [smem:$0x3FAB]  }
0x31: {  	[smem:$0x3FB4] =	sst s10  }
0x32: {  	s10 =	sld [smem:$0x3FB2];
	_ =	sdelay $0x3  }
0x33: {  	p0 =	seq.s32 s10, $0x1;
	s10 =	sld [smem:$0x3FB4];
	_ =	sdelay $0x3  }
0x34: {  	[smem:$0x3FB4] =	sst s10  }
0x35: {  	s10 =	sld [smem:$0x3FB3];
	_ =	sdelay $0x3  }
0x36: {  	p1 =	seq.s32 s10, $0x1;
	s10 =	sld [smem:$0x3FB4];
	_ =	sdelay $0x3  }
0x37: {  	[smem:$0x3FB4] =	sst s10  }
0x38: {  	s10 =	sld [smem:$0x3FB5]  }
0x39: {  	_ = 	snop;
	(pc) =	sbr.ind lr, $3  }
0x3a: {  	_ = 	snop  }
0x3b: {  	_ = 	snop  }
0x3c: {  	p2 =	seq.s32 s10, $0x1;
	s10 =	sld [smem:$0x3FB4]  }
0x3d: {  	_ =	shalt  }
0x3e: {  	_ =	shalt  }
0x3f: {  	_ =	shalt  }
0x40: {  	_ =	shalt  }
0x41: {  	_ =	shalt  }
0x42: {  	_ =	shalt  }
0x43: {  	_ =	shalt  }
0x44: {  	_ =	shalt  }
0x45: {  	_ =	shalt  }
0x46: {  	_ =	shalt  }
0x47: {  	_ =	shalt  }
0x48: {  	_ =	shalt  }
0x49: {  	_ =	shalt  }
0x4a: {  	_ =	shalt  }
0x4b: {  	_ =	shalt  }
0x4c: {  	_ =	shalt  }
0x4d: {  	_ =	shalt  }
0x4e: {  	_ =	shalt  }
0x4f: {  	_ =	shalt  }
0x50: {  	_ =	shalt  }
0x51: {  	_ =	shalt  }
0x52: {  	_ =	shalt  }
0x53: {  	_ =	shalt  }
0x54: {  	_ =	shalt  }
0x55: {  	_ =	shalt  }
0x56: {  	_ =	shalt  }
0x57: {  	_ =	shalt  }
0x58: {  	_ =	shalt  }
0x59: {  	_ =	shalt  }
0x5a: {  	_ =	shalt  }
0x5b: {  	_ =	shalt  }
0x5c: {  	_ =	shalt  }
0x5d: {  	_ =	shalt  }
0x5e: {  	_ =	shalt  }
0x5f: {  	_ =	shalt  }
0x60: {  	_ =	shalt  }
0x61: {  	_ =	shalt  }
0x62: {  	_ =	shalt  }
0x63: {  	_ =	shalt  }
0x64: {  	_ =	shalt  }
0x65: {  	_ =	shalt  }
0x66: {  	_ =	shalt  }
0x67: {  	_ =	shalt  }
0x68: {  	_ =	shalt  }
0x69: {  	_ =	shalt  }
0x6a: {  	_ =	shalt  }
0x6b: {  	_ =	shalt  }
0x6c: {  	_ =	shalt  }
0x6d: {  	_ =	shalt  }
0x6e: {  	_ =	shalt  }
0x6f: {  	_ =	shalt  }
0x70: {  	_ =	shalt  }
0x71: {  	_ =	shalt  }
0x72: {  	_ =	shalt  }
0x73: {  	_ =	shalt  }
0x74: {  	_ =	shalt  }
0x75: {  	_ =	shalt  }
0x76: {  	_ =	shalt  }
0x77: {  	_ =	shalt  }
0x78: {  	_ =	shalt  }
0x79: {  	_ =	shalt  }
0x7a: {  	_ =	shalt  }
0x7b: {  	_ =	shalt  }
0x7c: {  	_ =	shalt  }
0x7d: {  	_ =	shalt  }
0x7e: {  	_ =	shalt  }
0x7f: {  	_ =	shalt  }
0x80: {  	_ =	shalt  }
0x81: {  	_ =	shalt  }
0x82: {  	_ =	shalt  }
0x83: {  	_ =	shalt  }
0x84: {  	_ =	shalt  }
0x85: {  	_ =	shalt  }
0x86: {  	_ =	shalt  }
0x87: {  	_ =	shalt  }
.Lfunc_end0:
.L_simem_size_0:
called_computation.1_lowered:
.L_overlay_start_0:
0x88: {  	s2 =	sld [smem:$0x3FD9]  }
0x89: {  	s3 =	sld [smem:$0x3FFE];
	_ =	sdelay $0x1  }
0x8a: {  	s1 =	srdreg.scid  }
0x8b: {  	s0 =	sand.u32 $0x1, s1  }
0x8c: {  	s17 =	sshll.u32 s0, $0xA;
	s2 =	sadd.s32 s3, s2  }
0x8d: {  	s2 =	sadd.s32 s2, s17  }
0x8e: {  	[smem:$0x3FC0] =	sst s2  }
0x8f: {  	_ = 	snop  }
0x90: {  	s2 =	sld [smem:$0x3FD0];
	(tm) =	ssettm $0x1  }
0x91: {  	s18 =	sld [smem:$0x3FFB];
	_ =	sdelay $0x3  }
0x92: {  	_ =	strace s18  }
0x93: {  	s3 =	sld [smem:$0x3FFC];
	_ =	sdelay $0x3  }
0x94: {  	_ =	strace s3  }
0x95: {  	s3 =	sld [smem:$0x3FFD];
	_ =	sdelay $0x3  }
0x96: {  	_ =	strace s3  }
0x97: {  	_ =	strace $0x8FFFFFFF  }
0x98: {  	s19 =	sld [smem:$0x3FDB];
	_ =	sdelay $0x1  }
0x99: {  	s4 =	simm.s32 $_scs_section_size  }
0x9a: {  	s5 =	simm.s32 $_size__tile_overlayer_lowered;
	s6 =	simm.s32 $_tile_overlayer_lowered  }
0x9b: {  	s22 =	simm.s32 $0x1BFF;
	s21 =	sshll.u32 s6, $0x1;
	s3 =	sadd.s32 s4, s19  }
0x9c: {  	s7 =	simm.s32 $0x0;
	s20 =	sshll.u32 s5, $0x1;
	s5 =	sadd.s32 s21, s3  }
0x9d: {  	[timem:s7], [sflag:s22] =	dma.local [hbm:s5], s20  }
0x9e: {  	_ =	swait.ge [sflag:s22], s20  }
0x9f: {  	s4 =	ssub.s32 $0x0, s20;
	[sflag:s22] =	ssyncset.done $0x0  }
0xa0: {  	[sflag:s22] =	ssyncadd.s32 s4;
	_ =	sdelay $0x1  }
0xa1: {  	s23 =	simm.s32 $0x1B8B  }
0xa2: {  	_ =	swait.ge [sflag:s23], $0x1  }
0xa3: {  	[sflag:s23] =	ssyncset.done $0x0  }
0xa4: {  	s25 =	simm.s32 $0x1B8E;
	s24 =	sld [smem:$0x3FFE];
	[sflag:s23] =	ssyncadd.s32 $0xFFFFFFFF  }
0xa5: {  	s26 =	simm.s32 $execute0_lowered;
	[smem:$0x3FD2] =	sst s25  }
0xa6: {  	s5 =	sshll.u32 s26, $0x1;
	_ =	strace $0x80000049;
	[dreg:$0x1] =	wrdreg $0xFFFFFFFF  }
0xa7: {  	s28 =	simm.s32 $_size_execute0_lowered;
	s3 =	sadd.s32 s3, s5;
	[dreg:$0x0] =	wrdreg $0x0  }
0xa8: {  	s5 =	sshll.u32 s28, $0x1;
	[dreg:$0x2] =	wrdreg s3  }
0xa9: {  	[dreg:$0x3] =	wrdreg s5  }
0xaa: {  	[dreg:$0x4] =	wrdreg $0xC0  }
0xab: {  	_ =	task [dreg:s7], $0x5FFFF  }
0xac: {  	[dreg:$0x1] =	wrdreg $0xFFFFFFFF  }
0xad: {  	[dreg:$0x0] =	wrdreg $0x60  }
0xae: {  	[dreg:$0x2] =	wrdreg s24  }
0xaf: {  	[dreg:$0x3] =	wrdreg s2  }
0xb0: {  	[dreg:$0x4] =	wrdreg $0x9  }
0xb1: {  	_ =	task.clear_ibuf [dreg:s7], $0x5FFFF;
	_ =	strace $0x90000049  }
0xb2: {  	s29 =	simm.s32 $0x9;
	_ =	strace $0x8000004B  }
0xb3: {  	_ =	swait.ge [sflag:s29], $0x1  }
0xb4: {  	[sflag:s29] =	ssyncadd.s32 $0xFFFFFFFF  }
0xb5: {  	_ =	strace $0x9000004B  }
0xb6: {  	_ =	sfence  }
0xb7: {  	s30 =	sld [smem:$0x0];
	_ =	sdelay $0x2  }
0xb8: {  	s31 =	sshll.u32 s1, $0xD;
	s1 =	sshrl.u32 s1, $0x2  }
0xb9: {  	s3 =	sand.u32 $0x4000, s31;
	s1 =	sadd.s32 s1, s30  }
0xba: {  	s0 =	sor.u32 s3, s0;
	s1 =	sshll.u32 s1, $0x11  }
0xbb: {  	s0 =	sor.u32 s1, s0  }
0xbc: {  	s0 =	sadd.s32 $0x8F2B, s0  }
0xbd: {  	[sflag:s0] =	ssyncadd.remote.s32 $0x1  }
0xbe: {  	_ =	sfence.sel $0xFFFF  }
0xbf: {  	[dreg:$0x0] =	wrdreg $0xFFFFFFFF;
	(pc) =	sbr.abs _section_cstart, $3  }
0xc0: {  	[dreg:$0x1] =	wrdreg $0xFFFFFFFF  }
0xc1: {  	_ =	task.clear_ibuf [dreg:s7], $0x2FFFF;
	_ =	strace $0x9FFFFFFF  }
0xc2: {  	(tm) =	ssettm $0x7FFFFFFF  }
0xc3: {  	_ =	shalt  }
tec
execute0_lowered:
.L_overlay_start_1:
0x0: {  	(tag) =	ssettag $0x1  }
0x1: {  	s0 =	rddreg [dreg:$0x0];
	s1 =	srdreg.scid;
	s3 =	simm.s32 $0x0  }
0x2: {  	s4 =	stileid.u32;
	s20 =	simm.s32 $0x50;
	s22 =	simm.s32 $0xA0  }
0x3: {  	s23 =	simm.s32 $0xA;
	s28 =	simm.s32 $0xB;
	s17 =	simm.s32 $0x2  }
0x4: {  	s19 =	simm.s32 $0x5;
	s16 =	simm.s32 $0x8;
	s12 =	simm.s32 $0x3  }
0x5: {  	s18 =	simm.s32 $0x6;
	s8 =	simm.s32 $0x0;
	s1 =	sand.u32 $0x1, s1  }
0x6: {  	[smem:$0x7FF] =	sst s3;
	s5 =	sadd.s32 $0x28600, s0;
	s7 =	sadd.s32 $0x1200, s0  }
0x7: {  	s24 =	sadd.s32 $0x3C000, s0;
	s9 =	sadd.s32 $0x3C200, s0;
	s2 =	sshll.u32 s1, $0x4  }
0x8: {  	_ =	strace $0x8000004A;
	s1 =	ssub.s32 $0x2, s1;
	s2 =	sor.u32 s4, s2  }
0x9: {  	[dreg:$0x3] =	wrdreg s24;
	s25 =	sshrl.u32 s1, $0x1;
	s6 =	smul.u32 $0x2710, s2  }
0xa: {  	s4 =	sadd.s32 $0x14C00, s0;
	s0 =	ssub.s32 s1, s25;
	s2 =	simm.s32 $0x4  }
.Ltmp0:
0xb: {  	s0 =	smax.u32 s0, $0x1;
	s10 =	sadd.s32 $0x50, s6;
	(pc) =	sbr.rel .LBB2_1-.Ltmp0, $4  }
0xc: {  	s26 =	sshrl.u32 s6, $0x3;
	s31 =	sadd.s32 $0x140, s6;
	[dreg:$0x7] =	wrdreg s0  }
0xd: {  	s29 =	sshrl.u32 s10, $0x3;
	s1 =	sadd.s32 s7, s26;
	[dreg:$0x6] =	wrdreg s31  }
0xe: {  	s13 =	sadd.s32 $0xA0, s6;
	[dreg:$0x4] =	wrdreg s1;
	s30 =	sadd.s32 s7, s29  }
0xf: {  	v0 =	vlaneseq.u32;
	s14 =	sadd.s32 $0xF0, s6;
	s0 =	simm.s32 $0x1;
	[dreg:$0x5] =	wrdreg s30  }
.LBB2_20:
0x10: {  	s1 =	simm.s32 $0x9  }
0x11: {  	_ =	swait.ge [sflag:s1], $0x50  }
0x12: {  	[sflag:s1] =	ssyncset.done $0x0  }
0x13: {  	s30 =	simm.s32 $0x7;
	[sflag:s1] =	ssyncadd.s32 $0xFFFFFFB0  }
0x14: {  	_ =	swait.ge [sflag:s30], $0x50  }
0x15: {  	[sflag:s30] =	ssyncset.done $0x0  }
0x16: {  	[sflag:s30] =	ssyncadd.s32 $0xFFFFFFB0  }
0x17: {  	_ =	swait.ge [sflag:s16], $0x50  }
0x18: {  	s8 =	rddreg [dreg:$0x8]  }
0x19: {  	s31 =	rddreg [dreg:$0x7];
	s8 =	sadd.s32 $0x1, s8  }
0x1a: {  	p0 =	sne.s32 s8, s31  }
.Ltmp1:
0x1b: {  	_ = 	snop;
	(pc) =	sbr.rel @!p0 .LBB2_21-.Ltmp1, $3  }
0x1c: {  	_ =	sdelay $0x1  }
0x1d: {  	[sflag:s16] =	ssyncset.done $0x0  }
0x1e: {  	[sflag:s16] =	ssyncadd.s32 $0xFFFFFFB0  }
.LBB2_1:
0x1f: {  	[dreg:$0x8] =	wrdreg s8  }
0x20: {  	s1 =	rddreg [dreg:$0x1];
	s15 =	simm.s32 $0x79E0;
	s21 =	simm.s32 $0xD  }
0x21: {  	[tilespmem:s15], [sflag:$0xD] =	stream.linear.gather [hbm4b:s1+s3], $0x80, $0x38;
	[tilespmem:$0x7B60] =	vst v63  }
0x22: {  	_ =	swait.ge [sflag:s21], $0x80  }
0x23: {  	[sflag:s21] =	ssyncset.done $0x0  }
0x24: {  	s11 =	simm.s32 $0x7A60;
	s24 =	rddreg [dreg:$0x3];
	[sflag:s21] =	ssyncadd.s32 $0xFFFFFF80  }
0x25: {  	[tilespmem:s11], [sflag:$0xD] =	stream.linear.gather [hbm4b:s24+s3], $0x10, $0x38;
	[tilespmem:$0x7B60] =	vst v63  }
0x26: {  	_ =	swait.ge [sflag:s21], $0x10  }
0x27: {  	[sflag:s21] =	ssyncset.done $0x0  }
0x28: {  	s26 =	simm.s32 $0x4E200;
	s25 =	rddreg [dreg:$0x4];
	[sflag:s21] =	ssyncadd.s32 $0xFFFFFFF0  }
0x29: {  	[tilespmem:s3], [sflag:$0xA] =	stream.strided.gather [hbm4b:s25+s20], $0xA0, s26, s20, $0x38;
	[tilespmem:$0x7B60] =	vst v63  }
0x2a: {  	s29 =	rddreg [dreg:$0x5]  }
0x2b: {  	[tilespmem:s22], [sflag:$0xB] =	stream.strided.gather [hbm4b:s29+s20], $0xA0, s26, s20, $0x38;
	[tilespmem:$0x7B60] =	vst v63  }
0x2c: {  	_ =	swait.ge [sflag:s23], $0xA0  }
0x2d: {  	[sflag:s23] =	ssyncset.done $0x0  }
0x2e: {  	s30 =	simm.s32 $0x1E0;
	[sflag:s23] =	ssyncadd.s32 $0xFFFFFF60  }
0x2f: {  	[tilespmem:s30], [sflag:$0x1] =	stream.indirect.gather [hbm4b:s4+s20], $0x40, s3, s20, $0xb8;
	[tilespmem:$0x7B60] =	vst v63  }
0x30: {  	s31 =	simm.s32 $0x3DE0  }
0x31: {  	[tilespmem:s31], [sflag:$0x4] =	stream.indirect.gather [hbm4b:s5+s20], $0x40, s20, s20, $0xb8;
	[tilespmem:$0x7B60] =	vst v63  }
0x32: {  	v1 =	vld [tilespmem:$0x79E0]  }
0x33: {  	v2 =	vld [tilespmem:$0x79F0]  }
0x34: {  	v3 =	vld [tilespmem:$0x7A00]  }
0x35: {  	v4 =	vld [tilespmem:$0x7A10]  }
0x36: {  	v6 =	vld [tilespmem:$0x7A30]  }
0x37: {  	v5 =	vld [tilespmem:$0x7A20]  }
0x38: {  	v7 =	vld [tilespmem:$0x7A40]  }
0x39: {  	v8 =	vld [tilespmem:$0x7A50]  }
0x3a: {  	s26 =	simm.s32 $0x0;
	v9 =	vld [tilespmem:$0x7A60]  }
.LBB2_2:
0x3b: {  	p0 =	seq.s32 s26, $0x0  }
.Ltmp2:
0x3c: {  	_ = 	snop;
	(pc) =	sbr.rel @p0 .LBB2_5-.Ltmp2, $1  }
0x3d: {  	_ =	sdelay $0x3  }
0x3e: {  	p0 =	seq.s32 s26, $0x29  }
.Ltmp3:
0x3f: {  	_ = 	snop;
	(pc) =	sbr.rel @p0 .LBB2_6-.Ltmp3, $1  }
0x40: {  	_ =	sdelay $0x3  }
0x41: {  	s1 =	simm.s32 $0x9  }
0x42: {  	_ =	swait.ge [sflag:s1], $0x50  }
0x43: {  	[sflag:s1] =	ssyncset.done $0x0  }
0x44: {  	[sflag:s1] =	ssyncadd.s32 $0xFFFFFFB0  }
.LBB2_5:
0x45: {  	s1 =	smul.u32 $0xF0, s26;
	_ =	sdelay $0x1  }
0x46: {  	s1 =	sadd.s32 s1, s13  }
0x47: {  	s1 =	sshrl.u32 s1, $0x3  }
0x48: {  	s8 =	simm.s32 $0x4E200;
	s11 =	simm.s32 $0x140;
	s1 =	sadd.s32 s7, s1  }
0x49: {  	[tilespmem:s11], [sflag:$0xC] =	stream.strided.gather [hbm4b:s1+s20], $0xA0, s8, s20, $0x38;
	[tilespmem:$0x7B60] =	vst v63  }
.LBB2_6:
0x4a: {  	_ =	swait.ge [sflag:s28], $0xA0  }
0x4b: {  	[sflag:s28] =	ssyncset.done $0x0  }
0x4c: {  	s1 =	simm.s32 $0x15E0;
	[sflag:s28] =	ssyncadd.s32 $0xFFFFFF60  }
0x4d: {  	[tilespmem:s1], [sflag:$0x2] =	stream.indirect.gather [hbm4b:s4+s20], $0x40, s22, s20, $0xb8;
	[tilespmem:$0x7B60] =	vst v63  }
0x4e: {  	s25 =	simm.s32 $0xF0;
	s8 =	simm.s32 $0x51E0  }
0x4f: {  	[tilespmem:s8], [sflag:$0x5] =	stream.indirect.gather [hbm4b:s5+s20], $0x40, s25, s20, $0xb8;
	[tilespmem:$0x7B60] =	vst v63  }
0x50: {  	_ =	swait.ge [sflag:s0], $0x1400  }
0x51: {  	[sflag:s0] =	ssyncset.done $0x0  }
0x52: {  	[sflag:s0] =	ssyncadd.s32 $0xFFFFEC00  }
0x53: {  	_ =	swait.ge [sflag:s2], $0x1400  }
0x54: {  	s29 =	simm.s32 $0x0;
	s30 =	simm.s32 $0x200;
	[sflag:s2] =	ssyncset.done $0x0  }
0x55: {  	s31 =	simm.s32 $0x3E00;
	s1 =	simm.s32 $0x0;
	[sflag:s2] =	ssyncadd.s32 $0xFFFFEC00  }
.LBB2_7:
0x56: {  	v10 =	vld [tilespmem:s30+$0xFFFFFFE0]  }
0x57: {  	v11 =	vld [tilespmem:s31+$0xFFFFFFE0];
	_ =	sdelay $0x1  }
0x58: {  	v12 =	vld [tilespmem:s30+$0xFFFFFFF0]  }
0x59: {  	v13 =	vld [tilespmem:s31+$0xFFFFFFF0];
	_ =	sdelay $0x1  }
0x5a: {  	v14 =	vunpack.i.l.bf16.f32 v10;
	v15 =	vunpack.i.l.bf16.f32 v11  }
0x5b: {  	v14 =	vadd.f32 v15, v14  }
0x5c: {  	v10 =	vunpack.i.u.bf16.f32 v10;
	v11 =	vunpack.i.u.bf16.f32 v11;
	v16 =	vunpack.i.l.bf16.f32 v12;
	v15 =	vld [tilespmem:s30+$0x0]  }
0x5d: {  	v17 =	vunpack.i.l.bf16.f32 v13;
	v10 =	vadd.f32 v11, v10;
	v11 =	vld [tilespmem:s31+$0x0];
	v14 =	vmax.f32 v14, $0.0e+00  }
0x5e: {  	v12 =	vunpack.i.u.bf16.f32 v12;
	v13 =	vunpack.i.u.bf16.f32 v13;
	v14 =	vmul.f32 v14, v1  }
0x5f: {  	v16 =	vadd.f32 v17, v16;
	v12 =	vadd.f32 v13, v12;
	v10 =	vmax.f32 v10, $0.0e+00  }
0x60: {  	v10 =	vmul.f32 v10, v2;
	v14 =	vadd.f32 v14, v9  }
0x61: {  	v16 =	vmax.f32 v16, $0.0e+00;
	v12 =	vmax.f32 v12, $0.0e+00;
	v13 =	vunpack.i.l.bf16.f32 v15  }
0x62: {  	v17 =	vld [tilespmem:s30+$0x10];
	v10 =	vadd.f32 v14, v10;
	v14 =	vmul.f32 v16, v3;
	v16 =	vunpack.i.l.bf16.f32 v11  }
0x63: {  	v18 =	vld [tilespmem:s31+$0x10];
	v12 =	vmul.f32 v12, v4;
	v13 =	vadd.f32 v16, v13  }
0x64: {  	v15 =	vunpack.i.u.bf16.f32 v15;
	v11 =	vunpack.i.u.bf16.f32 v11;
	v10 =	vadd.f32 v14, v10  }
0x65: {  	v11 =	vadd.f32 v11, v15;
	v13 =	vmax.f32 v13, $0.0e+00  }
0x66: {  	s11 =	sadd.s32 $0x40, s30;
	v10 =	vadd.f32 v10, v12;
	v12 =	vmul.f32 v13, v5  }
0x67: {  	s8 =	sadd.s32 $0x40, s31;
	v15 =	vunpack.i.l.bf16.f32 v17;
	v14 =	vld [tilespmem:s11+$0xFFFFFFE0];
	v11 =	vmax.f32 v11, $0.0e+00  }
0x68: {  	v16 =	vunpack.i.l.bf16.f32 v18;
	v13 =	vld [tilespmem:s8+$0xFFFFFFE0];
	v11 =	vmul.f32 v11, v6;
	v10 =	vadd.f32 v12, v10  }
0x69: {  	v15 =	vadd.f32 v16, v15;
	v12 =	vunpack.i.u.bf16.f32 v17;
	v17 =	vld [tilespmem:s11+$0xFFFFFFF0]  }
0x6a: {  	v16 =	vunpack.i.u.bf16.f32 v18;
	v10 =	vadd.f32 v10, v11;
	v11 =	vld [tilespmem:s8+$0xFFFFFFF0]  }
0x6b: {  	v15 =	vmax.f32 v15, $0.0e+00;
	v12 =	vadd.f32 v16, v12  }
0x6c: {  	v15 =	vmul.f32 v15, v7  }
0x6d: {  	v20 =	vld [tilespmem:s11+$0x10];
	v16 =	vunpack.i.l.bf16.f32 v14;
	v14 =	vunpack.i.u.bf16.f32 v14;
	v12 =	vmax.f32 v12, $0.0e+00  }
0x6e: {  	v18 =	vunpack.i.l.bf16.f32 v13;
	v10 =	vadd.f32 v15, v10;
	v12 =	vmul.f32 v12, v8  }
0x6f: {  	v16 =	vadd.f32 v18, v16;
	v18 =	vunpack.i.l.bf16.f32 v17;
	v19 =	vunpack.i.l.bf16.f32 v11  }
0x70: {  	v13 =	vunpack.i.u.bf16.f32 v13;
	v15 =	vld [tilespmem:s11+$0x0];
	v18 =	vadd.f32 v19, v18;
	v19 =	vadd.f32 v10, v12  }
0x71: {  	v13 =	vadd.f32 v13, v14;
	v14 =	vld [tilespmem:s8+$0x0];
	v16 =	vmax.f32 v16, $0.0e+00  }
0x72: {  	v22 =	vunpack.i.l.bf16.f32 v20;
	v16 =	vmul.f32 v16, v1;
	(xrf2) =	vadd.scan.msk.f32 $0xffff, v19  }
0x73: {  	v17 =	vunpack.i.u.bf16.f32 v17;
	v13 =	vmax.f32 v13, $0.0e+00;
	v11 =	vunpack.i.u.bf16.f32 v11  }
0x74: {  	v13 =	vmul.f32 v13, v2;
	v17 =	vadd.f32 v11, v17;
	v16 =	vadd.f32 v16, v9  }
0x75: {  	v12 =	vld [tilespmem:s8+$0x10];
	v10 =	vimm.f32 $0.0e+00;
	v11 =	vunpack.i.l.bf16.f32 v15;
	v18 =	vmax.f32 v18, $0.0e+00  }
0x76: {  	v13 =	vadd.f32 v16, v13;
	v16 =	vunpack.i.l.bf16.f32 v14;
	v18 =	vmul.f32 v18, v3  }
0x77: {  	v15 =	vunpack.i.u.bf16.f32 v15;
	v17 =	vmax.f32 v17, $0.0e+00;
	v16 =	vadd.f32 v16, v11  }
0x78: {  	v17 =	vmul.f32 v17, v4;
	v18 =	vadd.f32 v18, v13;
	v13 =	vunpack.i.u.bf16.f32 v14  }
0x79: {  	s25 =	sadd.s32 $0x40, s11;
	v11 =	vmov s29;
	v14 =	vmax.f32 v16, $0.0e+00;
	v21 =	vadd.f32 v13, v15  }
0x7a: {  	s11 =	sadd.s32 $0x40, s8;
	v13 =	vld [tilespmem:s25+$0xFFFFFFE0];
	v16 =	vadd.f32 v18, v17;
	v17 =	vmul.f32 v14, v5;
	v14 =	vunpack.i.l.bf16.f32 v12  }
0x7b: {  	s24 =	simm.s32 $0x1;
	s21 =	simm.s32 $0x3;
	s8 =	simm.s32 $0x2;
	v15 =	vld [tilespmem:s11+$0xFFFFFFE0];
	v18 =	vunpack.i.u.bf16.f32 v20;
	v19 =	vmax.f32 v21, $0.0e+00;
	v14 =	vadd.f32 v14, v22  }
.LBB2_8:
0x7c: {  	p0 =	sne.s32 s21, $0xF;
	v16 =	vadd.f32 v17, v16;
	v17 =	vmul.f32 v19, v6;
	v12 =	vunpack.i.u.bf16.f32 v12;
	v19, _, _ =	vpop (xrf2)  }
0x7d: {  	v14 =	vmax.f32 v14, $0.0e+00;
	v12 =	vadd.f32 v12, v18;
	v18 =	vbroadcast v19, $0xF  }
0x7e: {  	vm0 =	veq.s32 v11, v0;
	v19 =	vld [tilespmem:s25+$0xFFFFFFF0];
	v16 =	vadd.f32 v16, v17;
	v14 =	vmul.f32 v14, v7  }
0x7f: {  	v11 =	vunpack.i.l.bf16.f32 v13;
	v17 =	vld [tilespmem:s11+$0xFFFFFFF0];
	v12 =	vmax.f32 v12, $0.0e+00;
	v10 =	vsel vm0, v18, v10  }
0x80: {  	v18 =	vunpack.i.l.bf16.f32 v15;
	v14 =	vadd.f32 v14, v16;
	v12 =	vmul.f32 v12, v8  }
0x81: {  	v11 =	vadd.f32 v18, v11  }
0x82: {  	v13 =	vunpack.i.u.bf16.f32 v13;
	v15 =	vunpack.i.u.bf16.f32 v15;
	v16 =	vld [tilespmem:s25+$0x0];
	v12 =	vadd.f32 v14, v12  }
0x83: {  	v13 =	vadd.f32 v15, v13;
	v14 =	vmax.f32 v11, $0.0e+00;
	v15 =	vld [tilespmem:s11+$0x0];
	v11 =	vmov s24;
	s24 =	smov.u32 s8;
	s8 =	smov.u32 s21  }
0x84: {  	v18 =	vunpack.i.l.bf16.f32 v19;
	v14 =	vmul.f32 v14, v1;
	v20 =	vunpack.i.l.bf16.f32 v17;
	(xrf2) =	vadd.scan.msk.f32 $0xffff, v12  }
0x85: {  	v12 =	vmax.f32 v13, $0.0e+00;
	v13 =	vunpack.i.u.bf16.f32 v19;
	v18 =	vadd.f32 v20, v18  }
0x86: {  	v19 =	vmul.f32 v12, v2;
	v12 =	vunpack.i.u.bf16.f32 v17;
	v14 =	vadd.f32 v14, v9;
	v20 =	vld [tilespmem:s25+$0x10]  }
0x87: {  	v13 =	vadd.f32 v12, v13;
	v17 =	vmax.f32 v18, $0.0e+00;
	v18 =	vunpack.i.l.bf16.f32 v16;
	v12 =	vld [tilespmem:s11+$0x10]  }
0x88: {  	v14 =	vadd.f32 v14, v19;
	v17 =	vmul.f32 v17, v3;
	v19 =	vunpack.i.l.bf16.f32 v15  }
.Ltmp4:
0x89: {  	v16 =	vunpack.i.u.bf16.f32 v16;
	v13 =	vmax.f32 v13, $0.0e+00;
	v18 =	vadd.f32 v19, v18;
	(pc) =	sbr.rel @p0 .LBB2_8-.Ltmp4, $4  }
0x8a: {  	v14 =	vadd.f32 v17, v14;
	v17 =	vmul.f32 v13, v4;
	v13 =	vunpack.i.u.bf16.f32 v15  }
0x8b: {  	s25 =	sadd.s32 $0x40, s25;
	v15 =	vmax.f32 v18, $0.0e+00;
	v18 =	vadd.f32 v13, v16;
	v21 =	vunpack.i.l.bf16.f32 v20  }
0x8c: {  	s11 =	sadd.s32 $0x40, s11;
	v13 =	vld [tilespmem:s25+$0xFFFFFFE0];
	v16 =	vadd.f32 v14, v17;
	v17 =	vmul.f32 v15, v5;
	v14 =	vunpack.i.l.bf16.f32 v12  }
0x8d: {  	s21 =	sadd.s32 $0x1, s21;
	v15 =	vld [tilespmem:s11+$0xFFFFFFE0];
	v19 =	vmax.f32 v18, $0.0e+00;
	v18 =	vunpack.i.u.bf16.f32 v20;
	v14 =	vadd.f32 v14, v21  }
0x8e: {  	_ =	sdelay $0x1  }
0x8f: {  	v20 =	vld [tilespmem:s25+$0xFFFFFFF0]  }
0x90: {  	v21 =	vld [tilespmem:s11+$0xFFFFFFF0];
	v16 =	vadd.f32 v17, v16  }
0x91: {  	v12 =	vunpack.i.u.bf16.f32 v12;
	v22 =	vunpack.i.l.bf16.f32 v13;
	v23 =	vunpack.i.l.bf16.f32 v15  }
0x92: {  	v35 =	vmul.f32 v19, v6;
	v12 =	vadd.f32 v12, v18;
	v36 =	vadd.f32 v23, v22  }
0x93: {  	v39 =	vld [tilespmem:s25+$0x0];
	v14 =	vmax.f32 v14, $0.0e+00;
	v37 =	vunpack.i.u.bf16.f32 v13;
	v38 =	vunpack.i.u.bf16.f32 v15  }
0x94: {  	v41 =	vld [tilespmem:s11+$0x0];
	v16 =	vadd.f32 v16, v35;
	v13 =	vadd.f32 v38, v37;
	v40 =	vmax.f32 v36, $0.0e+00  }
0x95: {  	v42 =	vunpack.i.l.bf16.f32 v20;
	v43 =	vunpack.i.l.bf16.f32 v21;
	v18 =	vmul.f32 v40, v1  }
0x96: {  	v20 =	vunpack.i.u.bf16.f32 v20;
	v19 =	vadd.f32 v43, v42;
	v13 =	vmax.f32 v13, $0.0e+00  }
0x97: {  	v44 =	vld [tilespmem:s25+$0x10];
	v21 =	vunpack.i.u.bf16.f32 v21;
	v13 =	vmul.f32 v13, v2;
	v18 =	vadd.f32 v18, v9  }
0x98: {  	v24 =	vld [tilespmem:s11+$0x10];
	v45 =	vunpack.i.l.bf16.f32 v39;
	v20 =	vadd.f32 v21, v20;
	v19 =	vmax.f32 v19, $0.0e+00  }
0x99: {  	v47 =	vunpack.i.l.bf16.f32 v41;
	v46 =	vmul.f32 v19, v3;
	v13 =	vadd.f32 v18, v13  }
0x9a: {  	v50 =	vunpack.i.u.bf16.f32 v39;
	v48 =	vadd.f32 v47, v45;
	v49 =	vmax.f32 v20, $0.0e+00  }
0x9b: {  	v15 =	vunpack.i.u.bf16.f32 v41;
	v51 =	vmul.f32 v49, v4;
	v13 =	vadd.f32 v46, v13  }
0x9c: {  	v52 =	vunpack.i.l.bf16.f32 v44;
	v15 =	vadd.f32 v15, v50;
	v17 =	vmax.f32 v48, $0.0e+00  }
0x9d: {  	v53 =	vunpack.i.l.bf16.f32 v24;
	v17 =	vmul.f32 v17, v5;
	v13 =	vadd.f32 v13, v51  }
0x9e: {  	v55 =	vunpack.i.u.bf16.f32 v44;
	v54 =	vadd.f32 v53, v52;
	v15 =	vmax.f32 v15, $0.0e+00  }
0x9f: {  	v56 =	vunpack.i.u.bf16.f32 v24;
	v15 =	vmul.f32 v15, v6;
	v13 =	vadd.f32 v17, v13  }
0xa0: {  	v14 =	vmul.f32 v14, v7;
	v18 =	vmax.f32 v54, $0.0e+00;
	v17 =	vadd.f32 v56, v55  }
0xa1: {  	v12 =	vmax.f32 v12, $0.0e+00;
	v57 =	vmul.f32 v18, v7;
	v13 =	vadd.f32 v13, v15  }
0xa2: {  	v14 =	vadd.f32 v14, v16;
	v12 =	vmul.f32 v12, v8;
	v58 =	vmax.f32 v17, $0.0e+00  }
0xa3: {  	v59 =	vmul.f32 v58, v8;
	v13 =	vadd.f32 v57, v13  }
0xa4: {  	v12 =	vadd.f32 v14, v12  }
0xa5: {  	v13 =	vadd.f32 v13, v59  }
0xa6: {  	(xrf2) =	vadd.scan.msk.f32 $0xffff, v12  }
0xa7: {  	(xrf2) =	vadd.scan.msk.f32 $0xffff, v13;
	_ =	sdelay $0x7  }
0xa8: {  	v60, _, _ =	vpop (xrf2);
	s25 =	sshll.u32 s1, $0x4;
	s1 =	sadd.s32 $0x1, s1  }
0xa9: {  	vm0 =	veq.s32 v11, v0;
	v11 =	vmov s24;
	p0 =	sne.s32 s1, $0x5;
	v12 =	vbroadcast v60, $0xF;
	v61, _, _ =	vpop (xrf2)  }
.Ltmp5:
0xaa: {  	vm14 =	veq.s32 v11, v0;
	v62 =	vbroadcast v61, $0xF;
	v63, _, _ =	vpop (xrf2);
	(pc) =	sbr.rel @p0 .LBB2_7-.Ltmp5, $4  }
0xab: {  	v11 =	vmov s8;
	v10 =	vsel vm0, v12, v10;
	v13 =	vbroadcast v63, $0xF  }
0xac: {  	vm15 =	veq.s32 v11, v0;
	v10 =	vsel vm14, v62, v10  }
0xad: {  	s8 =	sand.u32 $0x3FFFFFF0, s25;
	v10 =	vsel vm15, v13, v10  }
0xae: {  	s30 =	sadd.s32 $0x400, s30;
	s31 =	sadd.s32 $0x400, s31;
	[tilespmem:s8+$0x7A70] =	vst v10  }
0xaf: {  	s29 =	smul.u32 $0xF0, s26;
	_ =	sdelay $0x1  }
0xb0: {  	s1 =	sadd.s32 s6, s29  }
0xb1: {  	s1 =	sshrl.u32 s1, $0x3  }
0xb2: {  	s8 =	simm.s32 $0x7A70;
	p0 =	seq.s32 s26, $0x29;
	s1 =	sadd.s32 s9, s1  }
0xb3: {  	[hbm4b:s1+s3] =	stream.linear.scatter [tilespmem:s8], [sflag:$0x7], $0x50, $0x38;
	[tilespmem:$0x7B60] =	vst v63  }
0xb4: {  	s1 =	simm.s32 @!p0 $0x7  }
0xb5: {  	s11 =	simm.s32 @!p0 $0x4E200;
	s8 =	sadd.s32 @!p0 s29, s14;
	_ =	swait.ge @!p0 [sflag:s1], $0x50  }
0xb6: {  	s15 =	simm.s32 @!p0 $0x0;
	s8 =	sshrl.u32 @!p0 s8, $0x3;
	[sflag:s1] =	ssyncset.done @!p0 $0x0  }
0xb7: {  	[sflag:s1] =	ssyncadd.s32 @!p0 $0xFFFFFFB0;
	s1 =	sadd.s32 @!p0 s7, s8;
	s8 =	simm.s32 @!p0 $0x50  }
0xb8: {  	[tilespmem:s15], [sflag:$0xA] =	stream.strided.gather @!p0 [hbm4b:s1+s8], $0xA0, s11, s8, $0x38;
	[tilespmem:$0x7B60] =	vst v63  }
0xb9: {  	s1 =	simm.s32 @!p0 $0xC  }
0xba: {  	_ =	swait.ge @!p0 [sflag:s1], $0xA0  }
0xbb: {  	[sflag:s1] =	ssyncset.done @!p0 $0x0  }
0xbc: {  	s11 =	simm.s32 @!p0 $0x29E0;
	[sflag:s1] =	ssyncadd.s32 @!p0 $0xFFFFFF60;
	s1 =	simm.s32 @!p0 $0x140  }
0xbd: {  	[tilespmem:s11], [sflag:$0x3] =	stream.indirect.gather @!p0 [hbm4b:s4+s8], $0x40, s1, s8, $0xb8;
	[tilespmem:$0x7B60] =	vst v63  }
0xbe: {  	s1 =	simm.s32 @!p0 $0x190;
	s11 =	simm.s32 @!p0 $0x65E0  }
0xbf: {  	[tilespmem:s11], [sflag:$0x6] =	stream.indirect.gather @!p0 [hbm4b:s5+s8], $0x40, s1, s8, $0xb8;
	[tilespmem:$0x7B60] =	vst v63  }
0xc0: {  	_ =	swait.ge [sflag:s17], $0x1400  }
0xc1: {  	[sflag:s17] =	ssyncset.done $0x0  }
0xc2: {  	[sflag:s17] =	ssyncadd.s32 $0xFFFFEC00  }
0xc3: {  	_ =	swait.ge [sflag:s19], $0x1400  }
0xc4: {  	s30 =	simm.s32 $0x0;
	s31 =	simm.s32 $0x5210;
	[sflag:s19] =	ssyncset.done $0x0  }
0xc5: {  	s1 =	simm.s32 $0x1610;
	s8 =	simm.s32 $0x0;
	[sflag:s19] =	ssyncadd.s32 $0xFFFFEC00  }
.LBB2_11:
0xc6: {  	v10 =	vld [tilespmem:s1+$0xFFFFFFD0]  }
0xc7: {  	v11 =	vld [tilespmem:s31+$0xFFFFFFD0];
	_ =	sdelay $0x1  }
0xc8: {  	v12 =	vld [tilespmem:s1+$0xFFFFFFE0]  }
0xc9: {  	v13 =	vld [tilespmem:s31+$0xFFFFFFE0];
	_ =	sdelay $0x1  }
0xca: {  	v14 =	vunpack.i.l.bf16.f32 v10;
	v15 =	vunpack.i.l.bf16.f32 v11  }
0xcb: {  	v14 =	vadd.f32 v15, v14  }
0xcc: {  	v10 =	vunpack.i.u.bf16.f32 v10;
	v11 =	vunpack.i.u.bf16.f32 v11;
	v16 =	vunpack.i.l.bf16.f32 v12;
	v15 =	vld [tilespmem:s1+$0xFFFFFFF0]  }
0xcd: {  	v17 =	vunpack.i.l.bf16.f32 v13;
	v10 =	vadd.f32 v11, v10;
	v11 =	vld [tilespmem:s31+$0xFFFFFFF0];
	v14 =	vmax.f32 v14, $0.0e+00  }
0xce: {  	v12 =	vunpack.i.u.bf16.f32 v12;
	v13 =	vunpack.i.u.bf16.f32 v13;
	v14 =	vmul.f32 v14, v1  }
0xcf: {  	v16 =	vadd.f32 v17, v16;
	v12 =	vadd.f32 v13, v12;
	v10 =	vmax.f32 v10, $0.0e+00  }
0xd0: {  	v10 =	vmul.f32 v10, v2;
	v14 =	vadd.f32 v14, v9  }
0xd1: {  	v16 =	vmax.f32 v16, $0.0e+00;
	v12 =	vmax.f32 v12, $0.0e+00;
	v13 =	vunpack.i.l.bf16.f32 v15  }
0xd2: {  	v17 =	vld [tilespmem:s1+$0x0];
	v10 =	vadd.f32 v14, v10;
	v14 =	vmul.f32 v16, v3;
	v16 =	vunpack.i.l.bf16.f32 v11  }
0xd3: {  	v18 =	vld [tilespmem:s31+$0x0];
	v12 =	vmul.f32 v12, v4;
	v13 =	vadd.f32 v16, v13  }
0xd4: {  	v15 =	vunpack.i.u.bf16.f32 v15;
	v11 =	vunpack.i.u.bf16.f32 v11;
	v10 =	vadd.f32 v14, v10  }
0xd5: {  	v11 =	vadd.f32 v11, v15;
	v13 =	vmax.f32 v13, $0.0e+00  }
0xd6: {  	s11 =	sadd.s32 $0x40, s1;
	v10 =	vadd.f32 v10, v12;
	v12 =	vmul.f32 v13, v5  }
0xd7: {  	s15 =	sadd.s32 $0x40, s31;
	v15 =	vunpack.i.l.bf16.f32 v17;
	v14 =	vld [tilespmem:s11+$0xFFFFFFD0];
	v11 =	vmax.f32 v11, $0.0e+00  }
0xd8: {  	v16 =	vunpack.i.l.bf16.f32 v18;
	v13 =	vld [tilespmem:s15+$0xFFFFFFD0];
	v11 =	vmul.f32 v11, v6;
	v10 =	vadd.f32 v12, v10  }
0xd9: {  	v15 =	vadd.f32 v16, v15;
	v12 =	vunpack.i.u.bf16.f32 v17;
	v17 =	vld [tilespmem:s11+$0xFFFFFFE0]  }
0xda: {  	v16 =	vunpack.i.u.bf16.f32 v18;
	v10 =	vadd.f32 v10, v11;
	v11 =	vld [tilespmem:s15+$0xFFFFFFE0]  }
0xdb: {  	v15 =	vmax.f32 v15, $0.0e+00;
	v12 =	vadd.f32 v16, v12  }
0xdc: {  	v15 =	vmul.f32 v15, v7  }
0xdd: {  	v20 =	vld [tilespmem:s11+$0x0];
	v16 =	vunpack.i.l.bf16.f32 v14;
	v14 =	vunpack.i.u.bf16.f32 v14;
	v12 =	vmax.f32 v12, $0.0e+00  }
0xde: {  	v18 =	vunpack.i.l.bf16.f32 v13;
	v10 =	vadd.f32 v15, v10;
	v12 =	vmul.f32 v12, v8  }
0xdf: {  	v16 =	vadd.f32 v18, v16;
	v18 =	vunpack.i.l.bf16.f32 v17;
	v19 =	vunpack.i.l.bf16.f32 v11  }
0xe0: {  	v13 =	vunpack.i.u.bf16.f32 v13;
	v15 =	vld [tilespmem:s11+$0xFFFFFFF0];
	v18 =	vadd.f32 v19, v18;
	v19 =	vadd.f32 v10, v12  }
0xe1: {  	v13 =	vadd.f32 v13, v14;
	v14 =	vld [tilespmem:s15+$0xFFFFFFF0];
	v16 =	vmax.f32 v16, $0.0e+00  }
0xe2: {  	v22 =	vunpack.i.l.bf16.f32 v20;
	v16 =	vmul.f32 v16, v1;
	(xrf2) =	vadd.scan.msk.f32 $0xffff, v19  }
0xe3: {  	v17 =	vunpack.i.u.bf16.f32 v17;
	v13 =	vmax.f32 v13, $0.0e+00;
	v11 =	vunpack.i.u.bf16.f32 v11  }
0xe4: {  	v13 =	vmul.f32 v13, v2;
	v17 =	vadd.f32 v11, v17;
	v16 =	vadd.f32 v16, v9  }
0xe5: {  	v12 =	vld [tilespmem:s15+$0x0];
	v10 =	vimm.f32 $0.0e+00;
	v11 =	vunpack.i.l.bf16.f32 v15;
	v18 =	vmax.f32 v18, $0.0e+00  }
0xe6: {  	v13 =	vadd.f32 v16, v13;
	v16 =	vunpack.i.l.bf16.f32 v14;
	v18 =	vmul.f32 v18, v3  }
0xe7: {  	v15 =	vunpack.i.u.bf16.f32 v15;
	v17 =	vmax.f32 v17, $0.0e+00;
	v16 =	vadd.f32 v16, v11  }
0xe8: {  	v17 =	vmul.f32 v17, v4;
	v18 =	vadd.f32 v18, v13;
	v13 =	vunpack.i.u.bf16.f32 v14  }
0xe9: {  	s11 =	sadd.s32 $0x40, s11;
	v11 =	vmov s30;
	v14 =	vmax.f32 v16, $0.0e+00;
	v21 =	vadd.f32 v13, v15  }
0xea: {  	s21 =	sadd.s32 $0x40, s15;
	v13 =	vld [tilespmem:s11+$0xFFFFFFD0];
	v16 =	vadd.f32 v18, v17;
	v17 =	vmul.f32 v14, v5;
	v14 =	vunpack.i.l.bf16.f32 v12  }
0xeb: {  	s25 =	simm.s32 $0x1;
	s24 =	simm.s32 $0x2;
	s15 =	simm.s32 $0x3;
	v15 =	vld [tilespmem:s21+$0xFFFFFFD0];
	v18 =	vunpack.i.u.bf16.f32 v20;
	v19 =	vmax.f32 v21, $0.0e+00;
	v14 =	vadd.f32 v14, v22  }
.LBB2_12:
0xec: {  	p1 =	sne.s32 s15, $0xF;
	v16 =	vadd.f32 v17, v16;
	v17 =	vmul.f32 v19, v6;
	v12 =	vunpack.i.u.bf16.f32 v12;
	v19, _, _ =	vpop (xrf2)  }
0xed: {  	v14 =	vmax.f32 v14, $0.0e+00;
	v12 =	vadd.f32 v12, v18;
	v18 =	vbroadcast v19, $0xF  }
0xee: {  	vm0 =	veq.s32 v11, v0;
	v19 =	vld [tilespmem:s11+$0xFFFFFFE0];
	v16 =	vadd.f32 v16, v17;
	v14 =	vmul.f32 v14, v7  }
0xef: {  	v11 =	vunpack.i.l.bf16.f32 v13;
	v17 =	vld [tilespmem:s21+$0xFFFFFFE0];
	v12 =	vmax.f32 v12, $0.0e+00;
	v10 =	vsel vm0, v18, v10  }
0xf0: {  	v18 =	vunpack.i.l.bf16.f32 v15;
	v14 =	vadd.f32 v14, v16;
	v12 =	vmul.f32 v12, v8  }
0xf1: {  	v11 =	vadd.f32 v18, v11  }
0xf2: {  	v13 =	vunpack.i.u.bf16.f32 v13;
	v15 =	vunpack.i.u.bf16.f32 v15;
	v16 =	vld [tilespmem:s11+$0xFFFFFFF0];
	v12 =	vadd.f32 v14, v12  }
0xf3: {  	v13 =	vadd.f32 v15, v13;
	v14 =	vmax.f32 v11, $0.0e+00;
	v15 =	vld [tilespmem:s21+$0xFFFFFFF0];
	v11 =	vmov s25;
	s25 =	smov.u32 s24;
	s24 =	smov.u32 s15  }
0xf4: {  	v18 =	vunpack.i.l.bf16.f32 v19;
	v14 =	vmul.f32 v14, v1;
	v20 =	vunpack.i.l.bf16.f32 v17;
	(xrf2) =	vadd.scan.msk.f32 $0xffff, v12  }
0xf5: {  	v12 =	vmax.f32 v13, $0.0e+00;
	v13 =	vunpack.i.u.bf16.f32 v19;
	v18 =	vadd.f32 v20, v18  }
0xf6: {  	v19 =	vmul.f32 v12, v2;
	v12 =	vunpack.i.u.bf16.f32 v17;
	v14 =	vadd.f32 v14, v9;
	v20 =	vld [tilespmem:s11+$0x0]  }
0xf7: {  	v13 =	vadd.f32 v12, v13;
	v17 =	vmax.f32 v18, $0.0e+00;
	v18 =	vunpack.i.l.bf16.f32 v16;
	v12 =	vld [tilespmem:s21+$0x0]  }
0xf8: {  	v14 =	vadd.f32 v14, v19;
	v17 =	vmul.f32 v17, v3;
	v19 =	vunpack.i.l.bf16.f32 v15  }
.Ltmp6:
0xf9: {  	v16 =	vunpack.i.u.bf16.f32 v16;
	v13 =	vmax.f32 v13, $0.0e+00;
	v18 =	vadd.f32 v19, v18;
	(pc) =	sbr.rel @p1 .LBB2_12-.Ltmp6, $4  }
0xfa: {  	v14 =	vadd.f32 v17, v14;
	v17 =	vmul.f32 v13, v4;
	v13 =	vunpack.i.u.bf16.f32 v15  }
0xfb: {  	s11 =	sadd.s32 $0x40, s11;
	v15 =	vmax.f32 v18, $0.0e+00;
	v18 =	vadd.f32 v13, v16;
	v21 =	vunpack.i.l.bf16.f32 v20  }
0xfc: {  	s21 =	sadd.s32 $0x40, s21;
	v13 =	vld [tilespmem:s11+$0xFFFFFFD0];
	v16 =	vadd.f32 v14, v17;
	v17 =	vmul.f32 v15, v5;
	v14 =	vunpack.i.l.bf16.f32 v12  }
0xfd: {  	s15 =	sadd.s32 $0x1, s15;
	v15 =	vld [tilespmem:s21+$0xFFFFFFD0];
	v19 =	vmax.f32 v18, $0.0e+00;
	v18 =	vunpack.i.u.bf16.f32 v20;
	v14 =	vadd.f32 v14, v21  }
0xfe: {  	_ =	sdelay $0x1  }
0xff: {  	v20 =	vld [tilespmem:s11+$0xFFFFFFE0]  }
0x100: {  	v21 =	vld [tilespmem:s21+$0xFFFFFFE0];
	v16 =	vadd.f32 v17, v16  }
0x101: {  	v12 =	vunpack.i.u.bf16.f32 v12;
	v22 =	vunpack.i.l.bf16.f32 v13;
	v23 =	vunpack.i.l.bf16.f32 v15  }
0x102: {  	v35 =	vmul.f32 v19, v6;
	v12 =	vadd.f32 v12, v18;
	v36 =	vadd.f32 v23, v22  }
0x103: {  	v39 =	vld [tilespmem:s11+$0xFFFFFFF0];
	v14 =	vmax.f32 v14, $0.0e+00;
	v37 =	vunpack.i.u.bf16.f32 v13;
	v38 =	vunpack.i.u.bf16.f32 v15  }
0x104: {  	v41 =	vld [tilespmem:s21+$0xFFFFFFF0];
	v16 =	vadd.f32 v16, v35;
	v13 =	vadd.f32 v38, v37;
	v40 =	vmax.f32 v36, $0.0e+00  }
0x105: {  	v42 =	vunpack.i.l.bf16.f32 v20;
	v43 =	vunpack.i.l.bf16.f32 v21;
	v18 =	vmul.f32 v40, v1  }
0x106: {  	v20 =	vunpack.i.u.bf16.f32 v20;
	v19 =	vadd.f32 v43, v42;
	v13 =	vmax.f32 v13, $0.0e+00  }
0x107: {  	v44 =	vld [tilespmem:s11+$0x0];
	v21 =	vunpack.i.u.bf16.f32 v21;
	v13 =	vmul.f32 v13, v2;
	v18 =	vadd.f32 v18, v9  }
0x108: {  	v24 =	vld [tilespmem:s21+$0x0];
	v45 =	vunpack.i.l.bf16.f32 v39;
	v20 =	vadd.f32 v21, v20;
	v19 =	vmax.f32 v19, $0.0e+00  }
0x109: {  	v47 =	vunpack.i.l.bf16.f32 v41;
	v46 =	vmul.f32 v19, v3;
	v13 =	vadd.f32 v18, v13  }
0x10a: {  	v50 =	vunpack.i.u.bf16.f32 v39;
	v48 =	vadd.f32 v47, v45;
	v49 =	vmax.f32 v20, $0.0e+00  }
0x10b: {  	v15 =	vunpack.i.u.bf16.f32 v41;
	v51 =	vmul.f32 v49, v4;
	v13 =	vadd.f32 v46, v13  }
0x10c: {  	v52 =	vunpack.i.l.bf16.f32 v44;
	v15 =	vadd.f32 v15, v50;
	v17 =	vmax.f32 v48, $0.0e+00  }
0x10d: {  	v53 =	vunpack.i.l.bf16.f32 v24;
	v17 =	vmul.f32 v17, v5;
	v13 =	vadd.f32 v13, v51  }
0x10e: {  	v55 =	vunpack.i.u.bf16.f32 v44;
	v54 =	vadd.f32 v53, v52;
	v15 =	vmax.f32 v15, $0.0e+00  }
0x10f: {  	v56 =	vunpack.i.u.bf16.f32 v24;
	v15 =	vmul.f32 v15, v6;
	v13 =	vadd.f32 v17, v13  }
0x110: {  	v14 =	vmul.f32 v14, v7;
	v18 =	vmax.f32 v54, $0.0e+00;
	v17 =	vadd.f32 v56, v55  }
0x111: {  	v12 =	vmax.f32 v12, $0.0e+00;
	v57 =	vmul.f32 v18, v7;
	v13 =	vadd.f32 v13, v15  }
0x112: {  	v14 =	vadd.f32 v14, v16;
	v12 =	vmul.f32 v12, v8;
	v58 =	vmax.f32 v17, $0.0e+00  }
0x113: {  	v59 =	vmul.f32 v58, v8;
	v13 =	vadd.f32 v57, v13  }
0x114: {  	v12 =	vadd.f32 v14, v12  }
0x115: {  	v13 =	vadd.f32 v13, v59  }
0x116: {  	(xrf2) =	vadd.scan.msk.f32 $0xffff, v12  }
0x117: {  	(xrf2) =	vadd.scan.msk.f32 $0xffff, v13;
	_ =	sdelay $0x7  }
0x118: {  	v60, _, _ =	vpop (xrf2);
	vm0 =	veq.s32 v11, v0;
	v11 =	vmov s25;
	s25 =	sshll.u32 s8, $0x4;
	s8 =	sadd.s32 $0x1, s8  }
0x119: {  	p1 =	sne.s32 s8, $0x5;
	v12 =	vbroadcast v60, $0xF;
	v61, _, _ =	vpop (xrf2)  }
.Ltmp7:
0x11a: {  	vm14 =	veq.s32 v11, v0;
	v62 =	vbroadcast v61, $0xF;
	v63, _, _ =	vpop (xrf2);
	(pc) =	sbr.rel @p1 .LBB2_11-.Ltmp7, $4  }
0x11b: {  	v11 =	vmov s24;
	v10 =	vsel vm0, v12, v10;
	v13 =	vbroadcast v63, $0xF  }
0x11c: {  	vm15 =	veq.s32 v11, v0;
	v10 =	vsel vm14, v62, v10  }
0x11d: {  	s11 =	sand.u32 $0x3FFFFFF0, s25;
	v10 =	vsel vm15, v13, v10  }
0x11e: {  	s31 =	sadd.s32 $0x400, s31;
	s1 =	sadd.s32 $0x400, s1;
	[tilespmem:s11+$0x7AC0] =	vst v10  }
.Ltmp8:
0x11f: {  	(pc) =	sbr.rel @p0 .LBB2_20-.Ltmp8, $4  }
0x120: {  	s1 =	sadd.s32 s29, s10  }
0x121: {  	s1 =	sshrl.u32 s1, $0x3  }
0x122: {  	s8 =	simm.s32 $0x7AC0;
	s1 =	sadd.s32 s9, s1  }
0x123: {  	[hbm4b:s1+s3] =	stream.linear.scatter [tilespmem:s8], [sflag:$0x8], $0x50, $0x38;
	[tilespmem:$0x7B60] =	vst v63  }
0x124: {  	_ =	swait.ge [sflag:s16], $0x50  }
0x125: {  	s1 =	rddreg [dreg:$0x6]  }
0x126: {  	s1 =	sadd.s32 s29, s1  }
0x127: {  	[sflag:s16] =	ssyncset.done $0x0;
	s1 =	sshrl.u32 s1, $0x3  }
0x128: {  	s8 =	simm.s32 $0x4E200;
	[sflag:s16] =	ssyncadd.s32 $0xFFFFFFB0;
	s1 =	sadd.s32 s7, s1  }
0x129: {  	[tilespmem:s22], [sflag:$0xB] =	stream.strided.gather [hbm4b:s1+s20], $0xA0, s8, s20, $0x38;
	[tilespmem:$0x7B60] =	vst v63  }
0x12a: {  	_ =	swait.ge [sflag:s23], $0xA0  }
0x12b: {  	[sflag:s23] =	ssyncset.done $0x0  }
0x12c: {  	s30 =	simm.s32 $0x0;
	s24 =	simm.s32 $0x1E0;
	[sflag:s23] =	ssyncadd.s32 $0xFFFFFF60  }
0x12d: {  	[tilespmem:s24], [sflag:$0x1] =	stream.indirect.gather [hbm4b:s4+s20], $0x40, s30, s20, $0xb8;
	[tilespmem:$0x7B60] =	vst v63  }
0x12e: {  	s25 =	simm.s32 $0x3DE0  }
0x12f: {  	[tilespmem:s25], [sflag:$0x4] =	stream.indirect.gather [hbm4b:s5+s20], $0x40, s20, s20, $0xb8;
	[tilespmem:$0x7B60] =	vst v63  }
0x130: {  	_ =	swait.ge [sflag:s12], $0x1400  }
0x131: {  	[sflag:s12] =	ssyncset.done $0x0  }
0x132: {  	[sflag:s12] =	ssyncadd.s32 $0xFFFFEC00  }
0x133: {  	_ =	swait.ge [sflag:s18], $0x1400  }
0x134: {  	s31 =	simm.s32 $0x6610;
	[sflag:s18] =	ssyncset.done $0x0  }
0x135: {  	s1 =	simm.s32 $0x2A10;
	s8 =	simm.s32 $0x0;
	[sflag:s18] =	ssyncadd.s32 $0xFFFFEC00  }
.LBB2_16:
0x136: {  	v10 =	vld [tilespmem:s1+$0xFFFFFFD0]  }
0x137: {  	v11 =	vld [tilespmem:s31+$0xFFFFFFD0];
	_ =	sdelay $0x1  }
0x138: {  	v12 =	vld [tilespmem:s1+$0xFFFFFFE0]  }
0x139: {  	v13 =	vld [tilespmem:s31+$0xFFFFFFE0];
	_ =	sdelay $0x1  }
0x13a: {  	v14 =	vunpack.i.l.bf16.f32 v10;
	v15 =	vunpack.i.l.bf16.f32 v11  }
0x13b: {  	v14 =	vadd.f32 v15, v14  }
0x13c: {  	v10 =	vunpack.i.u.bf16.f32 v10;
	v11 =	vunpack.i.u.bf16.f32 v11;
	v16 =	vunpack.i.l.bf16.f32 v12;
	v15 =	vld [tilespmem:s1+$0xFFFFFFF0]  }
0x13d: {  	v17 =	vunpack.i.l.bf16.f32 v13;
	v10 =	vadd.f32 v11, v10;
	v11 =	vld [tilespmem:s31+$0xFFFFFFF0];
	v14 =	vmax.f32 v14, $0.0e+00  }
0x13e: {  	v12 =	vunpack.i.u.bf16.f32 v12;
	v13 =	vunpack.i.u.bf16.f32 v13;
	v14 =	vmul.f32 v14, v1  }
0x13f: {  	v16 =	vadd.f32 v17, v16;
	v12 =	vadd.f32 v13, v12;
	v10 =	vmax.f32 v10, $0.0e+00  }
0x140: {  	v10 =	vmul.f32 v10, v2;
	v14 =	vadd.f32 v14, v9  }
0x141: {  	v16 =	vmax.f32 v16, $0.0e+00;
	v12 =	vmax.f32 v12, $0.0e+00;
	v13 =	vunpack.i.l.bf16.f32 v15  }
0x142: {  	v17 =	vld [tilespmem:s1+$0x0];
	v10 =	vadd.f32 v14, v10;
	v14 =	vmul.f32 v16, v3;
	v16 =	vunpack.i.l.bf16.f32 v11  }
0x143: {  	v18 =	vld [tilespmem:s31+$0x0];
	v12 =	vmul.f32 v12, v4;
	v13 =	vadd.f32 v16, v13  }
0x144: {  	v15 =	vunpack.i.u.bf16.f32 v15;
	v11 =	vunpack.i.u.bf16.f32 v11;
	v10 =	vadd.f32 v14, v10  }
0x145: {  	v11 =	vadd.f32 v11, v15;
	v13 =	vmax.f32 v13, $0.0e+00  }
0x146: {  	s11 =	sadd.s32 $0x40, s1;
	v10 =	vadd.f32 v10, v12;
	v12 =	vmul.f32 v13, v5  }
0x147: {  	s15 =	sadd.s32 $0x40, s31;
	v15 =	vunpack.i.l.bf16.f32 v17;
	v14 =	vld [tilespmem:s11+$0xFFFFFFD0];
	v11 =	vmax.f32 v11, $0.0e+00  }
0x148: {  	v16 =	vunpack.i.l.bf16.f32 v18;
	v13 =	vld [tilespmem:s15+$0xFFFFFFD0];
	v11 =	vmul.f32 v11, v6;
	v10 =	vadd.f32 v12, v10  }
0x149: {  	v15 =	vadd.f32 v16, v15;
	v12 =	vunpack.i.u.bf16.f32 v17;
	v17 =	vld [tilespmem:s11+$0xFFFFFFE0]  }
0x14a: {  	v16 =	vunpack.i.u.bf16.f32 v18;
	v10 =	vadd.f32 v10, v11;
	v11 =	vld [tilespmem:s15+$0xFFFFFFE0]  }
0x14b: {  	v15 =	vmax.f32 v15, $0.0e+00;
	v12 =	vadd.f32 v16, v12  }
0x14c: {  	v15 =	vmul.f32 v15, v7  }
0x14d: {  	v20 =	vld [tilespmem:s11+$0x0];
	v16 =	vunpack.i.l.bf16.f32 v14;
	v14 =	vunpack.i.u.bf16.f32 v14;
	v12 =	vmax.f32 v12, $0.0e+00  }
0x14e: {  	v18 =	vunpack.i.l.bf16.f32 v13;
	v10 =	vadd.f32 v15, v10;
	v12 =	vmul.f32 v12, v8  }
0x14f: {  	v16 =	vadd.f32 v18, v16;
	v18 =	vunpack.i.l.bf16.f32 v17;
	v19 =	vunpack.i.l.bf16.f32 v11  }
0x150: {  	v13 =	vunpack.i.u.bf16.f32 v13;
	v15 =	vld [tilespmem:s11+$0xFFFFFFF0];
	v18 =	vadd.f32 v19, v18;
	v19 =	vadd.f32 v10, v12  }
0x151: {  	v13 =	vadd.f32 v13, v14;
	v14 =	vld [tilespmem:s15+$0xFFFFFFF0];
	v16 =	vmax.f32 v16, $0.0e+00  }
0x152: {  	v22 =	vunpack.i.l.bf16.f32 v20;
	v16 =	vmul.f32 v16, v1;
	(xrf2) =	vadd.scan.msk.f32 $0xffff, v19  }
0x153: {  	v17 =	vunpack.i.u.bf16.f32 v17;
	v13 =	vmax.f32 v13, $0.0e+00;
	v11 =	vunpack.i.u.bf16.f32 v11  }
0x154: {  	v13 =	vmul.f32 v13, v2;
	v17 =	vadd.f32 v11, v17;
	v16 =	vadd.f32 v16, v9  }
0x155: {  	v12 =	vld [tilespmem:s15+$0x0];
	v10 =	vimm.f32 $0.0e+00;
	v11 =	vunpack.i.l.bf16.f32 v15;
	v18 =	vmax.f32 v18, $0.0e+00  }
0x156: {  	v13 =	vadd.f32 v16, v13;
	v16 =	vunpack.i.l.bf16.f32 v14;
	v18 =	vmul.f32 v18, v3  }
0x157: {  	v15 =	vunpack.i.u.bf16.f32 v15;
	v17 =	vmax.f32 v17, $0.0e+00;
	v16 =	vadd.f32 v16, v11  }
0x158: {  	v17 =	vmul.f32 v17, v4;
	v18 =	vadd.f32 v18, v13;
	v13 =	vunpack.i.u.bf16.f32 v14  }
0x159: {  	s11 =	sadd.s32 $0x40, s11;
	v11 =	vmov s30;
	v14 =	vmax.f32 v16, $0.0e+00;
	v21 =	vadd.f32 v13, v15  }
0x15a: {  	s21 =	sadd.s32 $0x40, s15;
	v13 =	vld [tilespmem:s11+$0xFFFFFFD0];
	v16 =	vadd.f32 v18, v17;
	v17 =	vmul.f32 v14, v5;
	v14 =	vunpack.i.l.bf16.f32 v12  }
0x15b: {  	s25 =	simm.s32 $0x1;
	s24 =	simm.s32 $0x2;
	s15 =	simm.s32 $0x3;
	v15 =	vld [tilespmem:s21+$0xFFFFFFD0];
	v18 =	vunpack.i.u.bf16.f32 v20;
	v19 =	vmax.f32 v21, $0.0e+00;
	v14 =	vadd.f32 v14, v22  }
.LBB2_17:
0x15c: {  	p0 =	sne.s32 s15, $0xF;
	v16 =	vadd.f32 v17, v16;
	v17 =	vmul.f32 v19, v6;
	v12 =	vunpack.i.u.bf16.f32 v12;
	v19, _, _ =	vpop (xrf2)  }
0x15d: {  	v14 =	vmax.f32 v14, $0.0e+00;
	v12 =	vadd.f32 v12, v18;
	v18 =	vbroadcast v19, $0xF  }
0x15e: {  	vm0 =	veq.s32 v11, v0;
	v19 =	vld [tilespmem:s11+$0xFFFFFFE0];
	v16 =	vadd.f32 v16, v17;
	v14 =	vmul.f32 v14, v7  }
0x15f: {  	v11 =	vunpack.i.l.bf16.f32 v13;
	v17 =	vld [tilespmem:s21+$0xFFFFFFE0];
	v12 =	vmax.f32 v12, $0.0e+00;
	v10 =	vsel vm0, v18, v10  }
0x160: {  	v18 =	vunpack.i.l.bf16.f32 v15;
	v14 =	vadd.f32 v14, v16;
	v12 =	vmul.f32 v12, v8  }
0x161: {  	v11 =	vadd.f32 v18, v11  }
0x162: {  	v13 =	vunpack.i.u.bf16.f32 v13;
	v15 =	vunpack.i.u.bf16.f32 v15;
	v16 =	vld [tilespmem:s11+$0xFFFFFFF0];
	v12 =	vadd.f32 v14, v12  }
0x163: {  	v13 =	vadd.f32 v15, v13;
	v14 =	vmax.f32 v11, $0.0e+00;
	v15 =	vld [tilespmem:s21+$0xFFFFFFF0];
	v11 =	vmov s25;
	s25 =	smov.u32 s24;
	s24 =	smov.u32 s15  }
0x164: {  	v18 =	vunpack.i.l.bf16.f32 v19;
	v14 =	vmul.f32 v14, v1;
	v20 =	vunpack.i.l.bf16.f32 v17;
	(xrf2) =	vadd.scan.msk.f32 $0xffff, v12  }
0x165: {  	v12 =	vmax.f32 v13, $0.0e+00;
	v13 =	vunpack.i.u.bf16.f32 v19;
	v18 =	vadd.f32 v20, v18  }
0x166: {  	v19 =	vmul.f32 v12, v2;
	v12 =	vunpack.i.u.bf16.f32 v17;
	v14 =	vadd.f32 v14, v9;
	v20 =	vld [tilespmem:s11+$0x0]  }
0x167: {  	v13 =	vadd.f32 v12, v13;
	v17 =	vmax.f32 v18, $0.0e+00;
	v18 =	vunpack.i.l.bf16.f32 v16;
	v12 =	vld [tilespmem:s21+$0x0]  }
0x168: {  	v14 =	vadd.f32 v14, v19;
	v17 =	vmul.f32 v17, v3;
	v19 =	vunpack.i.l.bf16.f32 v15  }
.Ltmp9:
0x169: {  	v16 =	vunpack.i.u.bf16.f32 v16;
	v13 =	vmax.f32 v13, $0.0e+00;
	v18 =	vadd.f32 v19, v18;
	(pc) =	sbr.rel @p0 .LBB2_17-.Ltmp9, $4  }
0x16a: {  	v14 =	vadd.f32 v17, v14;
	v17 =	vmul.f32 v13, v4;
	v13 =	vunpack.i.u.bf16.f32 v15  }
0x16b: {  	s11 =	sadd.s32 $0x40, s11;
	v15 =	vmax.f32 v18, $0.0e+00;
	v18 =	vadd.f32 v13, v16;
	v21 =	vunpack.i.l.bf16.f32 v20  }
0x16c: {  	s21 =	sadd.s32 $0x40, s21;
	v13 =	vld [tilespmem:s11+$0xFFFFFFD0];
	v16 =	vadd.f32 v14, v17;
	v17 =	vmul.f32 v15, v5;
	v14 =	vunpack.i.l.bf16.f32 v12  }
0x16d: {  	s15 =	sadd.s32 $0x1, s15;
	v15 =	vld [tilespmem:s21+$0xFFFFFFD0];
	v19 =	vmax.f32 v18, $0.0e+00;
	v18 =	vunpack.i.u.bf16.f32 v20;
	v14 =	vadd.f32 v14, v21  }
0x16e: {  	_ =	sdelay $0x1  }
0x16f: {  	v20 =	vld [tilespmem:s11+$0xFFFFFFE0]  }
0x170: {  	v21 =	vld [tilespmem:s21+$0xFFFFFFE0];
	v16 =	vadd.f32 v17, v16  }
0x171: {  	v12 =	vunpack.i.u.bf16.f32 v12;
	v22 =	vunpack.i.l.bf16.f32 v13;
	v23 =	vunpack.i.l.bf16.f32 v15  }
0x172: {  	v35 =	vmul.f32 v19, v6;
	v12 =	vadd.f32 v12, v18;
	v36 =	vadd.f32 v23, v22  }
0x173: {  	v39 =	vld [tilespmem:s11+$0xFFFFFFF0];
	v14 =	vmax.f32 v14, $0.0e+00;
	v37 =	vunpack.i.u.bf16.f32 v13;
	v38 =	vunpack.i.u.bf16.f32 v15  }
0x174: {  	v41 =	vld [tilespmem:s21+$0xFFFFFFF0];
	v16 =	vadd.f32 v16, v35;
	v13 =	vadd.f32 v38, v37;
	v40 =	vmax.f32 v36, $0.0e+00  }
0x175: {  	v42 =	vunpack.i.l.bf16.f32 v20;
	v43 =	vunpack.i.l.bf16.f32 v21;
	v18 =	vmul.f32 v40, v1  }
0x176: {  	v20 =	vunpack.i.u.bf16.f32 v20;
	v19 =	vadd.f32 v43, v42;
	v13 =	vmax.f32 v13, $0.0e+00  }
0x177: {  	v44 =	vld [tilespmem:s11+$0x0];
	v21 =	vunpack.i.u.bf16.f32 v21;
	v13 =	vmul.f32 v13, v2;
	v18 =	vadd.f32 v18, v9  }
0x178: {  	v24 =	vld [tilespmem:s21+$0x0];
	v45 =	vunpack.i.l.bf16.f32 v39;
	v20 =	vadd.f32 v21, v20;
	v19 =	vmax.f32 v19, $0.0e+00  }
0x179: {  	v47 =	vunpack.i.l.bf16.f32 v41;
	v46 =	vmul.f32 v19, v3;
	v13 =	vadd.f32 v18, v13  }
0x17a: {  	v50 =	vunpack.i.u.bf16.f32 v39;
	v48 =	vadd.f32 v47, v45;
	v49 =	vmax.f32 v20, $0.0e+00  }
0x17b: {  	v15 =	vunpack.i.u.bf16.f32 v41;
	v51 =	vmul.f32 v49, v4;
	v13 =	vadd.f32 v46, v13  }
0x17c: {  	v52 =	vunpack.i.l.bf16.f32 v44;
	v15 =	vadd.f32 v15, v50;
	v17 =	vmax.f32 v48, $0.0e+00  }
0x17d: {  	v53 =	vunpack.i.l.bf16.f32 v24;
	v17 =	vmul.f32 v17, v5;
	v13 =	vadd.f32 v13, v51  }
0x17e: {  	v55 =	vunpack.i.u.bf16.f32 v44;
	v54 =	vadd.f32 v53, v52;
	v15 =	vmax.f32 v15, $0.0e+00  }
0x17f: {  	v56 =	vunpack.i.u.bf16.f32 v24;
	v15 =	vmul.f32 v15, v6;
	v13 =	vadd.f32 v17, v13  }
0x180: {  	v14 =	vmul.f32 v14, v7;
	v18 =	vmax.f32 v54, $0.0e+00;
	v17 =	vadd.f32 v56, v55  }
0x181: {  	v12 =	vmax.f32 v12, $0.0e+00;
	v57 =	vmul.f32 v18, v7;
	v13 =	vadd.f32 v13, v15  }
0x182: {  	v14 =	vadd.f32 v14, v16;
	v12 =	vmul.f32 v12, v8;
	v58 =	vmax.f32 v17, $0.0e+00  }
0x183: {  	v59 =	vmul.f32 v58, v8;
	v13 =	vadd.f32 v57, v13  }
0x184: {  	v12 =	vadd.f32 v14, v12  }
0x185: {  	v13 =	vadd.f32 v13, v59  }
0x186: {  	(xrf2) =	vadd.scan.msk.f32 $0xffff, v12  }
0x187: {  	(xrf2) =	vadd.scan.msk.f32 $0xffff, v13;
	_ =	sdelay $0x7  }
0x188: {  	v60, _, _ =	vpop (xrf2);
	vm0 =	veq.s32 v11, v0;
	v11 =	vmov s25;
	s25 =	sshll.u32 s8, $0x4;
	s8 =	sadd.s32 $0x1, s8  }
0x189: {  	p0 =	sne.s32 s8, $0x5;
	v12 =	vbroadcast v60, $0xF;
	v61, _, _ =	vpop (xrf2)  }
.Ltmp10:
0x18a: {  	vm14 =	veq.s32 v11, v0;
	v62 =	vbroadcast v61, $0xF;
	v63, _, _ =	vpop (xrf2);
	(pc) =	sbr.rel @p0 .LBB2_16-.Ltmp10, $4  }
0x18b: {  	v11 =	vmov s24;
	v10 =	vsel vm0, v12, v10;
	v13 =	vbroadcast v63, $0xF  }
0x18c: {  	vm15 =	veq.s32 v11, v0;
	v10 =	vsel vm14, v62, v10  }
0x18d: {  	s11 =	sand.u32 $0x3FFFFFF0, s25;
	v10 =	vsel vm15, v13, v10  }
0x18e: {  	s31 =	sadd.s32 $0x400, s31;
	s1 =	sadd.s32 $0x400, s1;
	[tilespmem:s11+$0x7B10] =	vst v10  }
0x18f: {  	s26 =	sadd.s32 $0x1, s26  }
0x190: {  	p0 =	sne.s32 s26, $0x2A  }
.Ltmp11:
0x191: {  	_ = 	snop;
	(pc) =	sbr.rel @p0 .LBB2_2-.Ltmp11, $4  }
.Ltmp12:
0x192: {  	s1 =	sadd.s32 s29, s13;
	(pc) =	sbr.rel @!p0 .LBB2_20-.Ltmp12, $4  }
0x193: {  	s1 =	sshrl.u32 s1, $0x3  }
0x194: {  	s8 =	simm.s32 $0x7B10;
	s1 =	sadd.s32 s9, s1  }
0x195: {  	[hbm4b:s1+s3] =	stream.linear.scatter [tilespmem:s8], [sflag:$0x9], $0x50, $0x38;
	[tilespmem:$0x7B60] =	vst v63  }
0x196: {  	_ = 	snop  }
.LBB2_21:
0x197: {  	_ =	sfence.sel $0x180000  }
0x198: {  	[bflag:$0x0] =	sbarrier.arrive $0xFFFF  }
0x199: {  	_ =	strace $0x9000004A  }
0x19a: {  	s0 =	stileid.u32;
	[bflag:$0x2] =	sbarrier.arrive $0xFFFF  }
0x19b: {  	p0 =	sne.s32 s0, $0x0;
	s0 =	rddreg [dreg:$0x2]  }
0x19c: {  	s0 =	sadd.s32 @!p0 $0x100000, s0  }
0x19d: {  	[sflag:s0] =	ssyncadd.tile.s32 @!p0 $0x1;
	_ =	shalt  }
.Lfunc_end2:
_tile_overlayer_lowered:
.L_overlay_start_2:
0x19e: {  	(tag) =	ssettag $0x2  }
0x19f: {  	s0 =	rddreg [dreg:$0x0];
	s2 =	stileid.u32  }
0x1a0: {  	s1 =	rddreg [dreg:$0x1];
	p0 =	sne.s32 s2, $0x0  }
0x1a1: {  	s3 =	rddreg [dreg:$0x2];
	[bflag:$0x3] =	sbarrier.arrive $0xFFFF;
	s2 =	simm.s32 @!p0 $0x1C0D  }
0x1a2: {  	[timem:s3], [sflag:s2] =	dma.local @!p0 [hbm:s0], s1  }
0x1a3: {  	s0 =	simm.s32 @!p0 $0xD  }
0x1a4: {  	_ =	swait.ge @!p0 [sflag:s0], s1  }
0x1a5: {  	s1 =	ssub.s32 @!p0 $0x0, s1;
	[sflag:s0] =	ssyncset.done @!p0 $0x0  }
0x1a6: {  	[sflag:s0] =	ssyncadd.s32 @!p0 s1  }
0x1a7: {  	[bflag:$0x3] =	sbarrier.arrive $0xFFFF  }
0x1a8: {  	_ =	shalt  }

</sc_bundles>
